<compile_context>
chip_gen: v7x
topology: tpu7x:2x2x1
jax: 0.10.2.dev20260603
libtpu: 0.0.44.dev20260713+nightly
codegen_flags: <defaults>
</compile_context>

<pallas_src>
import functools

import jax
import jax.numpy as jnp
from jax import lax
from jax.experimental import pallas as pl
from jax.experimental.pallas import tpu as pltpu
from jax.experimental.pallas import tpu_sc as plsc

BATCH = 16384
FACTORS = 64
R = 1000000

_info = plsc.get_sparse_core_info()
NC = _info.num_cores
NS = _info.num_subcores
NW = NC * NS

TCOLS = 7813
COLS_PER_TILE = 245
PIECE_W = 640
PIECES = 49
LIST_CAP = 1024
BUCKET_CAP = 64
TAIL_LO = 999936
DUMMY_ROW = BATCH
STAGE_ROWS = 16896


def _stage_a(user_hbm, item_hbm, euT_hbm, eiT_hbm, auxu_hbm, auxi_hbm,
             stu_hbm, sti_hbm,
             idx_c, lb, lr, ib, ir, piece_u, piece_i, bb, br, bidx, blk,
             aux_v, sem_u, sem_i):
    wid = lax.axis_index("s") * NC + lax.axis_index("c")
    col_lo = wid * COLS_PER_TILE
    col_hi = jnp.minimum(col_lo + COLS_PER_TILE, TCOLS - 1)
    r_lo = col_lo * 128
    r_hi = col_hi * 128
    is_last = wid == (NW - 1)
    r_hi_eff = jnp.where(is_last, R, r_hi)

    lanes = lax.iota(jnp.int32, 16)
    minus1 = jnp.full((16,), -1, jnp.int32)
    dummy16 = jnp.full((16,), DUMMY_ROW, jnp.int32)

    def prefill(i, _):
        sl = pl.ds(i * 16, 16)
        lb[sl] = dummy16
        lr[sl] = minus1
        ib[sl] = dummy16
        ir[sl] = minus1
        return 0
    lax.fori_loop(0, LIST_CAP // 16, prefill, 0)

    def build_list(src_hbm, dst_b, dst_r):
        cnt = 0
        for c in range(BATCH // 2048):
            pltpu.sync_copy(src_hbm.at[pl.ds(c * 2048, 2048)], idx_c)

            def grp(i, cnt):
                r16 = idx_c[pl.ds(i * 16, 16)]
                m = (r16 >= r_lo) & (r16 < r_hi_eff)
                b16 = lanes + (c * 2048 + i * 16)
                plsc.store_compressed(dst_b.at[pl.ds(cnt, 16)], b16, mask=m)
                plsc.store_compressed(dst_r.at[pl.ds(cnt, 16)], r16, mask=m)
                pc = plsc.all_reduce_population_count(m)
                return cnt + pc[0]

            cnt = lax.fori_loop(0, 2048 // 16, grp, cnt)
        return cnt

    ucnt = build_list(user_hbm, lb, lr)
    icnt = build_list(item_hbm, ib, ir)

    def extract(panel, b16, r16, base, st_hbm):
        m = r16 >= 0
        rl = jnp.maximum(r16 - base, 0)

        def fx(f, _):
            fb = jnp.full((16,), f, jnp.int32)
            v = plsc.load_gather(panel, [fb, rl])
            plsc.store_scatter(blk, [lanes, fb], v, mask=m)
            return 0
        lax.fori_loop(0, FACTORS, fx, 0, unroll=8)
        bidx[...] = jnp.where(m, b16, dummy16)
        pltpu.sync_copy(blk, st_hbm.at[bidx])

    def win_of(p):
        m_lo = r_lo + p * PIECE_W
        return pl.multiple_of(jnp.minimum(m_lo, r_hi - PIECE_W), 128)

    def fire(src_hbm, p, dst, sem):
        pltpu.async_copy(
            src_hbm.at[pl.ds(0, FACTORS), pl.ds(win_of(p), PIECE_W)],
            dst, sem)

    def drain(dst, sem):
        pltpu.make_async_copy(
            euT_hbm.at[pl.ds(0, FACTORS), pl.ds(0, PIECE_W)], dst, sem
        ).wait()

    def process(panel, list_b, list_r, cnt1, st_hbm, p):
        m_lo = r_lo + p * PIECE_W
        m_hi = jnp.minimum(m_lo + PIECE_W, r_hi)
        win = win_of(p)
        bb[pl.ds(0, 16)] = dummy16
        br[pl.ds(0, 16)] = minus1
        for q in range(1, BUCKET_CAP // 16):
            sl = pl.ds(q * 16, 16)
            bb[sl] = dummy16
            br[sl] = minus1

        def bscan(g, cb):
            def hit(cb):
                sl = pl.ds(g * 16, 16)
                r16 = list_r[sl]
                b16 = list_b[sl]
                m = (r16 >= m_lo) & (r16 < m_hi)
                plsc.store_compressed(bb.at[pl.ds(cb, 16)], b16, mask=m)
                plsc.store_compressed(br.at[pl.ds(cb, 16)], r16, mask=m)
                pc = plsc.all_reduce_population_count(m)
                return cb + pc[0]
            return lax.cond(g * 16 < cnt1, hit, lambda cb: cb, cb)

        cb = lax.fori_loop(0, LIST_CAP // 16, bscan, 0)

        for g in range(BUCKET_CAP // 16):
            @pl.when(cb > g * 16)
            def _():
                sl = pl.ds(g * 16, 16)
                extract(panel, bb[sl], br[sl], win, st_hbm)

    fire(euT_hbm, 0, piece_u, sem_u)

    def piece(p, _):
        drain(piece_u, sem_u)
        fire(eiT_hbm, p, piece_i, sem_i)
        process(piece_u, lb, lr, ucnt, stu_hbm, p)
        drain(piece_i, sem_i)

        @pl.when(p < PIECES - 1)
        def _():
            fire(euT_hbm, p + 1, piece_u, sem_u)
        process(piece_i, ib, ir, icnt, sti_hbm, p)
        return 0
    lax.fori_loop(0, PIECES, piece, 0)

    @pl.when(is_last)
    def _():
        for src_hbm, st_hbm, list_b, list_r, cnt1 in (
            (auxu_hbm, stu_hbm, lb, lr, ucnt),
            (auxi_hbm, sti_hbm, ib, ir, icnt),
        ):
            pltpu.sync_copy(src_hbm, aux_v)
            bb[pl.ds(0, 16)] = dummy16
            br[pl.ds(0, 16)] = minus1

            def tscan(g, cb):
                def hit(cb):
                    sl = pl.ds(g * 16, 16)
                    r16 = list_r[sl]
                    m = r16 >= TAIL_LO
                    plsc.store_compressed(bb.at[pl.ds(cb, 16)], list_b[sl], mask=m)
                    plsc.store_compressed(br.at[pl.ds(cb, 16)], r16, mask=m)
                    pc = plsc.all_reduce_population_count(m)
                    return cb + pc[0]
                return lax.cond(g * 16 < cnt1, hit, lambda cb: cb, cb)

            cb = lax.fori_loop(0, LIST_CAP // 16, tscan, 0)

            @pl.when(cb > 0)
            def _():
                sl = pl.ds(0, 16)
                extract(aux_v, bb[sl], br[sl], TAIL_LO, st_hbm)


def _stage_b(u_ref, i_ref, o_ref):
    u = u_ref[:, :FACTORS]
    v = i_ref[:, :FACTORS]
    o_ref[...] = jnp.sum(u * v, axis=1)


@jax.jit
def _run(user, item, euT, eiT, aux_u, aux_i):
    mesh = plsc.VectorSubcoreMesh(core_axis_name="c", subcore_axis_name="s")
    fa = functools.partial(
        pl.kernel,
        mesh=mesh,
        compiler_params=pltpu.CompilerParams(
            needs_layout_passes=False, use_tc_tiling_on_sc=True),
        out_type=(
            jax.ShapeDtypeStruct((STAGE_ROWS, 128), jnp.float32),
            jax.ShapeDtypeStruct((STAGE_ROWS, 128), jnp.float32),
        ),
        scratch_types=[
            pltpu.VMEM((2048,), jnp.int32),
            pltpu.VMEM((LIST_CAP,), jnp.int32),
            pltpu.VMEM((LIST_CAP,), jnp.int32),
            pltpu.VMEM((LIST_CAP,), jnp.int32),
            pltpu.VMEM((LIST_CAP,), jnp.int32),
            pltpu.VMEM((FACTORS, PIECE_W), jnp.float32),
            pltpu.VMEM((FACTORS, PIECE_W), jnp.float32),
            pltpu.VMEM((BUCKET_CAP,), jnp.int32),
            pltpu.VMEM((BUCKET_CAP,), jnp.int32),
            pltpu.VMEM((16,), jnp.int32),
            pltpu.VMEM((16, 128), jnp.float32),
            pltpu.VMEM((FACTORS, 128), jnp.float32),
            pltpu.SemaphoreType.DMA,
            pltpu.SemaphoreType.DMA,
        ],
    )(_stage_a)
    st_u, st_i = fa(user, item, euT, eiT, aux_u, aux_i)

    out = pl.pallas_call(
        _stage_b,
        grid=(STAGE_ROWS // 512,),
        in_specs=[
            pl.BlockSpec((512, 128), lambda i: (i, 0)),
            pl.BlockSpec((512, 128), lambda i: (i, 0)),
        ],
        out_specs=pl.BlockSpec((512,), lambda i: (i,)),
        out_shape=jax.ShapeDtypeStruct((STAGE_ROWS,), jnp.float32),
    )(st_u, st_i)
    return out[:BATCH]


def kernel(user, item, embed_user, embed_item):
    u = user.astype(jnp.int32)
    it = item.astype(jnp.int32)
    aux_u = jnp.pad(embed_user[TAIL_LO:, :].T, ((0, 0), (0, 64)))
    aux_i = jnp.pad(embed_item[TAIL_LO:, :].T, ((0, 0), (0, 64)))
    return _run(u, it, embed_user.T, embed_item.T, aux_u, aux_i)

# --- scband reference (transcript-rebuilt; emitter-appended) ---
"""Pipeline reference for scband-point-mf-25074019074050 (READ-ONLY COPY).

The authoritative reference and input builder live on the scoring server;
editing this copy changes nothing except your own understanding.
"""

import jax, jax.numpy as jnp
import numpy as np

USER_NUM = 1000000
ITEM_NUM = 1000000
FACTORS = 64
BATCH = 16384

def setup_inputs(seed: int = 0) -> dict:
    key = jax.random.key(seed)
    k1, k2, k3, k4 = jax.random.split(key, 4)
    user = jax.random.randint(k1, (BATCH,), 0, USER_NUM, dtype=jnp.int64) if jax.config.jax_enable_x64 else jax.random.randint(k1, (BATCH,), 0, USER_NUM, dtype=jnp.int32)
    item = jax.random.randint(k2, (BATCH,), 0, ITEM_NUM, dtype=jnp.int32)
    embed_user = (jax.random.normal(k3, (USER_NUM, FACTORS), dtype=jnp.float32) * 0.01)
    embed_item = (jax.random.normal(k4, (ITEM_NUM, FACTORS), dtype=jnp.float32) * 0.01)
    return {"user": user, "item": item, "embed_user": embed_user, "embed_item": embed_item}

def reference(user, item, embed_user, embed_item):
    # PointMF forward (reindex=False):
    #   embed_user = self.embed_user(user); embed_item = self.embed_item(item)
    #   pred = (embed_user * embed_item).sum(dim=-1)
    eu = jnp.take(embed_user, user, axis=0)
    ei = jnp.take(embed_item, item, axis=0)
    pred = jnp.sum(eu * ei, axis=-1)
    return pred

if __name__ == "__main__":
    import jax
    _d = setup_inputs()
    print(jax.jit(kernel)(*tuple(_d.values())))

</pallas_src>

<mosaic_0001>
#map = affine_map<(d0, d1) -> (0)>
#map1 = affine_map<(d0, d1) -> (0, 0)>
module attributes {stable_mosaic.version = 14 : i64} {
  func.func @_stage_a(%arg0: i32, %arg1: i32, %arg2: memref<16384xi32, #tpu.memory_space<hbm>>, %arg3: memref<16384xi32, #tpu.memory_space<hbm>>, %arg4: memref<64x1000000xf32, #tpu.memory_space<hbm>>, %arg5: memref<64x1000000xf32, #tpu.memory_space<hbm>>, %arg6: memref<64x128xf32, #tpu.memory_space<hbm>>, %arg7: memref<64x128xf32, #tpu.memory_space<hbm>>, %arg8: memref<16896x128xf32, #tpu.memory_space<hbm>>, %arg9: memref<16896x128xf32, #tpu.memory_space<hbm>>, %arg10: memref<2048xi32, #tpu.memory_space<vmem>>, %arg11: memref<1024xi32, #tpu.memory_space<vmem>>, %arg12: memref<1024xi32, #tpu.memory_space<vmem>>, %arg13: memref<1024xi32, #tpu.memory_space<vmem>>, %arg14: memref<1024xi32, #tpu.memory_space<vmem>>, %arg15: memref<64x640xf32, #tpu.memory_space<vmem>>, %arg16: memref<64x640xf32, #tpu.memory_space<vmem>>, %arg17: memref<64xi32, #tpu.memory_space<vmem>>, %arg18: memref<64xi32, #tpu.memory_space<vmem>>, %arg19: memref<16xi32, #tpu.memory_space<vmem>>, %arg20: memref<16x128xf32, #tpu.memory_space<vmem>>, %arg21: memref<64x128xf32, #tpu.memory_space<vmem>>, %arg22: memref<!tpu.dma_semaphore, #tpu.memory_space<semaphore_mem>>, %arg23: memref<!tpu.dma_semaphore, #tpu.memory_space<semaphore_mem>>) attributes {dimension_semantics = [#tpu.dimension_semantics<core_parallel>, #tpu.dimension_semantics<subcore_parallel>], iteration_bounds = array<i64: 2, 16>, scalar_prefetch = 0 : i64, scratch_operands = 14 : i64, tpu.core_type = #tpu.core_type<sc_vector_subcore>, window_params = [{transform_indices = #map}, {transform_indices = #map}, {transform_indices = #map1}, {transform_indices = #map1}, {transform_indices = #map1}, {transform_indices = #map1}, {transform_indices = #map1}, {transform_indices = #map1}]} {
    %mul3A = arith.constant 2 : i32
    %mul3A_0 = arith.muli %arg1, %mul3A : i32
    %add3A = arith.addi %mul3A_0, %arg0 : i32
    %mul3A_1 = arith.constant 245 : i32
    %mul3A_2 = arith.muli %add3A, %mul3A_1 : i32
    %add3A_3 = arith.constant 245 : i32
    %add3A_4 = arith.addi %mul3A_2, %add3A_3 : i32
    %min3A = arith.constant 7812 : i32
    %min3A_5 = arith.minsi %add3A_4, %min3A : i32
    %mul3A_6 = arith.constant 128 : i32
    %mul3A_7 = arith.muli %mul3A_2, %mul3A_6 : i32
    %mul3A_8 = arith.constant 128 : i32
    %mul3A_9 = arith.muli %min3A_5, %mul3A_8 : i32
    %eq3A = arith.constant 31 : i32
    %eq3A_10 = arith.cmpi eq, %add3A, %eq3A : i32
    %jit3A = arith.constant 1000000 : i32
    %select_n3A = arith.select %eq3A_10, %jit3A, %mul3A_9 : i32
    %iota3A = tpu.iota {dimensions = array<i32: 0>} : vector<16xi32>
    %broadcast_in_dim3A = arith.constant -1 : i32
    %broadcast_in_dim3A_11 = vector.broadcast %broadcast_in_dim3A : i32 to vector<16xi32>
    %broadcast_in_dim3A_12 = arith.constant 16384 : i32
    %broadcast_in_dim3A_13 = vector.broadcast %broadcast_in_dim3A_12 : i32 to vector<16xi32>
    %scan3A = arith.constant 0 : i32
    %scan3A_14 = arith.constant 0 : i32
    %scan3A_15 = arith.constant 64 : i32
    %scan3A_16 = arith.addi %scan3A_14, %scan3A_15 : i32
    %scan3A_17 = arith.constant 1 : i32
    %scan3A_18 = scf.for %scan3A_133 = %scan3A_14 to %scan3A_16 step %scan3A_17 iter_args(%scan3A_134 = %scan3A) -> (i32)  : i32 {
      %mul3A_135 = arith.constant 16 : i32
      %mul3A_136 = arith.muli %scan3A_133, %mul3A_135 : i32
      %swap3A = arith.index_cast %mul3A_136 : i32 to index
      %swap3A_137 = tpu.vector_load %arg11[%swap3A] {strides = array<i32>} : memref<1024xi32, #tpu.memory_space<vmem>>, vector<16xi32>,
      tpu.vector_store %arg11[%swap3A], %broadcast_in_dim3A_13 {strides = array<i32>} : memref<1024xi32, #tpu.memory_space<vmem>>, vector<16xi32>,
      %swap3A_138 = arith.index_cast %mul3A_136 : i32 to index
      %swap3A_139 = tpu.vector_load %arg12[%swap3A_138] {strides = array<i32>} : memref<1024xi32, #tpu.memory_space<vmem>>, vector<16xi32>,
      tpu.vector_store %arg12[%swap3A_138], %broadcast_in_dim3A_11 {strides = array<i32>} : memref<1024xi32, #tpu.memory_space<vmem>>, vector<16xi32>,
      %swap3A_140 = arith.index_cast %mul3A_136 : i32 to index
      %swap3A_141 = tpu.vector_load %arg13[%swap3A_140] {strides = array<i32>} : memref<1024xi32, #tpu.memory_space<vmem>>, vector<16xi32>,
      tpu.vector_store %arg13[%swap3A_140], %broadcast_in_dim3A_13 {strides = array<i32>} : memref<1024xi32, #tpu.memory_space<vmem>>, vector<16xi32>,
      %swap3A_142 = arith.index_cast %mul3A_136 : i32 to index
      %swap3A_143 = tpu.vector_load %arg14[%swap3A_142] {strides = array<i32>} : memref<1024xi32, #tpu.memory_space<vmem>>, vector<16xi32>,
      tpu.vector_store %arg14[%swap3A_142], %broadcast_in_dim3A_11 {strides = array<i32>} : memref<1024xi32, #tpu.memory_space<vmem>>, vector<16xi32>,
      %scan3A_144 = arith.constant 0 : i32
      scf.yield %scan3A_144 : i32
    }
    %scan3A_19 = arith.constant 64 : i32
    "tpu.region"() ({
      %run_scoped3A = tpu.sem_alloc : memref<!tpu.dma_semaphore, #tpu.memory_space<semaphore_mem>>
      %dma_start3A_133 = arith.constant 0 : i32
      %dma_start3A_134 = tpu.memref_slice %arg2[%dma_start3A_133] : memref<16384xi32, #tpu.memory_space<hbm>> -> memref<2048xi32, #tpu.memory_space<hbm>>
      %dma_start3A_135 = arith.constant 0 : i32
      %dma_start3A_136 = tpu.memref_slice %arg2[%dma_start3A_135] : memref<16384xi32, #tpu.memory_space<hbm>> -> memref<2048xi32, #tpu.memory_space<hbm>>
      tpu.enqueue_dma source(%dma_start3A_136 : memref<2048xi32, #tpu.memory_space<hbm>>) target(%arg10 : memref<2048xi32, #tpu.memory_space<vmem>>) target_semaphore(%run_scoped3A : memref<!tpu.dma_semaphore, #tpu.memory_space<semaphore_mem>>)
      %dma_wait3A = arith.constant 0 : i32
      %dma_wait3A_137 = tpu.memref_slice %arg2[%dma_wait3A] : memref<16384xi32, #tpu.memory_space<hbm>> -> memref<2048xi32, #tpu.memory_space<hbm>>
      %dma_wait3A_138 = arith.constant 0 : i32
      %dma_wait3A_139 = tpu.memref_slice %arg2[%dma_wait3A_138] : memref<16384xi32, #tpu.memory_space<hbm>> -> memref<2048xi32, #tpu.memory_space<hbm>>
      tpu.wait_dma2 semaphore(%run_scoped3A : memref<!tpu.dma_semaphore, #tpu.memory_space<semaphore_mem>>) src(%dma_wait3A_139 : memref<2048xi32, #tpu.memory_space<hbm>>) dst(%arg10 : memref<2048xi32, #tpu.memory_space<vmem>>)
      tpu.yield
    }) : () -> ()
    %scan3A_20 = arith.constant 0 : i32
    %scan3A_21 = arith.constant 0 : i32
    %scan3A_22 = arith.constant 128 : i32
    %scan3A_23 = arith.addi %scan3A_21, %scan3A_22 : i32
    %scan3A_24 = arith.constant 1 : i32
    %scan3A_25 = scf.for %scan3A_133 = %scan3A_21 to %scan3A_23 step %scan3A_24 iter_args(%scan3A_134 = %scan3A_20) -> (i32)  : i32 {
      %mul3A_135 = arith.constant 16 : i32
      %mul3A_136 = arith.muli %scan3A_133, %mul3A_135 : i32
      %get3A = arith.index_cast %mul3A_136 : i32 to index
      %get3A_137 = tpu.vector_load %arg10[%get3A] {strides = array<i32>} : memref<2048xi32, #tpu.memory_space<vmem>>, vector<16xi32>,
      %ge3A = vector.broadcast %mul3A_7 : i32 to vector<16xi32>
      %ge3A_138 = arith.cmpi sge, %get3A_137, %ge3A : vector<16xi32>
      %lt3A = vector.broadcast %select_n3A : i32 to vector<16xi32>
      %lt3A_139 = arith.cmpi slt, %get3A_137, %lt3A : vector<16xi32>
      %and3A = arith.andi %ge3A_138, %lt3A_139 : vector<16xi1>
      %mul3A_140 = arith.constant 16 : i32
      %mul3A_141 = arith.muli %scan3A_133, %mul3A_140 : i32
      %add3A_142 = arith.constant 0 : i32
      %add3A_143 = arith.addi %add3A_142, %mul3A_141 : i32
      %add3A_144 = vector.broadcast %add3A_143 : i32 to vector<16xi32>
      %add3A_145 = arith.addi %iota3A, %add3A_144 : vector<16xi32>
      %swap3A = arith.index_cast %scan3A_134 : i32 to index
      %swap3A_146 = tpu.vector_load %arg11[%swap3A] masked %and3A {strides = array<i32>} : memref<1024xi32, #tpu.memory_space<vmem>>, vector<16xi32>, vector<16xi1>
      tpu.vector_store %arg11[%swap3A], %add3A_145 masked %and3A {strides = array<i32>} : memref<1024xi32, #tpu.memory_space<vmem>>, vector<16xi32>, vector<16xi1>
      %swap3A_147 = arith.index_cast %scan3A_134 : i32 to index
      %swap3A_148 = tpu.vector_load %arg12[%swap3A_147] masked %and3A {strides = array<i32>} : memref<1024xi32, #tpu.memory_space<vmem>>, vector<16xi32>, vector<16xi1>
      tpu.vector_store %arg12[%swap3A_147], %get3A_137 masked %and3A {strides = array<i32>} : memref<1024xi32, #tpu.memory_space<vmem>>, vector<16xi32>, vector<16xi1>
      %all_reduce_population_count3A = tpu.all_reduce %and3A {dim = 0 : i64, kind = #tpu.reduction_kind<sum>} : vector<16xi1> -> vector<16xi32>
      %slice3A = vector.extract_strided_slice %all_reduce_population_count3A {offsets = [0], sizes = [1], strides = [1]} : vector<16xi32> to vector<1xi32>
      %squeeze3A = vector.extract %slice3A[0] : i32 from vector<1xi32>
      %add3A_149 = arith.addi %scan3A_134, %squeeze3A : i32
      scf.yield %add3A_149 : i32
    }
    %scan3A_26 = arith.constant 128 : i32
    "tpu.region"() ({
      %run_scoped3A = tpu.sem_alloc : memref<!tpu.dma_semaphore, #tpu.memory_space<semaphore_mem>>
      %dma_start3A_133 = arith.constant 2048 : i32
      %dma_start3A_134 = tpu.memref_slice %arg2[%dma_start3A_133] : memref<16384xi32, #tpu.memory_space<hbm>> -> memref<2048xi32, #tpu.memory_space<hbm>>
      %dma_start3A_135 = arith.constant 2048 : i32
      %dma_start3A_136 = tpu.memref_slice %arg2[%dma_start3A_135] : memref<16384xi32, #tpu.memory_space<hbm>> -> memref<2048xi32, #tpu.memory_space<hbm>>
      tpu.enqueue_dma source(%dma_start3A_136 : memref<2048xi32, #tpu.memory_space<hbm>>) target(%arg10 : memref<2048xi32, #tpu.memory_space<vmem>>) target_semaphore(%run_scoped3A : memref<!tpu.dma_semaphore, #tpu.memory_space<semaphore_mem>>)
      %dma_wait3A = arith.constant 2048 : i32
      %dma_wait3A_137 = tpu.memref_slice %arg2[%dma_wait3A] : memref<16384xi32, #tpu.memory_space<hbm>> -> memref<2048xi32, #tpu.memory_space<hbm>>
      %dma_wait3A_138 = arith.constant 2048 : i32
      %dma_wait3A_139 = tpu.memref_slice %arg2[%dma_wait3A_138] : memref<16384xi32, #tpu.memory_space<hbm>> -> memref<2048xi32, #tpu.memory_space<hbm>>
      tpu.wait_dma2 semaphore(%run_scoped3A : memref<!tpu.dma_semaphore, #tpu.memory_space<semaphore_mem>>) src(%dma_wait3A_139 : memref<2048xi32, #tpu.memory_space<hbm>>) dst(%arg10 : memref<2048xi32, #tpu.memory_space<vmem>>)
      tpu.yield
    }) : () -> ()
    %scan3A_27 = arith.constant 0 : i32
    %scan3A_28 = arith.constant 128 : i32
    %scan3A_29 = arith.addi %scan3A_27, %scan3A_28 : i32
    %scan3A_30 = arith.constant 1 : i32
    %scan3A_31 = scf.for %scan3A_133 = %scan3A_27 to %scan3A_29 step %scan3A_30 iter_args(%scan3A_134 = %scan3A_25) -> (i32)  : i32 {
      %mul3A_135 = arith.constant 16 : i32
      %mul3A_136 = arith.muli %scan3A_133, %mul3A_135 : i32
      %get3A = arith.index_cast %mul3A_136 : i32 to index
      %get3A_137 = tpu.vector_load %arg10[%get3A] {strides = array<i32>} : memref<2048xi32, #tpu.memory_space<vmem>>, vector<16xi32>,
      %ge3A = vector.broadcast %mul3A_7 : i32 to vector<16xi32>
      %ge3A_138 = arith.cmpi sge, %get3A_137, %ge3A : vector<16xi32>
      %lt3A = vector.broadcast %select_n3A : i32 to vector<16xi32>
      %lt3A_139 = arith.cmpi slt, %get3A_137, %lt3A : vector<16xi32>
      %and3A = arith.andi %ge3A_138, %lt3A_139 : vector<16xi1>
      %mul3A_140 = arith.constant 16 : i32
      %mul3A_141 = arith.muli %scan3A_133, %mul3A_140 : i32
      %add3A_142 = arith.constant 2048 : i32
      %add3A_143 = arith.addi %add3A_142, %mul3A_141 : i32
      %add3A_144 = vector.broadcast %add3A_143 : i32 to vector<16xi32>
      %add3A_145 = arith.addi %iota3A, %add3A_144 : vector<16xi32>
      %swap3A = arith.index_cast %scan3A_134 : i32 to index
      %swap3A_146 = tpu.vector_load %arg11[%swap3A] masked %and3A {strides = array<i32>} : memref<1024xi32, #tpu.memory_space<vmem>>, vector<16xi32>, vector<16xi1>
      tpu.vector_store %arg11[%swap3A], %add3A_145 masked %and3A {strides = array<i32>} : memref<1024xi32, #tpu.memory_space<vmem>>, vector<16xi32>, vector<16xi1>
      %swap3A_147 = arith.index_cast %scan3A_134 : i32 to index
      %swap3A_148 = tpu.vector_load %arg12[%swap3A_147] masked %and3A {strides = array<i32>} : memref<1024xi32, #tpu.memory_space<vmem>>, vector<16xi32>, vector<16xi1>
      tpu.vector_store %arg12[%swap3A_147], %get3A_137 masked %and3A {strides = array<i32>} : memref<1024xi32, #tpu.memory_space<vmem>>, vector<16xi32>, vector<16xi1>
      %all_reduce_population_count3A = tpu.all_reduce %and3A {dim = 0 : i64, kind = #tpu.reduction_kind<sum>} : vector<16xi1> -> vector<16xi32>
      %slice3A = vector.extract_strided_slice %all_reduce_population_count3A {offsets = [0], sizes = [1], strides = [1]} : vector<16xi32> to vector<1xi32>
      %squeeze3A = vector.extract %slice3A[0] : i32 from vector<1xi32>
      %add3A_149 = arith.addi %scan3A_134, %squeeze3A : i32
      scf.yield %add3A_149 : i32
    }
    %scan3A_32 = arith.constant 128 : i32
    "tpu.region"() ({
      %run_scoped3A = tpu.sem_alloc : memref<!tpu.dma_semaphore, #tpu.memory_space<semaphore_mem>>
      %dma_start3A_133 = arith.constant 4096 : i32
      %dma_start3A_134 = tpu.memref_slice %arg2[%dma_start3A_133] : memref<16384xi32, #tpu.memory_space<hbm>> -> memref<2048xi32, #tpu.memory_space<hbm>>
      %dma_start3A_135 = arith.constant 4096 : i32
      %dma_start3A_136 = tpu.memref_slice %arg2[%dma_start3A_135] : memref<16384xi32, #tpu.memory_space<hbm>> -> memref<2048xi32, #tpu.memory_space<hbm>>
      tpu.enqueue_dma source(%dma_start3A_136 : memref<2048xi32, #tpu.memory_space<hbm>>) target(%arg10 : memref<2048xi32, #tpu.memory_space<vmem>>) target_semaphore(%run_scoped3A : memref<!tpu.dma_semaphore, #tpu.memory_space<semaphore_mem>>)
      %dma_wait3A = arith.constant 4096 : i32
      %dma_wait3A_137 = tpu.memref_slice %arg2[%dma_wait3A] : memref<16384xi32, #tpu.memory_space<hbm>> -> memref<2048xi32, #tpu.memory_space<hbm>>
      %dma_wait3A_138 = arith.constant 4096 : i32
      %dma_wait3A_139 = tpu.memref_slice %arg2[%dma_wait3A_138] : memref<16384xi32, #tpu.memory_space<hbm>> -> memref<2048xi32, #tpu.memory_space<hbm>>
      tpu.wait_dma2 semaphore(%run_scoped3A : memref<!tpu.dma_semaphore, #tpu.memory_space<semaphore_mem>>) src(%dma_wait3A_139 : memref<2048xi32, #tpu.memory_space<hbm>>) dst(%arg10 : memref<2048xi32, #tpu.memory_space<vmem>>)
      tpu.yield
    }) : () -> ()
    %scan3A_33 = arith.constant 0 : i32
    %scan3A_34 = arith.constant 128 : i32
    %scan3A_35 = arith.addi %scan3A_33, %scan3A_34 : i32
    %scan3A_36 = arith.constant 1 : i32
    %scan3A_37 = scf.for %scan3A_133 = %scan3A_33 to %scan3A_35 step %scan3A_36 iter_args(%scan3A_134 = %scan3A_31) -> (i32)  : i32 {
      %mul3A_135 = arith.constant 16 : i32
      %mul3A_136 = arith.muli %scan3A_133, %mul3A_135 : i32
      %get3A = arith.index_cast %mul3A_136 : i32 to index
      %get3A_137 = tpu.vector_load %arg10[%get3A] {strides = array<i32>} : memref<2048xi32, #tpu.memory_space<vmem>>, vector<16xi32>,
      %ge3A = vector.broadcast %mul3A_7 : i32 to vector<16xi32>
      %ge3A_138 = arith.cmpi sge, %get3A_137, %ge3A : vector<16xi32>
      %lt3A = vector.broadcast %select_n3A : i32 to vector<16xi32>
      %lt3A_139 = arith.cmpi slt, %get3A_137, %lt3A : vector<16xi32>
      %and3A = arith.andi %ge3A_138, %lt3A_139 : vector<16xi1>
      %mul3A_140 = arith.constant 16 : i32
      %mul3A_141 = arith.muli %scan3A_133, %mul3A_140 : i32
      %add3A_142 = arith.constant 4096 : i32
      %add3A_143 = arith.addi %add3A_142, %mul3A_141 : i32
      %add3A_144 = vector.broadcast %add3A_143 : i32 to vector<16xi32>
      %add3A_145 = arith.addi %iota3A, %add3A_144 : vector<16xi32>
      %swap3A = arith.index_cast %scan3A_134 : i32 to index
      %swap3A_146 = tpu.vector_load %arg11[%swap3A] masked %and3A {strides = array<i32>} : memref<1024xi32, #tpu.memory_space<vmem>>, vector<16xi32>, vector<16xi1>
      tpu.vector_store %arg11[%swap3A], %add3A_145 masked %and3A {strides = array<i32>} : memref<1024xi32, #tpu.memory_space<vmem>>, vector<16xi32>, vector<16xi1>
      %swap3A_147 = arith.index_cast %scan3A_134 : i32 to index
      %swap3A_148 = tpu.vector_load %arg12[%swap3A_147] masked %and3A {strides = array<i32>} : memref<1024xi32, #tpu.memory_space<vmem>>, vector<16xi32>, vector<16xi1>
      tpu.vector_store %arg12[%swap3A_147], %get3A_137 masked %and3A {strides = array<i32>} : memref<1024xi32, #tpu.memory_space<vmem>>, vector<16xi32>, vector<16xi1>
      %all_reduce_population_count3A = tpu.all_reduce %and3A {dim = 0 : i64, kind = #tpu.reduction_kind<sum>} : vector<16xi1> -> vector<16xi32>
      %slice3A = vector.extract_strided_slice %all_reduce_population_count3A {offsets = [0], sizes = [1], strides = [1]} : vector<16xi32> to vector<1xi32>
      %squeeze3A = vector.extract %slice3A[0] : i32 from vector<1xi32>
      %add3A_149 = arith.addi %scan3A_134, %squeeze3A : i32
      scf.yield %add3A_149 : i32
    }
    %scan3A_38 = arith.constant 128 : i32
    "tpu.region"() ({
      %run_scoped3A = tpu.sem_alloc : memref<!tpu.dma_semaphore, #tpu.memory_space<semaphore_mem>>
      %dma_start3A_133 = arith.constant 6144 : i32
      %dma_start3A_134 = tpu.memref_slice %arg2[%dma_start3A_133] : memref<16384xi32, #tpu.memory_space<hbm>> -> memref<2048xi32, #tpu.memory_space<hbm>>
      %dma_start3A_135 = arith.constant 6144 : i32
      %dma_start3A_136 = tpu.memref_slice %arg2[%dma_start3A_135] : memref<16384xi32, #tpu.memory_space<hbm>> -> memref<2048xi32, #tpu.memory_space<hbm>>
      tpu.enqueue_dma source(%dma_start3A_136 : memref<2048xi32, #tpu.memory_space<hbm>>) target(%arg10 : memref<2048xi32, #tpu.memory_space<vmem>>) target_semaphore(%run_scoped3A : memref<!tpu.dma_semaphore, #tpu.memory_space<semaphore_mem>>)
      %dma_wait3A = arith.constant 6144 : i32
      %dma_wait3A_137 = tpu.memref_slice %arg2[%dma_wait3A] : memref<16384xi32, #tpu.memory_space<hbm>> -> memref<2048xi32, #tpu.memory_space<hbm>>
      %dma_wait3A_138 = arith.constant 6144 : i32
      %dma_wait3A_139 = tpu.memref_slice %arg2[%dma_wait3A_138] : memref<16384xi32, #tpu.memory_space<hbm>> -> memref<2048xi32, #tpu.memory_space<hbm>>
      tpu.wait_dma2 semaphore(%run_scoped3A : memref<!tpu.dma_semaphore, #tpu.memory_space<semaphore_mem>>) src(%dma_wait3A_139 : memref<2048xi32, #tpu.memory_space<hbm>>) dst(%arg10 : memref<2048xi32, #tpu.memory_space<vmem>>)
      tpu.yield
    }) : () -> ()
    %scan3A_39 = arith.constant 0 : i32
    %scan3A_40 = arith.constant 128 : i32
    %scan3A_41 = arith.addi %scan3A_39, %scan3A_40 : i32
    %scan3A_42 = arith.constant 1 : i32
    %scan3A_43 = scf.for %scan3A_133 = %scan3A_39 to %scan3A_41 step %scan3A_42 iter_args(%scan3A_134 = %scan3A_37) -> (i32)  : i32 {
      %mul3A_135 = arith.constant 16 : i32
      %mul3A_136 = arith.muli %scan3A_133, %mul3A_135 : i32
      %get3A = arith.index_cast %mul3A_136 : i32 to index
      %get3A_137 = tpu.vector_load %arg10[%get3A] {strides = array<i32>} : memref<2048xi32, #tpu.memory_space<vmem>>, vector<16xi32>,
      %ge3A = vector.broadcast %mul3A_7 : i32 to vector<16xi32>
      %ge3A_138 = arith.cmpi sge, %get3A_137, %ge3A : vector<16xi32>
      %lt3A = vector.broadcast %select_n3A : i32 to vector<16xi32>
      %lt3A_139 = arith.cmpi slt, %get3A_137, %lt3A : vector<16xi32>
      %and3A = arith.andi %ge3A_138, %lt3A_139 : vector<16xi1>
      %mul3A_140 = arith.constant 16 : i32
      %mul3A_141 = arith.muli %scan3A_133, %mul3A_140 : i32
      %add3A_142 = arith.constant 6144 : i32
      %add3A_143 = arith.addi %add3A_142, %mul3A_141 : i32
      %add3A_144 = vector.broadcast %add3A_143 : i32 to vector<16xi32>
      %add3A_145 = arith.addi %iota3A, %add3A_144 : vector<16xi32>
      %swap3A = arith.index_cast %scan3A_134 : i32 to index
      %swap3A_146 = tpu.vector_load %arg11[%swap3A] masked %and3A {strides = array<i32>} : memref<1024xi32, #tpu.memory_space<vmem>>, vector<16xi32>, vector<16xi1>
      tpu.vector_store %arg11[%swap3A], %add3A_145 masked %and3A {strides = array<i32>} : memref<1024xi32, #tpu.memory_space<vmem>>, vector<16xi32>, vector<16xi1>
      %swap3A_147 = arith.index_cast %scan3A_134 : i32 to index
      %swap3A_148 = tpu.vector_load %arg12[%swap3A_147] masked %and3A {strides = array<i32>} : memref<1024xi32, #tpu.memory_space<vmem>>, vector<16xi32>, vector<16xi1>
      tpu.vector_store %arg12[%swap3A_147], %get3A_137 masked %and3A {strides = array<i32>} : memref<1024xi32, #tpu.memory_space<vmem>>, vector<16xi32>, vector<16xi1>
      %all_reduce_population_count3A = tpu.all_reduce %and3A {dim = 0 : i64, kind = #tpu.reduction_kind<sum>} : vector<16xi1> -> vector<16xi32>
      %slice3A = vector.extract_strided_slice %all_reduce_population_count3A {offsets = [0], sizes = [1], strides = [1]} : vector<16xi32> to vector<1xi32>
      %squeeze3A = vector.extract %slice3A[0] : i32 from vector<1xi32>
      %add3A_149 = arith.addi %scan3A_134, %squeeze3A : i32
      scf.yield %add3A_149 : i32
    }
    %scan3A_44 = arith.constant 128 : i32
    "tpu.region"() ({
      %run_scoped3A = tpu.sem_alloc : memref<!tpu.dma_semaphore, #tpu.memory_space<semaphore_mem>>
      %dma_start3A_133 = arith.constant 8192 : i32
      %dma_start3A_134 = tpu.memref_slice %arg2[%dma_start3A_133] : memref<16384xi32, #tpu.memory_space<hbm>> -> memref<2048xi32, #tpu.memory_space<hbm>>
      %dma_start3A_135 = arith.constant 8192 : i32
      %dma_start3A_136 = tpu.memref_slice %arg2[%dma_start3A_135] : memref<16384xi32, #tpu.memory_space<hbm>> -> memref<2048xi32, #tpu.memory_space<hbm>>
      tpu.enqueue_dma source(%dma_start3A_136 : memref<2048xi32, #tpu.memory_space<hbm>>) target(%arg10 : memref<2048xi32, #tpu.memory_space<vmem>>) target_semaphore(%run_scoped3A : memref<!tpu.dma_semaphore, #tpu.memory_space<semaphore_mem>>)
      %dma_wait3A = arith.constant 8192 : i32
      %dma_wait3A_137 = tpu.memref_slice %arg2[%dma_wait3A] : memref<16384xi32, #tpu.memory_space<hbm>> -> memref<2048xi32, #tpu.memory_space<hbm>>
      %dma_wait3A_138 = arith.constant 8192 : i32
      %dma_wait3A_139 = tpu.memref_slice %arg2[%dma_wait3A_138] : memref<16384xi32, #tpu.memory_space<hbm>> -> memref<2048xi32, #tpu.memory_space<hbm>>
      tpu.wait_dma2 semaphore(%run_scoped3A : memref<!tpu.dma_semaphore, #tpu.memory_space<semaphore_mem>>) src(%dma_wait3A_139 : memref<2048xi32, #tpu.memory_space<hbm>>) dst(%arg10 : memref<2048xi32, #tpu.memory_space<vmem>>)
      tpu.yield
    }) : () -> ()
    %scan3A_45 = arith.constant 0 : i32
    %scan3A_46 = arith.constant 128 : i32
    %scan3A_47 = arith.addi %scan3A_45, %scan3A_46 : i32
    %scan3A_48 = arith.constant 1 : i32
    %scan3A_49 = scf.for %scan3A_133 = %scan3A_45 to %scan3A_47 step %scan3A_48 iter_args(%scan3A_134 = %scan3A_43) -> (i32)  : i32 {
      %mul3A_135 = arith.constant 16 : i32
      %mul3A_136 = arith.muli %scan3A_133, %mul3A_135 : i32
      %get3A = arith.index_cast %mul3A_136 : i32 to index
      %get3A_137 = tpu.vector_load %arg10[%get3A] {strides = array<i32>} : memref<2048xi32, #tpu.memory_space<vmem>>, vector<16xi32>,
      %ge3A = vector.broadcast %mul3A_7 : i32 to vector<16xi32>
      %ge3A_138 = arith.cmpi sge, %get3A_137, %ge3A : vector<16xi32>
      %lt3A = vector.broadcast %select_n3A : i32 to vector<16xi32>
      %lt3A_139 = arith.cmpi slt, %get3A_137, %lt3A : vector<16xi32>
      %and3A = arith.andi %ge3A_138, %lt3A_139 : vector<16xi1>
      %mul3A_140 = arith.constant 16 : i32
      %mul3A_141 = arith.muli %scan3A_133, %mul3A_140 : i32
      %add3A_142 = arith.constant 8192 : i32
      %add3A_143 = arith.addi %add3A_142, %mul3A_141 : i32
      %add3A_144 = vector.broadcast %add3A_143 : i32 to vector<16xi32>
      %add3A_145 = arith.addi %iota3A, %add3A_144 : vector<16xi32>
      %swap3A = arith.index_cast %scan3A_134 : i32 to index
      %swap3A_146 = tpu.vector_load %arg11[%swap3A] masked %and3A {strides = array<i32>} : memref<1024xi32, #tpu.memory_space<vmem>>, vector<16xi32>, vector<16xi1>
      tpu.vector_store %arg11[%swap3A], %add3A_145 masked %and3A {strides = array<i32>} : memref<1024xi32, #tpu.memory_space<vmem>>, vector<16xi32>, vector<16xi1>
      %swap3A_147 = arith.index_cast %scan3A_134 : i32 to index
      %swap3A_148 = tpu.vector_load %arg12[%swap3A_147] masked %and3A {strides = array<i32>} : memref<1024xi32, #tpu.memory_space<vmem>>, vector<16xi32>, vector<16xi1>
      tpu.vector_store %arg12[%swap3A_147], %get3A_137 masked %and3A {strides = array<i32>} : memref<1024xi32, #tpu.memory_space<vmem>>, vector<16xi32>, vector<16xi1>
      %all_reduce_population_count3A = tpu.all_reduce %and3A {dim = 0 : i64, kind = #tpu.reduction_kind<sum>} : vector<16xi1> -> vector<16xi32>
      %slice3A = vector.extract_strided_slice %all_reduce_population_count3A {offsets = [0], sizes = [1], strides = [1]} : vector<16xi32> to vector<1xi32>
      %squeeze3A = vector.extract %slice3A[0] : i32 from vector<1xi32>
      %add3A_149 = arith.addi %scan3A_134, %squeeze3A : i32
      scf.yield %add3A_149 : i32
    }
    %scan3A_50 = arith.constant 128 : i32
    "tpu.region"() ({
      %run_scoped3A = tpu.sem_alloc : memref<!tpu.dma_semaphore, #tpu.memory_space<semaphore_mem>>
      %dma_start3A_133 = arith.constant 10240 : i32
      %dma_start3A_134 = tpu.memref_slice %arg2[%dma_start3A_133] : memref<16384xi32, #tpu.memory_space<hbm>> -> memref<2048xi32, #tpu.memory_space<hbm>>
      %dma_start3A_135 = arith.constant 10240 : i32
      %dma_start3A_136 = tpu.memref_slice %arg2[%dma_start3A_135] : memref<16384xi32, #tpu.memory_space<hbm>> -> memref<2048xi32, #tpu.memory_space<hbm>>
      tpu.enqueue_dma source(%dma_start3A_136 : memref<2048xi32, #tpu.memory_space<hbm>>) target(%arg10 : memref<2048xi32, #tpu.memory_space<vmem>>) target_semaphore(%run_scoped3A : memref<!tpu.dma_semaphore, #tpu.memory_space<semaphore_mem>>)
      %dma_wait3A = arith.constant 10240 : i32
      %dma_wait3A_137 = tpu.memref_slice %arg2[%dma_wait3A] : memref<16384xi32, #tpu.memory_space<hbm>> -> memref<2048xi32, #tpu.memory_space<hbm>>
      %dma_wait3A_138 = arith.constant 10240 : i32
      %dma_wait3A_139 = tpu.memref_slice %arg2[%dma_wait3A_138] : memref<16384xi32, #tpu.memory_space<hbm>> -> memref<2048xi32, #tpu.memory_space<hbm>>
      tpu.wait_dma2 semaphore(%run_scoped3A : memref<!tpu.dma_semaphore, #tpu.memory_space<semaphore_mem>>) src(%dma_wait3A_139 : memref<2048xi32, #tpu.memory_space<hbm>>) dst(%arg10 : memref<2048xi32, #tpu.memory_space<vmem>>)
      tpu.yield
    }) : () -> ()
    %scan3A_51 = arith.constant 0 : i32
    %scan3A_52 = arith.constant 128 : i32
    %scan3A_53 = arith.addi %scan3A_51, %scan3A_52 : i32
    %scan3A_54 = arith.constant 1 : i32
    %scan3A_55 = scf.for %scan3A_133 = %scan3A_51 to %scan3A_53 step %scan3A_54 iter_args(%scan3A_134 = %scan3A_49) -> (i32)  : i32 {
      %mul3A_135 = arith.constant 16 : i32
      %mul3A_136 = arith.muli %scan3A_133, %mul3A_135 : i32
      %get3A = arith.index_cast %mul3A_136 : i32 to index
      %get3A_137 = tpu.vector_load %arg10[%get3A] {strides = array<i32>} : memref<2048xi32, #tpu.memory_space<vmem>>, vector<16xi32>,
      %ge3A = vector.broadcast %mul3A_7 : i32 to vector<16xi32>
      %ge3A_138 = arith.cmpi sge, %get3A_137, %ge3A : vector<16xi32>
      %lt3A = vector.broadcast %select_n3A : i32 to vector<16xi32>
      %lt3A_139 = arith.cmpi slt, %get3A_137, %lt3A : vector<16xi32>
      %and3A = arith.andi %ge3A_138, %lt3A_139 : vector<16xi1>
      %mul3A_140 = arith.constant 16 : i32
      %mul3A_141 = arith.muli %scan3A_133, %mul3A_140 : i32
      %add3A_142 = arith.constant 10240 : i32
      %add3A_143 = arith.addi %add3A_142, %mul3A_141 : i32
      %add3A_144 = vector.broadcast %add3A_143 : i32 to vector<16xi32>
      %add3A_145 = arith.addi %iota3A, %add3A_144 : vector<16xi32>
      %swap3A = arith.index_cast %scan3A_134 : i32 to index
      %swap3A_146 = tpu.vector_load %arg11[%swap3A] masked %and3A {strides = array<i32>} : memref<1024xi32, #tpu.memory_space<vmem>>, vector<16xi32>, vector<16xi1>
      tpu.vector_store %arg11[%swap3A], %add3A_145 masked %and3A {strides = array<i32>} : memref<1024xi32, #tpu.memory_space<vmem>>, vector<16xi32>, vector<16xi1>
      %swap3A_147 = arith.index_cast %scan3A_134 : i32 to index
      %swap3A_148 = tpu.vector_load %arg12[%swap3A_147] masked %and3A {strides = array<i32>} : memref<1024xi32, #tpu.memory_space<vmem>>, vector<16xi32>, vector<16xi1>
      tpu.vector_store %arg12[%swap3A_147], %get3A_137 masked %and3A {strides = array<i32>} : memref<1024xi32, #tpu.memory_space<vmem>>, vector<16xi32>, vector<16xi1>
      %all_reduce_population_count3A = tpu.all_reduce %and3A {dim = 0 : i64, kind = #tpu.reduction_kind<sum>} : vector<16xi1> -> vector<16xi32>
      %slice3A = vector.extract_strided_slice %all_reduce_population_count3A {offsets = [0], sizes = [1], strides = [1]} : vector<16xi32> to vector<1xi32>
      %squeeze3A = vector.extract %slice3A[0] : i32 from vector<1xi32>
      %add3A_149 = arith.addi %scan3A_134, %squeeze3A : i32
      scf.yield %add3A_149 : i32
    }
    %scan3A_56 = arith.constant 128 : i32
    "tpu.region"() ({
      %run_scoped3A = tpu.sem_alloc : memref<!tpu.dma_semaphore, #tpu.memory_space<semaphore_mem>>
      %dma_start3A_133 = arith.constant 12288 : i32
      %dma_start3A_134 = tpu.memref_slice %arg2[%dma_start3A_133] : memref<16384xi32, #tpu.memory_space<hbm>> -> memref<2048xi32, #tpu.memory_space<hbm>>
      %dma_start3A_135 = arith.constant 12288 : i32
      %dma_start3A_136 = tpu.memref_slice %arg2[%dma_start3A_135] : memref<16384xi32, #tpu.memory_space<hbm>> -> memref<2048xi32, #tpu.memory_space<hbm>>
      tpu.enqueue_dma source(%dma_start3A_136 : memref<2048xi32, #tpu.memory_space<hbm>>) target(%arg10 : memref<2048xi32, #tpu.memory_space<vmem>>) target_semaphore(%run_scoped3A : memref<!tpu.dma_semaphore, #tpu.memory_space<semaphore_mem>>)
      %dma_wait3A = arith.constant 12288 : i32
      %dma_wait3A_137 = tpu.memref_slice %arg2[%dma_wait3A] : memref<16384xi32, #tpu.memory_space<hbm>> -> memref<2048xi32, #tpu.memory_space<hbm>>
      %dma_wait3A_138 = arith.constant 12288 : i32
      %dma_wait3A_139 = tpu.memref_slice %arg2[%dma_wait3A_138] : memref<16384xi32, #tpu.memory_space<hbm>> -> memref<2048xi32, #tpu.memory_space<hbm>>
      tpu.wait_dma2 semaphore(%run_scoped3A : memref<!tpu.dma_semaphore, #tpu.memory_space<semaphore_mem>>) src(%dma_wait3A_139 : memref<2048xi32, #tpu.memory_space<hbm>>) dst(%arg10 : memref<2048xi32, #tpu.memory_space<vmem>>)
      tpu.yield
    }) : () -> ()
    %scan3A_57 = arith.constant 0 : i32
    %scan3A_58 = arith.constant 128 : i32
    %scan3A_59 = arith.addi %scan3A_57, %scan3A_58 : i32
    %scan3A_60 = arith.constant 1 : i32
    %scan3A_61 = scf.for %scan3A_133 = %scan3A_57 to %scan3A_59 step %scan3A_60 iter_args(%scan3A_134 = %scan3A_55) -> (i32)  : i32 {
      %mul3A_135 = arith.constant 16 : i32
      %mul3A_136 = arith.muli %scan3A_133, %mul3A_135 : i32
      %get3A = arith.index_cast %mul3A_136 : i32 to index
      %get3A_137 = tpu.vector_load %arg10[%get3A] {strides = array<i32>} : memref<2048xi32, #tpu.memory_space<vmem>>, vector<16xi32>,
      %ge3A = vector.broadcast %mul3A_7 : i32 to vector<16xi32>
      %ge3A_138 = arith.cmpi sge, %get3A_137, %ge3A : vector<16xi32>
      %lt3A = vector.broadcast %select_n3A : i32 to vector<16xi32>
      %lt3A_139 = arith.cmpi slt, %get3A_137, %lt3A : vector<16xi32>
      %and3A = arith.andi %ge3A_138, %lt3A_139 : vector<16xi1>
      %mul3A_140 = arith.constant 16 : i32
      %mul3A_141 = arith.muli %scan3A_133, %mul3A_140 : i32
      %add3A_142 = arith.constant 12288 : i32
      %add3A_143 = arith.addi %add3A_142, %mul3A_141 : i32
      %add3A_144 = vector.broadcast %add3A_143 : i32 to vector<16xi32>
      %add3A_145 = arith.addi %iota3A, %add3A_144 : vector<16xi32>
      %swap3A = arith.index_cast %scan3A_134 : i32 to index
      %swap3A_146 = tpu.vector_load %arg11[%swap3A] masked %and3A {strides = array<i32>} : memref<1024xi32, #tpu.memory_space<vmem>>, vector<16xi32>, vector<16xi1>
      tpu.vector_store %arg11[%swap3A], %add3A_145 masked %and3A {strides = array<i32>} : memref<1024xi32, #tpu.memory_space<vmem>>, vector<16xi32>, vector<16xi1>
      %swap3A_147 = arith.index_cast %scan3A_134 : i32 to index
      %swap3A_148 = tpu.vector_load %arg12[%swap3A_147] masked %and3A {strides = array<i32>} : memref<1024xi32, #tpu.memory_space<vmem>>, vector<16xi32>, vector<16xi1>
      tpu.vector_store %arg12[%swap3A_147], %get3A_137 masked %and3A {strides = array<i32>} : memref<1024xi32, #tpu.memory_space<vmem>>, vector<16xi32>, vector<16xi1>
      %all_reduce_population_count3A = tpu.all_reduce %and3A {dim = 0 : i64, kind = #tpu.reduction_kind<sum>} : vector<16xi1> -> vector<16xi32>
      %slice3A = vector.extract_strided_slice %all_reduce_population_count3A {offsets = [0], sizes = [1], strides = [1]} : vector<16xi32> to vector<1xi32>
      %squeeze3A = vector.extract %slice3A[0] : i32 from vector<1xi32>
      %add3A_149 = arith.addi %scan3A_134, %squeeze3A : i32
      scf.yield %add3A_149 : i32
    }
    %scan3A_62 = arith.constant 128 : i32
    "tpu.region"() ({
      %run_scoped3A = tpu.sem_alloc : memref<!tpu.dma_semaphore, #tpu.memory_space<semaphore_mem>>
      %dma_start3A_133 = arith.constant 14336 : i32
      %dma_start3A_134 = tpu.memref_slice %arg2[%dma_start3A_133] : memref<16384xi32, #tpu.memory_space<hbm>> -> memref<2048xi32, #tpu.memory_space<hbm>>
      %dma_start3A_135 = arith.constant 14336 : i32
      %dma_start3A_136 = tpu.memref_slice %arg2[%dma_start3A_135] : memref<16384xi32, #tpu.memory_space<hbm>> -> memref<2048xi32, #tpu.memory_space<hbm>>
      tpu.enqueue_dma source(%dma_start3A_136 : memref<2048xi32, #tpu.memory_space<hbm>>) target(%arg10 : memref<2048xi32, #tpu.memory_space<vmem>>) target_semaphore(%run_scoped3A : memref<!tpu.dma_semaphore, #tpu.memory_space<semaphore_mem>>)
      %dma_wait3A = arith.constant 14336 : i32
      %dma_wait3A_137 = tpu.memref_slice %arg2[%dma_wait3A] : memref<16384xi32, #tpu.memory_space<hbm>> -> memref<2048xi32, #tpu.memory_space<hbm>>
      %dma_wait3A_138 = arith.constant 14336 : i32
      %dma_wait3A_139 = tpu.memref_slice %arg2[%dma_wait3A_138] : memref<16384xi32, #tpu.memory_space<hbm>> -> memref<2048xi32, #tpu.memory_space<hbm>>
      tpu.wait_dma2 semaphore(%run_scoped3A : memref<!tpu.dma_semaphore, #tpu.memory_space<semaphore_mem>>) src(%dma_wait3A_139 : memref<2048xi32, #tpu.memory_space<hbm>>) dst(%arg10 : memref<2048xi32, #tpu.memory_space<vmem>>)
      tpu.yield
    }) : () -> ()
    %scan3A_63 = arith.constant 0 : i32
    %scan3A_64 = arith.constant 128 : i32
    %scan3A_65 = arith.addi %scan3A_63, %scan3A_64 : i32
    %scan3A_66 = arith.constant 1 : i32
    %scan3A_67 = scf.for %scan3A_133 = %scan3A_63 to %scan3A_65 step %scan3A_66 iter_args(%scan3A_134 = %scan3A_61) -> (i32)  : i32 {
      %mul3A_135 = arith.constant 16 : i32
      %mul3A_136 = arith.muli %scan3A_133, %mul3A_135 : i32
      %get3A = arith.index_cast %mul3A_136 : i32 to index
      %get3A_137 = tpu.vector_load %arg10[%get3A] {strides = array<i32>} : memref<2048xi32, #tpu.memory_space<vmem>>, vector<16xi32>,
      %ge3A = vector.broadcast %mul3A_7 : i32 to vector<16xi32>
      %ge3A_138 = arith.cmpi sge, %get3A_137, %ge3A : vector<16xi32>
      %lt3A = vector.broadcast %select_n3A : i32 to vector<16xi32>
      %lt3A_139 = arith.cmpi slt, %get3A_137, %lt3A : vector<16xi32>
      %and3A = arith.andi %ge3A_138, %lt3A_139 : vector<16xi1>
      %mul3A_140 = arith.constant 16 : i32
      %mul3A_141 = arith.muli %scan3A_133, %mul3A_140 : i32
      %add3A_142 = arith.constant 14336 : i32
      %add3A_143 = arith.addi %add3A_142, %mul3A_141 : i32
      %add3A_144 = vector.broadcast %add3A_143 : i32 to vector<16xi32>
      %add3A_145 = arith.addi %iota3A, %add3A_144 : vector<16xi32>
      %swap3A = arith.index_cast %scan3A_134 : i32 to index
      %swap3A_146 = tpu.vector_load %arg11[%swap3A] masked %and3A {strides = array<i32>} : memref<1024xi32, #tpu.memory_space<vmem>>, vector<16xi32>, vector<16xi1>
      tpu.vector_store %arg11[%swap3A], %add3A_145 masked %and3A {strides = array<i32>} : memref<1024xi32, #tpu.memory_space<vmem>>, vector<16xi32>, vector<16xi1>
      %swap3A_147 = arith.index_cast %scan3A_134 : i32 to index
      %swap3A_148 = tpu.vector_load %arg12[%swap3A_147] masked %and3A {strides = array<i32>} : memref<1024xi32, #tpu.memory_space<vmem>>, vector<16xi32>, vector<16xi1>
      tpu.vector_store %arg12[%swap3A_147], %get3A_137 masked %and3A {strides = array<i32>} : memref<1024xi32, #tpu.memory_space<vmem>>, vector<16xi32>, vector<16xi1>
      %all_reduce_population_count3A = tpu.all_reduce %and3A {dim = 0 : i64, kind = #tpu.reduction_kind<sum>} : vector<16xi1> -> vector<16xi32>
      %slice3A = vector.extract_strided_slice %all_reduce_population_count3A {offsets = [0], sizes = [1], strides = [1]} : vector<16xi32> to vector<1xi32>
      %squeeze3A = vector.extract %slice3A[0] : i32 from vector<1xi32>
      %add3A_149 = arith.addi %scan3A_134, %squeeze3A : i32
      scf.yield %add3A_149 : i32
    }
    %scan3A_68 = arith.constant 128 : i32
    "tpu.region"() ({
      %run_scoped3A = tpu.sem_alloc : memref<!tpu.dma_semaphore, #tpu.memory_space<semaphore_mem>>
      %dma_start3A_133 = arith.constant 0 : i32
      %dma_start3A_134 = tpu.memref_slice %arg3[%dma_start3A_133] : memref<16384xi32, #tpu.memory_space<hbm>> -> memref<2048xi32, #tpu.memory_space<hbm>>
      %dma_start3A_135 = arith.constant 0 : i32
      %dma_start3A_136 = tpu.memref_slice %arg3[%dma_start3A_135] : memref<16384xi32, #tpu.memory_space<hbm>> -> memref<2048xi32, #tpu.memory_space<hbm>>
      tpu.enqueue_dma source(%dma_start3A_136 : memref<2048xi32, #tpu.memory_space<hbm>>) target(%arg10 : memref<2048xi32, #tpu.memory_space<vmem>>) target_semaphore(%run_scoped3A : memref<!tpu.dma_semaphore, #tpu.memory_space<semaphore_mem>>)
      %dma_wait3A = arith.constant 0 : i32
      %dma_wait3A_137 = tpu.memref_slice %arg3[%dma_wait3A] : memref<16384xi32, #tpu.memory_space<hbm>> -> memref<2048xi32, #tpu.memory_space<hbm>>
      %dma_wait3A_138 = arith.constant 0 : i32
      %dma_wait3A_139 = tpu.memref_slice %arg3[%dma_wait3A_138] : memref<16384xi32, #tpu.memory_space<hbm>> -> memref<2048xi32, #tpu.memory_space<hbm>>
      tpu.wait_dma2 semaphore(%run_scoped3A : memref<!tpu.dma_semaphore, #tpu.memory_space<semaphore_mem>>) src(%dma_wait3A_139 : memref<2048xi32, #tpu.memory_space<hbm>>) dst(%arg10 : memref<2048xi32, #tpu.memory_space<vmem>>)
      tpu.yield
    }) : () -> ()
    %scan3A_69 = arith.constant 0 : i32
    %scan3A_70 = arith.constant 0 : i32
    %scan3A_71 = arith.constant 128 : i32
    %scan3A_72 = arith.addi %scan3A_70, %scan3A_71 : i32
    %scan3A_73 = arith.constant 1 : i32
    %scan3A_74 = scf.for %scan3A_133 = %scan3A_70 to %scan3A_72 step %scan3A_73 iter_args(%scan3A_134 = %scan3A_69) -> (i32)  : i32 {
      %mul3A_135 = arith.constant 16 : i32
      %mul3A_136 = arith.muli %scan3A_133, %mul3A_135 : i32
      %get3A = arith.index_cast %mul3A_136 : i32 to index
      %get3A_137 = tpu.vector_load %arg10[%get3A] {strides = array<i32>} : memref<2048xi32, #tpu.memory_space<vmem>>, vector<16xi32>,
      %ge3A = vector.broadcast %mul3A_7 : i32 to vector<16xi32>
      %ge3A_138 = arith.cmpi sge, %get3A_137, %ge3A : vector<16xi32>
      %lt3A = vector.broadcast %select_n3A : i32 to vector<16xi32>
      %lt3A_139 = arith.cmpi slt, %get3A_137, %lt3A : vector<16xi32>
      %and3A = arith.andi %ge3A_138, %lt3A_139 : vector<16xi1>
      %mul3A_140 = arith.constant 16 : i32
      %mul3A_141 = arith.muli %scan3A_133, %mul3A_140 : i32
      %add3A_142 = arith.constant 0 : i32
      %add3A_143 = arith.addi %add3A_142, %mul3A_141 : i32
      %add3A_144 = vector.broadcast %add3A_143 : i32 to vector<16xi32>
      %add3A_145 = arith.addi %iota3A, %add3A_144 : vector<16xi32>
      %swap3A = arith.index_cast %scan3A_134 : i32 to index
      %swap3A_146 = tpu.vector_load %arg13[%swap3A] masked %and3A {strides = array<i32>} : memref<1024xi32, #tpu.memory_space<vmem>>, vector<16xi32>, vector<16xi1>
      tpu.vector_store %arg13[%swap3A], %add3A_145 masked %and3A {strides = array<i32>} : memref<1024xi32, #tpu.memory_space<vmem>>, vector<16xi32>, vector<16xi1>
      %swap3A_147 = arith.index_cast %scan3A_134 : i32 to index
      %swap3A_148 = tpu.vector_load %arg14[%swap3A_147] masked %and3A {strides = array<i32>} : memref<1024xi32, #tpu.memory_space<vmem>>, vector<16xi32>, vector<16xi1>
      tpu.vector_store %arg14[%swap3A_147], %get3A_137 masked %and3A {strides = array<i32>} : memref<1024xi32, #tpu.memory_space<vmem>>, vector<16xi32>, vector<16xi1>
      %all_reduce_population_count3A = tpu.all_reduce %and3A {dim = 0 : i64, kind = #tpu.reduction_kind<sum>} : vector<16xi1> -> vector<16xi32>
      %slice3A = vector.extract_strided_slice %all_reduce_population_count3A {offsets = [0], sizes = [1], strides = [1]} : vector<16xi32> to vector<1xi32>
      %squeeze3A = vector.extract %slice3A[0] : i32 from vector<1xi32>
      %add3A_149 = arith.addi %scan3A_134, %squeeze3A : i32
      scf.yield %add3A_149 : i32
    }
    %scan3A_75 = arith.constant 128 : i32
    "tpu.region"() ({
      %run_scoped3A = tpu.sem_alloc : memref<!tpu.dma_semaphore, #tpu.memory_space<semaphore_mem>>
      %dma_start3A_133 = arith.constant 2048 : i32
      %dma_start3A_134 = tpu.memref_slice %arg3[%dma_start3A_133] : memref<16384xi32, #tpu.memory_space<hbm>> -> memref<2048xi32, #tpu.memory_space<hbm>>
      %dma_start3A_135 = arith.constant 2048 : i32
      %dma_start3A_136 = tpu.memref_slice %arg3[%dma_start3A_135] : memref<16384xi32, #tpu.memory_space<hbm>> -> memref<2048xi32, #tpu.memory_space<hbm>>
      tpu.enqueue_dma source(%dma_start3A_136 : memref<2048xi32, #tpu.memory_space<hbm>>) target(%arg10 : memref<2048xi32, #tpu.memory_space<vmem>>) target_semaphore(%run_scoped3A : memref<!tpu.dma_semaphore, #tpu.memory_space<semaphore_mem>>)
      %dma_wait3A = arith.constant 2048 : i32
      %dma_wait3A_137 = tpu.memref_slice %arg3[%dma_wait3A] : memref<16384xi32, #tpu.memory_space<hbm>> -> memref<2048xi32, #tpu.memory_space<hbm>>
      %dma_wait3A_138 = arith.constant 2048 : i32
      %dma_wait3A_139 = tpu.memref_slice %arg3[%dma_wait3A_138] : memref<16384xi32, #tpu.memory_space<hbm>> -> memref<2048xi32, #tpu.memory_space<hbm>>
      tpu.wait_dma2 semaphore(%run_scoped3A : memref<!tpu.dma_semaphore, #tpu.memory_space<semaphore_mem>>) src(%dma_wait3A_139 : memref<2048xi32, #tpu.memory_space<hbm>>) dst(%arg10 : memref<2048xi32, #tpu.memory_space<vmem>>)
      tpu.yield
    }) : () -> ()
    %scan3A_76 = arith.constant 0 : i32
    %scan3A_77 = arith.constant 128 : i32
    %scan3A_78 = arith.addi %scan3A_76, %scan3A_77 : i32
    %scan3A_79 = arith.constant 1 : i32
    %scan3A_80 = scf.for %scan3A_133 = %scan3A_76 to %scan3A_78 step %scan3A_79 iter_args(%scan3A_134 = %scan3A_74) -> (i32)  : i32 {
      %mul3A_135 = arith.constant 16 : i32
      %mul3A_136 = arith.muli %scan3A_133, %mul3A_135 : i32
      %get3A = arith.index_cast %mul3A_136 : i32 to index
      %get3A_137 = tpu.vector_load %arg10[%get3A] {strides = array<i32>} : memref<2048xi32, #tpu.memory_space<vmem>>, vector<16xi32>,
      %ge3A = vector.broadcast %mul3A_7 : i32 to vector<16xi32>
      %ge3A_138 = arith.cmpi sge, %get3A_137, %ge3A : vector<16xi32>
      %lt3A = vector.broadcast %select_n3A : i32 to vector<16xi32>
      %lt3A_139 = arith.cmpi slt, %get3A_137, %lt3A : vector<16xi32>
      %and3A = arith.andi %ge3A_138, %lt3A_139 : vector<16xi1>
      %mul3A_140 = arith.constant 16 : i32
      %mul3A_141 = arith.muli %scan3A_133, %mul3A_140 : i32
      %add3A_142 = arith.constant 2048 : i32
      %add3A_143 = arith.addi %add3A_142, %mul3A_141 : i32
      %add3A_144 = vector.broadcast %add3A_143 : i32 to vector<16xi32>
      %add3A_145 = arith.addi %iota3A, %add3A_144 : vector<16xi32>
      %swap3A = arith.index_cast %scan3A_134 : i32 to index
      %swap3A_146 = tpu.vector_load %arg13[%swap3A] masked %and3A {strides = array<i32>} : memref<1024xi32, #tpu.memory_space<vmem>>, vector<16xi32>, vector<16xi1>
      tpu.vector_store %arg13[%swap3A], %add3A_145 masked %and3A {strides = array<i32>} : memref<1024xi32, #tpu.memory_space<vmem>>, vector<16xi32>, vector<16xi1>
      %swap3A_147 = arith.index_cast %scan3A_134 : i32 to index
      %swap3A_148 = tpu.vector_load %arg14[%swap3A_147] masked %and3A {strides = array<i32>} : memref<1024xi32, #tpu.memory_space<vmem>>, vector<16xi32>, vector<16xi1>
      tpu.vector_store %arg14[%swap3A_147], %get3A_137 masked %and3A {strides = array<i32>} : memref<1024xi32, #tpu.memory_space<vmem>>, vector<16xi32>, vector<16xi1>
      %all_reduce_population_count3A = tpu.all_reduce %and3A {dim = 0 : i64, kind = #tpu.reduction_kind<sum>} : vector<16xi1> -> vector<16xi32>
      %slice3A = vector.extract_strided_slice %all_reduce_population_count3A {offsets = [0], sizes = [1], strides = [1]} : vector<16xi32> to vector<1xi32>
      %squeeze3A = vector.extract %slice3A[0] : i32 from vector<1xi32>
      %add3A_149 = arith.addi %scan3A_134, %squeeze3A : i32
      scf.yield %add3A_149 : i32
    }
    %scan3A_81 = arith.constant 128 : i32
    "tpu.region"() ({
      %run_scoped3A = tpu.sem_alloc : memref<!tpu.dma_semaphore, #tpu.memory_space<semaphore_mem>>
      %dma_start3A_133 = arith.constant 4096 : i32
      %dma_start3A_134 = tpu.memref_slice %arg3[%dma_start3A_133] : memref<16384xi32, #tpu.memory_space<hbm>> -> memref<2048xi32, #tpu.memory_space<hbm>>
      %dma_start3A_135 = arith.constant 4096 : i32
      %dma_start3A_136 = tpu.memref_slice %arg3[%dma_start3A_135] : memref<16384xi32, #tpu.memory_space<hbm>> -> memref<2048xi32, #tpu.memory_space<hbm>>
      tpu.enqueue_dma source(%dma_start3A_136 : memref<2048xi32, #tpu.memory_space<hbm>>) target(%arg10 : memref<2048xi32, #tpu.memory_space<vmem>>) target_semaphore(%run_scoped3A : memref<!tpu.dma_semaphore, #tpu.memory_space<semaphore_mem>>)
      %dma_wait3A = arith.constant 4096 : i32
      %dma_wait3A_137 = tpu.memref_slice %arg3[%dma_wait3A] : memref<16384xi32, #tpu.memory_space<hbm>> -> memref<2048xi32, #tpu.memory_space<hbm>>
      %dma_wait3A_138 = arith.constant 4096 : i32
      %dma_wait3A_139 = tpu.memref_slice %arg3[%dma_wait3A_138] : memref<16384xi32, #tpu.memory_space<hbm>> -> memref<2048xi32, #tpu.memory_space<hbm>>
      tpu.wait_dma2 semaphore(%run_scoped3A : memref<!tpu.dma_semaphore, #tpu.memory_space<semaphore_mem>>) src(%dma_wait3A_139 : memref<2048xi32, #tpu.memory_space<hbm>>) dst(%arg10 : memref<2048xi32, #tpu.memory_space<vmem>>)
      tpu.yield
    }) : () -> ()
    %scan3A_82 = arith.constant 0 : i32
    %scan3A_83 = arith.constant 128 : i32
    %scan3A_84 = arith.addi %scan3A_82, %scan3A_83 : i32
    %scan3A_85 = arith.constant 1 : i32
    %scan3A_86 = scf.for %scan3A_133 = %scan3A_82 to %scan3A_84 step %scan3A_85 iter_args(%scan3A_134 = %scan3A_80) -> (i32)  : i32 {
      %mul3A_135 = arith.constant 16 : i32
      %mul3A_136 = arith.muli %scan3A_133, %mul3A_135 : i32
      %get3A = arith.index_cast %mul3A_136 : i32 to index
      %get3A_137 = tpu.vector_load %arg10[%get3A] {strides = array<i32>} : memref<2048xi32, #tpu.memory_space<vmem>>, vector<16xi32>,
      %ge3A = vector.broadcast %mul3A_7 : i32 to vector<16xi32>
      %ge3A_138 = arith.cmpi sge, %get3A_137, %ge3A : vector<16xi32>
      %lt3A = vector.broadcast %select_n3A : i32 to vector<16xi32>
      %lt3A_139 = arith.cmpi slt, %get3A_137, %lt3A : vector<16xi32>
      %and3A = arith.andi %ge3A_138, %lt3A_139 : vector<16xi1>
      %mul3A_140 = arith.constant 16 : i32
      %mul3A_141 = arith.muli %scan3A_133, %mul3A_140 : i32
      %add3A_142 = arith.constant 4096 : i32
      %add3A_143 = arith.addi %add3A_142, %mul3A_141 : i32
      %add3A_144 = vector.broadcast %add3A_143 : i32 to vector<16xi32>
      %add3A_145 = arith.addi %iota3A, %add3A_144 : vector<16xi32>
      %swap3A = arith.index_cast %scan3A_134 : i32 to index
      %swap3A_146 = tpu.vector_load %arg13[%swap3A] masked %and3A {strides = array<i32>} : memref<1024xi32, #tpu.memory_space<vmem>>, vector<16xi32>, vector<16xi1>
      tpu.vector_store %arg13[%swap3A], %add3A_145 masked %and3A {strides = array<i32>} : memref<1024xi32, #tpu.memory_space<vmem>>, vector<16xi32>, vector<16xi1>
      %swap3A_147 = arith.index_cast %scan3A_134 : i32 to index
      %swap3A_148 = tpu.vector_load %arg14[%swap3A_147] masked %and3A {strides = array<i32>} : memref<1024xi32, #tpu.memory_space<vmem>>, vector<16xi32>, vector<16xi1>
      tpu.vector_store %arg14[%swap3A_147], %get3A_137 masked %and3A {strides = array<i32>} : memref<1024xi32, #tpu.memory_space<vmem>>, vector<16xi32>, vector<16xi1>
      %all_reduce_population_count3A = tpu.all_reduce %and3A {dim = 0 : i64, kind = #tpu.reduction_kind<sum>} : vector<16xi1> -> vector<16xi32>
      %slice3A = vector.extract_strided_slice %all_reduce_population_count3A {offsets = [0], sizes = [1], strides = [1]} : vector<16xi32> to vector<1xi32>
      %squeeze3A = vector.extract %slice3A[0] : i32 from vector<1xi32>
      %add3A_149 = arith.addi %scan3A_134, %squeeze3A : i32
      scf.yield %add3A_149 : i32
    }
    %scan3A_87 = arith.constant 128 : i32
    "tpu.region"() ({
      %run_scoped3A = tpu.sem_alloc : memref<!tpu.dma_semaphore, #tpu.memory_space<semaphore_mem>>
      %dma_start3A_133 = arith.constant 6144 : i32
      %dma_start3A_134 = tpu.memref_slice %arg3[%dma_start3A_133] : memref<16384xi32, #tpu.memory_space<hbm>> -> memref<2048xi32, #tpu.memory_space<hbm>>
      %dma_start3A_135 = arith.constant 6144 : i32
      %dma_start3A_136 = tpu.memref_slice %arg3[%dma_start3A_135] : memref<16384xi32, #tpu.memory_space<hbm>> -> memref<2048xi32, #tpu.memory_space<hbm>>
      tpu.enqueue_dma source(%dma_start3A_136 : memref<2048xi32, #tpu.memory_space<hbm>>) target(%arg10 : memref<2048xi32, #tpu.memory_space<vmem>>) target_semaphore(%run_scoped3A : memref<!tpu.dma_semaphore, #tpu.memory_space<semaphore_mem>>)
      %dma_wait3A = arith.constant 6144 : i32
      %dma_wait3A_137 = tpu.memref_slice %arg3[%dma_wait3A] : memref<16384xi32, #tpu.memory_space<hbm>> -> memref<2048xi32, #tpu.memory_space<hbm>>
      %dma_wait3A_138 = arith.constant 6144 : i32
      %dma_wait3A_139 = tpu.memref_slice %arg3[%dma_wait3A_138] : memref<16384xi32, #tpu.memory_space<hbm>> -> memref<2048xi32, #tpu.memory_space<hbm>>
      tpu.wait_dma2 semaphore(%run_scoped3A : memref<!tpu.dma_semaphore, #tpu.memory_space<semaphore_mem>>) src(%dma_wait3A_139 : memref<2048xi32, #tpu.memory_space<hbm>>) dst(%arg10 : memref<2048xi32, #tpu.memory_space<vmem>>)
      tpu.yield
    }) : () -> ()
    %scan3A_88 = arith.constant 0 : i32
    %scan3A_89 = arith.constant 128 : i32
    %scan3A_90 = arith.addi %scan3A_88, %scan3A_89 : i32
    %scan3A_91 = arith.constant 1 : i32
    %scan3A_92 = scf.for %scan3A_133 = %scan3A_88 to %scan3A_90 step %scan3A_91 iter_args(%scan3A_134 = %scan3A_86) -> (i32)  : i32 {
      %mul3A_135 = arith.constant 16 : i32
      %mul3A_136 = arith.muli %scan3A_133, %mul3A_135 : i32
      %get3A = arith.index_cast %mul3A_136 : i32 to index
      %get3A_137 = tpu.vector_load %arg10[%get3A] {strides = array<i32>} : memref<2048xi32, #tpu.memory_space<vmem>>, vector<16xi32>,
      %ge3A = vector.broadcast %mul3A_7 : i32 to vector<16xi32>
      %ge3A_138 = arith.cmpi sge, %get3A_137, %ge3A : vector<16xi32>
      %lt3A = vector.broadcast %select_n3A : i32 to vector<16xi32>
      %lt3A_139 = arith.cmpi slt, %get3A_137, %lt3A : vector<16xi32>
      %and3A = arith.andi %ge3A_138, %lt3A_139 : vector<16xi1>
      %mul3A_140 = arith.constant 16 : i32
      %mul3A_141 = arith.muli %scan3A_133, %mul3A_140 : i32
      %add3A_142 = arith.constant 6144 : i32
      %add3A_143 = arith.addi %add3A_142, %mul3A_141 : i32
      %add3A_144 = vector.broadcast %add3A_143 : i32 to vector<16xi32>
      %add3A_145 = arith.addi %iota3A, %add3A_144 : vector<16xi32>
      %swap3A = arith.index_cast %scan3A_134 : i32 to index
      %swap3A_146 = tpu.vector_load %arg13[%swap3A] masked %and3A {strides = array<i32>} : memref<1024xi32, #tpu.memory_space<vmem>>, vector<16xi32>, vector<16xi1>
      tpu.vector_store %arg13[%swap3A], %add3A_145 masked %and3A {strides = array<i32>} : memref<1024xi32, #tpu.memory_space<vmem>>, vector<16xi32>, vector<16xi1>
      %swap3A_147 = arith.index_cast %scan3A_134 : i32 to index
      %swap3A_148 = tpu.vector_load %arg14[%swap3A_147] masked %and3A {strides = array<i32>} : memref<1024xi32, #tpu.memory_space<vmem>>, vector<16xi32>, vector<16xi1>
      tpu.vector_store %arg14[%swap3A_147], %get3A_137 masked %and3A {strides = array<i32>} : memref<1024xi32, #tpu.memory_space<vmem>>, vector<16xi32>, vector<16xi1>
      %all_reduce_population_count3A = tpu.all_reduce %and3A {dim = 0 : i64, kind = #tpu.reduction_kind<sum>} : vector<16xi1> -> vector<16xi32>
      %slice3A = vector.extract_strided_slice %all_reduce_population_count3A {offsets = [0], sizes = [1], strides = [1]} : vector<16xi32> to vector<1xi32>
      %squeeze3A = vector.extract %slice3A[0] : i32 from vector<1xi32>
      %add3A_149 = arith.addi %scan3A_134, %squeeze3A : i32
      scf.yield %add3A_149 : i32
    }
    %scan3A_93 = arith.constant 128 : i32
    "tpu.region"() ({
      %run_scoped3A = tpu.sem_alloc : memref<!tpu.dma_semaphore, #tpu.memory_space<semaphore_mem>>
      %dma_start3A_133 = arith.constant 8192 : i32
      %dma_start3A_134 = tpu.memref_slice %arg3[%dma_start3A_133] : memref<16384xi32, #tpu.memory_space<hbm>> -> memref<2048xi32, #tpu.memory_space<hbm>>
      %dma_start3A_135 = arith.constant 8192 : i32
      %dma_start3A_136 = tpu.memref_slice %arg3[%dma_start3A_135] : memref<16384xi32, #tpu.memory_space<hbm>> -> memref<2048xi32, #tpu.memory_space<hbm>>
      tpu.enqueue_dma source(%dma_start3A_136 : memref<2048xi32, #tpu.memory_space<hbm>>) target(%arg10 : memref<2048xi32, #tpu.memory_space<vmem>>) target_semaphore(%run_scoped3A : memref<!tpu.dma_semaphore, #tpu.memory_space<semaphore_mem>>)
      %dma_wait3A = arith.constant 8192 : i32
      %dma_wait3A_137 = tpu.memref_slice %arg3[%dma_wait3A] : memref<16384xi32, #tpu.memory_space<hbm>> -> memref<2048xi32, #tpu.memory_space<hbm>>
      %dma_wait3A_138 = arith.constant 8192 : i32
      %dma_wait3A_139 = tpu.memref_slice %arg3[%dma_wait3A_138] : memref<16384xi32, #tpu.memory_space<hbm>> -> memref<2048xi32, #tpu.memory_space<hbm>>
      tpu.wait_dma2 semaphore(%run_scoped3A : memref<!tpu.dma_semaphore, #tpu.memory_space<semaphore_mem>>) src(%dma_wait3A_139 : memref<2048xi32, #tpu.memory_space<hbm>>) dst(%arg10 : memref<2048xi32, #tpu.memory_space<vmem>>)
      tpu.yield
    }) : () -> ()
    %scan3A_94 = arith.constant 0 : i32
    %scan3A_95 = arith.constant 128 : i32
    %scan3A_96 = arith.addi %scan3A_94, %scan3A_95 : i32
    %scan3A_97 = arith.constant 1 : i32
    %scan3A_98 = scf.for %scan3A_133 = %scan3A_94 to %scan3A_96 step %scan3A_97 iter_args(%scan3A_134 = %scan3A_92) -> (i32)  : i32 {
      %mul3A_135 = arith.constant 16 : i32
      %mul3A_136 = arith.muli %scan3A_133, %mul3A_135 : i32
      %get3A = arith.index_cast %mul3A_136 : i32 to index
      %get3A_137 = tpu.vector_load %arg10[%get3A] {strides = array<i32>} : memref<2048xi32, #tpu.memory_space<vmem>>, vector<16xi32>,
      %ge3A = vector.broadcast %mul3A_7 : i32 to vector<16xi32>
      %ge3A_138 = arith.cmpi sge, %get3A_137, %ge3A : vector<16xi32>
      %lt3A = vector.broadcast %select_n3A : i32 to vector<16xi32>
      %lt3A_139 = arith.cmpi slt, %get3A_137, %lt3A : vector<16xi32>
      %and3A = arith.andi %ge3A_138, %lt3A_139 : vector<16xi1>
      %mul3A_140 = arith.constant 16 : i32
      %mul3A_141 = arith.muli %scan3A_133, %mul3A_140 : i32
      %add3A_142 = arith.constant 8192 : i32
      %add3A_143 = arith.addi %add3A_142, %mul3A_141 : i32
      %add3A_144 = vector.broadcast %add3A_143 : i32 to vector<16xi32>
      %add3A_145 = arith.addi %iota3A, %add3A_144 : vector<16xi32>
      %swap3A = arith.index_cast %scan3A_134 : i32 to index
      %swap3A_146 = tpu.vector_load %arg13[%swap3A] masked %and3A {strides = array<i32>} : memref<1024xi32, #tpu.memory_space<vmem>>, vector<16xi32>, vector<16xi1>
      tpu.vector_store %arg13[%swap3A], %add3A_145 masked %and3A {strides = array<i32>} : memref<1024xi32, #tpu.memory_space<vmem>>, vector<16xi32>, vector<16xi1>
      %swap3A_147 = arith.index_cast %scan3A_134 : i32 to index
      %swap3A_148 = tpu.vector_load %arg14[%swap3A_147] masked %and3A {strides = array<i32>} : memref<1024xi32, #tpu.memory_space<vmem>>, vector<16xi32>, vector<16xi1>
      tpu.vector_store %arg14[%swap3A_147], %get3A_137 masked %and3A {strides = array<i32>} : memref<1024xi32, #tpu.memory_space<vmem>>, vector<16xi32>, vector<16xi1>
      %all_reduce_population_count3A = tpu.all_reduce %and3A {dim = 0 : i64, kind = #tpu.reduction_kind<sum>} : vector<16xi1> -> vector<16xi32>
      %slice3A = vector.extract_strided_slice %all_reduce_population_count3A {offsets = [0], sizes = [1], strides = [1]} : vector<16xi32> to vector<1xi32>
      %squeeze3A = vector.extract %slice3A[0] : i32 from vector<1xi32>
      %add3A_149 = arith.addi %scan3A_134, %squeeze3A : i32
      scf.yield %add3A_149 : i32
    }
    %scan3A_99 = arith.constant 128 : i32
    "tpu.region"() ({
      %run_scoped3A = tpu.sem_alloc : memref<!tpu.dma_semaphore, #tpu.memory_space<semaphore_mem>>
      %dma_start3A_133 = arith.constant 10240 : i32
      %dma_start3A_134 = tpu.memref_slice %arg3[%dma_start3A_133] : memref<16384xi32, #tpu.memory_space<hbm>> -> memref<2048xi32, #tpu.memory_space<hbm>>
      %dma_start3A_135 = arith.constant 10240 : i32
      %dma_start3A_136 = tpu.memref_slice %arg3[%dma_start3A_135] : memref<16384xi32, #tpu.memory_space<hbm>> -> memref<2048xi32, #tpu.memory_space<hbm>>
      tpu.enqueue_dma source(%dma_start3A_136 : memref<2048xi32, #tpu.memory_space<hbm>>) target(%arg10 : memref<2048xi32, #tpu.memory_space<vmem>>) target_semaphore(%run_scoped3A : memref<!tpu.dma_semaphore, #tpu.memory_space<semaphore_mem>>)
      %dma_wait3A = arith.constant 10240 : i32
      %dma_wait3A_137 = tpu.memref_slice %arg3[%dma_wait3A] : memref<16384xi32, #tpu.memory_space<hbm>> -> memref<2048xi32, #tpu.memory_space<hbm>>
      %dma_wait3A_138 = arith.constant 10240 : i32
      %dma_wait3A_139 = tpu.memref_slice %arg3[%dma_wait3A_138] : memref<16384xi32, #tpu.memory_space<hbm>> -> memref<2048xi32, #tpu.memory_space<hbm>>
      tpu.wait_dma2 semaphore(%run_scoped3A : memref<!tpu.dma_semaphore, #tpu.memory_space<semaphore_mem>>) src(%dma_wait3A_139 : memref<2048xi32, #tpu.memory_space<hbm>>) dst(%arg10 : memref<2048xi32, #tpu.memory_space<vmem>>)
      tpu.yield
    }) : () -> ()
    %scan3A_100 = arith.constant 0 : i32
    %scan3A_101 = arith.constant 128 : i32
    %scan3A_102 = arith.addi %scan3A_100, %scan3A_101 : i32
    %scan3A_103 = arith.constant 1 : i32
    %scan3A_104 = scf.for %scan3A_133 = %scan3A_100 to %scan3A_102 step %scan3A_103 iter_args(%scan3A_134 = %scan3A_98) -> (i32)  : i32 {
      %mul3A_135 = arith.constant 16 : i32
      %mul3A_136 = arith.muli %scan3A_133, %mul3A_135 : i32
      %get3A = arith.index_cast %mul3A_136 : i32 to index
      %get3A_137 = tpu.vector_load %arg10[%get3A] {strides = array<i32>} : memref<2048xi32, #tpu.memory_space<vmem>>, vector<16xi32>,
      %ge3A = vector.broadcast %mul3A_7 : i32 to vector<16xi32>
      %ge3A_138 = arith.cmpi sge, %get3A_137, %ge3A : vector<16xi32>
      %lt3A = vector.broadcast %select_n3A : i32 to vector<16xi32>
      %lt3A_139 = arith.cmpi slt, %get3A_137, %lt3A : vector<16xi32>
      %and3A = arith.andi %ge3A_138, %lt3A_139 : vector<16xi1>
      %mul3A_140 = arith.constant 16 : i32
      %mul3A_141 = arith.muli %scan3A_133, %mul3A_140 : i32
      %add3A_142 = arith.constant 10240 : i32
      %add3A_143 = arith.addi %add3A_142, %mul3A_141 : i32
      %add3A_144 = vector.broadcast %add3A_143 : i32 to vector<16xi32>
      %add3A_145 = arith.addi %iota3A, %add3A_144 : vector<16xi32>
      %swap3A = arith.index_cast %scan3A_134 : i32 to index
      %swap3A_146 = tpu.vector_load %arg13[%swap3A] masked %and3A {strides = array<i32>} : memref<1024xi32, #tpu.memory_space<vmem>>, vector<16xi32>, vector<16xi1>
      tpu.vector_store %arg13[%swap3A], %add3A_145 masked %and3A {strides = array<i32>} : memref<1024xi32, #tpu.memory_space<vmem>>, vector<16xi32>, vector<16xi1>
      %swap3A_147 = arith.index_cast %scan3A_134 : i32 to index
      %swap3A_148 = tpu.vector_load %arg14[%swap3A_147] masked %and3A {strides = array<i32>} : memref<1024xi32, #tpu.memory_space<vmem>>, vector<16xi32>, vector<16xi1>
      tpu.vector_store %arg14[%swap3A_147], %get3A_137 masked %and3A {strides = array<i32>} : memref<1024xi32, #tpu.memory_space<vmem>>, vector<16xi32>, vector<16xi1>
      %all_reduce_population_count3A = tpu.all_reduce %and3A {dim = 0 : i64, kind = #tpu.reduction_kind<sum>} : vector<16xi1> -> vector<16xi32>
      %slice3A = vector.extract_strided_slice %all_reduce_population_count3A {offsets = [0], sizes = [1], strides = [1]} : vector<16xi32> to vector<1xi32>
      %squeeze3A = vector.extract %slice3A[0] : i32 from vector<1xi32>
      %add3A_149 = arith.addi %scan3A_134, %squeeze3A : i32
      scf.yield %add3A_149 : i32
    }
    %scan3A_105 = arith.constant 128 : i32
    "tpu.region"() ({
      %run_scoped3A = tpu.sem_alloc : memref<!tpu.dma_semaphore, #tpu.memory_space<semaphore_mem>>
      %dma_start3A_133 = arith.constant 12288 : i32
      %dma_start3A_134 = tpu.memref_slice %arg3[%dma_start3A_133] : memref<16384xi32, #tpu.memory_space<hbm>> -> memref<2048xi32, #tpu.memory_space<hbm>>
      %dma_start3A_135 = arith.constant 12288 : i32
      %dma_start3A_136 = tpu.memref_slice %arg3[%dma_start3A_135] : memref<16384xi32, #tpu.memory_space<hbm>> -> memref<2048xi32, #tpu.memory_space<hbm>>
      tpu.enqueue_dma source(%dma_start3A_136 : memref<2048xi32, #tpu.memory_space<hbm>>) target(%arg10 : memref<2048xi32, #tpu.memory_space<vmem>>) target_semaphore(%run_scoped3A : memref<!tpu.dma_semaphore, #tpu.memory_space<semaphore_mem>>)
      %dma_wait3A = arith.constant 12288 : i32
      %dma_wait3A_137 = tpu.memref_slice %arg3[%dma_wait3A] : memref<16384xi32, #tpu.memory_space<hbm>> -> memref<2048xi32, #tpu.memory_space<hbm>>
      %dma_wait3A_138 = arith.constant 12288 : i32
      %dma_wait3A_139 = tpu.memref_slice %arg3[%dma_wait3A_138] : memref<16384xi32, #tpu.memory_space<hbm>> -> memref<2048xi32, #tpu.memory_space<hbm>>
      tpu.wait_dma2 semaphore(%run_scoped3A : memref<!tpu.dma_semaphore, #tpu.memory_space<semaphore_mem>>) src(%dma_wait3A_139 : memref<2048xi32, #tpu.memory_space<hbm>>) dst(%arg10 : memref<2048xi32, #tpu.memory_space<vmem>>)
      tpu.yield
    }) : () -> ()
    %scan3A_106 = arith.constant 0 : i32
    %scan3A_107 = arith.constant 128 : i32
    %scan3A_108 = arith.addi %scan3A_106, %scan3A_107 : i32
    %scan3A_109 = arith.constant 1 : i32
    %scan3A_110 = scf.for %scan3A_133 = %scan3A_106 to %scan3A_108 step %scan3A_109 iter_args(%scan3A_134 = %scan3A_104) -> (i32)  : i32 {
      %mul3A_135 = arith.constant 16 : i32
      %mul3A_136 = arith.muli %scan3A_133, %mul3A_135 : i32
      %get3A = arith.index_cast %mul3A_136 : i32 to index
      %get3A_137 = tpu.vector_load %arg10[%get3A] {strides = array<i32>} : memref<2048xi32, #tpu.memory_space<vmem>>, vector<16xi32>,
      %ge3A = vector.broadcast %mul3A_7 : i32 to vector<16xi32>
      %ge3A_138 = arith.cmpi sge, %get3A_137, %ge3A : vector<16xi32>
      %lt3A = vector.broadcast %select_n3A : i32 to vector<16xi32>
      %lt3A_139 = arith.cmpi slt, %get3A_137, %lt3A : vector<16xi32>
      %and3A = arith.andi %ge3A_138, %lt3A_139 : vector<16xi1>
      %mul3A_140 = arith.constant 16 : i32
      %mul3A_141 = arith.muli %scan3A_133, %mul3A_140 : i32
      %add3A_142 = arith.constant 12288 : i32
      %add3A_143 = arith.addi %add3A_142, %mul3A_141 : i32
      %add3A_144 = vector.broadcast %add3A_143 : i32 to vector<16xi32>
      %add3A_145 = arith.addi %iota3A, %add3A_144 : vector<16xi32>
      %swap3A = arith.index_cast %scan3A_134 : i32 to index
      %swap3A_146 = tpu.vector_load %arg13[%swap3A] masked %and3A {strides = array<i32>} : memref<1024xi32, #tpu.memory_space<vmem>>, vector<16xi32>, vector<16xi1>
      tpu.vector_store %arg13[%swap3A], %add3A_145 masked %and3A {strides = array<i32>} : memref<1024xi32, #tpu.memory_space<vmem>>, vector<16xi32>, vector<16xi1>
      %swap3A_147 = arith.index_cast %scan3A_134 : i32 to index
      %swap3A_148 = tpu.vector_load %arg14[%swap3A_147] masked %and3A {strides = array<i32>} : memref<1024xi32, #tpu.memory_space<vmem>>, vector<16xi32>, vector<16xi1>
      tpu.vector_store %arg14[%swap3A_147], %get3A_137 masked %and3A {strides = array<i32>} : memref<1024xi32, #tpu.memory_space<vmem>>, vector<16xi32>, vector<16xi1>
      %all_reduce_population_count3A = tpu.all_reduce %and3A {dim = 0 : i64, kind = #tpu.reduction_kind<sum>} : vector<16xi1> -> vector<16xi32>
      %slice3A = vector.extract_strided_slice %all_reduce_population_count3A {offsets = [0], sizes = [1], strides = [1]} : vector<16xi32> to vector<1xi32>
      %squeeze3A = vector.extract %slice3A[0] : i32 from vector<1xi32>
      %add3A_149 = arith.addi %scan3A_134, %squeeze3A : i32
      scf.yield %add3A_149 : i32
    }
    %scan3A_111 = arith.constant 128 : i32
    "tpu.region"() ({
      %run_scoped3A = tpu.sem_alloc : memref<!tpu.dma_semaphore, #tpu.memory_space<semaphore_mem>>
      %dma_start3A_133 = arith.constant 14336 : i32
      %dma_start3A_134 = tpu.memref_slice %arg3[%dma_start3A_133] : memref<16384xi32, #tpu.memory_space<hbm>> -> memref<2048xi32, #tpu.memory_space<hbm>>
      %dma_start3A_135 = arith.constant 14336 : i32
      %dma_start3A_136 = tpu.memref_slice %arg3[%dma_start3A_135] : memref<16384xi32, #tpu.memory_space<hbm>> -> memref<2048xi32, #tpu.memory_space<hbm>>
      tpu.enqueue_dma source(%dma_start3A_136 : memref<2048xi32, #tpu.memory_space<hbm>>) target(%arg10 : memref<2048xi32, #tpu.memory_space<vmem>>) target_semaphore(%run_scoped3A : memref<!tpu.dma_semaphore, #tpu.memory_space<semaphore_mem>>)
      %dma_wait3A = arith.constant 14336 : i32
      %dma_wait3A_137 = tpu.memref_slice %arg3[%dma_wait3A] : memref<16384xi32, #tpu.memory_space<hbm>> -> memref<2048xi32, #tpu.memory_space<hbm>>
      %dma_wait3A_138 = arith.constant 14336 : i32
      %dma_wait3A_139 = tpu.memref_slice %arg3[%dma_wait3A_138] : memref<16384xi32, #tpu.memory_space<hbm>> -> memref<2048xi32, #tpu.memory_space<hbm>>
      tpu.wait_dma2 semaphore(%run_scoped3A : memref<!tpu.dma_semaphore, #tpu.memory_space<semaphore_mem>>) src(%dma_wait3A_139 : memref<2048xi32, #tpu.memory_space<hbm>>) dst(%arg10 : memref<2048xi32, #tpu.memory_space<vmem>>)
      tpu.yield
    }) : () -> ()
    %scan3A_112 = arith.constant 0 : i32
    %scan3A_113 = arith.constant 128 : i32
    %scan3A_114 = arith.addi %scan3A_112, %scan3A_113 : i32
    %scan3A_115 = arith.constant 1 : i32
    %scan3A_116 = scf.for %scan3A_133 = %scan3A_112 to %scan3A_114 step %scan3A_115 iter_args(%scan3A_134 = %scan3A_110) -> (i32)  : i32 {
      %mul3A_135 = arith.constant 16 : i32
      %mul3A_136 = arith.muli %scan3A_133, %mul3A_135 : i32
      %get3A = arith.index_cast %mul3A_136 : i32 to index
      %get3A_137 = tpu.vector_load %arg10[%get3A] {strides = array<i32>} : memref<2048xi32, #tpu.memory_space<vmem>>, vector<16xi32>,
      %ge3A = vector.broadcast %mul3A_7 : i32 to vector<16xi32>
      %ge3A_138 = arith.cmpi sge, %get3A_137, %ge3A : vector<16xi32>
      %lt3A = vector.broadcast %select_n3A : i32 to vector<16xi32>
      %lt3A_139 = arith.cmpi slt, %get3A_137, %lt3A : vector<16xi32>
      %and3A = arith.andi %ge3A_138, %lt3A_139 : vector<16xi1>
      %mul3A_140 = arith.constant 16 : i32
      %mul3A_141 = arith.muli %scan3A_133, %mul3A_140 : i32
      %add3A_142 = arith.constant 14336 : i32
      %add3A_143 = arith.addi %add3A_142, %mul3A_141 : i32
      %add3A_144 = vector.broadcast %add3A_143 : i32 to vector<16xi32>
      %add3A_145 = arith.addi %iota3A, %add3A_144 : vector<16xi32>
      %swap3A = arith.index_cast %scan3A_134 : i32 to index
      %swap3A_146 = tpu.vector_load %arg13[%swap3A] masked %and3A {strides = array<i32>} : memref<1024xi32, #tpu.memory_space<vmem>>, vector<16xi32>, vector<16xi1>
      tpu.vector_store %arg13[%swap3A], %add3A_145 masked %and3A {strides = array<i32>} : memref<1024xi32, #tpu.memory_space<vmem>>, vector<16xi32>, vector<16xi1>
      %swap3A_147 = arith.index_cast %scan3A_134 : i32 to index
      %swap3A_148 = tpu.vector_load %arg14[%swap3A_147] masked %and3A {strides = array<i32>} : memref<1024xi32, #tpu.memory_space<vmem>>, vector<16xi32>, vector<16xi1>
      tpu.vector_store %arg14[%swap3A_147], %get3A_137 masked %and3A {strides = array<i32>} : memref<1024xi32, #tpu.memory_space<vmem>>, vector<16xi32>, vector<16xi1>
      %all_reduce_population_count3A = tpu.all_reduce %and3A {dim = 0 : i64, kind = #tpu.reduction_kind<sum>} : vector<16xi1> -> vector<16xi32>
      %slice3A = vector.extract_strided_slice %all_reduce_population_count3A {offsets = [0], sizes = [1], strides = [1]} : vector<16xi32> to vector<1xi32>
      %squeeze3A = vector.extract %slice3A[0] : i32 from vector<1xi32>
      %add3A_149 = arith.addi %scan3A_134, %squeeze3A : i32
      scf.yield %add3A_149 : i32
    }
    %scan3A_117 = arith.constant 128 : i32
    %add3A_118 = arith.constant 0 : i32
    %add3A_119 = arith.addi %mul3A_7, %add3A_118 : i32
    %sub3A = arith.constant 640 : i32
    %sub3A_120 = arith.subi %mul3A_9, %sub3A : i32
    %min3A_121 = arith.minsi %add3A_119, %sub3A_120 : i32
    %multiple_of3A = tpu.assume_multiple %min3A_121, 128 : i32
    %dma_start3A = arith.constant 0 : i32
    %dma_start3A_122 = tpu.memref_slice %arg4[%dma_start3A, %multiple_of3A] : memref<64x1000000xf32, #tpu.memory_space<hbm>> -> memref<64x640xf32, #tpu.memory_space<hbm>>
    %dma_start3A_123 = arith.constant 0 : i32
    %dma_start3A_124 = tpu.memref_slice %arg4[%dma_start3A_123, %multiple_of3A] : memref<64x1000000xf32, #tpu.memory_space<hbm>> -> memref<64x640xf32, #tpu.memory_space<hbm>>
    tpu.enqueue_dma source(%dma_start3A_124 : memref<64x640xf32, #tpu.memory_space<hbm>>) target(%arg15 : memref<64x640xf32, #tpu.memory_space<vmem>>) target_semaphore(%arg22 : memref<!tpu.dma_semaphore, #tpu.memory_space<semaphore_mem>>)
    %scan3A_125 = arith.constant 0 : i32
    %scan3A_126 = arith.constant 0 : i32
    %scan3A_127 = arith.constant 49 : i32
    %scan3A_128 = arith.addi %scan3A_126, %scan3A_127 : i32
    %scan3A_129 = arith.constant 1 : i32
    %scan3A_130 = scf.for %scan3A_133 = %scan3A_126 to %scan3A_128 step %scan3A_129 iter_args(%scan3A_134 = %scan3A_125) -> (i32)  : i32 {
      %dma_wait3A = arith.constant 0 : i32
      %dma_wait3A_135 = arith.constant 0 : i32
      %dma_wait3A_136 = tpu.memref_slice %arg4[%dma_wait3A, %dma_wait3A_135] : memref<64x1000000xf32, #tpu.memory_space<hbm>> -> memref<64x640xf32, #tpu.memory_space<hbm>>
      %dma_wait3A_137 = arith.constant 0 : i32
      %dma_wait3A_138 = arith.constant 0 : i32
      %dma_wait3A_139 = tpu.memref_slice %arg4[%dma_wait3A_137, %dma_wait3A_138] : memref<64x1000000xf32, #tpu.memory_space<hbm>> -> memref<64x640xf32, #tpu.memory_space<hbm>>
      tpu.wait_dma2 semaphore(%arg22 : memref<!tpu.dma_semaphore, #tpu.memory_space<semaphore_mem>>) src(%dma_wait3A_139 : memref<64x640xf32, #tpu.memory_space<hbm>>) dst(%arg15 : memref<64x640xf32, #tpu.memory_space<vmem>>)
      %mul3A_140 = arith.constant 640 : i32
      %mul3A_141 = arith.muli %scan3A_133, %mul3A_140 : i32
      %add3A_142 = arith.addi %mul3A_7, %mul3A_141 : i32
      %sub3A_143 = arith.constant 640 : i32
      %sub3A_144 = arith.subi %mul3A_9, %sub3A_143 : i32
      %min3A_145 = arith.minsi %add3A_142, %sub3A_144 : i32
      %multiple_of3A_146 = tpu.assume_multiple %min3A_145, 128 : i32
      %dma_start3A_147 = arith.constant 0 : i32
      %dma_start3A_148 = tpu.memref_slice %arg5[%dma_start3A_147, %multiple_of3A_146] : memref<64x1000000xf32, #tpu.memory_space<hbm>> -> memref<64x640xf32, #tpu.memory_space<hbm>>
      %dma_start3A_149 = arith.constant 0 : i32
      %dma_start3A_150 = tpu.memref_slice %arg5[%dma_start3A_149, %multiple_of3A_146] : memref<64x1000000xf32, #tpu.memory_space<hbm>> -> memref<64x640xf32, #tpu.memory_space<hbm>>
      tpu.enqueue_dma source(%dma_start3A_150 : memref<64x640xf32, #tpu.memory_space<hbm>>) target(%arg16 : memref<64x640xf32, #tpu.memory_space<vmem>>) target_semaphore(%arg23 : memref<!tpu.dma_semaphore, #tpu.memory_space<semaphore_mem>>)
      %mul3A_151 = arith.constant 640 : i32
      %mul3A_152 = arith.muli %scan3A_133, %mul3A_151 : i32
      %add3A_153 = arith.addi %mul3A_7, %mul3A_152 : i32
      %add3A_154 = arith.constant 640 : i32
      %add3A_155 = arith.addi %add3A_153, %add3A_154 : i32
      %min3A_156 = arith.minsi %add3A_155, %mul3A_9 : i32
      %mul3A_157 = arith.constant 640 : i32
      %mul3A_158 = arith.muli %scan3A_133, %mul3A_157 : i32
      %add3A_159 = arith.addi %mul3A_7, %mul3A_158 : i32
      %sub3A_160 = arith.constant 640 : i32
      %sub3A_161 = arith.subi %mul3A_9, %sub3A_160 : i32
      %min3A_162 = arith.minsi %add3A_159, %sub3A_161 : i32
      %multiple_of3A_163 = tpu.assume_multiple %min3A_162, 128 : i32
      %swap3A = arith.constant 0 : index
      %swap3A_164 = tpu.vector_load %arg17[%swap3A] {strides = array<i32>} : memref<64xi32, #tpu.memory_space<vmem>>, vector<16xi32>,
      tpu.vector_store %arg17[%swap3A], %broadcast_in_dim3A_13 {strides = array<i32>} : memref<64xi32, #tpu.memory_space<vmem>>, vector<16xi32>,
      %swap3A_165 = arith.constant 0 : index
      %swap3A_166 = tpu.vector_load %arg18[%swap3A_165] {strides = array<i32>} : memref<64xi32, #tpu.memory_space<vmem>>, vector<16xi32>,
      tpu.vector_store %arg18[%swap3A_165], %broadcast_in_dim3A_11 {strides = array<i32>} : memref<64xi32, #tpu.memory_space<vmem>>, vector<16xi32>,
      %swap3A_167 = arith.constant 16 : index
      %swap3A_168 = tpu.vector_load %arg17[%swap3A_167] {strides = array<i32>} : memref<64xi32, #tpu.memory_space<vmem>>, vector<16xi32>,
      tpu.vector_store %arg17[%swap3A_167], %broadcast_in_dim3A_13 {strides = array<i32>} : memref<64xi32, #tpu.memory_space<vmem>>, vector<16xi32>,
      %swap3A_169 = arith.constant 16 : index
      %swap3A_170 = tpu.vector_load %arg18[%swap3A_169] {strides = array<i32>} : memref<64xi32, #tpu.memory_space<vmem>>, vector<16xi32>,
      tpu.vector_store %arg18[%swap3A_169], %broadcast_in_dim3A_11 {strides = array<i32>} : memref<64xi32, #tpu.memory_space<vmem>>, vector<16xi32>,
      %swap3A_171 = arith.constant 32 : index
      %swap3A_172 = tpu.vector_load %arg17[%swap3A_171] {strides = array<i32>} : memref<64xi32, #tpu.memory_space<vmem>>, vector<16xi32>,
      tpu.vector_store %arg17[%swap3A_171], %broadcast_in_dim3A_13 {strides = array<i32>} : memref<64xi32, #tpu.memory_space<vmem>>, vector<16xi32>,
      %swap3A_173 = arith.constant 32 : index
      %swap3A_174 = tpu.vector_load %arg18[%swap3A_173] {strides = array<i32>} : memref<64xi32, #tpu.memory_space<vmem>>, vector<16xi32>,
      tpu.vector_store %arg18[%swap3A_173], %broadcast_in_dim3A_11 {strides = array<i32>} : memref<64xi32, #tpu.memory_space<vmem>>, vector<16xi32>,
      %swap3A_175 = arith.constant 48 : index
      %swap3A_176 = tpu.vector_load %arg17[%swap3A_175] {strides = array<i32>} : memref<64xi32, #tpu.memory_space<vmem>>, vector<16xi32>,
      tpu.vector_store %arg17[%swap3A_175], %broadcast_in_dim3A_13 {strides = array<i32>} : memref<64xi32, #tpu.memory_space<vmem>>, vector<16xi32>,
      %swap3A_177 = arith.constant 48 : index
      %swap3A_178 = tpu.vector_load %arg18[%swap3A_177] {strides = array<i32>} : memref<64xi32, #tpu.memory_space<vmem>>, vector<16xi32>,
      tpu.vector_store %arg18[%swap3A_177], %broadcast_in_dim3A_11 {strides = array<i32>} : memref<64xi32, #tpu.memory_space<vmem>>, vector<16xi32>,
      %scan3A_179 = arith.constant 0 : i32
      %scan3A_180 = arith.constant 0 : i32
      %scan3A_181 = arith.constant 64 : i32
      %scan3A_182 = arith.addi %scan3A_180, %scan3A_181 : i32
      %scan3A_183 = arith.constant 1 : i32
      %scan3A_184 = scf.for %scan3A_272 = %scan3A_180 to %scan3A_182 step %scan3A_183 iter_args(%scan3A_273 = %scan3A_179) -> (i32)  : i32 {
        %mul3A_274 = arith.constant 16 : i32
        %mul3A_275 = arith.muli %scan3A_272, %mul3A_274 : i32
        %lt3A_276 = arith.cmpi slt, %mul3A_275, %scan3A_67 : i32
        %convert_element_type3A_277 = arith.extui %lt3A_276 : i1 to i32
        %cond3A_278 = arith.constant 0 : i32
        %cond3A_279 = arith.cmpi ne, %convert_element_type3A_277, %cond3A_278 : i32
        %cond3A_280 = scf.if %cond3A_279 -> (i32) {
          %mul3A_281 = arith.constant 16 : i32
          %mul3A_282 = arith.muli %scan3A_272, %mul3A_281 : i32
          %get3A = arith.index_cast %mul3A_282 : i32 to index
          %get3A_283 = tpu.vector_load %arg12[%get3A] {strides = array<i32>} : memref<1024xi32, #tpu.memory_space<vmem>>, vector<16xi32>,
          %get3A_284 = arith.index_cast %mul3A_282 : i32 to index
          %get3A_285 = tpu.vector_load %arg11[%get3A_284] {strides = array<i32>} : memref<1024xi32, #tpu.memory_space<vmem>>, vector<16xi32>,
          %ge3A = vector.broadcast %add3A_153 : i32 to vector<16xi32>
          %ge3A_286 = arith.cmpi sge, %get3A_283, %ge3A : vector<16xi32>
          %lt3A_287 = vector.broadcast %min3A_156 : i32 to vector<16xi32>
          %lt3A_288 = arith.cmpi slt, %get3A_283, %lt3A_287 : vector<16xi32>
          %and3A = arith.andi %ge3A_286, %lt3A_288 : vector<16xi1>
          %swap3A_289 = arith.index_cast %scan3A_273 : i32 to index
          %swap3A_290 = tpu.vector_load %arg17[%swap3A_289] masked %and3A {strides = array<i32>} : memref<64xi32, #tpu.memory_space<vmem>>, vector<16xi32>, vector<16xi1>
          tpu.vector_store %arg17[%swap3A_289], %get3A_285 masked %and3A {strides = array<i32>} : memref<64xi32, #tpu.memory_space<vmem>>, vector<16xi32>, vector<16xi1>
          %swap3A_291 = arith.index_cast %scan3A_273 : i32 to index
          %swap3A_292 = tpu.vector_load %arg18[%swap3A_291] masked %and3A {strides = array<i32>} : memref<64xi32, #tpu.memory_space<vmem>>, vector<16xi32>, vector<16xi1>
          tpu.vector_store %arg18[%swap3A_291], %get3A_283 masked %and3A {strides = array<i32>} : memref<64xi32, #tpu.memory_space<vmem>>, vector<16xi32>, vector<16xi1>
          %all_reduce_population_count3A = tpu.all_reduce %and3A {dim = 0 : i64, kind = #tpu.reduction_kind<sum>} : vector<16xi1> -> vector<16xi32>
          %slice3A = vector.extract_strided_slice %all_reduce_population_count3A {offsets = [0], sizes = [1], strides = [1]} : vector<16xi32> to vector<1xi32>
          %squeeze3A = vector.extract %slice3A[0] : i32 from vector<1xi32>
          %add3A_293 = arith.addi %scan3A_273, %squeeze3A : i32
          scf.yield %add3A_293 : i32
        } else {
          scf.yield %scan3A_273 : i32
        }
        scf.yield %cond3A_280 : i32
      }
      %scan3A_185 = arith.constant 64 : i32
      %gt3A = arith.constant 0 : i32
      %gt3A_186 = arith.cmpi sgt, %scan3A_184, %gt3A : i32
      %convert_element_type3A_187 = arith.extui %gt3A_186 : i1 to i32
      %cond3A_188 = arith.constant 0 : i32
      %cond3A_189 = arith.cmpi ne, %convert_element_type3A_187, %cond3A_188 : i32
      scf.if %cond3A_189 {
        %get3A = arith.constant 0 : index
        %get3A_272 = tpu.vector_load %arg17[%get3A] {strides = array<i32>} : memref<64xi32, #tpu.memory_space<vmem>>, vector<16xi32>,
        %get3A_273 = arith.constant 0 : index
        %get3A_274 = tpu.vector_load %arg18[%get3A_273] {strides = array<i32>} : memref<64xi32, #tpu.memory_space<vmem>>, vector<16xi32>,
        %ge3A = arith.constant 0 : i32
        %ge3A_275 = vector.broadcast %ge3A : i32 to vector<16xi32>
        %ge3A_276 = arith.cmpi sge, %get3A_274, %ge3A_275 : vector<16xi32>
        %sub3A_277 = vector.broadcast %multiple_of3A_163 : i32 to vector<16xi32>
        %sub3A_278 = arith.subi %get3A_274, %sub3A_277 : vector<16xi32>
        %max3A = arith.constant 0 : i32
        %max3A_279 = vector.broadcast %max3A : i32 to vector<16xi32>
        %max3A_280 = arith.maxsi %sub3A_278, %max3A_279 : vector<16xi32>
        %scan3A_281 = arith.constant 0 : i32
        %scan3A_282 = arith.constant 0 : i32
        %scan3A_283 = arith.constant 64 : i32
        %scan3A_284 = arith.addi %scan3A_282, %scan3A_283 : i32
        %scan3A_285 = arith.constant 8 : i32
        %scan3A_286 = scf.for %scan3A_291 = %scan3A_282 to %scan3A_284 step %scan3A_285 iter_args(%scan3A_292 = %scan3A_281) -> (i32)  : i32 {
          %broadcast_in_dim3A_293 = vector.broadcast %scan3A_291 : i32 to vector<16xi32>
          %gather3A = tpu.vector_load_idx %arg15[%broadcast_in_dim3A_293, %max3A_280] : memref<64x640xf32, #tpu.memory_space<vmem>>[vector<16xi32>, vector<16xi32>], vector<16xf32>,
          tpu.vector_store_idx %arg20[%iota3A, %broadcast_in_dim3A_293], %gather3A masked %ge3A_276 : memref<16x128xf32, #tpu.memory_space<vmem>>[vector<16xi32>, vector<16xi32>], vector<16xf32>, vector<16xi1>
          %scan3A_294 = arith.constant 0 : i32
          %scan3A_295 = arith.constant 1 : i32
          %scan3A_296 = arith.addi %scan3A_291, %scan3A_295 : i32
          %broadcast_in_dim3A_297 = vector.broadcast %scan3A_296 : i32 to vector<16xi32>
          %gather3A_298 = tpu.vector_load_idx %arg15[%broadcast_in_dim3A_297, %max3A_280] : memref<64x640xf32, #tpu.memory_space<vmem>>[vector<16xi32>, vector<16xi32>], vector<16xf32>,
          tpu.vector_store_idx %arg20[%iota3A, %broadcast_in_dim3A_297], %gather3A_298 masked %ge3A_276 : memref<16x128xf32, #tpu.memory_space<vmem>>[vector<16xi32>, vector<16xi32>], vector<16xf32>, vector<16xi1>
          %scan3A_299 = arith.constant 0 : i32
          %scan3A_300 = arith.constant 2 : i32
          %scan3A_301 = arith.addi %scan3A_291, %scan3A_300 : i32
          %broadcast_in_dim3A_302 = vector.broadcast %scan3A_301 : i32 to vector<16xi32>
          %gather3A_303 = tpu.vector_load_idx %arg15[%broadcast_in_dim3A_302, %max3A_280] : memref<64x640xf32, #tpu.memory_space<vmem>>[vector<16xi32>, vector<16xi32>], vector<16xf32>,
          tpu.vector_store_idx %arg20[%iota3A, %broadcast_in_dim3A_302], %gather3A_303 masked %ge3A_276 : memref<16x128xf32, #tpu.memory_space<vmem>>[vector<16xi32>, vector<16xi32>], vector<16xf32>, vector<16xi1>
          %scan3A_304 = arith.constant 0 : i32
          %scan3A_305 = arith.constant 3 : i32
          %scan3A_306 = arith.addi %scan3A_291, %scan3A_305 : i32
          %broadcast_in_dim3A_307 = vector.broadcast %scan3A_306 : i32 to vector<16xi32>
          %gather3A_308 = tpu.vector_load_idx %arg15[%broadcast_in_dim3A_307, %max3A_280] : memref<64x640xf32, #tpu.memory_space<vmem>>[vector<16xi32>, vector<16xi32>], vector<16xf32>,
          tpu.vector_store_idx %arg20[%iota3A, %broadcast_in_dim3A_307], %gather3A_308 masked %ge3A_276 : memref<16x128xf32, #tpu.memory_space<vmem>>[vector<16xi32>, vector<16xi32>], vector<16xf32>, vector<16xi1>
          %scan3A_309 = arith.constant 0 : i32
          %scan3A_310 = arith.constant 4 : i32
          %scan3A_311 = arith.addi %scan3A_291, %scan3A_310 : i32
          %broadcast_in_dim3A_312 = vector.broadcast %scan3A_311 : i32 to vector<16xi32>
          %gather3A_313 = tpu.vector_load_idx %arg15[%broadcast_in_dim3A_312, %max3A_280] : memref<64x640xf32, #tpu.memory_space<vmem>>[vector<16xi32>, vector<16xi32>], vector<16xf32>,
          tpu.vector_store_idx %arg20[%iota3A, %broadcast_in_dim3A_312], %gather3A_313 masked %ge3A_276 : memref<16x128xf32, #tpu.memory_space<vmem>>[vector<16xi32>, vector<16xi32>], vector<16xf32>, vector<16xi1>
          %scan3A_314 = arith.constant 0 : i32
          %scan3A_315 = arith.constant 5 : i32
          %scan3A_316 = arith.addi %scan3A_291, %scan3A_315 : i32
          %broadcast_in_dim3A_317 = vector.broadcast %scan3A_316 : i32 to vector<16xi32>
          %gather3A_318 = tpu.vector_load_idx %arg15[%broadcast_in_dim3A_317, %max3A_280] : memref<64x640xf32, #tpu.memory_space<vmem>>[vector<16xi32>, vector<16xi32>], vector<16xf32>,
          tpu.vector_store_idx %arg20[%iota3A, %broadcast_in_dim3A_317], %gather3A_318 masked %ge3A_276 : memref<16x128xf32, #tpu.memory_space<vmem>>[vector<16xi32>, vector<16xi32>], vector<16xf32>, vector<16xi1>
          %scan3A_319 = arith.constant 0 : i32
          %scan3A_320 = arith.constant 6 : i32
          %scan3A_321 = arith.addi %scan3A_291, %scan3A_320 : i32
          %broadcast_in_dim3A_322 = vector.broadcast %scan3A_321 : i32 to vector<16xi32>
          %gather3A_323 = tpu.vector_load_idx %arg15[%broadcast_in_dim3A_322, %max3A_280] : memref<64x640xf32, #tpu.memory_space<vmem>>[vector<16xi32>, vector<16xi32>], vector<16xf32>,
          tpu.vector_store_idx %arg20[%iota3A, %broadcast_in_dim3A_322], %gather3A_323 masked %ge3A_276 : memref<16x128xf32, #tpu.memory_space<vmem>>[vector<16xi32>, vector<16xi32>], vector<16xf32>, vector<16xi1>
          %scan3A_324 = arith.constant 0 : i32
          %scan3A_325 = arith.constant 7 : i32
          %scan3A_326 = arith.addi %scan3A_291, %scan3A_325 : i32
          %broadcast_in_dim3A_327 = vector.broadcast %scan3A_326 : i32 to vector<16xi32>
          %gather3A_328 = tpu.vector_load_idx %arg15[%broadcast_in_dim3A_327, %max3A_280] : memref<64x640xf32, #tpu.memory_space<vmem>>[vector<16xi32>, vector<16xi32>], vector<16xf32>,
          tpu.vector_store_idx %arg20[%iota3A, %broadcast_in_dim3A_327], %gather3A_328 masked %ge3A_276 : memref<16x128xf32, #tpu.memory_space<vmem>>[vector<16xi32>, vector<16xi32>], vector<16xf32>, vector<16xi1>
          %scan3A_329 = arith.constant 0 : i32
          scf.yield %scan3A_329 : i32
        }
        %scan3A_287 = arith.constant 64 : i32
        %select_n3A_288 = arith.select %ge3A_276, %get3A_272, %broadcast_in_dim3A_13 : vector<16xi1>, vector<16xi32>
        %swap3A_289 = arith.constant 0 : index
        %swap3A_290 = tpu.vector_load %arg19[%swap3A_289] {strides = array<i32>} : memref<16xi32, #tpu.memory_space<vmem>>, vector<16xi32>,
        tpu.vector_store %arg19[%swap3A_289], %select_n3A_288 {strides = array<i32>} : memref<16xi32, #tpu.memory_space<vmem>>, vector<16xi32>,
        "tpu.region"() ({
          %run_scoped3A = tpu.sem_alloc : memref<!tpu.dma_semaphore, #tpu.memory_space<semaphore_mem>>
          %dma_start3A_291 = arith.constant 0 : i32
          %dma_start3A_292 = arith.constant 0 : i32
          %dma_start3A_293 = tpu.memref_slice %arg8[%dma_start3A_291, %dma_start3A_292] : memref<16896x128xf32, #tpu.memory_space<hbm>> -> memref<16896x128xf32, #tpu.memory_space<hbm>>
          tpu.enqueue_indirect_dma source(%arg20 : memref<16x128xf32, #tpu.memory_space<vmem>>) target(%dma_start3A_293 : memref<16896x128xf32, #tpu.memory_space<hbm>>) offsets(%arg19 : memref<16xi32, #tpu.memory_space<vmem>>) semaphore(%run_scoped3A : memref<!tpu.dma_semaphore, #tpu.memory_space<semaphore_mem>>)
          %dma_wait3A_294 = arith.constant 0 : i32
          %dma_wait3A_295 = arith.constant 0 : i32
          %dma_wait3A_296 = tpu.memref_slice %arg8[%dma_wait3A_294, %dma_wait3A_295] : memref<16896x128xf32, #tpu.memory_space<hbm>> -> memref<16896x128xf32, #tpu.memory_space<hbm>>
          tpu.wait_indirect_dma semaphore(%run_scoped3A : memref<!tpu.dma_semaphore, #tpu.memory_space<semaphore_mem>>) src(%arg20 : memref<16x128xf32, #tpu.memory_space<vmem>>) dst(%dma_wait3A_296 : memref<16896x128xf32, #tpu.memory_space<hbm>>)
          tpu.yield
        }) : () -> ()
      } else {
      }
      %gt3A_190 = arith.constant 16 : i32
      %gt3A_191 = arith.cmpi sgt, %scan3A_184, %gt3A_190 : i32
      %convert_element_type3A_192 = arith.extui %gt3A_191 : i1 to i32
      %cond3A_193 = arith.constant 0 : i32
      %cond3A_194 = arith.cmpi ne, %convert_element_type3A_192, %cond3A_193 : i32
      scf.if %cond3A_194 {
        %get3A = arith.constant 16 : index
        %get3A_272 = tpu.vector_load %arg17[%get3A] {strides = array<i32>} : memref<64xi32, #tpu.memory_space<vmem>>, vector<16xi32>,
        %get3A_273 = arith.constant 16 : index
        %get3A_274 = tpu.vector_load %arg18[%get3A_273] {strides = array<i32>} : memref<64xi32, #tpu.memory_space<vmem>>, vector<16xi32>,
        %ge3A = arith.constant 0 : i32
        %ge3A_275 = vector.broadcast %ge3A : i32 to vector<16xi32>
        %ge3A_276 = arith.cmpi sge, %get3A_274, %ge3A_275 : vector<16xi32>
        %sub3A_277 = vector.broadcast %multiple_of3A_163 : i32 to vector<16xi32>
        %sub3A_278 = arith.subi %get3A_274, %sub3A_277 : vector<16xi32>
        %max3A = arith.constant 0 : i32
        %max3A_279 = vector.broadcast %max3A : i32 to vector<16xi32>
        %max3A_280 = arith.maxsi %sub3A_278, %max3A_279 : vector<16xi32>
        %scan3A_281 = arith.constant 0 : i32
        %scan3A_282 = arith.constant 0 : i32
        %scan3A_283 = arith.constant 64 : i32
        %scan3A_284 = arith.addi %scan3A_282, %scan3A_283 : i32
        %scan3A_285 = arith.constant 8 : i32
        %scan3A_286 = scf.for %scan3A_291 = %scan3A_282 to %scan3A_284 step %scan3A_285 iter_args(%scan3A_292 = %scan3A_281) -> (i32)  : i32 {
          %broadcast_in_dim3A_293 = vector.broadcast %scan3A_291 : i32 to vector<16xi32>
          %gather3A = tpu.vector_load_idx %arg15[%broadcast_in_dim3A_293, %max3A_280] : memref<64x640xf32, #tpu.memory_space<vmem>>[vector<16xi32>, vector<16xi32>], vector<16xf32>,
          tpu.vector_store_idx %arg20[%iota3A, %broadcast_in_dim3A_293], %gather3A masked %ge3A_276 : memref<16x128xf32, #tpu.memory_space<vmem>>[vector<16xi32>, vector<16xi32>], vector<16xf32>, vector<16xi1>
          %scan3A_294 = arith.constant 0 : i32
          %scan3A_295 = arith.constant 1 : i32
          %scan3A_296 = arith.addi %scan3A_291, %scan3A_295 : i32
          %broadcast_in_dim3A_297 = vector.broadcast %scan3A_296 : i32 to vector<16xi32>
          %gather3A_298 = tpu.vector_load_idx %arg15[%broadcast_in_dim3A_297, %max3A_280] : memref<64x640xf32, #tpu.memory_space<vmem>>[vector<16xi32>, vector<16xi32>], vector<16xf32>,
          tpu.vector_store_idx %arg20[%iota3A, %broadcast_in_dim3A_297], %gather3A_298 masked %ge3A_276 : memref<16x128xf32, #tpu.memory_space<vmem>>[vector<16xi32>, vector<16xi32>], vector<16xf32>, vector<16xi1>
          %scan3A_299 = arith.constant 0 : i32
          %scan3A_300 = arith.constant 2 : i32
          %scan3A_301 = arith.addi %scan3A_291, %scan3A_300 : i32
          %broadcast_in_dim3A_302 = vector.broadcast %scan3A_301 : i32 to vector<16xi32>
          %gather3A_303 = tpu.vector_load_idx %arg15[%broadcast_in_dim3A_302, %max3A_280] : memref<64x640xf32, #tpu.memory_space<vmem>>[vector<16xi32>, vector<16xi32>], vector<16xf32>,
          tpu.vector_store_idx %arg20[%iota3A, %broadcast_in_dim3A_302], %gather3A_303 masked %ge3A_276 : memref<16x128xf32, #tpu.memory_space<vmem>>[vector<16xi32>, vector<16xi32>], vector<16xf32>, vector<16xi1>
          %scan3A_304 = arith.constant 0 : i32
          %scan3A_305 = arith.constant 3 : i32
          %scan3A_306 = arith.addi %scan3A_291, %scan3A_305 : i32
          %broadcast_in_dim3A_307 = vector.broadcast %scan3A_306 : i32 to vector<16xi32>
          %gather3A_308 = tpu.vector_load_idx %arg15[%broadcast_in_dim3A_307, %max3A_280] : memref<64x640xf32, #tpu.memory_space<vmem>>[vector<16xi32>, vector<16xi32>], vector<16xf32>,
          tpu.vector_store_idx %arg20[%iota3A, %broadcast_in_dim3A_307], %gather3A_308 masked %ge3A_276 : memref<16x128xf32, #tpu.memory_space<vmem>>[vector<16xi32>, vector<16xi32>], vector<16xf32>, vector<16xi1>
          %scan3A_309 = arith.constant 0 : i32
          %scan3A_310 = arith.constant 4 : i32
          %scan3A_311 = arith.addi %scan3A_291, %scan3A_310 : i32
          %broadcast_in_dim3A_312 = vector.broadcast %scan3A_311 : i32 to vector<16xi32>
          %gather3A_313 = tpu.vector_load_idx %arg15[%broadcast_in_dim3A_312, %max3A_280] : memref<64x640xf32, #tpu.memory_space<vmem>>[vector<16xi32>, vector<16xi32>], vector<16xf32>,
          tpu.vector_store_idx %arg20[%iota3A, %broadcast_in_dim3A_312], %gather3A_313 masked %ge3A_276 : memref<16x128xf32, #tpu.memory_space<vmem>>[vector<16xi32>, vector<16xi32>], vector<16xf32>, vector<16xi1>
          %scan3A_314 = arith.constant 0 : i32
          %scan3A_315 = arith.constant 5 : i32
          %scan3A_316 = arith.addi %scan3A_291, %scan3A_315 : i32
          %broadcast_in_dim3A_317 = vector.broadcast %scan3A_316 : i32 to vector<16xi32>
          %gather3A_318 = tpu.vector_load_idx %arg15[%broadcast_in_dim3A_317, %max3A_280] : memref<64x640xf32, #tpu.memory_space<vmem>>[vector<16xi32>, vector<16xi32>], vector<16xf32>,
          tpu.vector_store_idx %arg20[%iota3A, %broadcast_in_dim3A_317], %gather3A_318 masked %ge3A_276 : memref<16x128xf32, #tpu.memory_space<vmem>>[vector<16xi32>, vector<16xi32>], vector<16xf32>, vector<16xi1>
          %scan3A_319 = arith.constant 0 : i32
          %scan3A_320 = arith.constant 6 : i32
          %scan3A_321 = arith.addi %scan3A_291, %scan3A_320 : i32
          %broadcast_in_dim3A_322 = vector.broadcast %scan3A_321 : i32 to vector<16xi32>
          %gather3A_323 = tpu.vector_load_idx %arg15[%broadcast_in_dim3A_322, %max3A_280] : memref<64x640xf32, #tpu.memory_space<vmem>>[vector<16xi32>, vector<16xi32>], vector<16xf32>,
          tpu.vector_store_idx %arg20[%iota3A, %broadcast_in_dim3A_322], %gather3A_323 masked %ge3A_276 : memref<16x128xf32, #tpu.memory_space<vmem>>[vector<16xi32>, vector<16xi32>], vector<16xf32>, vector<16xi1>
          %scan3A_324 = arith.constant 0 : i32
          %scan3A_325 = arith.constant 7 : i32
          %scan3A_326 = arith.addi %scan3A_291, %scan3A_325 : i32
          %broadcast_in_dim3A_327 = vector.broadcast %scan3A_326 : i32 to vector<16xi32>
          %gather3A_328 = tpu.vector_load_idx %arg15[%broadcast_in_dim3A_327, %max3A_280] : memref<64x640xf32, #tpu.memory_space<vmem>>[vector<16xi32>, vector<16xi32>], vector<16xf32>,
          tpu.vector_store_idx %arg20[%iota3A, %broadcast_in_dim3A_327], %gather3A_328 masked %ge3A_276 : memref<16x128xf32, #tpu.memory_space<vmem>>[vector<16xi32>, vector<16xi32>], vector<16xf32>, vector<16xi1>
          %scan3A_329 = arith.constant 0 : i32
          scf.yield %scan3A_329 : i32
        }
        %scan3A_287 = arith.constant 64 : i32
        %select_n3A_288 = arith.select %ge3A_276, %get3A_272, %broadcast_in_dim3A_13 : vector<16xi1>, vector<16xi32>
        %swap3A_289 = arith.constant 0 : index
        %swap3A_290 = tpu.vector_load %arg19[%swap3A_289] {strides = array<i32>} : memref<16xi32, #tpu.memory_space<vmem>>, vector<16xi32>,
        tpu.vector_store %arg19[%swap3A_289], %select_n3A_288 {strides = array<i32>} : memref<16xi32, #tpu.memory_space<vmem>>, vector<16xi32>,
        "tpu.region"() ({
          %run_scoped3A = tpu.sem_alloc : memref<!tpu.dma_semaphore, #tpu.memory_space<semaphore_mem>>
          %dma_start3A_291 = arith.constant 0 : i32
          %dma_start3A_292 = arith.constant 0 : i32
          %dma_start3A_293 = tpu.memref_slice %arg8[%dma_start3A_291, %dma_start3A_292] : memref<16896x128xf32, #tpu.memory_space<hbm>> -> memref<16896x128xf32, #tpu.memory_space<hbm>>
          tpu.enqueue_indirect_dma source(%arg20 : memref<16x128xf32, #tpu.memory_space<vmem>>) target(%dma_start3A_293 : memref<16896x128xf32, #tpu.memory_space<hbm>>) offsets(%arg19 : memref<16xi32, #tpu.memory_space<vmem>>) semaphore(%run_scoped3A : memref<!tpu.dma_semaphore, #tpu.memory_space<semaphore_mem>>)
          %dma_wait3A_294 = arith.constant 0 : i32
          %dma_wait3A_295 = arith.constant 0 : i32
          %dma_wait3A_296 = tpu.memref_slice %arg8[%dma_wait3A_294, %dma_wait3A_295] : memref<16896x128xf32, #tpu.memory_space<hbm>> -> memref<16896x128xf32, #tpu.memory_space<hbm>>
          tpu.wait_indirect_dma semaphore(%run_scoped3A : memref<!tpu.dma_semaphore, #tpu.memory_space<semaphore_mem>>) src(%arg20 : memref<16x128xf32, #tpu.memory_space<vmem>>) dst(%dma_wait3A_296 : memref<16896x128xf32, #tpu.memory_space<hbm>>)
          tpu.yield
        }) : () -> ()
      } else {
      }
      %gt3A_195 = arith.constant 32 : i32
      %gt3A_196 = arith.cmpi sgt, %scan3A_184, %gt3A_195 : i32
      %convert_element_type3A_197 = arith.extui %gt3A_196 : i1 to i32
      %cond3A_198 = arith.constant 0 : i32
      %cond3A_199 = arith.cmpi ne, %convert_element_type3A_197, %cond3A_198 : i32
      scf.if %cond3A_199 {
        %get3A = arith.constant 32 : index
        %get3A_272 = tpu.vector_load %arg17[%get3A] {strides = array<i32>} : memref<64xi32, #tpu.memory_space<vmem>>, vector<16xi32>,
        %get3A_273 = arith.constant 32 : index
        %get3A_274 = tpu.vector_load %arg18[%get3A_273] {strides = array<i32>} : memref<64xi32, #tpu.memory_space<vmem>>, vector<16xi32>,
        %ge3A = arith.constant 0 : i32
        %ge3A_275 = vector.broadcast %ge3A : i32 to vector<16xi32>
        %ge3A_276 = arith.cmpi sge, %get3A_274, %ge3A_275 : vector<16xi32>
        %sub3A_277 = vector.broadcast %multiple_of3A_163 : i32 to vector<16xi32>
        %sub3A_278 = arith.subi %get3A_274, %sub3A_277 : vector<16xi32>
        %max3A = arith.constant 0 : i32
        %max3A_279 = vector.broadcast %max3A : i32 to vector<16xi32>
        %max3A_280 = arith.maxsi %sub3A_278, %max3A_279 : vector<16xi32>
        %scan3A_281 = arith.constant 0 : i32
        %scan3A_282 = arith.constant 0 : i32
        %scan3A_283 = arith.constant 64 : i32
        %scan3A_284 = arith.addi %scan3A_282, %scan3A_283 : i32
        %scan3A_285 = arith.constant 8 : i32
        %scan3A_286 = scf.for %scan3A_291 = %scan3A_282 to %scan3A_284 step %scan3A_285 iter_args(%scan3A_292 = %scan3A_281) -> (i32)  : i32 {
          %broadcast_in_dim3A_293 = vector.broadcast %scan3A_291 : i32 to vector<16xi32>
          %gather3A = tpu.vector_load_idx %arg15[%broadcast_in_dim3A_293, %max3A_280] : memref<64x640xf32, #tpu.memory_space<vmem>>[vector<16xi32>, vector<16xi32>], vector<16xf32>,
          tpu.vector_store_idx %arg20[%iota3A, %broadcast_in_dim3A_293], %gather3A masked %ge3A_276 : memref<16x128xf32, #tpu.memory_space<vmem>>[vector<16xi32>, vector<16xi32>], vector<16xf32>, vector<16xi1>
          %scan3A_294 = arith.constant 0 : i32
          %scan3A_295 = arith.constant 1 : i32
          %scan3A_296 = arith.addi %scan3A_291, %scan3A_295 : i32
          %broadcast_in_dim3A_297 = vector.broadcast %scan3A_296 : i32 to vector<16xi32>
          %gather3A_298 = tpu.vector_load_idx %arg15[%broadcast_in_dim3A_297, %max3A_280] : memref<64x640xf32, #tpu.memory_space<vmem>>[vector<16xi32>, vector<16xi32>], vector<16xf32>,
          tpu.vector_store_idx %arg20[%iota3A, %broadcast_in_dim3A_297], %gather3A_298 masked %ge3A_276 : memref<16x128xf32, #tpu.memory_space<vmem>>[vector<16xi32>, vector<16xi32>], vector<16xf32>, vector<16xi1>
          %scan3A_299 = arith.constant 0 : i32
          %scan3A_300 = arith.constant 2 : i32
          %scan3A_301 = arith.addi %scan3A_291, %scan3A_300 : i32
          %broadcast_in_dim3A_302 = vector.broadcast %scan3A_301 : i32 to vector<16xi32>
          %gather3A_303 = tpu.vector_load_idx %arg15[%broadcast_in_dim3A_302, %max3A_280] : memref<64x640xf32, #tpu.memory_space<vmem>>[vector<16xi32>, vector<16xi32>], vector<16xf32>,
          tpu.vector_store_idx %arg20[%iota3A, %broadcast_in_dim3A_302], %gather3A_303 masked %ge3A_276 : memref<16x128xf32, #tpu.memory_space<vmem>>[vector<16xi32>, vector<16xi32>], vector<16xf32>, vector<16xi1>
          %scan3A_304 = arith.constant 0 : i32
          %scan3A_305 = arith.constant 3 : i32
          %scan3A_306 = arith.addi %scan3A_291, %scan3A_305 : i32
          %broadcast_in_dim3A_307 = vector.broadcast %scan3A_306 : i32 to vector<16xi32>
          %gather3A_308 = tpu.vector_load_idx %arg15[%broadcast_in_dim3A_307, %max3A_280] : memref<64x640xf32, #tpu.memory_space<vmem>>[vector<16xi32>, vector<16xi32>], vector<16xf32>,
          tpu.vector_store_idx %arg20[%iota3A, %broadcast_in_dim3A_307], %gather3A_308 masked %ge3A_276 : memref<16x128xf32, #tpu.memory_space<vmem>>[vector<16xi32>, vector<16xi32>], vector<16xf32>, vector<16xi1>
          %scan3A_309 = arith.constant 0 : i32
          %scan3A_310 = arith.constant 4 : i32
          %scan3A_311 = arith.addi %scan3A_291, %scan3A_310 : i32
          %broadcast_in_dim3A_312 = vector.broadcast %scan3A_311 : i32 to vector<16xi32>
          %gather3A_313 = tpu.vector_load_idx %arg15[%broadcast_in_dim3A_312, %max3A_280] : memref<64x640xf32, #tpu.memory_space<vmem>>[vector<16xi32>, vector<16xi32>], vector<16xf32>,
          tpu.vector_store_idx %arg20[%iota3A, %broadcast_in_dim3A_312], %gather3A_313 masked %ge3A_276 : memref<16x128xf32, #tpu.memory_space<vmem>>[vector<16xi32>, vector<16xi32>], vector<16xf32>, vector<16xi1>
          %scan3A_314 = arith.constant 0 : i32
          %scan3A_315 = arith.constant 5 : i32
          %scan3A_316 = arith.addi %scan3A_291, %scan3A_315 : i32
          %broadcast_in_dim3A_317 = vector.broadcast %scan3A_316 : i32 to vector<16xi32>
          %gather3A_318 = tpu.vector_load_idx %arg15[%broadcast_in_dim3A_317, %max3A_280] : memref<64x640xf32, #tpu.memory_space<vmem>>[vector<16xi32>, vector<16xi32>], vector<16xf32>,
          tpu.vector_store_idx %arg20[%iota3A, %broadcast_in_dim3A_317], %gather3A_318 masked %ge3A_276 : memref<16x128xf32, #tpu.memory_space<vmem>>[vector<16xi32>, vector<16xi32>], vector<16xf32>, vector<16xi1>
          %scan3A_319 = arith.constant 0 : i32
          %scan3A_320 = arith.constant 6 : i32
          %scan3A_321 = arith.addi %scan3A_291, %scan3A_320 : i32
          %broadcast_in_dim3A_322 = vector.broadcast %scan3A_321 : i32 to vector<16xi32>
          %gather3A_323 = tpu.vector_load_idx %arg15[%broadcast_in_dim3A_322, %max3A_280] : memref<64x640xf32, #tpu.memory_space<vmem>>[vector<16xi32>, vector<16xi32>], vector<16xf32>,
          tpu.vector_store_idx %arg20[%iota3A, %broadcast_in_dim3A_322], %gather3A_323 masked %ge3A_276 : memref<16x128xf32, #tpu.memory_space<vmem>>[vector<16xi32>, vector<16xi32>], vector<16xf32>, vector<16xi1>
          %scan3A_324 = arith.constant 0 : i32
          %scan3A_325 = arith.constant 7 : i32
          %scan3A_326 = arith.addi %scan3A_291, %scan3A_325 : i32
          %broadcast_in_dim3A_327 = vector.broadcast %scan3A_326 : i32 to vector<16xi32>
          %gather3A_328 = tpu.vector_load_idx %arg15[%broadcast_in_dim3A_327, %max3A_280] : memref<64x640xf32, #tpu.memory_space<vmem>>[vector<16xi32>, vector<16xi32>], vector<16xf32>,
          tpu.vector_store_idx %arg20[%iota3A, %broadcast_in_dim3A_327], %gather3A_328 masked %ge3A_276 : memref<16x128xf32, #tpu.memory_space<vmem>>[vector<16xi32>, vector<16xi32>], vector<16xf32>, vector<16xi1>
          %scan3A_329 = arith.constant 0 : i32
          scf.yield %scan3A_329 : i32
        }
        %scan3A_287 = arith.constant 64 : i32
        %select_n3A_288 = arith.select %ge3A_276, %get3A_272, %broadcast_in_dim3A_13 : vector<16xi1>, vector<16xi32>
        %swap3A_289 = arith.constant 0 : index
        %swap3A_290 = tpu.vector_load %arg19[%swap3A_289] {strides = array<i32>} : memref<16xi32, #tpu.memory_space<vmem>>, vector<16xi32>,
        tpu.vector_store %arg19[%swap3A_289], %select_n3A_288 {strides = array<i32>} : memref<16xi32, #tpu.memory_space<vmem>>, vector<16xi32>,
        "tpu.region"() ({
          %run_scoped3A = tpu.sem_alloc : memref<!tpu.dma_semaphore, #tpu.memory_space<semaphore_mem>>
          %dma_start3A_291 = arith.constant 0 : i32
          %dma_start3A_292 = arith.constant 0 : i32
          %dma_start3A_293 = tpu.memref_slice %arg8[%dma_start3A_291, %dma_start3A_292] : memref<16896x128xf32, #tpu.memory_space<hbm>> -> memref<16896x128xf32, #tpu.memory_space<hbm>>
          tpu.enqueue_indirect_dma source(%arg20 : memref<16x128xf32, #tpu.memory_space<vmem>>) target(%dma_start3A_293 : memref<16896x128xf32, #tpu.memory_space<hbm>>) offsets(%arg19 : memref<16xi32, #tpu.memory_space<vmem>>) semaphore(%run_scoped3A : memref<!tpu.dma_semaphore, #tpu.memory_space<semaphore_mem>>)
          %dma_wait3A_294 = arith.constant 0 : i32
          %dma_wait3A_295 = arith.constant 0 : i32
          %dma_wait3A_296 = tpu.memref_slice %arg8[%dma_wait3A_294, %dma_wait3A_295] : memref<16896x128xf32, #tpu.memory_space<hbm>> -> memref<16896x128xf32, #tpu.memory_space<hbm>>
          tpu.wait_indirect_dma semaphore(%run_scoped3A : memref<!tpu.dma_semaphore, #tpu.memory_space<semaphore_mem>>) src(%arg20 : memref<16x128xf32, #tpu.memory_space<vmem>>) dst(%dma_wait3A_296 : memref<16896x128xf32, #tpu.memory_space<hbm>>)
          tpu.yield
        }) : () -> ()
      } else {
      }
      %gt3A_200 = arith.constant 48 : i32
      %gt3A_201 = arith.cmpi sgt, %scan3A_184, %gt3A_200 : i32
      %convert_element_type3A_202 = arith.extui %gt3A_201 : i1 to i32
      %cond3A_203 = arith.constant 0 : i32
      %cond3A_204 = arith.cmpi ne, %convert_element_type3A_202, %cond3A_203 : i32
      scf.if %cond3A_204 {
        %get3A = arith.constant 48 : index
        %get3A_272 = tpu.vector_load %arg17[%get3A] {strides = array<i32>} : memref<64xi32, #tpu.memory_space<vmem>>, vector<16xi32>,
        %get3A_273 = arith.constant 48 : index
        %get3A_274 = tpu.vector_load %arg18[%get3A_273] {strides = array<i32>} : memref<64xi32, #tpu.memory_space<vmem>>, vector<16xi32>,
        %ge3A = arith.constant 0 : i32
        %ge3A_275 = vector.broadcast %ge3A : i32 to vector<16xi32>
        %ge3A_276 = arith.cmpi sge, %get3A_274, %ge3A_275 : vector<16xi32>
        %sub3A_277 = vector.broadcast %multiple_of3A_163 : i32 to vector<16xi32>
        %sub3A_278 = arith.subi %get3A_274, %sub3A_277 : vector<16xi32>
        %max3A = arith.constant 0 : i32
        %max3A_279 = vector.broadcast %max3A : i32 to vector<16xi32>
        %max3A_280 = arith.maxsi %sub3A_278, %max3A_279 : vector<16xi32>
        %scan3A_281 = arith.constant 0 : i32
        %scan3A_282 = arith.constant 0 : i32
        %scan3A_283 = arith.constant 64 : i32
        %scan3A_284 = arith.addi %scan3A_282, %scan3A_283 : i32
        %scan3A_285 = arith.constant 8 : i32
        %scan3A_286 = scf.for %scan3A_291 = %scan3A_282 to %scan3A_284 step %scan3A_285 iter_args(%scan3A_292 = %scan3A_281) -> (i32)  : i32 {
          %broadcast_in_dim3A_293 = vector.broadcast %scan3A_291 : i32 to vector<16xi32>
          %gather3A = tpu.vector_load_idx %arg15[%broadcast_in_dim3A_293, %max3A_280] : memref<64x640xf32, #tpu.memory_space<vmem>>[vector<16xi32>, vector<16xi32>], vector<16xf32>,
          tpu.vector_store_idx %arg20[%iota3A, %broadcast_in_dim3A_293], %gather3A masked %ge3A_276 : memref<16x128xf32, #tpu.memory_space<vmem>>[vector<16xi32>, vector<16xi32>], vector<16xf32>, vector<16xi1>
          %scan3A_294 = arith.constant 0 : i32
          %scan3A_295 = arith.constant 1 : i32
          %scan3A_296 = arith.addi %scan3A_291, %scan3A_295 : i32
          %broadcast_in_dim3A_297 = vector.broadcast %scan3A_296 : i32 to vector<16xi32>
          %gather3A_298 = tpu.vector_load_idx %arg15[%broadcast_in_dim3A_297, %max3A_280] : memref<64x640xf32, #tpu.memory_space<vmem>>[vector<16xi32>, vector<16xi32>], vector<16xf32>,
          tpu.vector_store_idx %arg20[%iota3A, %broadcast_in_dim3A_297], %gather3A_298 masked %ge3A_276 : memref<16x128xf32, #tpu.memory_space<vmem>>[vector<16xi32>, vector<16xi32>], vector<16xf32>, vector<16xi1>
          %scan3A_299 = arith.constant 0 : i32
          %scan3A_300 = arith.constant 2 : i32
          %scan3A_301 = arith.addi %scan3A_291, %scan3A_300 : i32
          %broadcast_in_dim3A_302 = vector.broadcast %scan3A_301 : i32 to vector<16xi32>
          %gather3A_303 = tpu.vector_load_idx %arg15[%broadcast_in_dim3A_302, %max3A_280] : memref<64x640xf32, #tpu.memory_space<vmem>>[vector<16xi32>, vector<16xi32>], vector<16xf32>,
          tpu.vector_store_idx %arg20[%iota3A, %broadcast_in_dim3A_302], %gather3A_303 masked %ge3A_276 : memref<16x128xf32, #tpu.memory_space<vmem>>[vector<16xi32>, vector<16xi32>], vector<16xf32>, vector<16xi1>
          %scan3A_304 = arith.constant 0 : i32
          %scan3A_305 = arith.constant 3 : i32
          %scan3A_306 = arith.addi %scan3A_291, %scan3A_305 : i32
          %broadcast_in_dim3A_307 = vector.broadcast %scan3A_306 : i32 to vector<16xi32>
          %gather3A_308 = tpu.vector_load_idx %arg15[%broadcast_in_dim3A_307, %max3A_280] : memref<64x640xf32, #tpu.memory_space<vmem>>[vector<16xi32>, vector<16xi32>], vector<16xf32>,
          tpu.vector_store_idx %arg20[%iota3A, %broadcast_in_dim3A_307], %gather3A_308 masked %ge3A_276 : memref<16x128xf32, #tpu.memory_space<vmem>>[vector<16xi32>, vector<16xi32>], vector<16xf32>, vector<16xi1>
          %scan3A_309 = arith.constant 0 : i32
          %scan3A_310 = arith.constant 4 : i32
          %scan3A_311 = arith.addi %scan3A_291, %scan3A_310 : i32
          %broadcast_in_dim3A_312 = vector.broadcast %scan3A_311 : i32 to vector<16xi32>
          %gather3A_313 = tpu.vector_load_idx %arg15[%broadcast_in_dim3A_312, %max3A_280] : memref<64x640xf32, #tpu.memory_space<vmem>>[vector<16xi32>, vector<16xi32>], vector<16xf32>,
          tpu.vector_store_idx %arg20[%iota3A, %broadcast_in_dim3A_312], %gather3A_313 masked %ge3A_276 : memref<16x128xf32, #tpu.memory_space<vmem>>[vector<16xi32>, vector<16xi32>], vector<16xf32>, vector<16xi1>
          %scan3A_314 = arith.constant 0 : i32
          %scan3A_315 = arith.constant 5 : i32
          %scan3A_316 = arith.addi %scan3A_291, %scan3A_315 : i32
          %broadcast_in_dim3A_317 = vector.broadcast %scan3A_316 : i32 to vector<16xi32>
          %gather3A_318 = tpu.vector_load_idx %arg15[%broadcast_in_dim3A_317, %max3A_280] : memref<64x640xf32, #tpu.memory_space<vmem>>[vector<16xi32>, vector<16xi32>], vector<16xf32>,
          tpu.vector_store_idx %arg20[%iota3A, %broadcast_in_dim3A_317], %gather3A_318 masked %ge3A_276 : memref<16x128xf32, #tpu.memory_space<vmem>>[vector<16xi32>, vector<16xi32>], vector<16xf32>, vector<16xi1>
          %scan3A_319 = arith.constant 0 : i32
          %scan3A_320 = arith.constant 6 : i32
          %scan3A_321 = arith.addi %scan3A_291, %scan3A_320 : i32
          %broadcast_in_dim3A_322 = vector.broadcast %scan3A_321 : i32 to vector<16xi32>
          %gather3A_323 = tpu.vector_load_idx %arg15[%broadcast_in_dim3A_322, %max3A_280] : memref<64x640xf32, #tpu.memory_space<vmem>>[vector<16xi32>, vector<16xi32>], vector<16xf32>,
          tpu.vector_store_idx %arg20[%iota3A, %broadcast_in_dim3A_322], %gather3A_323 masked %ge3A_276 : memref<16x128xf32, #tpu.memory_space<vmem>>[vector<16xi32>, vector<16xi32>], vector<16xf32>, vector<16xi1>
          %scan3A_324 = arith.constant 0 : i32
          %scan3A_325 = arith.constant 7 : i32
          %scan3A_326 = arith.addi %scan3A_291, %scan3A_325 : i32
          %broadcast_in_dim3A_327 = vector.broadcast %scan3A_326 : i32 to vector<16xi32>
          %gather3A_328 = tpu.vector_load_idx %arg15[%broadcast_in_dim3A_327, %max3A_280] : memref<64x640xf32, #tpu.memory_space<vmem>>[vector<16xi32>, vector<16xi32>], vector<16xf32>,
          tpu.vector_store_idx %arg20[%iota3A, %broadcast_in_dim3A_327], %gather3A_328 masked %ge3A_276 : memref<16x128xf32, #tpu.memory_space<vmem>>[vector<16xi32>, vector<16xi32>], vector<16xf32>, vector<16xi1>
          %scan3A_329 = arith.constant 0 : i32
          scf.yield %scan3A_329 : i32
        }
        %scan3A_287 = arith.constant 64 : i32
        %select_n3A_288 = arith.select %ge3A_276, %get3A_272, %broadcast_in_dim3A_13 : vector<16xi1>, vector<16xi32>
        %swap3A_289 = arith.constant 0 : index
        %swap3A_290 = tpu.vector_load %arg19[%swap3A_289] {strides = array<i32>} : memref<16xi32, #tpu.memory_space<vmem>>, vector<16xi32>,
        tpu.vector_store %arg19[%swap3A_289], %select_n3A_288 {strides = array<i32>} : memref<16xi32, #tpu.memory_space<vmem>>, vector<16xi32>,
        "tpu.region"() ({
          %run_scoped3A = tpu.sem_alloc : memref<!tpu.dma_semaphore, #tpu.memory_space<semaphore_mem>>
          %dma_start3A_291 = arith.constant 0 : i32
          %dma_start3A_292 = arith.constant 0 : i32
          %dma_start3A_293 = tpu.memref_slice %arg8[%dma_start3A_291, %dma_start3A_292] : memref<16896x128xf32, #tpu.memory_space<hbm>> -> memref<16896x128xf32, #tpu.memory_space<hbm>>
          tpu.enqueue_indirect_dma source(%arg20 : memref<16x128xf32, #tpu.memory_space<vmem>>) target(%dma_start3A_293 : memref<16896x128xf32, #tpu.memory_space<hbm>>) offsets(%arg19 : memref<16xi32, #tpu.memory_space<vmem>>) semaphore(%run_scoped3A : memref<!tpu.dma_semaphore, #tpu.memory_space<semaphore_mem>>)
          %dma_wait3A_294 = arith.constant 0 : i32
          %dma_wait3A_295 = arith.constant 0 : i32
          %dma_wait3A_296 = tpu.memref_slice %arg8[%dma_wait3A_294, %dma_wait3A_295] : memref<16896x128xf32, #tpu.memory_space<hbm>> -> memref<16896x128xf32, #tpu.memory_space<hbm>>
          tpu.wait_indirect_dma semaphore(%run_scoped3A : memref<!tpu.dma_semaphore, #tpu.memory_space<semaphore_mem>>) src(%arg20 : memref<16x128xf32, #tpu.memory_space<vmem>>) dst(%dma_wait3A_296 : memref<16896x128xf32, #tpu.memory_space<hbm>>)
          tpu.yield
        }) : () -> ()
      } else {
      }
      %dma_wait3A_205 = arith.constant 0 : i32
      %dma_wait3A_206 = arith.constant 0 : i32
      %dma_wait3A_207 = tpu.memref_slice %arg4[%dma_wait3A_205, %dma_wait3A_206] : memref<64x1000000xf32, #tpu.memory_space<hbm>> -> memref<64x640xf32, #tpu.memory_space<hbm>>
      %dma_wait3A_208 = arith.constant 0 : i32
      %dma_wait3A_209 = arith.constant 0 : i32
      %dma_wait3A_210 = tpu.memref_slice %arg4[%dma_wait3A_208, %dma_wait3A_209] : memref<64x1000000xf32, #tpu.memory_space<hbm>> -> memref<64x640xf32, #tpu.memory_space<hbm>>
      tpu.wait_dma2 semaphore(%arg23 : memref<!tpu.dma_semaphore, #tpu.memory_space<semaphore_mem>>) src(%dma_wait3A_210 : memref<64x640xf32, #tpu.memory_space<hbm>>) dst(%arg16 : memref<64x640xf32, #tpu.memory_space<vmem>>)
      %lt3A = arith.constant 48 : i32
      %lt3A_211 = arith.cmpi slt, %scan3A_133, %lt3A : i32
      %convert_element_type3A_212 = arith.extui %lt3A_211 : i1 to i32
      %cond3A_213 = arith.constant 0 : i32
      %cond3A_214 = arith.cmpi ne, %convert_element_type3A_212, %cond3A_213 : i32
      scf.if %cond3A_214 {
        %add3A_272 = arith.constant 1 : i32
        %add3A_273 = arith.addi %scan3A_133, %add3A_272 : i32
        %mul3A_274 = arith.constant 640 : i32
        %mul3A_275 = arith.muli %add3A_273, %mul3A_274 : i32
        %add3A_276 = arith.addi %mul3A_7, %mul3A_275 : i32
        %sub3A_277 = arith.constant 640 : i32
        %sub3A_278 = arith.subi %mul3A_9, %sub3A_277 : i32
        %min3A_279 = arith.minsi %add3A_276, %sub3A_278 : i32
        %multiple_of3A_280 = tpu.assume_multiple %min3A_279, 128 : i32
        %dma_start3A_281 = arith.constant 0 : i32
        %dma_start3A_282 = tpu.memref_slice %arg4[%dma_start3A_281, %multiple_of3A_280] : memref<64x1000000xf32, #tpu.memory_space<hbm>> -> memref<64x640xf32, #tpu.memory_space<hbm>>
        %dma_start3A_283 = arith.constant 0 : i32
        %dma_start3A_284 = tpu.memref_slice %arg4[%dma_start3A_283, %multiple_of3A_280] : memref<64x1000000xf32, #tpu.memory_space<hbm>> -> memref<64x640xf32, #tpu.memory_space<hbm>>
        tpu.enqueue_dma source(%dma_start3A_284 : memref<64x640xf32, #tpu.memory_space<hbm>>) target(%arg15 : memref<64x640xf32, #tpu.memory_space<vmem>>) target_semaphore(%arg22 : memref<!tpu.dma_semaphore, #tpu.memory_space<semaphore_mem>>)
      } else {
      }
      %mul3A_215 = arith.constant 640 : i32
      %mul3A_216 = arith.muli %scan3A_133, %mul3A_215 : i32
      %add3A_217 = arith.addi %mul3A_7, %mul3A_216 : i32
      %add3A_218 = arith.constant 640 : i32
      %add3A_219 = arith.addi %add3A_217, %add3A_218 : i32
      %min3A_220 = arith.minsi %add3A_219, %mul3A_9 : i32
      %mul3A_221 = arith.constant 640 : i32
      %mul3A_222 = arith.muli %scan3A_133, %mul3A_221 : i32
      %add3A_223 = arith.addi %mul3A_7, %mul3A_222 : i32
      %sub3A_224 = arith.constant 640 : i32
      %sub3A_225 = arith.subi %mul3A_9, %sub3A_224 : i32
      %min3A_226 = arith.minsi %add3A_223, %sub3A_225 : i32
      %multiple_of3A_227 = tpu.assume_multiple %min3A_226, 128 : i32
      %swap3A_228 = arith.constant 0 : index
      %swap3A_229 = tpu.vector_load %arg17[%swap3A_228] {strides = array<i32>} : memref<64xi32, #tpu.memory_space<vmem>>, vector<16xi32>,
      tpu.vector_store %arg17[%swap3A_228], %broadcast_in_dim3A_13 {strides = array<i32>} : memref<64xi32, #tpu.memory_space<vmem>>, vector<16xi32>,
      %swap3A_230 = arith.constant 0 : index
      %swap3A_231 = tpu.vector_load %arg18[%swap3A_230] {strides = array<i32>} : memref<64xi32, #tpu.memory_space<vmem>>, vector<16xi32>,
      tpu.vector_store %arg18[%swap3A_230], %broadcast_in_dim3A_11 {strides = array<i32>} : memref<64xi32, #tpu.memory_space<vmem>>, vector<16xi32>,
      %swap3A_232 = arith.constant 16 : index
      %swap3A_233 = tpu.vector_load %arg17[%swap3A_232] {strides = array<i32>} : memref<64xi32, #tpu.memory_space<vmem>>, vector<16xi32>,
      tpu.vector_store %arg17[%swap3A_232], %broadcast_in_dim3A_13 {strides = array<i32>} : memref<64xi32, #tpu.memory_space<vmem>>, vector<16xi32>,
      %swap3A_234 = arith.constant 16 : index
      %swap3A_235 = tpu.vector_load %arg18[%swap3A_234] {strides = array<i32>} : memref<64xi32, #tpu.memory_space<vmem>>, vector<16xi32>,
      tpu.vector_store %arg18[%swap3A_234], %broadcast_in_dim3A_11 {strides = array<i32>} : memref<64xi32, #tpu.memory_space<vmem>>, vector<16xi32>,
      %swap3A_236 = arith.constant 32 : index
      %swap3A_237 = tpu.vector_load %arg17[%swap3A_236] {strides = array<i32>} : memref<64xi32, #tpu.memory_space<vmem>>, vector<16xi32>,
      tpu.vector_store %arg17[%swap3A_236], %broadcast_in_dim3A_13 {strides = array<i32>} : memref<64xi32, #tpu.memory_space<vmem>>, vector<16xi32>,
      %swap3A_238 = arith.constant 32 : index
      %swap3A_239 = tpu.vector_load %arg18[%swap3A_238] {strides = array<i32>} : memref<64xi32, #tpu.memory_space<vmem>>, vector<16xi32>,
      tpu.vector_store %arg18[%swap3A_238], %broadcast_in_dim3A_11 {strides = array<i32>} : memref<64xi32, #tpu.memory_space<vmem>>, vector<16xi32>,
      %swap3A_240 = arith.constant 48 : index
      %swap3A_241 = tpu.vector_load %arg17[%swap3A_240] {strides = array<i32>} : memref<64xi32, #tpu.memory_space<vmem>>, vector<16xi32>,
      tpu.vector_store %arg17[%swap3A_240], %broadcast_in_dim3A_13 {strides = array<i32>} : memref<64xi32, #tpu.memory_space<vmem>>, vector<16xi32>,
      %swap3A_242 = arith.constant 48 : index
      %swap3A_243 = tpu.vector_load %arg18[%swap3A_242] {strides = array<i32>} : memref<64xi32, #tpu.memory_space<vmem>>, vector<16xi32>,
      tpu.vector_store %arg18[%swap3A_242], %broadcast_in_dim3A_11 {strides = array<i32>} : memref<64xi32, #tpu.memory_space<vmem>>, vector<16xi32>,
      %scan3A_244 = arith.constant 0 : i32
      %scan3A_245 = arith.constant 0 : i32
      %scan3A_246 = arith.constant 64 : i32
      %scan3A_247 = arith.addi %scan3A_245, %scan3A_246 : i32
      %scan3A_248 = arith.constant 1 : i32
      %scan3A_249 = scf.for %scan3A_272 = %scan3A_245 to %scan3A_247 step %scan3A_248 iter_args(%scan3A_273 = %scan3A_244) -> (i32)  : i32 {
        %mul3A_274 = arith.constant 16 : i32
        %mul3A_275 = arith.muli %scan3A_272, %mul3A_274 : i32
        %lt3A_276 = arith.cmpi slt, %mul3A_275, %scan3A_116 : i32
        %convert_element_type3A_277 = arith.extui %lt3A_276 : i1 to i32
        %cond3A_278 = arith.constant 0 : i32
        %cond3A_279 = arith.cmpi ne, %convert_element_type3A_277, %cond3A_278 : i32
        %cond3A_280 = scf.if %cond3A_279 -> (i32) {
          %mul3A_281 = arith.constant 16 : i32
          %mul3A_282 = arith.muli %scan3A_272, %mul3A_281 : i32
          %get3A = arith.index_cast %mul3A_282 : i32 to index
          %get3A_283 = tpu.vector_load %arg14[%get3A] {strides = array<i32>} : memref<1024xi32, #tpu.memory_space<vmem>>, vector<16xi32>,
          %get3A_284 = arith.index_cast %mul3A_282 : i32 to index
          %get3A_285 = tpu.vector_load %arg13[%get3A_284] {strides = array<i32>} : memref<1024xi32, #tpu.memory_space<vmem>>, vector<16xi32>,
          %ge3A = vector.broadcast %add3A_217 : i32 to vector<16xi32>
          %ge3A_286 = arith.cmpi sge, %get3A_283, %ge3A : vector<16xi32>
          %lt3A_287 = vector.broadcast %min3A_220 : i32 to vector<16xi32>
          %lt3A_288 = arith.cmpi slt, %get3A_283, %lt3A_287 : vector<16xi32>
          %and3A = arith.andi %ge3A_286, %lt3A_288 : vector<16xi1>
          %swap3A_289 = arith.index_cast %scan3A_273 : i32 to index
          %swap3A_290 = tpu.vector_load %arg17[%swap3A_289] masked %and3A {strides = array<i32>} : memref<64xi32, #tpu.memory_space<vmem>>, vector<16xi32>, vector<16xi1>
          tpu.vector_store %arg17[%swap3A_289], %get3A_285 masked %and3A {strides = array<i32>} : memref<64xi32, #tpu.memory_space<vmem>>, vector<16xi32>, vector<16xi1>
          %swap3A_291 = arith.index_cast %scan3A_273 : i32 to index
          %swap3A_292 = tpu.vector_load %arg18[%swap3A_291] masked %and3A {strides = array<i32>} : memref<64xi32, #tpu.memory_space<vmem>>, vector<16xi32>, vector<16xi1>
          tpu.vector_store %arg18[%swap3A_291], %get3A_283 masked %and3A {strides = array<i32>} : memref<64xi32, #tpu.memory_space<vmem>>, vector<16xi32>, vector<16xi1>
          %all_reduce_population_count3A = tpu.all_reduce %and3A {dim = 0 : i64, kind = #tpu.reduction_kind<sum>} : vector<16xi1> -> vector<16xi32>
          %slice3A = vector.extract_strided_slice %all_reduce_population_count3A {offsets = [0], sizes = [1], strides = [1]} : vector<16xi32> to vector<1xi32>
          %squeeze3A = vector.extract %slice3A[0] : i32 from vector<1xi32>
          %add3A_293 = arith.addi %scan3A_273, %squeeze3A : i32
          scf.yield %add3A_293 : i32
        } else {
          scf.yield %scan3A_273 : i32
        }
        scf.yield %cond3A_280 : i32
      }
      %scan3A_250 = arith.constant 64 : i32
      %gt3A_251 = arith.constant 0 : i32
      %gt3A_252 = arith.cmpi sgt, %scan3A_249, %gt3A_251 : i32
      %convert_element_type3A_253 = arith.extui %gt3A_252 : i1 to i32
      %cond3A_254 = arith.constant 0 : i32
      %cond3A_255 = arith.cmpi ne, %convert_element_type3A_253, %cond3A_254 : i32
      scf.if %cond3A_255 {
        %get3A = arith.constant 0 : index
        %get3A_272 = tpu.vector_load %arg17[%get3A] {strides = array<i32>} : memref<64xi32, #tpu.memory_space<vmem>>, vector<16xi32>,
        %get3A_273 = arith.constant 0 : index
        %get3A_274 = tpu.vector_load %arg18[%get3A_273] {strides = array<i32>} : memref<64xi32, #tpu.memory_space<vmem>>, vector<16xi32>,
        %ge3A = arith.constant 0 : i32
        %ge3A_275 = vector.broadcast %ge3A : i32 to vector<16xi32>
        %ge3A_276 = arith.cmpi sge, %get3A_274, %ge3A_275 : vector<16xi32>
        %sub3A_277 = vector.broadcast %multiple_of3A_227 : i32 to vector<16xi32>
        %sub3A_278 = arith.subi %get3A_274, %sub3A_277 : vector<16xi32>
        %max3A = arith.constant 0 : i32
        %max3A_279 = vector.broadcast %max3A : i32 to vector<16xi32>
        %max3A_280 = arith.maxsi %sub3A_278, %max3A_279 : vector<16xi32>
        %scan3A_281 = arith.constant 0 : i32
        %scan3A_282 = arith.constant 0 : i32
        %scan3A_283 = arith.constant 64 : i32
        %scan3A_284 = arith.addi %scan3A_282, %scan3A_283 : i32
        %scan3A_285 = arith.constant 8 : i32
        %scan3A_286 = scf.for %scan3A_291 = %scan3A_282 to %scan3A_284 step %scan3A_285 iter_args(%scan3A_292 = %scan3A_281) -> (i32)  : i32 {
          %broadcast_in_dim3A_293 = vector.broadcast %scan3A_291 : i32 to vector<16xi32>
          %gather3A = tpu.vector_load_idx %arg16[%broadcast_in_dim3A_293, %max3A_280] : memref<64x640xf32, #tpu.memory_space<vmem>>[vector<16xi32>, vector<16xi32>], vector<16xf32>,
          tpu.vector_store_idx %arg20[%iota3A, %broadcast_in_dim3A_293], %gather3A masked %ge3A_276 : memref<16x128xf32, #tpu.memory_space<vmem>>[vector<16xi32>, vector<16xi32>], vector<16xf32>, vector<16xi1>
          %scan3A_294 = arith.constant 0 : i32
          %scan3A_295 = arith.constant 1 : i32
          %scan3A_296 = arith.addi %scan3A_291, %scan3A_295 : i32
          %broadcast_in_dim3A_297 = vector.broadcast %scan3A_296 : i32 to vector<16xi32>
          %gather3A_298 = tpu.vector_load_idx %arg16[%broadcast_in_dim3A_297, %max3A_280] : memref<64x640xf32, #tpu.memory_space<vmem>>[vector<16xi32>, vector<16xi32>], vector<16xf32>,
          tpu.vector_store_idx %arg20[%iota3A, %broadcast_in_dim3A_297], %gather3A_298 masked %ge3A_276 : memref<16x128xf32, #tpu.memory_space<vmem>>[vector<16xi32>, vector<16xi32>], vector<16xf32>, vector<16xi1>
          %scan3A_299 = arith.constant 0 : i32
          %scan3A_300 = arith.constant 2 : i32
          %scan3A_301 = arith.addi %scan3A_291, %scan3A_300 : i32
          %broadcast_in_dim3A_302 = vector.broadcast %scan3A_301 : i32 to vector<16xi32>
          %gather3A_303 = tpu.vector_load_idx %arg16[%broadcast_in_dim3A_302, %max3A_280] : memref<64x640xf32, #tpu.memory_space<vmem>>[vector<16xi32>, vector<16xi32>], vector<16xf32>,
          tpu.vector_store_idx %arg20[%iota3A, %broadcast_in_dim3A_302], %gather3A_303 masked %ge3A_276 : memref<16x128xf32, #tpu.memory_space<vmem>>[vector<16xi32>, vector<16xi32>], vector<16xf32>, vector<16xi1>
          %scan3A_304 = arith.constant 0 : i32
          %scan3A_305 = arith.constant 3 : i32
          %scan3A_306 = arith.addi %scan3A_291, %scan3A_305 : i32
          %broadcast_in_dim3A_307 = vector.broadcast %scan3A_306 : i32 to vector<16xi32>
          %gather3A_308 = tpu.vector_load_idx %arg16[%broadcast_in_dim3A_307, %max3A_280] : memref<64x640xf32, #tpu.memory_space<vmem>>[vector<16xi32>, vector<16xi32>], vector<16xf32>,
          tpu.vector_store_idx %arg20[%iota3A, %broadcast_in_dim3A_307], %gather3A_308 masked %ge3A_276 : memref<16x128xf32, #tpu.memory_space<vmem>>[vector<16xi32>, vector<16xi32>], vector<16xf32>, vector<16xi1>
          %scan3A_309 = arith.constant 0 : i32
          %scan3A_310 = arith.constant 4 : i32
          %scan3A_311 = arith.addi %scan3A_291, %scan3A_310 : i32
          %broadcast_in_dim3A_312 = vector.broadcast %scan3A_311 : i32 to vector<16xi32>
          %gather3A_313 = tpu.vector_load_idx %arg16[%broadcast_in_dim3A_312, %max3A_280] : memref<64x640xf32, #tpu.memory_space<vmem>>[vector<16xi32>, vector<16xi32>], vector<16xf32>,
          tpu.vector_store_idx %arg20[%iota3A, %broadcast_in_dim3A_312], %gather3A_313 masked %ge3A_276 : memref<16x128xf32, #tpu.memory_space<vmem>>[vector<16xi32>, vector<16xi32>], vector<16xf32>, vector<16xi1>
          %scan3A_314 = arith.constant 0 : i32
          %scan3A_315 = arith.constant 5 : i32
          %scan3A_316 = arith.addi %scan3A_291, %scan3A_315 : i32
          %broadcast_in_dim3A_317 = vector.broadcast %scan3A_316 : i32 to vector<16xi32>
          %gather3A_318 = tpu.vector_load_idx %arg16[%broadcast_in_dim3A_317, %max3A_280] : memref<64x640xf32, #tpu.memory_space<vmem>>[vector<16xi32>, vector<16xi32>], vector<16xf32>,
          tpu.vector_store_idx %arg20[%iota3A, %broadcast_in_dim3A_317], %gather3A_318 masked %ge3A_276 : memref<16x128xf32, #tpu.memory_space<vmem>>[vector<16xi32>, vector<16xi32>], vector<16xf32>, vector<16xi1>
          %scan3A_319 = arith.constant 0 : i32
          %scan3A_320 = arith.constant 6 : i32
          %scan3A_321 = arith.addi %scan3A_291, %scan3A_320 : i32
          %broadcast_in_dim3A_322 = vector.broadcast %scan3A_321 : i32 to vector<16xi32>
          %gather3A_323 = tpu.vector_load_idx %arg16[%broadcast_in_dim3A_322, %max3A_280] : memref<64x640xf32, #tpu.memory_space<vmem>>[vector<16xi32>, vector<16xi32>], vector<16xf32>,
          tpu.vector_store_idx %arg20[%iota3A, %broadcast_in_dim3A_322], %gather3A_323 masked %ge3A_276 : memref<16x128xf32, #tpu.memory_space<vmem>>[vector<16xi32>, vector<16xi32>], vector<16xf32>, vector<16xi1>
          %scan3A_324 = arith.constant 0 : i32
          %scan3A_325 = arith.constant 7 : i32
          %scan3A_326 = arith.addi %scan3A_291, %scan3A_325 : i32
          %broadcast_in_dim3A_327 = vector.broadcast %scan3A_326 : i32 to vector<16xi32>
          %gather3A_328 = tpu.vector_load_idx %arg16[%broadcast_in_dim3A_327, %max3A_280] : memref<64x640xf32, #tpu.memory_space<vmem>>[vector<16xi32>, vector<16xi32>], vector<16xf32>,
          tpu.vector_store_idx %arg20[%iota3A, %broadcast_in_dim3A_327], %gather3A_328 masked %ge3A_276 : memref<16x128xf32, #tpu.memory_space<vmem>>[vector<16xi32>, vector<16xi32>], vector<16xf32>, vector<16xi1>
          %scan3A_329 = arith.constant 0 : i32
          scf.yield %scan3A_329 : i32
        }
        %scan3A_287 = arith.constant 64 : i32
        %select_n3A_288 = arith.select %ge3A_276, %get3A_272, %broadcast_in_dim3A_13 : vector<16xi1>, vector<16xi32>
        %swap3A_289 = arith.constant 0 : index
        %swap3A_290 = tpu.vector_load %arg19[%swap3A_289] {strides = array<i32>} : memref<16xi32, #tpu.memory_space<vmem>>, vector<16xi32>,
        tpu.vector_store %arg19[%swap3A_289], %select_n3A_288 {strides = array<i32>} : memref<16xi32, #tpu.memory_space<vmem>>, vector<16xi32>,
        "tpu.region"() ({
          %run_scoped3A = tpu.sem_alloc : memref<!tpu.dma_semaphore, #tpu.memory_space<semaphore_mem>>
          %dma_start3A_291 = arith.constant 0 : i32
          %dma_start3A_292 = arith.constant 0 : i32
          %dma_start3A_293 = tpu.memref_slice %arg9[%dma_start3A_291, %dma_start3A_292] : memref<16896x128xf32, #tpu.memory_space<hbm>> -> memref<16896x128xf32, #tpu.memory_space<hbm>>
          tpu.enqueue_indirect_dma source(%arg20 : memref<16x128xf32, #tpu.memory_space<vmem>>) target(%dma_start3A_293 : memref<16896x128xf32, #tpu.memory_space<hbm>>) offsets(%arg19 : memref<16xi32, #tpu.memory_space<vmem>>) semaphore(%run_scoped3A : memref<!tpu.dma_semaphore, #tpu.memory_space<semaphore_mem>>)
          %dma_wait3A_294 = arith.constant 0 : i32
          %dma_wait3A_295 = arith.constant 0 : i32
          %dma_wait3A_296 = tpu.memref_slice %arg9[%dma_wait3A_294, %dma_wait3A_295] : memref<16896x128xf32, #tpu.memory_space<hbm>> -> memref<16896x128xf32, #tpu.memory_space<hbm>>
          tpu.wait_indirect_dma semaphore(%run_scoped3A : memref<!tpu.dma_semaphore, #tpu.memory_space<semaphore_mem>>) src(%arg20 : memref<16x128xf32, #tpu.memory_space<vmem>>) dst(%dma_wait3A_296 : memref<16896x128xf32, #tpu.memory_space<hbm>>)
          tpu.yield
        }) : () -> ()
      } else {
      }
      %gt3A_256 = arith.constant 16 : i32
      %gt3A_257 = arith.cmpi sgt, %scan3A_249, %gt3A_256 : i32
      %convert_element_type3A_258 = arith.extui %gt3A_257 : i1 to i32
      %cond3A_259 = arith.constant 0 : i32
      %cond3A_260 = arith.cmpi ne, %convert_element_type3A_258, %cond3A_259 : i32
      scf.if %cond3A_260 {
        %get3A = arith.constant 16 : index
        %get3A_272 = tpu.vector_load %arg17[%get3A] {strides = array<i32>} : memref<64xi32, #tpu.memory_space<vmem>>, vector<16xi32>,
        %get3A_273 = arith.constant 16 : index
        %get3A_274 = tpu.vector_load %arg18[%get3A_273] {strides = array<i32>} : memref<64xi32, #tpu.memory_space<vmem>>, vector<16xi32>,
        %ge3A = arith.constant 0 : i32
        %ge3A_275 = vector.broadcast %ge3A : i32 to vector<16xi32>
        %ge3A_276 = arith.cmpi sge, %get3A_274, %ge3A_275 : vector<16xi32>
        %sub3A_277 = vector.broadcast %multiple_of3A_227 : i32 to vector<16xi32>
        %sub3A_278 = arith.subi %get3A_274, %sub3A_277 : vector<16xi32>
        %max3A = arith.constant 0 : i32
        %max3A_279 = vector.broadcast %max3A : i32 to vector<16xi32>
        %max3A_280 = arith.maxsi %sub3A_278, %max3A_279 : vector<16xi32>
        %scan3A_281 = arith.constant 0 : i32
        %scan3A_282 = arith.constant 0 : i32
        %scan3A_283 = arith.constant 64 : i32
        %scan3A_284 = arith.addi %scan3A_282, %scan3A_283 : i32
        %scan3A_285 = arith.constant 8 : i32
        %scan3A_286 = scf.for %scan3A_291 = %scan3A_282 to %scan3A_284 step %scan3A_285 iter_args(%scan3A_292 = %scan3A_281) -> (i32)  : i32 {
          %broadcast_in_dim3A_293 = vector.broadcast %scan3A_291 : i32 to vector<16xi32>
          %gather3A = tpu.vector_load_idx %arg16[%broadcast_in_dim3A_293, %max3A_280] : memref<64x640xf32, #tpu.memory_space<vmem>>[vector<16xi32>, vector<16xi32>], vector<16xf32>,
          tpu.vector_store_idx %arg20[%iota3A, %broadcast_in_dim3A_293], %gather3A masked %ge3A_276 : memref<16x128xf32, #tpu.memory_space<vmem>>[vector<16xi32>, vector<16xi32>], vector<16xf32>, vector<16xi1>
          %scan3A_294 = arith.constant 0 : i32
          %scan3A_295 = arith.constant 1 : i32
          %scan3A_296 = arith.addi %scan3A_291, %scan3A_295 : i32
          %broadcast_in_dim3A_297 = vector.broadcast %scan3A_296 : i32 to vector<16xi32>
          %gather3A_298 = tpu.vector_load_idx %arg16[%broadcast_in_dim3A_297, %max3A_280] : memref<64x640xf32, #tpu.memory_space<vmem>>[vector<16xi32>, vector<16xi32>], vector<16xf32>,
          tpu.vector_store_idx %arg20[%iota3A, %broadcast_in_dim3A_297], %gather3A_298 masked %ge3A_276 : memref<16x128xf32, #tpu.memory_space<vmem>>[vector<16xi32>, vector<16xi32>], vector<16xf32>, vector<16xi1>
          %scan3A_299 = arith.constant 0 : i32
          %scan3A_300 = arith.constant 2 : i32
          %scan3A_301 = arith.addi %scan3A_291, %scan3A_300 : i32
          %broadcast_in_dim3A_302 = vector.broadcast %scan3A_301 : i32 to vector<16xi32>
          %gather3A_303 = tpu.vector_load_idx %arg16[%broadcast_in_dim3A_302, %max3A_280] : memref<64x640xf32, #tpu.memory_space<vmem>>[vector<16xi32>, vector<16xi32>], vector<16xf32>,
          tpu.vector_store_idx %arg20[%iota3A, %broadcast_in_dim3A_302], %gather3A_303 masked %ge3A_276 : memref<16x128xf32, #tpu.memory_space<vmem>>[vector<16xi32>, vector<16xi32>], vector<16xf32>, vector<16xi1>
          %scan3A_304 = arith.constant 0 : i32
          %scan3A_305 = arith.constant 3 : i32
          %scan3A_306 = arith.addi %scan3A_291, %scan3A_305 : i32
          %broadcast_in_dim3A_307 = vector.broadcast %scan3A_306 : i32 to vector<16xi32>
          %gather3A_308 = tpu.vector_load_idx %arg16[%broadcast_in_dim3A_307, %max3A_280] : memref<64x640xf32, #tpu.memory_space<vmem>>[vector<16xi32>, vector<16xi32>], vector<16xf32>,
          tpu.vector_store_idx %arg20[%iota3A, %broadcast_in_dim3A_307], %gather3A_308 masked %ge3A_276 : memref<16x128xf32, #tpu.memory_space<vmem>>[vector<16xi32>, vector<16xi32>], vector<16xf32>, vector<16xi1>
          %scan3A_309 = arith.constant 0 : i32
          %scan3A_310 = arith.constant 4 : i32
          %scan3A_311 = arith.addi %scan3A_291, %scan3A_310 : i32
          %broadcast_in_dim3A_312 = vector.broadcast %scan3A_311 : i32 to vector<16xi32>
          %gather3A_313 = tpu.vector_load_idx %arg16[%broadcast_in_dim3A_312, %max3A_280] : memref<64x640xf32, #tpu.memory_space<vmem>>[vector<16xi32>, vector<16xi32>], vector<16xf32>,
          tpu.vector_store_idx %arg20[%iota3A, %broadcast_in_dim3A_312], %gather3A_313 masked %ge3A_276 : memref<16x128xf32, #tpu.memory_space<vmem>>[vector<16xi32>, vector<16xi32>], vector<16xf32>, vector<16xi1>
          %scan3A_314 = arith.constant 0 : i32
          %scan3A_315 = arith.constant 5 : i32
          %scan3A_316 = arith.addi %scan3A_291, %scan3A_315 : i32
          %broadcast_in_dim3A_317 = vector.broadcast %scan3A_316 : i32 to vector<16xi32>
          %gather3A_318 = tpu.vector_load_idx %arg16[%broadcast_in_dim3A_317, %max3A_280] : memref<64x640xf32, #tpu.memory_space<vmem>>[vector<16xi32>, vector<16xi32>], vector<16xf32>,
          tpu.vector_store_idx %arg20[%iota3A, %broadcast_in_dim3A_317], %gather3A_318 masked %ge3A_276 : memref<16x128xf32, #tpu.memory_space<vmem>>[vector<16xi32>, vector<16xi32>], vector<16xf32>, vector<16xi1>
          %scan3A_319 = arith.constant 0 : i32
          %scan3A_320 = arith.constant 6 : i32
          %scan3A_321 = arith.addi %scan3A_291, %scan3A_320 : i32
          %broadcast_in_dim3A_322 = vector.broadcast %scan3A_321 : i32 to vector<16xi32>
          %gather3A_323 = tpu.vector_load_idx %arg16[%broadcast_in_dim3A_322, %max3A_280] : memref<64x640xf32, #tpu.memory_space<vmem>>[vector<16xi32>, vector<16xi32>], vector<16xf32>,
          tpu.vector_store_idx %arg20[%iota3A, %broadcast_in_dim3A_322], %gather3A_323 masked %ge3A_276 : memref<16x128xf32, #tpu.memory_space<vmem>>[vector<16xi32>, vector<16xi32>], vector<16xf32>, vector<16xi1>
          %scan3A_324 = arith.constant 0 : i32
          %scan3A_325 = arith.constant 7 : i32
          %scan3A_326 = arith.addi %scan3A_291, %scan3A_325 : i32
          %broadcast_in_dim3A_327 = vector.broadcast %scan3A_326 : i32 to vector<16xi32>
          %gather3A_328 = tpu.vector_load_idx %arg16[%broadcast_in_dim3A_327, %max3A_280] : memref<64x640xf32, #tpu.memory_space<vmem>>[vector<16xi32>, vector<16xi32>], vector<16xf32>,
          tpu.vector_store_idx %arg20[%iota3A, %broadcast_in_dim3A_327], %gather3A_328 masked %ge3A_276 : memref<16x128xf32, #tpu.memory_space<vmem>>[vector<16xi32>, vector<16xi32>], vector<16xf32>, vector<16xi1>
          %scan3A_329 = arith.constant 0 : i32
          scf.yield %scan3A_329 : i32
        }
        %scan3A_287 = arith.constant 64 : i32
        %select_n3A_288 = arith.select %ge3A_276, %get3A_272, %broadcast_in_dim3A_13 : vector<16xi1>, vector<16xi32>
        %swap3A_289 = arith.constant 0 : index
        %swap3A_290 = tpu.vector_load %arg19[%swap3A_289] {strides = array<i32>} : memref<16xi32, #tpu.memory_space<vmem>>, vector<16xi32>,
        tpu.vector_store %arg19[%swap3A_289], %select_n3A_288 {strides = array<i32>} : memref<16xi32, #tpu.memory_space<vmem>>, vector<16xi32>,
        "tpu.region"() ({
          %run_scoped3A = tpu.sem_alloc : memref<!tpu.dma_semaphore, #tpu.memory_space<semaphore_mem>>
          %dma_start3A_291 = arith.constant 0 : i32
          %dma_start3A_292 = arith.constant 0 : i32
          %dma_start3A_293 = tpu.memref_slice %arg9[%dma_start3A_291, %dma_start3A_292] : memref<16896x128xf32, #tpu.memory_space<hbm>> -> memref<16896x128xf32, #tpu.memory_space<hbm>>
          tpu.enqueue_indirect_dma source(%arg20 : memref<16x128xf32, #tpu.memory_space<vmem>>) target(%dma_start3A_293 : memref<16896x128xf32, #tpu.memory_space<hbm>>) offsets(%arg19 : memref<16xi32, #tpu.memory_space<vmem>>) semaphore(%run_scoped3A : memref<!tpu.dma_semaphore, #tpu.memory_space<semaphore_mem>>)
          %dma_wait3A_294 = arith.constant 0 : i32
          %dma_wait3A_295 = arith.constant 0 : i32
          %dma_wait3A_296 = tpu.memref_slice %arg9[%dma_wait3A_294, %dma_wait3A_295] : memref<16896x128xf32, #tpu.memory_space<hbm>> -> memref<16896x128xf32, #tpu.memory_space<hbm>>
          tpu.wait_indirect_dma semaphore(%run_scoped3A : memref<!tpu.dma_semaphore, #tpu.memory_space<semaphore_mem>>) src(%arg20 : memref<16x128xf32, #tpu.memory_space<vmem>>) dst(%dma_wait3A_296 : memref<16896x128xf32, #tpu.memory_space<hbm>>)
          tpu.yield
        }) : () -> ()
      } else {
      }
      %gt3A_261 = arith.constant 32 : i32
      %gt3A_262 = arith.cmpi sgt, %scan3A_249, %gt3A_261 : i32
      %convert_element_type3A_263 = arith.extui %gt3A_262 : i1 to i32
      %cond3A_264 = arith.constant 0 : i32
      %cond3A_265 = arith.cmpi ne, %convert_element_type3A_263, %cond3A_264 : i32
      scf.if %cond3A_265 {
        %get3A = arith.constant 32 : index
        %get3A_272 = tpu.vector_load %arg17[%get3A] {strides = array<i32>} : memref<64xi32, #tpu.memory_space<vmem>>, vector<16xi32>,
        %get3A_273 = arith.constant 32 : index
        %get3A_274 = tpu.vector_load %arg18[%get3A_273] {strides = array<i32>} : memref<64xi32, #tpu.memory_space<vmem>>, vector<16xi32>,
        %ge3A = arith.constant 0 : i32
        %ge3A_275 = vector.broadcast %ge3A : i32 to vector<16xi32>
        %ge3A_276 = arith.cmpi sge, %get3A_274, %ge3A_275 : vector<16xi32>
        %sub3A_277 = vector.broadcast %multiple_of3A_227 : i32 to vector<16xi32>
        %sub3A_278 = arith.subi %get3A_274, %sub3A_277 : vector<16xi32>
        %max3A = arith.constant 0 : i32
        %max3A_279 = vector.broadcast %max3A : i32 to vector<16xi32>
        %max3A_280 = arith.maxsi %sub3A_278, %max3A_279 : vector<16xi32>
        %scan3A_281 = arith.constant 0 : i32
        %scan3A_282 = arith.constant 0 : i32
        %scan3A_283 = arith.constant 64 : i32
        %scan3A_284 = arith.addi %scan3A_282, %scan3A_283 : i32
        %scan3A_285 = arith.constant 8 : i32
        %scan3A_286 = scf.for %scan3A_291 = %scan3A_282 to %scan3A_284 step %scan3A_285 iter_args(%scan3A_292 = %scan3A_281) -> (i32)  : i32 {
          %broadcast_in_dim3A_293 = vector.broadcast %scan3A_291 : i32 to vector<16xi32>
          %gather3A = tpu.vector_load_idx %arg16[%broadcast_in_dim3A_293, %max3A_280] : memref<64x640xf32, #tpu.memory_space<vmem>>[vector<16xi32>, vector<16xi32>], vector<16xf32>,
          tpu.vector_store_idx %arg20[%iota3A, %broadcast_in_dim3A_293], %gather3A masked %ge3A_276 : memref<16x128xf32, #tpu.memory_space<vmem>>[vector<16xi32>, vector<16xi32>], vector<16xf32>, vector<16xi1>
          %scan3A_294 = arith.constant 0 : i32
          %scan3A_295 = arith.constant 1 : i32
          %scan3A_296 = arith.addi %scan3A_291, %scan3A_295 : i32
          %broadcast_in_dim3A_297 = vector.broadcast %scan3A_296 : i32 to vector<16xi32>
          %gather3A_298 = tpu.vector_load_idx %arg16[%broadcast_in_dim3A_297, %max3A_280] : memref<64x640xf32, #tpu.memory_space<vmem>>[vector<16xi32>, vector<16xi32>], vector<16xf32>,
          tpu.vector_store_idx %arg20[%iota3A, %broadcast_in_dim3A_297], %gather3A_298 masked %ge3A_276 : memref<16x128xf32, #tpu.memory_space<vmem>>[vector<16xi32>, vector<16xi32>], vector<16xf32>, vector<16xi1>
          %scan3A_299 = arith.constant 0 : i32
          %scan3A_300 = arith.constant 2 : i32
          %scan3A_301 = arith.addi %scan3A_291, %scan3A_300 : i32
          %broadcast_in_dim3A_302 = vector.broadcast %scan3A_301 : i32 to vector<16xi32>
          %gather3A_303 = tpu.vector_load_idx %arg16[%broadcast_in_dim3A_302, %max3A_280] : memref<64x640xf32, #tpu.memory_space<vmem>>[vector<16xi32>, vector<16xi32>], vector<16xf32>,
          tpu.vector_store_idx %arg20[%iota3A, %broadcast_in_dim3A_302], %gather3A_303 masked %ge3A_276 : memref<16x128xf32, #tpu.memory_space<vmem>>[vector<16xi32>, vector<16xi32>], vector<16xf32>, vector<16xi1>
          %scan3A_304 = arith.constant 0 : i32
          %scan3A_305 = arith.constant 3 : i32
          %scan3A_306 = arith.addi %scan3A_291, %scan3A_305 : i32
          %broadcast_in_dim3A_307 = vector.broadcast %scan3A_306 : i32 to vector<16xi32>
          %gather3A_308 = tpu.vector_load_idx %arg16[%broadcast_in_dim3A_307, %max3A_280] : memref<64x640xf32, #tpu.memory_space<vmem>>[vector<16xi32>, vector<16xi32>], vector<16xf32>,
          tpu.vector_store_idx %arg20[%iota3A, %broadcast_in_dim3A_307], %gather3A_308 masked %ge3A_276 : memref<16x128xf32, #tpu.memory_space<vmem>>[vector<16xi32>, vector<16xi32>], vector<16xf32>, vector<16xi1>
          %scan3A_309 = arith.constant 0 : i32
          %scan3A_310 = arith.constant 4 : i32
          %scan3A_311 = arith.addi %scan3A_291, %scan3A_310 : i32
          %broadcast_in_dim3A_312 = vector.broadcast %scan3A_311 : i32 to vector<16xi32>
          %gather3A_313 = tpu.vector_load_idx %arg16[%broadcast_in_dim3A_312, %max3A_280] : memref<64x640xf32, #tpu.memory_space<vmem>>[vector<16xi32>, vector<16xi32>], vector<16xf32>,
          tpu.vector_store_idx %arg20[%iota3A, %broadcast_in_dim3A_312], %gather3A_313 masked %ge3A_276 : memref<16x128xf32, #tpu.memory_space<vmem>>[vector<16xi32>, vector<16xi32>], vector<16xf32>, vector<16xi1>
          %scan3A_314 = arith.constant 0 : i32
          %scan3A_315 = arith.constant 5 : i32
          %scan3A_316 = arith.addi %scan3A_291, %scan3A_315 : i32
          %broadcast_in_dim3A_317 = vector.broadcast %scan3A_316 : i32 to vector<16xi32>
          %gather3A_318 = tpu.vector_load_idx %arg16[%broadcast_in_dim3A_317, %max3A_280] : memref<64x640xf32, #tpu.memory_space<vmem>>[vector<16xi32>, vector<16xi32>], vector<16xf32>,
          tpu.vector_store_idx %arg20[%iota3A, %broadcast_in_dim3A_317], %gather3A_318 masked %ge3A_276 : memref<16x128xf32, #tpu.memory_space<vmem>>[vector<16xi32>, vector<16xi32>], vector<16xf32>, vector<16xi1>
          %scan3A_319 = arith.constant 0 : i32
          %scan3A_320 = arith.constant 6 : i32
          %scan3A_321 = arith.addi %scan3A_291, %scan3A_320 : i32
          %broadcast_in_dim3A_322 = vector.broadcast %scan3A_321 : i32 to vector<16xi32>
          %gather3A_323 = tpu.vector_load_idx %arg16[%broadcast_in_dim3A_322, %max3A_280] : memref<64x640xf32, #tpu.memory_space<vmem>>[vector<16xi32>, vector<16xi32>], vector<16xf32>,
          tpu.vector_store_idx %arg20[%iota3A, %broadcast_in_dim3A_322], %gather3A_323 masked %ge3A_276 : memref<16x128xf32, #tpu.memory_space<vmem>>[vector<16xi32>, vector<16xi32>], vector<16xf32>, vector<16xi1>
          %scan3A_324 = arith.constant 0 : i32
          %scan3A_325 = arith.constant 7 : i32
          %scan3A_326 = arith.addi %scan3A_291, %scan3A_325 : i32
          %broadcast_in_dim3A_327 = vector.broadcast %scan3A_326 : i32 to vector<16xi32>
          %gather3A_328 = tpu.vector_load_idx %arg16[%broadcast_in_dim3A_327, %max3A_280] : memref<64x640xf32, #tpu.memory_space<vmem>>[vector<16xi32>, vector<16xi32>], vector<16xf32>,
          tpu.vector_store_idx %arg20[%iota3A, %broadcast_in_dim3A_327], %gather3A_328 masked %ge3A_276 : memref<16x128xf32, #tpu.memory_space<vmem>>[vector<16xi32>, vector<16xi32>], vector<16xf32>, vector<16xi1>
          %scan3A_329 = arith.constant 0 : i32
          scf.yield %scan3A_329 : i32
        }
        %scan3A_287 = arith.constant 64 : i32
        %select_n3A_288 = arith.select %ge3A_276, %get3A_272, %broadcast_in_dim3A_13 : vector<16xi1>, vector<16xi32>
        %swap3A_289 = arith.constant 0 : index
        %swap3A_290 = tpu.vector_load %arg19[%swap3A_289] {strides = array<i32>} : memref<16xi32, #tpu.memory_space<vmem>>, vector<16xi32>,
        tpu.vector_store %arg19[%swap3A_289], %select_n3A_288 {strides = array<i32>} : memref<16xi32, #tpu.memory_space<vmem>>, vector<16xi32>,
        "tpu.region"() ({
          %run_scoped3A = tpu.sem_alloc : memref<!tpu.dma_semaphore, #tpu.memory_space<semaphore_mem>>
          %dma_start3A_291 = arith.constant 0 : i32
          %dma_start3A_292 = arith.constant 0 : i32
          %dma_start3A_293 = tpu.memref_slice %arg9[%dma_start3A_291, %dma_start3A_292] : memref<16896x128xf32, #tpu.memory_space<hbm>> -> memref<16896x128xf32, #tpu.memory_space<hbm>>
          tpu.enqueue_indirect_dma source(%arg20 : memref<16x128xf32, #tpu.memory_space<vmem>>) target(%dma_start3A_293 : memref<16896x128xf32, #tpu.memory_space<hbm>>) offsets(%arg19 : memref<16xi32, #tpu.memory_space<vmem>>) semaphore(%run_scoped3A : memref<!tpu.dma_semaphore, #tpu.memory_space<semaphore_mem>>)
          %dma_wait3A_294 = arith.constant 0 : i32
          %dma_wait3A_295 = arith.constant 0 : i32
          %dma_wait3A_296 = tpu.memref_slice %arg9[%dma_wait3A_294, %dma_wait3A_295] : memref<16896x128xf32, #tpu.memory_space<hbm>> -> memref<16896x128xf32, #tpu.memory_space<hbm>>
          tpu.wait_indirect_dma semaphore(%run_scoped3A : memref<!tpu.dma_semaphore, #tpu.memory_space<semaphore_mem>>) src(%arg20 : memref<16x128xf32, #tpu.memory_space<vmem>>) dst(%dma_wait3A_296 : memref<16896x128xf32, #tpu.memory_space<hbm>>)
          tpu.yield
        }) : () -> ()
      } else {
      }
      %gt3A_266 = arith.constant 48 : i32
      %gt3A_267 = arith.cmpi sgt, %scan3A_249, %gt3A_266 : i32
      %convert_element_type3A_268 = arith.extui %gt3A_267 : i1 to i32
      %cond3A_269 = arith.constant 0 : i32
      %cond3A_270 = arith.cmpi ne, %convert_element_type3A_268, %cond3A_269 : i32
      scf.if %cond3A_270 {
        %get3A = arith.constant 48 : index
        %get3A_272 = tpu.vector_load %arg17[%get3A] {strides = array<i32>} : memref<64xi32, #tpu.memory_space<vmem>>, vector<16xi32>,
        %get3A_273 = arith.constant 48 : index
        %get3A_274 = tpu.vector_load %arg18[%get3A_273] {strides = array<i32>} : memref<64xi32, #tpu.memory_space<vmem>>, vector<16xi32>,
        %ge3A = arith.constant 0 : i32
        %ge3A_275 = vector.broadcast %ge3A : i32 to vector<16xi32>
        %ge3A_276 = arith.cmpi sge, %get3A_274, %ge3A_275 : vector<16xi32>
        %sub3A_277 = vector.broadcast %multiple_of3A_227 : i32 to vector<16xi32>
        %sub3A_278 = arith.subi %get3A_274, %sub3A_277 : vector<16xi32>
        %max3A = arith.constant 0 : i32
        %max3A_279 = vector.broadcast %max3A : i32 to vector<16xi32>
        %max3A_280 = arith.maxsi %sub3A_278, %max3A_279 : vector<16xi32>
        %scan3A_281 = arith.constant 0 : i32
        %scan3A_282 = arith.constant 0 : i32
        %scan3A_283 = arith.constant 64 : i32
        %scan3A_284 = arith.addi %scan3A_282, %scan3A_283 : i32
        %scan3A_285 = arith.constant 8 : i32
        %scan3A_286 = scf.for %scan3A_291 = %scan3A_282 to %scan3A_284 step %scan3A_285 iter_args(%scan3A_292 = %scan3A_281) -> (i32)  : i32 {
          %broadcast_in_dim3A_293 = vector.broadcast %scan3A_291 : i32 to vector<16xi32>
          %gather3A = tpu.vector_load_idx %arg16[%broadcast_in_dim3A_293, %max3A_280] : memref<64x640xf32, #tpu.memory_space<vmem>>[vector<16xi32>, vector<16xi32>], vector<16xf32>,
          tpu.vector_store_idx %arg20[%iota3A, %broadcast_in_dim3A_293], %gather3A masked %ge3A_276 : memref<16x128xf32, #tpu.memory_space<vmem>>[vector<16xi32>, vector<16xi32>], vector<16xf32>, vector<16xi1>
          %scan3A_294 = arith.constant 0 : i32
          %scan3A_295 = arith.constant 1 : i32
          %scan3A_296 = arith.addi %scan3A_291, %scan3A_295 : i32
          %broadcast_in_dim3A_297 = vector.broadcast %scan3A_296 : i32 to vector<16xi32>
          %gather3A_298 = tpu.vector_load_idx %arg16[%broadcast_in_dim3A_297, %max3A_280] : memref<64x640xf32, #tpu.memory_space<vmem>>[vector<16xi32>, vector<16xi32>], vector<16xf32>,
          tpu.vector_store_idx %arg20[%iota3A, %broadcast_in_dim3A_297], %gather3A_298 masked %ge3A_276 : memref<16x128xf32, #tpu.memory_space<vmem>>[vector<16xi32>, vector<16xi32>], vector<16xf32>, vector<16xi1>
          %scan3A_299 = arith.constant 0 : i32
          %scan3A_300 = arith.constant 2 : i32
          %scan3A_301 = arith.addi %scan3A_291, %scan3A_300 : i32
          %broadcast_in_dim3A_302 = vector.broadcast %scan3A_301 : i32 to vector<16xi32>
          %gather3A_303 = tpu.vector_load_idx %arg16[%broadcast_in_dim3A_302, %max3A_280] : memref<64x640xf32, #tpu.memory_space<vmem>>[vector<16xi32>, vector<16xi32>], vector<16xf32>,
          tpu.vector_store_idx %arg20[%iota3A, %broadcast_in_dim3A_302], %gather3A_303 masked %ge3A_276 : memref<16x128xf32, #tpu.memory_space<vmem>>[vector<16xi32>, vector<16xi32>], vector<16xf32>, vector<16xi1>
          %scan3A_304 = arith.constant 0 : i32
          %scan3A_305 = arith.constant 3 : i32
          %scan3A_306 = arith.addi %scan3A_291, %scan3A_305 : i32
          %broadcast_in_dim3A_307 = vector.broadcast %scan3A_306 : i32 to vector<16xi32>
          %gather3A_308 = tpu.vector_load_idx %arg16[%broadcast_in_dim3A_307, %max3A_280] : memref<64x640xf32, #tpu.memory_space<vmem>>[vector<16xi32>, vector<16xi32>], vector<16xf32>,
          tpu.vector_store_idx %arg20[%iota3A, %broadcast_in_dim3A_307], %gather3A_308 masked %ge3A_276 : memref<16x128xf32, #tpu.memory_space<vmem>>[vector<16xi32>, vector<16xi32>], vector<16xf32>, vector<16xi1>
          %scan3A_309 = arith.constant 0 : i32
          %scan3A_310 = arith.constant 4 : i32
          %scan3A_311 = arith.addi %scan3A_291, %scan3A_310 : i32
          %broadcast_in_dim3A_312 = vector.broadcast %scan3A_311 : i32 to vector<16xi32>
          %gather3A_313 = tpu.vector_load_idx %arg16[%broadcast_in_dim3A_312, %max3A_280] : memref<64x640xf32, #tpu.memory_space<vmem>>[vector<16xi32>, vector<16xi32>], vector<16xf32>,
          tpu.vector_store_idx %arg20[%iota3A, %broadcast_in_dim3A_312], %gather3A_313 masked %ge3A_276 : memref<16x128xf32, #tpu.memory_space<vmem>>[vector<16xi32>, vector<16xi32>], vector<16xf32>, vector<16xi1>
          %scan3A_314 = arith.constant 0 : i32
          %scan3A_315 = arith.constant 5 : i32
          %scan3A_316 = arith.addi %scan3A_291, %scan3A_315 : i32
          %broadcast_in_dim3A_317 = vector.broadcast %scan3A_316 : i32 to vector<16xi32>
          %gather3A_318 = tpu.vector_load_idx %arg16[%broadcast_in_dim3A_317, %max3A_280] : memref<64x640xf32, #tpu.memory_space<vmem>>[vector<16xi32>, vector<16xi32>], vector<16xf32>,
          tpu.vector_store_idx %arg20[%iota3A, %broadcast_in_dim3A_317], %gather3A_318 masked %ge3A_276 : memref<16x128xf32, #tpu.memory_space<vmem>>[vector<16xi32>, vector<16xi32>], vector<16xf32>, vector<16xi1>
          %scan3A_319 = arith.constant 0 : i32
          %scan3A_320 = arith.constant 6 : i32
          %scan3A_321 = arith.addi %scan3A_291, %scan3A_320 : i32
          %broadcast_in_dim3A_322 = vector.broadcast %scan3A_321 : i32 to vector<16xi32>
          %gather3A_323 = tpu.vector_load_idx %arg16[%broadcast_in_dim3A_322, %max3A_280] : memref<64x640xf32, #tpu.memory_space<vmem>>[vector<16xi32>, vector<16xi32>], vector<16xf32>,
          tpu.vector_store_idx %arg20[%iota3A, %broadcast_in_dim3A_322], %gather3A_323 masked %ge3A_276 : memref<16x128xf32, #tpu.memory_space<vmem>>[vector<16xi32>, vector<16xi32>], vector<16xf32>, vector<16xi1>
          %scan3A_324 = arith.constant 0 : i32
          %scan3A_325 = arith.constant 7 : i32
          %scan3A_326 = arith.addi %scan3A_291, %scan3A_325 : i32
          %broadcast_in_dim3A_327 = vector.broadcast %scan3A_326 : i32 to vector<16xi32>
          %gather3A_328 = tpu.vector_load_idx %arg16[%broadcast_in_dim3A_327, %max3A_280] : memref<64x640xf32, #tpu.memory_space<vmem>>[vector<16xi32>, vector<16xi32>], vector<16xf32>,
          tpu.vector_store_idx %arg20[%iota3A, %broadcast_in_dim3A_327], %gather3A_328 masked %ge3A_276 : memref<16x128xf32, #tpu.memory_space<vmem>>[vector<16xi32>, vector<16xi32>], vector<16xf32>, vector<16xi1>
          %scan3A_329 = arith.constant 0 : i32
          scf.yield %scan3A_329 : i32
        }
        %scan3A_287 = arith.constant 64 : i32
        %select_n3A_288 = arith.select %ge3A_276, %get3A_272, %broadcast_in_dim3A_13 : vector<16xi1>, vector<16xi32>
        %swap3A_289 = arith.constant 0 : index
        %swap3A_290 = tpu.vector_load %arg19[%swap3A_289] {strides = array<i32>} : memref<16xi32, #tpu.memory_space<vmem>>, vector<16xi32>,
        tpu.vector_store %arg19[%swap3A_289], %select_n3A_288 {strides = array<i32>} : memref<16xi32, #tpu.memory_space<vmem>>, vector<16xi32>,
        "tpu.region"() ({
          %run_scoped3A = tpu.sem_alloc : memref<!tpu.dma_semaphore, #tpu.memory_space<semaphore_mem>>
          %dma_start3A_291 = arith.constant 0 : i32
          %dma_start3A_292 = arith.constant 0 : i32
          %dma_start3A_293 = tpu.memref_slice %arg9[%dma_start3A_291, %dma_start3A_292] : memref<16896x128xf32, #tpu.memory_space<hbm>> -> memref<16896x128xf32, #tpu.memory_space<hbm>>
          tpu.enqueue_indirect_dma source(%arg20 : memref<16x128xf32, #tpu.memory_space<vmem>>) target(%dma_start3A_293 : memref<16896x128xf32, #tpu.memory_space<hbm>>) offsets(%arg19 : memref<16xi32, #tpu.memory_space<vmem>>) semaphore(%run_scoped3A : memref<!tpu.dma_semaphore, #tpu.memory_space<semaphore_mem>>)
          %dma_wait3A_294 = arith.constant 0 : i32
          %dma_wait3A_295 = arith.constant 0 : i32
          %dma_wait3A_296 = tpu.memref_slice %arg9[%dma_wait3A_294, %dma_wait3A_295] : memref<16896x128xf32, #tpu.memory_space<hbm>> -> memref<16896x128xf32, #tpu.memory_space<hbm>>
          tpu.wait_indirect_dma semaphore(%run_scoped3A : memref<!tpu.dma_semaphore, #tpu.memory_space<semaphore_mem>>) src(%arg20 : memref<16x128xf32, #tpu.memory_space<vmem>>) dst(%dma_wait3A_296 : memref<16896x128xf32, #tpu.memory_space<hbm>>)
          tpu.yield
        }) : () -> ()
      } else {
      }
      %scan3A_271 = arith.constant 0 : i32
      scf.yield %scan3A_271 : i32
    }
    %scan3A_131 = arith.constant 49 : i32
    %convert_element_type3A = arith.extui %eq3A_10 : i1 to i32
    %cond3A = arith.constant 0 : i32
    %cond3A_132 = arith.cmpi ne, %convert_element_type3A, %cond3A : i32
    scf.if %cond3A_132 {
      "tpu.region"() ({
        %run_scoped3A = tpu.sem_alloc : memref<!tpu.dma_semaphore, #tpu.memory_space<semaphore_mem>>
        tpu.enqueue_dma source(%arg6 : memref<64x128xf32, #tpu.memory_space<hbm>>) target(%arg21 : memref<64x128xf32, #tpu.memory_space<vmem>>) target_semaphore(%run_scoped3A : memref<!tpu.dma_semaphore, #tpu.memory_space<semaphore_mem>>)
        tpu.wait_dma2 semaphore(%run_scoped3A : memref<!tpu.dma_semaphore, #tpu.memory_space<semaphore_mem>>) src(%arg6 : memref<64x128xf32, #tpu.memory_space<hbm>>) dst(%arg21 : memref<64x128xf32, #tpu.memory_space<vmem>>)
        tpu.yield
      }) : () -> ()
      %swap3A = arith.constant 0 : index
      %swap3A_133 = tpu.vector_load %arg17[%swap3A] {strides = array<i32>} : memref<64xi32, #tpu.memory_space<vmem>>, vector<16xi32>,
      tpu.vector_store %arg17[%swap3A], %broadcast_in_dim3A_13 {strides = array<i32>} : memref<64xi32, #tpu.memory_space<vmem>>, vector<16xi32>,
      %swap3A_134 = arith.constant 0 : index
      %swap3A_135 = tpu.vector_load %arg18[%swap3A_134] {strides = array<i32>} : memref<64xi32, #tpu.memory_space<vmem>>, vector<16xi32>,
      tpu.vector_store %arg18[%swap3A_134], %broadcast_in_dim3A_11 {strides = array<i32>} : memref<64xi32, #tpu.memory_space<vmem>>, vector<16xi32>,
      %scan3A_136 = arith.constant 0 : i32
      %scan3A_137 = arith.constant 0 : i32
      %scan3A_138 = arith.constant 64 : i32
      %scan3A_139 = arith.addi %scan3A_137, %scan3A_138 : i32
      %scan3A_140 = arith.constant 1 : i32
      %scan3A_141 = scf.for %scan3A_163 = %scan3A_137 to %scan3A_139 step %scan3A_140 iter_args(%scan3A_164 = %scan3A_136) -> (i32)  : i32 {
        %mul3A_165 = arith.constant 16 : i32
        %mul3A_166 = arith.muli %scan3A_163, %mul3A_165 : i32
        %lt3A = arith.cmpi slt, %mul3A_166, %scan3A_67 : i32
        %convert_element_type3A_167 = arith.extui %lt3A : i1 to i32
        %cond3A_168 = arith.constant 0 : i32
        %cond3A_169 = arith.cmpi ne, %convert_element_type3A_167, %cond3A_168 : i32
        %cond3A_170 = scf.if %cond3A_169 -> (i32) {
          %mul3A_171 = arith.constant 16 : i32
          %mul3A_172 = arith.muli %scan3A_163, %mul3A_171 : i32
          %get3A = arith.index_cast %mul3A_172 : i32 to index
          %get3A_173 = tpu.vector_load %arg12[%get3A] {strides = array<i32>} : memref<1024xi32, #tpu.memory_space<vmem>>, vector<16xi32>,
          %ge3A = arith.constant 999936 : i32
          %ge3A_174 = vector.broadcast %ge3A : i32 to vector<16xi32>
          %ge3A_175 = arith.cmpi sge, %get3A_173, %ge3A_174 : vector<16xi32>
          %get3A_176 = arith.index_cast %mul3A_172 : i32 to index
          %get3A_177 = tpu.vector_load %arg11[%get3A_176] {strides = array<i32>} : memref<1024xi32, #tpu.memory_space<vmem>>, vector<16xi32>,
          %swap3A_178 = arith.index_cast %scan3A_164 : i32 to index
          %swap3A_179 = tpu.vector_load %arg17[%swap3A_178] masked %ge3A_175 {strides = array<i32>} : memref<64xi32, #tpu.memory_space<vmem>>, vector<16xi32>, vector<16xi1>
          tpu.vector_store %arg17[%swap3A_178], %get3A_177 masked %ge3A_175 {strides = array<i32>} : memref<64xi32, #tpu.memory_space<vmem>>, vector<16xi32>, vector<16xi1>
          %swap3A_180 = arith.index_cast %scan3A_164 : i32 to index
          %swap3A_181 = tpu.vector_load %arg18[%swap3A_180] masked %ge3A_175 {strides = array<i32>} : memref<64xi32, #tpu.memory_space<vmem>>, vector<16xi32>, vector<16xi1>
          tpu.vector_store %arg18[%swap3A_180], %get3A_173 masked %ge3A_175 {strides = array<i32>} : memref<64xi32, #tpu.memory_space<vmem>>, vector<16xi32>, vector<16xi1>
          %all_reduce_population_count3A = tpu.all_reduce %ge3A_175 {dim = 0 : i64, kind = #tpu.reduction_kind<sum>} : vector<16xi1> -> vector<16xi32>
          %slice3A = vector.extract_strided_slice %all_reduce_population_count3A {offsets = [0], sizes = [1], strides = [1]} : vector<16xi32> to vector<1xi32>
          %squeeze3A = vector.extract %slice3A[0] : i32 from vector<1xi32>
          %add3A_182 = arith.addi %scan3A_164, %squeeze3A : i32
          scf.yield %add3A_182 : i32
        } else {
          scf.yield %scan3A_164 : i32
        }
        scf.yield %cond3A_170 : i32
      }
      %scan3A_142 = arith.constant 64 : i32
      %gt3A = arith.constant 0 : i32
      %gt3A_143 = arith.cmpi sgt, %scan3A_141, %gt3A : i32
      %convert_element_type3A_144 = arith.extui %gt3A_143 : i1 to i32
      %cond3A_145 = arith.constant 0 : i32
      %cond3A_146 = arith.cmpi ne, %convert_element_type3A_144, %cond3A_145 : i32
      scf.if %cond3A_146 {
        %get3A = arith.constant 0 : index
        %get3A_163 = tpu.vector_load %arg17[%get3A] {strides = array<i32>} : memref<64xi32, #tpu.memory_space<vmem>>, vector<16xi32>,
        %get3A_164 = arith.constant 0 : index
        %get3A_165 = tpu.vector_load %arg18[%get3A_164] {strides = array<i32>} : memref<64xi32, #tpu.memory_space<vmem>>, vector<16xi32>,
        %ge3A = arith.constant 0 : i32
        %ge3A_166 = vector.broadcast %ge3A : i32 to vector<16xi32>
        %ge3A_167 = arith.cmpi sge, %get3A_165, %ge3A_166 : vector<16xi32>
        %sub3A_168 = arith.constant 999936 : i32
        %sub3A_169 = vector.broadcast %sub3A_168 : i32 to vector<16xi32>
        %sub3A_170 = arith.subi %get3A_165, %sub3A_169 : vector<16xi32>
        %max3A = arith.constant 0 : i32
        %max3A_171 = vector.broadcast %max3A : i32 to vector<16xi32>
        %max3A_172 = arith.maxsi %sub3A_170, %max3A_171 : vector<16xi32>
        %scan3A_173 = arith.constant 0 : i32
        %scan3A_174 = arith.constant 0 : i32
        %scan3A_175 = arith.constant 64 : i32
        %scan3A_176 = arith.addi %scan3A_174, %scan3A_175 : i32
        %scan3A_177 = arith.constant 8 : i32
        %scan3A_178 = scf.for %scan3A_183 = %scan3A_174 to %scan3A_176 step %scan3A_177 iter_args(%scan3A_184 = %scan3A_173) -> (i32)  : i32 {
          %broadcast_in_dim3A_185 = vector.broadcast %scan3A_183 : i32 to vector<16xi32>
          %gather3A = tpu.vector_load_idx %arg21[%broadcast_in_dim3A_185, %max3A_172] : memref<64x128xf32, #tpu.memory_space<vmem>>[vector<16xi32>, vector<16xi32>], vector<16xf32>,
          tpu.vector_store_idx %arg20[%iota3A, %broadcast_in_dim3A_185], %gather3A masked %ge3A_167 : memref<16x128xf32, #tpu.memory_space<vmem>>[vector<16xi32>, vector<16xi32>], vector<16xf32>, vector<16xi1>
          %scan3A_186 = arith.constant 0 : i32
          %scan3A_187 = arith.constant 1 : i32
          %scan3A_188 = arith.addi %scan3A_183, %scan3A_187 : i32
          %broadcast_in_dim3A_189 = vector.broadcast %scan3A_188 : i32 to vector<16xi32>
          %gather3A_190 = tpu.vector_load_idx %arg21[%broadcast_in_dim3A_189, %max3A_172] : memref<64x128xf32, #tpu.memory_space<vmem>>[vector<16xi32>, vector<16xi32>], vector<16xf32>,
          tpu.vector_store_idx %arg20[%iota3A, %broadcast_in_dim3A_189], %gather3A_190 masked %ge3A_167 : memref<16x128xf32, #tpu.memory_space<vmem>>[vector<16xi32>, vector<16xi32>], vector<16xf32>, vector<16xi1>
          %scan3A_191 = arith.constant 0 : i32
          %scan3A_192 = arith.constant 2 : i32
          %scan3A_193 = arith.addi %scan3A_183, %scan3A_192 : i32
          %broadcast_in_dim3A_194 = vector.broadcast %scan3A_193 : i32 to vector<16xi32>
          %gather3A_195 = tpu.vector_load_idx %arg21[%broadcast_in_dim3A_194, %max3A_172] : memref<64x128xf32, #tpu.memory_space<vmem>>[vector<16xi32>, vector<16xi32>], vector<16xf32>,
          tpu.vector_store_idx %arg20[%iota3A, %broadcast_in_dim3A_194], %gather3A_195 masked %ge3A_167 : memref<16x128xf32, #tpu.memory_space<vmem>>[vector<16xi32>, vector<16xi32>], vector<16xf32>, vector<16xi1>
          %scan3A_196 = arith.constant 0 : i32
          %scan3A_197 = arith.constant 3 : i32
          %scan3A_198 = arith.addi %scan3A_183, %scan3A_197 : i32
          %broadcast_in_dim3A_199 = vector.broadcast %scan3A_198 : i32 to vector<16xi32>
          %gather3A_200 = tpu.vector_load_idx %arg21[%broadcast_in_dim3A_199, %max3A_172] : memref<64x128xf32, #tpu.memory_space<vmem>>[vector<16xi32>, vector<16xi32>], vector<16xf32>,
          tpu.vector_store_idx %arg20[%iota3A, %broadcast_in_dim3A_199], %gather3A_200 masked %ge3A_167 : memref<16x128xf32, #tpu.memory_space<vmem>>[vector<16xi32>, vector<16xi32>], vector<16xf32>, vector<16xi1>
          %scan3A_201 = arith.constant 0 : i32
          %scan3A_202 = arith.constant 4 : i32
          %scan3A_203 = arith.addi %scan3A_183, %scan3A_202 : i32
          %broadcast_in_dim3A_204 = vector.broadcast %scan3A_203 : i32 to vector<16xi32>
          %gather3A_205 = tpu.vector_load_idx %arg21[%broadcast_in_dim3A_204, %max3A_172] : memref<64x128xf32, #tpu.memory_space<vmem>>[vector<16xi32>, vector<16xi32>], vector<16xf32>,
          tpu.vector_store_idx %arg20[%iota3A, %broadcast_in_dim3A_204], %gather3A_205 masked %ge3A_167 : memref<16x128xf32, #tpu.memory_space<vmem>>[vector<16xi32>, vector<16xi32>], vector<16xf32>, vector<16xi1>
          %scan3A_206 = arith.constant 0 : i32
          %scan3A_207 = arith.constant 5 : i32
          %scan3A_208 = arith.addi %scan3A_183, %scan3A_207 : i32
          %broadcast_in_dim3A_209 = vector.broadcast %scan3A_208 : i32 to vector<16xi32>
          %gather3A_210 = tpu.vector_load_idx %arg21[%broadcast_in_dim3A_209, %max3A_172] : memref<64x128xf32, #tpu.memory_space<vmem>>[vector<16xi32>, vector<16xi32>], vector<16xf32>,
          tpu.vector_store_idx %arg20[%iota3A, %broadcast_in_dim3A_209], %gather3A_210 masked %ge3A_167 : memref<16x128xf32, #tpu.memory_space<vmem>>[vector<16xi32>, vector<16xi32>], vector<16xf32>, vector<16xi1>
          %scan3A_211 = arith.constant 0 : i32
          %scan3A_212 = arith.constant 6 : i32
          %scan3A_213 = arith.addi %scan3A_183, %scan3A_212 : i32
          %broadcast_in_dim3A_214 = vector.broadcast %scan3A_213 : i32 to vector<16xi32>
          %gather3A_215 = tpu.vector_load_idx %arg21[%broadcast_in_dim3A_214, %max3A_172] : memref<64x128xf32, #tpu.memory_space<vmem>>[vector<16xi32>, vector<16xi32>], vector<16xf32>,
          tpu.vector_store_idx %arg20[%iota3A, %broadcast_in_dim3A_214], %gather3A_215 masked %ge3A_167 : memref<16x128xf32, #tpu.memory_space<vmem>>[vector<16xi32>, vector<16xi32>], vector<16xf32>, vector<16xi1>
          %scan3A_216 = arith.constant 0 : i32
          %scan3A_217 = arith.constant 7 : i32
          %scan3A_218 = arith.addi %scan3A_183, %scan3A_217 : i32
          %broadcast_in_dim3A_219 = vector.broadcast %scan3A_218 : i32 to vector<16xi32>
          %gather3A_220 = tpu.vector_load_idx %arg21[%broadcast_in_dim3A_219, %max3A_172] : memref<64x128xf32, #tpu.memory_space<vmem>>[vector<16xi32>, vector<16xi32>], vector<16xf32>,
          tpu.vector_store_idx %arg20[%iota3A, %broadcast_in_dim3A_219], %gather3A_220 masked %ge3A_167 : memref<16x128xf32, #tpu.memory_space<vmem>>[vector<16xi32>, vector<16xi32>], vector<16xf32>, vector<16xi1>
          %scan3A_221 = arith.constant 0 : i32
          scf.yield %scan3A_221 : i32
        }
        %scan3A_179 = arith.constant 64 : i32
        %select_n3A_180 = arith.select %ge3A_167, %get3A_163, %broadcast_in_dim3A_13 : vector<16xi1>, vector<16xi32>
        %swap3A_181 = arith.constant 0 : index
        %swap3A_182 = tpu.vector_load %arg19[%swap3A_181] {strides = array<i32>} : memref<16xi32, #tpu.memory_space<vmem>>, vector<16xi32>,
        tpu.vector_store %arg19[%swap3A_181], %select_n3A_180 {strides = array<i32>} : memref<16xi32, #tpu.memory_space<vmem>>, vector<16xi32>,
        "tpu.region"() ({
          %run_scoped3A = tpu.sem_alloc : memref<!tpu.dma_semaphore, #tpu.memory_space<semaphore_mem>>
          %dma_start3A_183 = arith.constant 0 : i32
          %dma_start3A_184 = arith.constant 0 : i32
          %dma_start3A_185 = tpu.memref_slice %arg8[%dma_start3A_183, %dma_start3A_184] : memref<16896x128xf32, #tpu.memory_space<hbm>> -> memref<16896x128xf32, #tpu.memory_space<hbm>>
          tpu.enqueue_indirect_dma source(%arg20 : memref<16x128xf32, #tpu.memory_space<vmem>>) target(%dma_start3A_185 : memref<16896x128xf32, #tpu.memory_space<hbm>>) offsets(%arg19 : memref<16xi32, #tpu.memory_space<vmem>>) semaphore(%run_scoped3A : memref<!tpu.dma_semaphore, #tpu.memory_space<semaphore_mem>>)
          %dma_wait3A = arith.constant 0 : i32
          %dma_wait3A_186 = arith.constant 0 : i32
          %dma_wait3A_187 = tpu.memref_slice %arg8[%dma_wait3A, %dma_wait3A_186] : memref<16896x128xf32, #tpu.memory_space<hbm>> -> memref<16896x128xf32, #tpu.memory_space<hbm>>
          tpu.wait_indirect_dma semaphore(%run_scoped3A : memref<!tpu.dma_semaphore, #tpu.memory_space<semaphore_mem>>) src(%arg20 : memref<16x128xf32, #tpu.memory_space<vmem>>) dst(%dma_wait3A_187 : memref<16896x128xf32, #tpu.memory_space<hbm>>)
          tpu.yield
        }) : () -> ()
      } else {
      }
      "tpu.region"() ({
        %run_scoped3A = tpu.sem_alloc : memref<!tpu.dma_semaphore, #tpu.memory_space<semaphore_mem>>
        tpu.enqueue_dma source(%arg7 : memref<64x128xf32, #tpu.memory_space<hbm>>) target(%arg21 : memref<64x128xf32, #tpu.memory_space<vmem>>) target_semaphore(%run_scoped3A : memref<!tpu.dma_semaphore, #tpu.memory_space<semaphore_mem>>)
        tpu.wait_dma2 semaphore(%run_scoped3A : memref<!tpu.dma_semaphore, #tpu.memory_space<semaphore_mem>>) src(%arg7 : memref<64x128xf32, #tpu.memory_space<hbm>>) dst(%arg21 : memref<64x128xf32, #tpu.memory_space<vmem>>)
        tpu.yield
      }) : () -> ()
      %swap3A_147 = arith.constant 0 : index
      %swap3A_148 = tpu.vector_load %arg17[%swap3A_147] {strides = array<i32>} : memref<64xi32, #tpu.memory_space<vmem>>, vector<16xi32>,
      tpu.vector_store %arg17[%swap3A_147], %broadcast_in_dim3A_13 {strides = array<i32>} : memref<64xi32, #tpu.memory_space<vmem>>, vector<16xi32>,
      %swap3A_149 = arith.constant 0 : index
      %swap3A_150 = tpu.vector_load %arg18[%swap3A_149] {strides = array<i32>} : memref<64xi32, #tpu.memory_space<vmem>>, vector<16xi32>,
      tpu.vector_store %arg18[%swap3A_149], %broadcast_in_dim3A_11 {strides = array<i32>} : memref<64xi32, #tpu.memory_space<vmem>>, vector<16xi32>,
      %scan3A_151 = arith.constant 0 : i32
      %scan3A_152 = arith.constant 0 : i32
      %scan3A_153 = arith.constant 64 : i32
      %scan3A_154 = arith.addi %scan3A_152, %scan3A_153 : i32
      %scan3A_155 = arith.constant 1 : i32
      %scan3A_156 = scf.for %scan3A_163 = %scan3A_152 to %scan3A_154 step %scan3A_155 iter_args(%scan3A_164 = %scan3A_151) -> (i32)  : i32 {
        %mul3A_165 = arith.constant 16 : i32
        %mul3A_166 = arith.muli %scan3A_163, %mul3A_165 : i32
        %lt3A = arith.cmpi slt, %mul3A_166, %scan3A_116 : i32
        %convert_element_type3A_167 = arith.extui %lt3A : i1 to i32
        %cond3A_168 = arith.constant 0 : i32
        %cond3A_169 = arith.cmpi ne, %convert_element_type3A_167, %cond3A_168 : i32
        %cond3A_170 = scf.if %cond3A_169 -> (i32) {
          %mul3A_171 = arith.constant 16 : i32
          %mul3A_172 = arith.muli %scan3A_163, %mul3A_171 : i32
          %get3A = arith.index_cast %mul3A_172 : i32 to index
          %get3A_173 = tpu.vector_load %arg14[%get3A] {strides = array<i32>} : memref<1024xi32, #tpu.memory_space<vmem>>, vector<16xi32>,
          %ge3A = arith.constant 999936 : i32
          %ge3A_174 = vector.broadcast %ge3A : i32 to vector<16xi32>
          %ge3A_175 = arith.cmpi sge, %get3A_173, %ge3A_174 : vector<16xi32>
          %get3A_176 = arith.index_cast %mul3A_172 : i32 to index
          %get3A_177 = tpu.vector_load %arg13[%get3A_176] {strides = array<i32>} : memref<1024xi32, #tpu.memory_space<vmem>>, vector<16xi32>,
          %swap3A_178 = arith.index_cast %scan3A_164 : i32 to index
          %swap3A_179 = tpu.vector_load %arg17[%swap3A_178] masked %ge3A_175 {strides = array<i32>} : memref<64xi32, #tpu.memory_space<vmem>>, vector<16xi32>, vector<16xi1>
          tpu.vector_store %arg17[%swap3A_178], %get3A_177 masked %ge3A_175 {strides = array<i32>} : memref<64xi32, #tpu.memory_space<vmem>>, vector<16xi32>, vector<16xi1>
          %swap3A_180 = arith.index_cast %scan3A_164 : i32 to index
          %swap3A_181 = tpu.vector_load %arg18[%swap3A_180] masked %ge3A_175 {strides = array<i32>} : memref<64xi32, #tpu.memory_space<vmem>>, vector<16xi32>, vector<16xi1>
          tpu.vector_store %arg18[%swap3A_180], %get3A_173 masked %ge3A_175 {strides = array<i32>} : memref<64xi32, #tpu.memory_space<vmem>>, vector<16xi32>, vector<16xi1>
          %all_reduce_population_count3A = tpu.all_reduce %ge3A_175 {dim = 0 : i64, kind = #tpu.reduction_kind<sum>} : vector<16xi1> -> vector<16xi32>
          %slice3A = vector.extract_strided_slice %all_reduce_population_count3A {offsets = [0], sizes = [1], strides = [1]} : vector<16xi32> to vector<1xi32>
          %squeeze3A = vector.extract %slice3A[0] : i32 from vector<1xi32>
          %add3A_182 = arith.addi %scan3A_164, %squeeze3A : i32
          scf.yield %add3A_182 : i32
        } else {
          scf.yield %scan3A_164 : i32
        }
        scf.yield %cond3A_170 : i32
      }
      %scan3A_157 = arith.constant 64 : i32
      %gt3A_158 = arith.constant 0 : i32
      %gt3A_159 = arith.cmpi sgt, %scan3A_156, %gt3A_158 : i32
      %convert_element_type3A_160 = arith.extui %gt3A_159 : i1 to i32
      %cond3A_161 = arith.constant 0 : i32
      %cond3A_162 = arith.cmpi ne, %convert_element_type3A_160, %cond3A_161 : i32
      scf.if %cond3A_162 {
        %get3A = arith.constant 0 : index
        %get3A_163 = tpu.vector_load %arg17[%get3A] {strides = array<i32>} : memref<64xi32, #tpu.memory_space<vmem>>, vector<16xi32>,
        %get3A_164 = arith.constant 0 : index
        %get3A_165 = tpu.vector_load %arg18[%get3A_164] {strides = array<i32>} : memref<64xi32, #tpu.memory_space<vmem>>, vector<16xi32>,
        %ge3A = arith.constant 0 : i32
        %ge3A_166 = vector.broadcast %ge3A : i32 to vector<16xi32>
        %ge3A_167 = arith.cmpi sge, %get3A_165, %ge3A_166 : vector<16xi32>
        %sub3A_168 = arith.constant 999936 : i32
        %sub3A_169 = vector.broadcast %sub3A_168 : i32 to vector<16xi32>
        %sub3A_170 = arith.subi %get3A_165, %sub3A_169 : vector<16xi32>
        %max3A = arith.constant 0 : i32
        %max3A_171 = vector.broadcast %max3A : i32 to vector<16xi32>
        %max3A_172 = arith.maxsi %sub3A_170, %max3A_171 : vector<16xi32>
        %scan3A_173 = arith.constant 0 : i32
        %scan3A_174 = arith.constant 0 : i32
        %scan3A_175 = arith.constant 64 : i32
        %scan3A_176 = arith.addi %scan3A_174, %scan3A_175 : i32
        %scan3A_177 = arith.constant 8 : i32
        %scan3A_178 = scf.for %scan3A_183 = %scan3A_174 to %scan3A_176 step %scan3A_177 iter_args(%scan3A_184 = %scan3A_173) -> (i32)  : i32 {
          %broadcast_in_dim3A_185 = vector.broadcast %scan3A_183 : i32 to vector<16xi32>
          %gather3A = tpu.vector_load_idx %arg21[%broadcast_in_dim3A_185, %max3A_172] : memref<64x128xf32, #tpu.memory_space<vmem>>[vector<16xi32>, vector<16xi32>], vector<16xf32>,
          tpu.vector_store_idx %arg20[%iota3A, %broadcast_in_dim3A_185], %gather3A masked %ge3A_167 : memref<16x128xf32, #tpu.memory_space<vmem>>[vector<16xi32>, vector<16xi32>], vector<16xf32>, vector<16xi1>
          %scan3A_186 = arith.constant 0 : i32
          %scan3A_187 = arith.constant 1 : i32
          %scan3A_188 = arith.addi %scan3A_183, %scan3A_187 : i32
          %broadcast_in_dim3A_189 = vector.broadcast %scan3A_188 : i32 to vector<16xi32>
          %gather3A_190 = tpu.vector_load_idx %arg21[%broadcast_in_dim3A_189, %max3A_172] : memref<64x128xf32, #tpu.memory_space<vmem>>[vector<16xi32>, vector<16xi32>], vector<16xf32>,
          tpu.vector_store_idx %arg20[%iota3A, %broadcast_in_dim3A_189], %gather3A_190 masked %ge3A_167 : memref<16x128xf32, #tpu.memory_space<vmem>>[vector<16xi32>, vector<16xi32>], vector<16xf32>, vector<16xi1>
          %scan3A_191 = arith.constant 0 : i32
          %scan3A_192 = arith.constant 2 : i32
          %scan3A_193 = arith.addi %scan3A_183, %scan3A_192 : i32
          %broadcast_in_dim3A_194 = vector.broadcast %scan3A_193 : i32 to vector<16xi32>
          %gather3A_195 = tpu.vector_load_idx %arg21[%broadcast_in_dim3A_194, %max3A_172] : memref<64x128xf32, #tpu.memory_space<vmem>>[vector<16xi32>, vector<16xi32>], vector<16xf32>,
          tpu.vector_store_idx %arg20[%iota3A, %broadcast_in_dim3A_194], %gather3A_195 masked %ge3A_167 : memref<16x128xf32, #tpu.memory_space<vmem>>[vector<16xi32>, vector<16xi32>], vector<16xf32>, vector<16xi1>
          %scan3A_196 = arith.constant 0 : i32
          %scan3A_197 = arith.constant 3 : i32
          %scan3A_198 = arith.addi %scan3A_183, %scan3A_197 : i32
          %broadcast_in_dim3A_199 = vector.broadcast %scan3A_198 : i32 to vector<16xi32>
          %gather3A_200 = tpu.vector_load_idx %arg21[%broadcast_in_dim3A_199, %max3A_172] : memref<64x128xf32, #tpu.memory_space<vmem>>[vector<16xi32>, vector<16xi32>], vector<16xf32>,
          tpu.vector_store_idx %arg20[%iota3A, %broadcast_in_dim3A_199], %gather3A_200 masked %ge3A_167 : memref<16x128xf32, #tpu.memory_space<vmem>>[vector<16xi32>, vector<16xi32>], vector<16xf32>, vector<16xi1>
          %scan3A_201 = arith.constant 0 : i32
          %scan3A_202 = arith.constant 4 : i32
          %scan3A_203 = arith.addi %scan3A_183, %scan3A_202 : i32
          %broadcast_in_dim3A_204 = vector.broadcast %scan3A_203 : i32 to vector<16xi32>
          %gather3A_205 = tpu.vector_load_idx %arg21[%broadcast_in_dim3A_204, %max3A_172] : memref<64x128xf32, #tpu.memory_space<vmem>>[vector<16xi32>, vector<16xi32>], vector<16xf32>,
          tpu.vector_store_idx %arg20[%iota3A, %broadcast_in_dim3A_204], %gather3A_205 masked %ge3A_167 : memref<16x128xf32, #tpu.memory_space<vmem>>[vector<16xi32>, vector<16xi32>], vector<16xf32>, vector<16xi1>
          %scan3A_206 = arith.constant 0 : i32
          %scan3A_207 = arith.constant 5 : i32
          %scan3A_208 = arith.addi %scan3A_183, %scan3A_207 : i32
          %broadcast_in_dim3A_209 = vector.broadcast %scan3A_208 : i32 to vector<16xi32>
          %gather3A_210 = tpu.vector_load_idx %arg21[%broadcast_in_dim3A_209, %max3A_172] : memref<64x128xf32, #tpu.memory_space<vmem>>[vector<16xi32>, vector<16xi32>], vector<16xf32>,
          tpu.vector_store_idx %arg20[%iota3A, %broadcast_in_dim3A_209], %gather3A_210 masked %ge3A_167 : memref<16x128xf32, #tpu.memory_space<vmem>>[vector<16xi32>, vector<16xi32>], vector<16xf32>, vector<16xi1>
          %scan3A_211 = arith.constant 0 : i32
          %scan3A_212 = arith.constant 6 : i32
          %scan3A_213 = arith.addi %scan3A_183, %scan3A_212 : i32
          %broadcast_in_dim3A_214 = vector.broadcast %scan3A_213 : i32 to vector<16xi32>
          %gather3A_215 = tpu.vector_load_idx %arg21[%broadcast_in_dim3A_214, %max3A_172] : memref<64x128xf32, #tpu.memory_space<vmem>>[vector<16xi32>, vector<16xi32>], vector<16xf32>,
          tpu.vector_store_idx %arg20[%iota3A, %broadcast_in_dim3A_214], %gather3A_215 masked %ge3A_167 : memref<16x128xf32, #tpu.memory_space<vmem>>[vector<16xi32>, vector<16xi32>], vector<16xf32>, vector<16xi1>
          %scan3A_216 = arith.constant 0 : i32
          %scan3A_217 = arith.constant 7 : i32
          %scan3A_218 = arith.addi %scan3A_183, %scan3A_217 : i32
          %broadcast_in_dim3A_219 = vector.broadcast %scan3A_218 : i32 to vector<16xi32>
          %gather3A_220 = tpu.vector_load_idx %arg21[%broadcast_in_dim3A_219, %max3A_172] : memref<64x128xf32, #tpu.memory_space<vmem>>[vector<16xi32>, vector<16xi32>], vector<16xf32>,
          tpu.vector_store_idx %arg20[%iota3A, %broadcast_in_dim3A_219], %gather3A_220 masked %ge3A_167 : memref<16x128xf32, #tpu.memory_space<vmem>>[vector<16xi32>, vector<16xi32>], vector<16xf32>, vector<16xi1>
          %scan3A_221 = arith.constant 0 : i32
          scf.yield %scan3A_221 : i32
        }
        %scan3A_179 = arith.constant 64 : i32
        %select_n3A_180 = arith.select %ge3A_167, %get3A_163, %broadcast_in_dim3A_13 : vector<16xi1>, vector<16xi32>
        %swap3A_181 = arith.constant 0 : index
        %swap3A_182 = tpu.vector_load %arg19[%swap3A_181] {strides = array<i32>} : memref<16xi32, #tpu.memory_space<vmem>>, vector<16xi32>,
        tpu.vector_store %arg19[%swap3A_181], %select_n3A_180 {strides = array<i32>} : memref<16xi32, #tpu.memory_space<vmem>>, vector<16xi32>,
        "tpu.region"() ({
          %run_scoped3A = tpu.sem_alloc : memref<!tpu.dma_semaphore, #tpu.memory_space<semaphore_mem>>
          %dma_start3A_183 = arith.constant 0 : i32
          %dma_start3A_184 = arith.constant 0 : i32
          %dma_start3A_185 = tpu.memref_slice %arg9[%dma_start3A_183, %dma_start3A_184] : memref<16896x128xf32, #tpu.memory_space<hbm>> -> memref<16896x128xf32, #tpu.memory_space<hbm>>
          tpu.enqueue_indirect_dma source(%arg20 : memref<16x128xf32, #tpu.memory_space<vmem>>) target(%dma_start3A_185 : memref<16896x128xf32, #tpu.memory_space<hbm>>) offsets(%arg19 : memref<16xi32, #tpu.memory_space<vmem>>) semaphore(%run_scoped3A : memref<!tpu.dma_semaphore, #tpu.memory_space<semaphore_mem>>)
          %dma_wait3A = arith.constant 0 : i32
          %dma_wait3A_186 = arith.constant 0 : i32
          %dma_wait3A_187 = tpu.memref_slice %arg9[%dma_wait3A, %dma_wait3A_186] : memref<16896x128xf32, #tpu.memory_space<hbm>> -> memref<16896x128xf32, #tpu.memory_space<hbm>>
          tpu.wait_indirect_dma semaphore(%run_scoped3A : memref<!tpu.dma_semaphore, #tpu.memory_space<semaphore_mem>>) src(%arg20 : memref<16x128xf32, #tpu.memory_space<vmem>>) dst(%dma_wait3A_187 : memref<16896x128xf32, #tpu.memory_space<hbm>>)
          tpu.yield
        }) : () -> ()
      } else {
      }
    } else {
    }
    return
  }
}

module attributes {stable_mosaic.version = 14 : i64} {
  func.func @_stage_b(%arg0: i32, %arg1: memref<512x128xf32, #tpu.memory_space<vmem>>, %arg2: memref<512x128xf32, #tpu.memory_space<vmem>>, %arg3: memref<512xf32, #tpu.memory_space<vmem>>) attributes {dimension_semantics = [#tpu.dimension_semantics<arbitrary>], iteration_bounds = array<i64: 33>, scalar_prefetch = 0 : i64, scratch_operands = 0 : i64, tpu.core_type = #tpu.core_type<tc>, window_params = [{transform_indices = @transform_0, window_bounds = array<i64: 512, 128>}, {transform_indices = @transform_1, window_bounds = array<i64: 512, 128>}, {transform_indices = @transform_2, window_bounds = array<i64: 512>}]} {
    %get3A = arith.constant 0 : index
    %get3A_0 = arith.constant 0 : index
    %get3A_1 = vector.load %arg1[%get3A, %get3A_0] : memref<512x128xf32, #tpu.memory_space<vmem>>, vector<512x64xf32>
    %get3A_2 = arith.constant 0 : index
    %get3A_3 = arith.constant 0 : index
    %get3A_4 = vector.load %arg2[%get3A_2, %get3A_3] : memref<512x128xf32, #tpu.memory_space<vmem>>, vector<512x64xf32>
    %mul3A = arith.mulf %get3A_1, %get3A_4 : vector<512x64xf32>
    %reduce_sum3A = arith.constant dense<0.000000e+00> : vector<512xf32>
    %reduce_sum3A_5 = vector.multi_reduction <add>, %mul3A, %reduce_sum3A [1] : vector<512x64xf32> to vector<512xf32>
    %swap3A = arith.constant 0 : index
    %swap3A_6 = vector.load %arg3[%swap3A] : memref<512xf32, #tpu.memory_space<vmem>>, vector<512xf32>
    tpu.vector_store %arg3[%swap3A], %reduce_sum3A_5 {strides = array<i32>} : memref<512xf32, #tpu.memory_space<vmem>>, vector<512xf32>,
    return
  }
  func.func @transform_0(%arg0: i32) -> (i32, i32) {
    %c0_i32 = arith.constant 0 : i32
    %c0_i32_0 = arith.constant 0 : i32
    return %arg0, %c0_i32 : i32, i32
  }
  func.func @transform_1(%arg0: i32) -> (i32, i32) {
    %c0_i32 = arith.constant 0 : i32
    %c0_i32_0 = arith.constant 0 : i32
    return %arg0, %c0_i32 : i32, i32
  }
  func.func @transform_2(%arg0: i32) -> i32 {
    %c0_i32 = arith.constant 0 : i32
    return %arg0 : i32
  }
}

</mosaic_0001>

<sc_bundles>
// kernel: _run.4.cloned.1.call-start
scs
__scs_entry_jumppad:
0x0: {  	(pc) =	sbr.rel $0x88, $3  }
0x1: {  	(tag) =	ssettag $0x0;
	lr =	simm.s32 $0x1  }
0x2: {  	[smem:$0x3F9B] =	sst lr;
	_ =	strace $0xD0000000  }
0x3: {  	_ = 	snop  }
0x4: {  	_ = 	snop  }
0x5: {  	_ = 	snop  }
0x6: {  	_ = 	snop  }
0x7: {  	_ = 	snop  }
__scs_overlays_trampoline_lowered:
0x8: {  	[smem:$0x3FAA] =	sst s0  }
0x9: {  	[smem:$0x3FAB] =	sst s1  }
0xa: {  	[smem:$0x3FAC] =	sst s2  }
0xb: {  	[smem:$0x3FAD] =	sst s3  }
0xc: {  	[smem:$0x3FAE] =	sst s4  }
0xd: {  	[smem:$0x3FAF] =	sst s5  }
0xe: {  	[smem:$0x3FB0] =	sst s6  }
0xf: {  	[smem:$0x3FB1] =	sst s7  }
0x10: {  	[smem:$0x3FB2] =	sst s8  }
0x11: {  	[smem:$0x3FB3] =	sst s9;
	s0 =	simm.s32 @!p0 $0x0  }
0x12: {  	s1 =	sld [smem:$0x3F99];
	s0 =	simm.s32 @p0 $0x1  }
0x13: {  	[smem:$0x3FB4] =	sst s0;
	s0 =	simm.s32 @!p1 $0x0  }
0x14: {  	s2 =	sld [smem:$0x3F98];
	s0 =	simm.s32 @p1 $0x1  }
0x15: {  	[smem:$0x3FB5] =	sst s0;
	s0 =	simm.s32 @!p2 $0x0  }
0x16: {  	s3 =	sld [smem:$0x3FDB];
	s0 =	simm.s32 @p2 $0x1  }
0x17: {  	s4 =	simm.s32 $0x1BF5;
	[smem:$0x3FB7] =	sst s0  }
0x18: {  	s0 =	sld [smem:$0x3F9A];
	_ =	swait.ge [sflag:s4], $0x0  }
0x19: {  	s7 =	sld [smem:$0x3F9B]  }
0x1a: {  	s8 =	sadd.s32 $0xFFFFE003, lr  }
0x1b: {  	s9 =	sadd.s32 $0xFFFFFEF7, lr;
	s5 =	simm.s32 $0xFFFFFFFF;
	p2 =	slt.u32 s8, $0xFFFFF086  }
0x1c: {  	p1 =	slt.u32 s9, $0xF7A;
	s5 =	simm.s32 @!p2 $0x0  }
0x1d: {  	s5 =	simm.s32 @p1 $0x1;
	p0 =	seq.s32 s7, s2  }
0x1e: {  	s7 =	smul.u32 @!p0 $0xF7A, s2;
	p2 =	seq.s32 @!p0 s5, $0x0  }
0x1f: {  	s9 =	smul.u32 $0xF7A, s1;
	s8 =	simm.s32 @!p0 $0x1BF5;
	p2 =	por !p2, p0  }
0x20: {  	[sflag:s8] =	ssyncset.s32 @!p0 $0xFFFFF086;
	s6 =	sadd.s32 @!p0 s3, s7;
	s7 =	simm.s32 @!p0 $0x108  }
0x21: {  	s3 =	sadd.s32 s3, s9;
	s6 =	sadd.s32 @!p0 $0x88, s6;
	s7 =	simm.s32 @p2 $0x1082  }
0x22: {  	[simem:s7], [sflag:s8] =	dma.local @!p0 [hbm:s6], $0xF7A  }
0x23: {  	s9 =	sor.u32 $0xD0000000, s2;
	s6 =	simm.s32 $0x108;
	_ =	swait.ge @!p0 [sflag:s8], $0x0  }
0x24: {  	s3 =	sadd.s32 $0x88, s3;
	s6 =	simm.s32 @!p1 $0x1082;
	[sflag:s4] =	ssyncset.s32 $0xFFFFF086  }
0x25: {  	[simem:s6], [sflag:s4] =	dma.local [hbm:s3], $0xF7A  }
0x26: {  	[smem:$0x3F9B] =	sst s1;
	(tag) =	ssettag s2;
	_ =	strace s9  }
0x27: {  	s1 =	sld [smem:$0x3FAB]  }
0x28: {  	s2 =	sld [smem:$0x3FAC]  }
0x29: {  	s4 =	sld [smem:$0x3FAE]  }
0x2a: {  	p0 =	seq.s32 s5, $0x0;
	s5 =	sld [smem:$0x3FAF]  }
0x2b: {  	s6 =	sld [smem:$0x3FB0]  }
0x2c: {  	s7 =	sld [smem:$0x3FB1]  }
0x2d: {  	s3 =	simm.s32 $0x108;
	s8 =	sld [smem:$0x3FB2]  }
0x2e: {  	s3 =	simm.s32 @!p0 $0x1082;
	s9 =	sld [smem:$0x3FB3]  }
0x2f: {  	lr =	sadd.s32 s0, s3;
	s0 =	sld [smem:$0x3FAA]  }
0x30: {  	s3 =	sld [smem:$0x3FAD]  }
0x31: {  	[smem:$0x3FB6] =	sst s10  }
0x32: {  	s10 =	sld [smem:$0x3FB4];
	_ =	sdelay $0x3  }
0x33: {  	p0 =	seq.s32 s10, $0x1;
	s10 =	sld [smem:$0x3FB6];
	_ =	sdelay $0x3  }
0x34: {  	[smem:$0x3FB6] =	sst s10  }
0x35: {  	s10 =	sld [smem:$0x3FB5];
	_ =	sdelay $0x3  }
0x36: {  	p1 =	seq.s32 s10, $0x1;
	s10 =	sld [smem:$0x3FB6];
	_ =	sdelay $0x3  }
0x37: {  	[smem:$0x3FB6] =	sst s10  }
0x38: {  	s10 =	sld [smem:$0x3FB7]  }
0x39: {  	_ = 	snop;
	(pc) =	sbr.ind lr, $3  }
0x3a: {  	_ = 	snop  }
0x3b: {  	_ = 	snop  }
0x3c: {  	p2 =	seq.s32 s10, $0x1;
	s10 =	sld [smem:$0x3FB6]  }
0x3d: {  	_ =	shalt  }
0x3e: {  	_ =	shalt  }
0x3f: {  	_ =	shalt  }
0x40: {  	_ =	shalt  }
0x41: {  	_ =	shalt  }
0x42: {  	_ =	shalt  }
0x43: {  	_ =	shalt  }
0x44: {  	_ =	shalt  }
0x45: {  	_ =	shalt  }
0x46: {  	_ =	shalt  }
0x47: {  	_ =	shalt  }
0x48: {  	_ =	shalt  }
0x49: {  	_ =	shalt  }
0x4a: {  	_ =	shalt  }
0x4b: {  	_ =	shalt  }
0x4c: {  	_ =	shalt  }
0x4d: {  	_ =	shalt  }
0x4e: {  	_ =	shalt  }
0x4f: {  	_ =	shalt  }
0x50: {  	_ =	shalt  }
0x51: {  	_ =	shalt  }
0x52: {  	_ =	shalt  }
0x53: {  	_ =	shalt  }
0x54: {  	_ =	shalt  }
0x55: {  	_ =	shalt  }
0x56: {  	_ =	shalt  }
0x57: {  	_ =	shalt  }
0x58: {  	_ =	shalt  }
0x59: {  	_ =	shalt  }
0x5a: {  	_ =	shalt  }
0x5b: {  	_ =	shalt  }
0x5c: {  	_ =	shalt  }
0x5d: {  	_ =	shalt  }
0x5e: {  	_ =	shalt  }
0x5f: {  	_ =	shalt  }
0x60: {  	_ =	shalt  }
0x61: {  	_ =	shalt  }
0x62: {  	_ =	shalt  }
0x63: {  	_ =	shalt  }
0x64: {  	_ =	shalt  }
0x65: {  	_ =	shalt  }
0x66: {  	_ =	shalt  }
0x67: {  	_ =	shalt  }
0x68: {  	_ =	shalt  }
0x69: {  	_ =	shalt  }
0x6a: {  	_ =	shalt  }
0x6b: {  	_ =	shalt  }
0x6c: {  	_ =	shalt  }
0x6d: {  	_ =	shalt  }
0x6e: {  	_ =	shalt  }
0x6f: {  	_ =	shalt  }
0x70: {  	_ =	shalt  }
0x71: {  	_ =	shalt  }
0x72: {  	_ =	shalt  }
0x73: {  	_ =	shalt  }
0x74: {  	_ =	shalt  }
0x75: {  	_ =	shalt  }
0x76: {  	_ =	shalt  }
0x77: {  	_ =	shalt  }
0x78: {  	_ =	shalt  }
0x79: {  	_ =	shalt  }
0x7a: {  	_ =	shalt  }
0x7b: {  	_ =	shalt  }
0x7c: {  	_ =	shalt  }
0x7d: {  	_ =	shalt  }
0x7e: {  	_ =	shalt  }
0x7f: {  	_ =	shalt  }
0x80: {  	_ =	shalt  }
0x81: {  	_ =	shalt  }
0x82: {  	_ =	shalt  }
0x83: {  	_ =	shalt  }
0x84: {  	_ =	shalt  }
0x85: {  	_ =	shalt  }
0x86: {  	_ =	shalt  }
0x87: {  	_ =	shalt  }
.Lfunc_end0:
.L_simem_size_0:
called_computation_lowered:
.L_overlay_start_0:
0x88: {  	s2 =	sld [smem:$0x3FD9]  }
0x89: {  	s3 =	sld [smem:$0x3FFE];
	_ =	sdelay $0x1  }
0x8a: {  	s1 =	srdreg.scid  }
0x8b: {  	s0 =	sand.u32 $0x1, s1  }
0x8c: {  	s17 =	sshll.u32 s0, $0xA;
	s2 =	sadd.s32 s3, s2  }
0x8d: {  	s2 =	sadd.s32 s2, s17  }
0x8e: {  	[smem:$0x3FC2] =	sst s2  }
0x8f: {  	_ = 	snop  }
0x90: {  	s2 =	sld [smem:$0x3FC9]  }
0x91: {  	s18 =	sld [smem:$0x3FC8]  }
0x92: {  	s4 =	sld [smem:$0x3FC7]  }
0x93: {  	s5 =	sld [smem:$0x3FC6]  }
0x94: {  	s6 =	sld [smem:$0x3FC5]  }
0x95: {  	s7 =	sld [smem:$0x3FC4];
	(tm) =	ssettm $0x1  }
0x96: {  	s8 =	sld [smem:$0x3FFB];
	_ =	sdelay $0x3  }
0x97: {  	_ =	strace s8  }
0x98: {  	s8 =	sld [smem:$0x3FFC];
	_ =	sdelay $0x3  }
0x99: {  	_ =	strace s8  }
0x9a: {  	s8 =	sld [smem:$0x3FFD];
	_ =	sdelay $0x3  }
0x9b: {  	_ =	strace s8  }
0x9c: {  	_ =	strace $0x8FFFFFFF  }
0x9d: {  	s19 =	sld [smem:$0x3FDB];
	_ =	sdelay $0x1  }
0x9e: {  	s9 =	simm.s32 $_scs_section_size  }
0x9f: {  	s10 =	simm.s32 $_size__tile_overlayer_lowered;
	s11 =	simm.s32 $_tile_overlayer_lowered  }
0xa0: {  	s22 =	simm.s32 $0x1BFF;
	s21 =	sshll.u32 s11, $0x1;
	s8 =	sadd.s32 s9, s19  }
0xa1: {  	s12 =	simm.s32 $0x0;
	s20 =	sshll.u32 s10, $0x1;
	s10 =	sadd.s32 s21, s8  }
0xa2: {  	[timem:s12], [sflag:s22] =	dma.local [hbm:s10], s20  }
0xa3: {  	_ =	swait.ge [sflag:s22], s20  }
0xa4: {  	s9 =	ssub.s32 $0x0, s20;
	[sflag:s22] =	ssyncset.done $0x0  }
0xa5: {  	[sflag:s22] =	ssyncadd.s32 s9;
	_ =	sdelay $0x1  }
0xa6: {  	s23 =	simm.s32 $0x1B8B  }
0xa7: {  	_ =	swait.ge [sflag:s23], $0x1  }
0xa8: {  	[sflag:s23] =	ssyncset.done $0x0  }
0xa9: {  	s25 =	simm.s32 $0x1B8E;
	s24 =	sld [smem:$0x3FFE];
	[sflag:s23] =	ssyncadd.s32 $0xFFFFFFFF  }
0xaa: {  	s26 =	simm.s32 $execute0_lowered;
	[smem:$0x3FD2] =	sst s25  }
0xab: {  	s10 =	sshll.u32 s26, $0x1;
	_ =	strace $0x80000046;
	[dreg:$0x1] =	wrdreg $0xFFFFFFFF  }
0xac: {  	s28 =	simm.s32 $_size_execute0_lowered;
	s8 =	sadd.s32 s8, s10;
	[dreg:$0x0] =	wrdreg $0x0  }
0xad: {  	s10 =	sshll.u32 s28, $0x1;
	[dreg:$0x2] =	wrdreg s8  }
0xae: {  	[dreg:$0x3] =	wrdreg s10  }
0xaf: {  	[dreg:$0x4] =	wrdreg $0xC0  }
0xb0: {  	_ =	task [dreg:s12], $0x5FFFF  }
0xb1: {  	[dreg:$0x1] =	wrdreg $0xFFFFFFFF  }
0xb2: {  	[dreg:$0x0] =	wrdreg $0x60  }
0xb3: {  	[dreg:$0x2] =	wrdreg s2  }
0xb4: {  	[dreg:$0x3] =	wrdreg s18  }
0xb5: {  	[dreg:$0x4] =	wrdreg s4  }
0xb6: {  	[dreg:$0x5] =	wrdreg s5  }
0xb7: {  	[dreg:$0x6] =	wrdreg s6  }
0xb8: {  	[dreg:$0x7] =	wrdreg s7  }
0xb9: {  	[dreg:$0x8] =	wrdreg s24  }
0xba: {  	[dreg:$0x9] =	wrdreg $0x9  }
0xbb: {  	_ =	task.clear_ibuf [dreg:s12], $0xAFFFF;
	_ =	strace $0x90000046  }
0xbc: {  	s29 =	simm.s32 $0x9;
	_ =	strace $0x80000048  }
0xbd: {  	_ =	swait.ge [sflag:s29], $0x1  }
0xbe: {  	[sflag:s29] =	ssyncadd.s32 $0xFFFFFFFF  }
0xbf: {  	_ =	strace $0x90000048  }
0xc0: {  	_ =	sfence  }
0xc1: {  	s30 =	sld [smem:$0x0];
	_ =	sdelay $0x2  }
0xc2: {  	s31 =	sshll.u32 s1, $0xD;
	s1 =	sshrl.u32 s1, $0x2  }
0xc3: {  	s3 =	sand.u32 $0x4000, s31;
	s1 =	sadd.s32 s1, s30  }
0xc4: {  	s0 =	sor.u32 s3, s0;
	s1 =	sshll.u32 s1, $0x11  }
0xc5: {  	s0 =	sor.u32 s1, s0  }
0xc6: {  	s0 =	sadd.s32 $0x8F2B, s0  }
0xc7: {  	[sflag:s0] =	ssyncadd.remote.s32 $0x1  }
0xc8: {  	_ =	sfence.sel $0xFFFF  }
0xc9: {  	[dreg:$0x0] =	wrdreg $0xFFFFFFFF;
	(pc) =	sbr.abs _section_cstart, $3  }
0xca: {  	[dreg:$0x1] =	wrdreg $0xFFFFFFFF  }
0xcb: {  	_ =	task.clear_ibuf [dreg:s12], $0x2FFFF;
	_ =	strace $0x9FFFFFFF  }
0xcc: {  	(tm) =	ssettm $0x7FFFFFFF  }
0xcd: {  	_ =	shalt  }
tec
execute0_lowered:
.L_overlay_start_1:
0x0: {  	(tag) =	ssettag $0x1  }
0x1: {  	s6 =	rddreg [dreg:$0x0]  }
0x2: {  	s7 =	rddreg [dreg:$0x1]  }
0x3: {  	s3 =	rddreg [dreg:$0x2]  }
0x4: {  	s4 =	rddreg [dreg:$0x3]  }
0x5: {  	s2 =	rddreg [dreg:$0x6];
	s11 =	simm.s32 $0x0  }
0x6: {  	[smem:$0x7FF] =	sst s11;
	s14 =	sadd.s32 $0x100, s6  }
0x7: {  	s15 =	sadd.s32 $0x200, s6;
	_ =	strace $0x80000047;
	[dreg:$0x9] =	wrdreg s14  }
0x8: {  	s16 =	sadd.s32 $0x300, s6;
	[dreg:$0xa] =	wrdreg s15  }
0x9: {  	s17 =	sadd.s32 $0x400, s6;
	[dreg:$0xb] =	wrdreg s16  }
0xa: {  	s0 =	srdreg.scid;
	s18 =	sadd.s32 $0x500, s6;
	[dreg:$0xc] =	wrdreg s17  }
0xb: {  	s1 =	stileid.u32;
	s19 =	sadd.s32 $0x600, s6;
	[dreg:$0xd] =	wrdreg s18  }
0xc: {  	s0 =	sand.u32 $0x1, s0;
	s20 =	sadd.s32 $0x700, s6;
	[dreg:$0xe] =	wrdreg s19  }
0xd: {  	s1 =	sshll.u32 s1, $0x1;
	s21 =	sadd.s32 $0x100, s7;
	[dreg:$0xf] =	wrdreg s20  }
0xe: {  	s9 =	sadd.s32 $0xC00, s2;
	s23 =	sadd.s32 $0x200, s7;
	[dreg:$0x10] =	wrdreg s21  }
0xf: {  	s10 =	sadd.s32 $0x42C00, s2;
	s25 =	sadd.s32 $0x300, s7;
	[dreg:$0x11] =	wrdreg s23  }
0x10: {  	s26 =	sadd.s32 $0x400, s7;
	s28 =	sadd.s32 $0x500, s7;
	[dreg:$0x14] =	wrdreg s25  }
0x11: {  	s29 =	sadd.s32 $0x600, s7;
	s30 =	sadd.s32 $0x700, s7;
	[dreg:$0x15] =	wrdreg s26  }
0x12: {  	s6 =	simm.s32 $0x3;
	s2 =	simm.s32 $0x1400;
	[dreg:$0x16] =	wrdreg s28  }
0x13: {  	s7 =	simm.s32 $0x1800;
	s1 =	sor.u32 s0, s1;
	[dreg:$0x17] =	wrdreg s29  }
0x14: {  	s0 =	ssub.s32 $0x2, s0;
	[dreg:$0x18] =	wrdreg s30;
	s14 =	simm.s32 $0x10  }
0x15: {  	s15 =	simm.s32 $0x15900;
	s16 =	simm.s32 $0x4;
	s5 =	smul.u32 $0xF5, s1  }
0x16: {  	s17 =	simm.s32 $0x2;
	s13 =	sshrl.u32 s0, $0x1;
	s12 =	smul.u32 $0x7A80, s1  }
0x17: {  	s18 =	simm.s32 $0x16180;
	p0 =	seq.s32 s1, $0x1F;
	s0 =	ssub.s32 s0, s13  }
0x18: {  	s5 =	smin.u32 s5, $0x1D8F;
	s0 =	smax.u32 s0, $0x1;
	s31 =	sadd.s32 $0x280, s12  }
.Ltmp0:
0x19: {  	s5 =	sshll.u32 s5, $0x7;
	[dreg:$0x13] =	wrdreg s0;
	(pc) =	sbr.rel .LBB2_1-.Ltmp0, $4  }
0x1a: {  	s0 =	simm.s32 $0x1;
	s8 =	sadd.s32 $0x7A80, s5;
	s20 =	sadd.s32 $0x7800, s5  }
0x1b: {  	v2 =	vlaneseq.u32;
	s5 =	simm.s32 $0x7A1400;
	s13 =	smov.u32 s8;
	s22 =	smin.u32 s12, s20  }
0x1c: {  	v3 =	vimm.s32 $0x4000;
	v5 =	vmul.u32 $0x80, v2;
	s13 =	simm.s32 @p0 $0xF4240;
	p0 =	sne.s32 s1, $0x1F;
	s24 =	sadd.s32 s3, s22  }
0x1d: {  	v4 =	vimm.s32 $0xFFFFFFFF;
	v1 =	vmov s12;
	s1 =	simm.s32 $0xB800;
	[dreg:$0x12] =	wrdreg s24;
	v0 =	vmov s13;
	s13 =	simm.s32 $0x15980  }
.LBB2_80:
0x1e: {  	s11 =	sadd.s32 $0x1, s11;
	s19 =	rddreg [dreg:$0x13]  }
0x1f: {  	p1 =	sne.s32 s11, s19  }
.Ltmp1:
0x20: {  	_ = 	snop;
	(pc) =	sbr.rel @!p1 .LBB2_81-.Ltmp1, $1  }
0x21: {  	_ =	sdelay $0x3  }
.LBB2_1:
0x22: {  	[dreg:$0x8] =	wrdreg s11;
	s21 =	simm.s32 $0x40;
	s19 =	simm.s32 $0x0  }
.LBB2_2:
0x23: {  	p1 =	sne.s32 s21, $0xFC0;
	[tilespmem:s19+$0x1400] =	vst v4;
	s22 =	smov.u32 s21;
	s21 =	sadd.s32 $0x40, s21  }
.Ltmp2:
0x24: {  	[tilespmem:s19+$0x1000] =	vst v3;
	(pc) =	sbr.rel @p1 .LBB2_2-.Ltmp2, $3  }
0x25: {  	[tilespmem:s19+$0x800] =	vst v3  }
0x26: {  	[tilespmem:s19+$0xC00] =	vst v4;
	_ =	sdelay $0x1  }
0x27: {  	s19 =	sshra.s32 s22, $0x2  }
0x28: {  	[tilespmem:s19+$0x1400] =	vst v4  }
0x29: {  	[tilespmem:s19+$0x1000] =	vst v3  }
0x2a: {  	[tilespmem:s19+$0x800] =	vst v3  }
0x2b: {  	[tilespmem:s19+$0xC00] =	vst v4;
	s19 =	simm.s32 $0x0;
	s11 =	rddreg [dreg:$0x0]  }
0x2c: {  	[tilespmem:s19], [sflag:$0x3] =	stream.linear.gather [hbm4b:s11+s19], $0x800, $0x38;
	[tilespmem:$0x18180] =	vst v63  }
0x2d: {  	_ =	swait.ge [sflag:s6], $0x800  }
0x2e: {  	[sflag:s6] =	ssyncset.done $0x0  }
0x2f: {  	[sflag:s6] =	ssyncadd.s32 $0xFFFFF800  }
0x30: {  	v6 =	vld [tilespmem:s19+$0x0];
	_ =	sdelay $0x4  }
0x31: {  	vm0 =	vge.s32 v6, v1;
	vm1 =	vlt.s32 v6, v0  }
0x32: {  	vm0 =	vmand vm0, vm1  }
0x33: {  	v8 =	vmpcnt.ones.xlane vm0;
	_ =	sdelay $0x1  }
0x34: {  	(v2sf) =	vpush v8, $0x0;
	_ =	sdelay $0x3  }
0x35: {  	v7 =	vor.u32 s19, v2  }
0x36: {  	[tilespmem:s19+$0x800] =	vst.msk vm0, v7  }
0x37: {  	s21 =	simm.s32 $0x10;
	[tilespmem:s19+$0xC00] =	vst.msk vm0, v6  }
0x38: {  	s22 =	simm.s32 $0x20;
	s23 =	simm.s32 $0x10;
	v6 =	vld [tilespmem:s21+$0x0]  }
.LBB2_4:
0x39: {  	p1 =	sne.s32 s22, $0x7F0;
	_ =	sdelay $0x3  }
0x3a: {  	vm0 =	vge.s32 v6, v1;
	vm1 =	vlt.s32 v6, v0  }
0x3b: {  	vm0 =	vmand vm0, vm1  }
0x3c: {  	v7 =	vmpcnt.ones.xlane vm0  }
0x3d: {  	s24 =	spop (v2sf)  }
0x3e: {  	v8 =	vor.u32 s21, v2;
	s21 =	smov.u32 s22;
	(v2sf) =	vpush v7, $0x0;
	s19 =	sadd.s32 s19, s24  }
0x3f: {  	[tilespmem:s19+$0x800] =	vst.msk vm0, v8  }
0x40: {  	[tilespmem:s19+$0xC00] =	vst.msk vm0, v6  }
.Ltmp3:
0x41: {  	(pc) =	sbr.rel @p1 .LBB2_4-.Ltmp3, $3  }
0x42: {  	_ =	sdelay $0x1  }
0x43: {  	s23 =	sadd.s32 $0x10, s23  }
0x44: {  	s22 =	sadd.s32 $0x10, s22;
	v6 =	vld [tilespmem:s23+$0x0]  }
0x45: {  	_ =	sdelay $0x3  }
0x46: {  	vm0 =	vge.s32 v6, v1;
	vm1 =	vlt.s32 v6, v0  }
0x47: {  	vm0 =	vmand vm0, vm1  }
0x48: {  	v7 =	vmpcnt.ones.xlane vm0;
	_ =	sdelay $0x1  }
0x49: {  	(v2sf) =	vpush v7, $0x0;
	_ =	sdelay $0x9  }
0x4a: {  	s22 =	spop (v2sf)  }
0x4b: {  	v7 =	vor.u32 s21, v2;
	s19 =	sadd.s32 s19, s22  }
0x4c: {  	[tilespmem:s19+$0x800] =	vst.msk vm0, v7  }
0x4d: {  	s29 =	simm.s32 $0x0;
	s11 =	rddreg [dreg:$0x9];
	[tilespmem:s19+$0xC00] =	vst.msk vm0, v6  }
0x4e: {  	[tilespmem:s29], [sflag:$0x3] =	stream.linear.gather [hbm4b:s11+s29], $0x800, $0x38;
	[tilespmem:$0x18180] =	vst v63  }
0x4f: {  	s28 =	spop (v2sf)  }
0x50: {  	_ =	swait.ge [sflag:s6], $0x800  }
0x51: {  	[sflag:s6] =	ssyncset.done $0x0  }
0x52: {  	[sflag:s6] =	ssyncadd.s32 $0xFFFFF800  }
0x53: {  	v6 =	vld [tilespmem:s29+$0x0];
	_ =	sdelay $0x4  }
0x54: {  	vm14 =	vge.s32 v6, v1;
	vm15 =	vlt.s32 v6, v0  }
0x55: {  	vm0 =	vmand vm14, vm15  }
0x56: {  	v8 =	vmpcnt.ones.xlane vm0;
	_ =	sdelay $0x1  }
0x57: {  	(v2sf) =	vpush v8, $0x0;
	_ =	sdelay $0x2  }
0x58: {  	s30 =	simm.s32 $0x800  }
0x59: {  	v7 =	vor.u32 s30, v2;
	s19 =	sadd.s32 s19, s28  }
0x5a: {  	[tilespmem:s19+$0x800] =	vst.msk vm0, v7  }
0x5b: {  	s22 =	simm.s32 $0x10;
	[tilespmem:s19+$0xC00] =	vst.msk vm0, v6  }
0x5c: {  	s23 =	simm.s32 $0x820;
	s21 =	simm.s32 $0x810;
	v6 =	vld [tilespmem:s22+$0x0]  }
.LBB2_6:
0x5d: {  	p1 =	sne.s32 s23, $0xFF0;
	_ =	sdelay $0x3  }
0x5e: {  	vm0 =	vge.s32 v6, v1;
	vm1 =	vlt.s32 v6, v0  }
0x5f: {  	vm0 =	vmand vm0, vm1  }
0x60: {  	v7 =	vmpcnt.ones.xlane vm0  }
0x61: {  	s24 =	spop (v2sf)  }
0x62: {  	v8 =	vor.u32 s21, v2;
	s21 =	smov.u32 s23;
	(v2sf) =	vpush v7, $0x0;
	s19 =	sadd.s32 s19, s24  }
0x63: {  	[tilespmem:s19+$0x800] =	vst.msk vm0, v8  }
0x64: {  	[tilespmem:s19+$0xC00] =	vst.msk vm0, v6  }
.Ltmp4:
0x65: {  	(pc) =	sbr.rel @p1 .LBB2_6-.Ltmp4, $3  }
0x66: {  	_ =	sdelay $0x1  }
0x67: {  	s22 =	sadd.s32 $0x10, s22  }
0x68: {  	s23 =	sadd.s32 $0x10, s23;
	v6 =	vld [tilespmem:s22+$0x0]  }
0x69: {  	_ =	sdelay $0x3  }
0x6a: {  	vm0 =	vge.s32 v6, v1;
	vm1 =	vlt.s32 v6, v0  }
0x6b: {  	vm0 =	vmand vm0, vm1  }
0x6c: {  	v7 =	vmpcnt.ones.xlane vm0;
	_ =	sdelay $0x1  }
0x6d: {  	(v2sf) =	vpush v7, $0x0;
	_ =	sdelay $0x9  }
0x6e: {  	s22 =	spop (v2sf)  }
0x6f: {  	v7 =	vor.u32 s21, v2;
	s19 =	sadd.s32 s19, s22  }
0x70: {  	[tilespmem:s19+$0x800] =	vst.msk vm0, v7  }
0x71: {  	s29 =	simm.s32 $0x0;
	s11 =	rddreg [dreg:$0xa];
	[tilespmem:s19+$0xC00] =	vst.msk vm0, v6  }
0x72: {  	[tilespmem:s29], [sflag:$0x3] =	stream.linear.gather [hbm4b:s11+s29], $0x800, $0x38;
	[tilespmem:$0x18180] =	vst v63  }
0x73: {  	s28 =	spop (v2sf)  }
0x74: {  	_ =	swait.ge [sflag:s6], $0x800  }
0x75: {  	[sflag:s6] =	ssyncset.done $0x0  }
0x76: {  	[sflag:s6] =	ssyncadd.s32 $0xFFFFF800  }
0x77: {  	v6 =	vld [tilespmem:s29+$0x0];
	_ =	sdelay $0x4  }
0x78: {  	vm14 =	vge.s32 v6, v1;
	vm15 =	vlt.s32 v6, v0  }
0x79: {  	vm0 =	vmand vm14, vm15  }
0x7a: {  	v8 =	vmpcnt.ones.xlane vm0;
	_ =	sdelay $0x1  }
0x7b: {  	(v2sf) =	vpush v8, $0x0;
	_ =	sdelay $0x2  }
0x7c: {  	s30 =	simm.s32 $0x1000  }
0x7d: {  	v7 =	vor.u32 s30, v2;
	s19 =	sadd.s32 s19, s28  }
0x7e: {  	[tilespmem:s19+$0x800] =	vst.msk vm0, v7  }
0x7f: {  	s22 =	simm.s32 $0x10;
	[tilespmem:s19+$0xC00] =	vst.msk vm0, v6  }
0x80: {  	s23 =	simm.s32 $0x1020;
	s21 =	simm.s32 $0x1010;
	v6 =	vld [tilespmem:s22+$0x0]  }
.LBB2_8:
0x81: {  	p1 =	sne.s32 s23, $0x17F0;
	_ =	sdelay $0x3  }
0x82: {  	vm0 =	vge.s32 v6, v1;
	vm1 =	vlt.s32 v6, v0  }
0x83: {  	vm0 =	vmand vm0, vm1  }
0x84: {  	v7 =	vmpcnt.ones.xlane vm0  }
0x85: {  	s24 =	spop (v2sf)  }
0x86: {  	v8 =	vor.u32 s21, v2;
	s21 =	smov.u32 s23;
	(v2sf) =	vpush v7, $0x0;
	s19 =	sadd.s32 s19, s24  }
0x87: {  	[tilespmem:s19+$0x800] =	vst.msk vm0, v8  }
0x88: {  	[tilespmem:s19+$0xC00] =	vst.msk vm0, v6  }
.Ltmp5:
0x89: {  	(pc) =	sbr.rel @p1 .LBB2_8-.Ltmp5, $3  }
0x8a: {  	_ =	sdelay $0x1  }
0x8b: {  	s22 =	sadd.s32 $0x10, s22  }
0x8c: {  	s23 =	sadd.s32 $0x10, s23;
	v6 =	vld [tilespmem:s22+$0x0]  }
0x8d: {  	_ =	sdelay $0x3  }
0x8e: {  	vm0 =	vge.s32 v6, v1;
	vm1 =	vlt.s32 v6, v0  }
0x8f: {  	vm0 =	vmand vm0, vm1  }
0x90: {  	v7 =	vmpcnt.ones.xlane vm0;
	_ =	sdelay $0x1  }
0x91: {  	(v2sf) =	vpush v7, $0x0;
	_ =	sdelay $0x9  }
0x92: {  	s22 =	spop (v2sf)  }
0x93: {  	v7 =	vor.u32 s21, v2;
	s19 =	sadd.s32 s19, s22  }
0x94: {  	[tilespmem:s19+$0x800] =	vst.msk vm0, v7  }
0x95: {  	s29 =	simm.s32 $0x0;
	s11 =	rddreg [dreg:$0xb];
	[tilespmem:s19+$0xC00] =	vst.msk vm0, v6  }
0x96: {  	[tilespmem:s29], [sflag:$0x3] =	stream.linear.gather [hbm4b:s11+s29], $0x800, $0x38;
	[tilespmem:$0x18180] =	vst v63  }
0x97: {  	s28 =	spop (v2sf)  }
0x98: {  	_ =	swait.ge [sflag:s6], $0x800  }
0x99: {  	[sflag:s6] =	ssyncset.done $0x0  }
0x9a: {  	[sflag:s6] =	ssyncadd.s32 $0xFFFFF800  }
0x9b: {  	v6 =	vld [tilespmem:s29+$0x0];
	_ =	sdelay $0x4  }
0x9c: {  	vm14 =	vge.s32 v6, v1;
	vm15 =	vlt.s32 v6, v0  }
0x9d: {  	vm0 =	vmand vm14, vm15  }
0x9e: {  	v8 =	vmpcnt.ones.xlane vm0;
	_ =	sdelay $0x1  }
0x9f: {  	(v2sf) =	vpush v8, $0x0;
	_ =	sdelay $0x2  }
0xa0: {  	s30 =	simm.s32 $0x1800  }
0xa1: {  	v7 =	vor.u32 s30, v2;
	s19 =	sadd.s32 s19, s28  }
0xa2: {  	[tilespmem:s19+$0x800] =	vst.msk vm0, v7  }
0xa3: {  	s22 =	simm.s32 $0x10;
	[tilespmem:s19+$0xC00] =	vst.msk vm0, v6  }
0xa4: {  	s23 =	simm.s32 $0x1820;
	s21 =	simm.s32 $0x1810;
	v6 =	vld [tilespmem:s22+$0x0]  }
.LBB2_10:
0xa5: {  	p1 =	sne.s32 s23, $0x1FF0;
	_ =	sdelay $0x3  }
0xa6: {  	vm0 =	vge.s32 v6, v1;
	vm1 =	vlt.s32 v6, v0  }
0xa7: {  	vm0 =	vmand vm0, vm1  }
0xa8: {  	v7 =	vmpcnt.ones.xlane vm0  }
0xa9: {  	s24 =	spop (v2sf)  }
0xaa: {  	v8 =	vor.u32 s21, v2;
	s21 =	smov.u32 s23;
	(v2sf) =	vpush v7, $0x0;
	s19 =	sadd.s32 s19, s24  }
0xab: {  	[tilespmem:s19+$0x800] =	vst.msk vm0, v8  }
0xac: {  	[tilespmem:s19+$0xC00] =	vst.msk vm0, v6  }
.Ltmp6:
0xad: {  	(pc) =	sbr.rel @p1 .LBB2_10-.Ltmp6, $3  }
0xae: {  	_ =	sdelay $0x1  }
0xaf: {  	s22 =	sadd.s32 $0x10, s22  }
0xb0: {  	s23 =	sadd.s32 $0x10, s23;
	v6 =	vld [tilespmem:s22+$0x0]  }
0xb1: {  	_ =	sdelay $0x3  }
0xb2: {  	vm0 =	vge.s32 v6, v1;
	vm1 =	vlt.s32 v6, v0  }
0xb3: {  	vm0 =	vmand vm0, vm1  }
0xb4: {  	v7 =	vmpcnt.ones.xlane vm0;
	_ =	sdelay $0x1  }
0xb5: {  	(v2sf) =	vpush v7, $0x0;
	_ =	sdelay $0x9  }
0xb6: {  	s22 =	spop (v2sf)  }
0xb7: {  	v7 =	vor.u32 s21, v2;
	s19 =	sadd.s32 s19, s22  }
0xb8: {  	[tilespmem:s19+$0x800] =	vst.msk vm0, v7  }
0xb9: {  	s29 =	simm.s32 $0x0;
	s11 =	rddreg [dreg:$0xc];
	[tilespmem:s19+$0xC00] =	vst.msk vm0, v6  }
0xba: {  	[tilespmem:s29], [sflag:$0x3] =	stream.linear.gather [hbm4b:s11+s29], $0x800, $0x38;
	[tilespmem:$0x18180] =	vst v63  }
0xbb: {  	s28 =	spop (v2sf)  }
0xbc: {  	_ =	swait.ge [sflag:s6], $0x800  }
0xbd: {  	[sflag:s6] =	ssyncset.done $0x0  }
0xbe: {  	[sflag:s6] =	ssyncadd.s32 $0xFFFFF800  }
0xbf: {  	v6 =	vld [tilespmem:s29+$0x0];
	_ =	sdelay $0x4  }
0xc0: {  	vm14 =	vge.s32 v6, v1;
	vm15 =	vlt.s32 v6, v0  }
0xc1: {  	vm0 =	vmand vm14, vm15  }
0xc2: {  	v8 =	vmpcnt.ones.xlane vm0;
	_ =	sdelay $0x1  }
0xc3: {  	(v2sf) =	vpush v8, $0x0;
	_ =	sdelay $0x2  }
0xc4: {  	s30 =	simm.s32 $0x2000  }
0xc5: {  	v7 =	vor.u32 s30, v2;
	s19 =	sadd.s32 s19, s28  }
0xc6: {  	[tilespmem:s19+$0x800] =	vst.msk vm0, v7  }
0xc7: {  	s22 =	simm.s32 $0x10;
	[tilespmem:s19+$0xC00] =	vst.msk vm0, v6  }
0xc8: {  	s23 =	simm.s32 $0x2020;
	s21 =	simm.s32 $0x2010;
	v6 =	vld [tilespmem:s22+$0x0]  }
.LBB2_12:
0xc9: {  	p1 =	sne.s32 s23, $0x27F0;
	_ =	sdelay $0x3  }
0xca: {  	vm0 =	vge.s32 v6, v1;
	vm1 =	vlt.s32 v6, v0  }
0xcb: {  	vm0 =	vmand vm0, vm1  }
0xcc: {  	v7 =	vmpcnt.ones.xlane vm0  }
0xcd: {  	s24 =	spop (v2sf)  }
0xce: {  	v8 =	vor.u32 s21, v2;
	s21 =	smov.u32 s23;
	(v2sf) =	vpush v7, $0x0;
	s19 =	sadd.s32 s19, s24  }
0xcf: {  	[tilespmem:s19+$0x800] =	vst.msk vm0, v8  }
0xd0: {  	[tilespmem:s19+$0xC00] =	vst.msk vm0, v6  }
.Ltmp7:
0xd1: {  	(pc) =	sbr.rel @p1 .LBB2_12-.Ltmp7, $3  }
0xd2: {  	_ =	sdelay $0x1  }
0xd3: {  	s22 =	sadd.s32 $0x10, s22  }
0xd4: {  	s23 =	sadd.s32 $0x10, s23;
	v6 =	vld [tilespmem:s22+$0x0]  }
0xd5: {  	_ =	sdelay $0x3  }
0xd6: {  	vm0 =	vge.s32 v6, v1;
	vm1 =	vlt.s32 v6, v0  }
0xd7: {  	vm0 =	vmand vm0, vm1  }
0xd8: {  	v7 =	vmpcnt.ones.xlane vm0;
	_ =	sdelay $0x1  }
0xd9: {  	(v2sf) =	vpush v7, $0x0;
	_ =	sdelay $0x9  }
0xda: {  	s22 =	spop (v2sf)  }
0xdb: {  	v7 =	vor.u32 s21, v2;
	s19 =	sadd.s32 s19, s22  }
0xdc: {  	[tilespmem:s19+$0x800] =	vst.msk vm0, v7  }
0xdd: {  	s29 =	simm.s32 $0x0;
	s11 =	rddreg [dreg:$0xd];
	[tilespmem:s19+$0xC00] =	vst.msk vm0, v6  }
0xde: {  	[tilespmem:s29], [sflag:$0x3] =	stream.linear.gather [hbm4b:s11+s29], $0x800, $0x38;
	[tilespmem:$0x18180] =	vst v63  }
0xdf: {  	s28 =	spop (v2sf)  }
0xe0: {  	_ =	swait.ge [sflag:s6], $0x800  }
0xe1: {  	[sflag:s6] =	ssyncset.done $0x0  }
0xe2: {  	[sflag:s6] =	ssyncadd.s32 $0xFFFFF800  }
0xe3: {  	v6 =	vld [tilespmem:s29+$0x0];
	_ =	sdelay $0x4  }
0xe4: {  	vm14 =	vge.s32 v6, v1;
	vm15 =	vlt.s32 v6, v0  }
0xe5: {  	vm0 =	vmand vm14, vm15  }
0xe6: {  	v8 =	vmpcnt.ones.xlane vm0;
	_ =	sdelay $0x1  }
0xe7: {  	(v2sf) =	vpush v8, $0x0;
	_ =	sdelay $0x2  }
0xe8: {  	s30 =	simm.s32 $0x2800  }
0xe9: {  	v7 =	vor.u32 s30, v2;
	s19 =	sadd.s32 s19, s28  }
0xea: {  	[tilespmem:s19+$0x800] =	vst.msk vm0, v7  }
0xeb: {  	s22 =	simm.s32 $0x10;
	[tilespmem:s19+$0xC00] =	vst.msk vm0, v6  }
0xec: {  	s23 =	simm.s32 $0x2820;
	s21 =	simm.s32 $0x2810;
	v6 =	vld [tilespmem:s22+$0x0]  }
.LBB2_14:
0xed: {  	p1 =	sne.s32 s23, $0x2FF0;
	_ =	sdelay $0x3  }
0xee: {  	vm0 =	vge.s32 v6, v1;
	vm1 =	vlt.s32 v6, v0  }
0xef: {  	vm0 =	vmand vm0, vm1  }
0xf0: {  	v7 =	vmpcnt.ones.xlane vm0  }
0xf1: {  	s24 =	spop (v2sf)  }
0xf2: {  	v8 =	vor.u32 s21, v2;
	s21 =	smov.u32 s23;
	(v2sf) =	vpush v7, $0x0;
	s19 =	sadd.s32 s19, s24  }
0xf3: {  	[tilespmem:s19+$0x800] =	vst.msk vm0, v8  }
0xf4: {  	[tilespmem:s19+$0xC00] =	vst.msk vm0, v6  }
.Ltmp8:
0xf5: {  	(pc) =	sbr.rel @p1 .LBB2_14-.Ltmp8, $3  }
0xf6: {  	_ =	sdelay $0x1  }
0xf7: {  	s22 =	sadd.s32 $0x10, s22  }
0xf8: {  	s23 =	sadd.s32 $0x10, s23;
	v6 =	vld [tilespmem:s22+$0x0]  }
0xf9: {  	_ =	sdelay $0x3  }
0xfa: {  	vm0 =	vge.s32 v6, v1;
	vm1 =	vlt.s32 v6, v0  }
0xfb: {  	vm0 =	vmand vm0, vm1  }
0xfc: {  	v7 =	vmpcnt.ones.xlane vm0;
	_ =	sdelay $0x1  }
0xfd: {  	(v2sf) =	vpush v7, $0x0;
	_ =	sdelay $0x9  }
0xfe: {  	s22 =	spop (v2sf)  }
0xff: {  	v7 =	vor.u32 s21, v2;
	s19 =	sadd.s32 s19, s22  }
0x100: {  	[tilespmem:s19+$0x800] =	vst.msk vm0, v7  }
0x101: {  	s29 =	simm.s32 $0x0;
	s11 =	rddreg [dreg:$0xe];
	[tilespmem:s19+$0xC00] =	vst.msk vm0, v6  }
0x102: {  	[tilespmem:s29], [sflag:$0x3] =	stream.linear.gather [hbm4b:s11+s29], $0x800, $0x38;
	[tilespmem:$0x18180] =	vst v63  }
0x103: {  	s28 =	spop (v2sf)  }
0x104: {  	_ =	swait.ge [sflag:s6], $0x800  }
0x105: {  	[sflag:s6] =	ssyncset.done $0x0  }
0x106: {  	[sflag:s6] =	ssyncadd.s32 $0xFFFFF800  }
0x107: {  	v6 =	vld [tilespmem:s29+$0x0];
	_ =	sdelay $0x4  }
0x108: {  	vm14 =	vge.s32 v6, v1;
	vm15 =	vlt.s32 v6, v0  }
0x109: {  	vm0 =	vmand vm14, vm15  }
0x10a: {  	v8 =	vmpcnt.ones.xlane vm0;
	_ =	sdelay $0x1  }
0x10b: {  	(v2sf) =	vpush v8, $0x0;
	_ =	sdelay $0x2  }
0x10c: {  	s30 =	simm.s32 $0x3000  }
0x10d: {  	v7 =	vor.u32 s30, v2;
	s19 =	sadd.s32 s19, s28  }
0x10e: {  	[tilespmem:s19+$0x800] =	vst.msk vm0, v7  }
0x10f: {  	s22 =	simm.s32 $0x10;
	[tilespmem:s19+$0xC00] =	vst.msk vm0, v6  }
0x110: {  	s23 =	simm.s32 $0x3020;
	s21 =	simm.s32 $0x3010;
	v6 =	vld [tilespmem:s22+$0x0]  }
.LBB2_16:
0x111: {  	p1 =	sne.s32 s23, $0x37F0;
	_ =	sdelay $0x3  }
0x112: {  	vm0 =	vge.s32 v6, v1;
	vm1 =	vlt.s32 v6, v0  }
0x113: {  	vm0 =	vmand vm0, vm1  }
0x114: {  	v7 =	vmpcnt.ones.xlane vm0  }
0x115: {  	s24 =	spop (v2sf)  }
0x116: {  	v8 =	vor.u32 s21, v2;
	s21 =	smov.u32 s23;
	(v2sf) =	vpush v7, $0x0;
	s19 =	sadd.s32 s19, s24  }
0x117: {  	[tilespmem:s19+$0x800] =	vst.msk vm0, v8  }
0x118: {  	[tilespmem:s19+$0xC00] =	vst.msk vm0, v6  }
.Ltmp9:
0x119: {  	(pc) =	sbr.rel @p1 .LBB2_16-.Ltmp9, $3  }
0x11a: {  	_ =	sdelay $0x1  }
0x11b: {  	s22 =	sadd.s32 $0x10, s22  }
0x11c: {  	s23 =	sadd.s32 $0x10, s23;
	v6 =	vld [tilespmem:s22+$0x0]  }
0x11d: {  	_ =	sdelay $0x3  }
0x11e: {  	vm0 =	vge.s32 v6, v1;
	vm1 =	vlt.s32 v6, v0  }
0x11f: {  	vm0 =	vmand vm0, vm1  }
0x120: {  	v7 =	vmpcnt.ones.xlane vm0;
	_ =	sdelay $0x1  }
0x121: {  	(v2sf) =	vpush v7, $0x0;
	_ =	sdelay $0x9  }
0x122: {  	s22 =	spop (v2sf)  }
0x123: {  	v7 =	vor.u32 s21, v2;
	s19 =	sadd.s32 s19, s22  }
0x124: {  	[tilespmem:s19+$0x800] =	vst.msk vm0, v7  }
0x125: {  	s29 =	simm.s32 $0x0;
	s11 =	rddreg [dreg:$0xf];
	[tilespmem:s19+$0xC00] =	vst.msk vm0, v6  }
0x126: {  	[tilespmem:s29], [sflag:$0x3] =	stream.linear.gather [hbm4b:s11+s29], $0x800, $0x38;
	[tilespmem:$0x18180] =	vst v63  }
0x127: {  	s28 =	spop (v2sf)  }
0x128: {  	_ =	swait.ge [sflag:s6], $0x800  }
0x129: {  	[sflag:s6] =	ssyncset.done $0x0  }
0x12a: {  	[sflag:s6] =	ssyncadd.s32 $0xFFFFF800  }
0x12b: {  	v6 =	vld [tilespmem:s29+$0x0];
	_ =	sdelay $0x4  }
0x12c: {  	vm14 =	vge.s32 v6, v1;
	vm15 =	vlt.s32 v6, v0  }
0x12d: {  	vm0 =	vmand vm14, vm15  }
0x12e: {  	v8 =	vmpcnt.ones.xlane vm0;
	_ =	sdelay $0x1  }
0x12f: {  	(v2sf) =	vpush v8, $0x0;
	_ =	sdelay $0x2  }
0x130: {  	s30 =	simm.s32 $0x3800  }
0x131: {  	v7 =	vor.u32 s30, v2;
	s19 =	sadd.s32 s19, s28  }
0x132: {  	[tilespmem:s19+$0x800] =	vst.msk vm0, v7  }
0x133: {  	s22 =	simm.s32 $0x10;
	[tilespmem:s19+$0xC00] =	vst.msk vm0, v6  }
0x134: {  	s23 =	simm.s32 $0x3820;
	s21 =	simm.s32 $0x3810;
	v6 =	vld [tilespmem:s22+$0x0]  }
.LBB2_18:
0x135: {  	p1 =	sne.s32 s23, $0x3FF0;
	_ =	sdelay $0x3  }
0x136: {  	vm0 =	vge.s32 v6, v1;
	vm1 =	vlt.s32 v6, v0  }
0x137: {  	vm0 =	vmand vm0, vm1  }
0x138: {  	v7 =	vmpcnt.ones.xlane vm0  }
0x139: {  	s24 =	spop (v2sf)  }
0x13a: {  	v8 =	vor.u32 s21, v2;
	s21 =	smov.u32 s23;
	(v2sf) =	vpush v7, $0x0;
	s19 =	sadd.s32 s19, s24  }
0x13b: {  	[tilespmem:s19+$0x800] =	vst.msk vm0, v8  }
0x13c: {  	[tilespmem:s19+$0xC00] =	vst.msk vm0, v6  }
.Ltmp10:
0x13d: {  	(pc) =	sbr.rel @p1 .LBB2_18-.Ltmp10, $3  }
0x13e: {  	_ =	sdelay $0x1  }
0x13f: {  	s22 =	sadd.s32 $0x10, s22  }
0x140: {  	s23 =	sadd.s32 $0x10, s23;
	v6 =	vld [tilespmem:s22+$0x0]  }
0x141: {  	_ =	sdelay $0x3  }
0x142: {  	vm0 =	vge.s32 v6, v1;
	vm1 =	vlt.s32 v6, v0  }
0x143: {  	vm0 =	vmand vm0, vm1  }
0x144: {  	v7 =	vmpcnt.ones.xlane vm0;
	_ =	sdelay $0x1  }
0x145: {  	(v2sf) =	vpush v7, $0x0;
	_ =	sdelay $0x9  }
0x146: {  	s22 =	spop (v2sf)  }
0x147: {  	v7 =	vor.u32 s21, v2;
	s19 =	sadd.s32 s19, s22  }
0x148: {  	[tilespmem:s19+$0x800] =	vst.msk vm0, v7  }
0x149: {  	s11 =	rddreg [dreg:$0x1];
	s21 =	simm.s32 $0x0;
	[tilespmem:s19+$0xC00] =	vst.msk vm0, v6  }
0x14a: {  	[tilespmem:s21], [sflag:$0x3] =	stream.linear.gather [hbm4b:s11+s21], $0x800, $0x38;
	[tilespmem:$0x18180] =	vst v63  }
0x14b: {  	s23 =	spop (v2sf)  }
0x14c: {  	_ =	swait.ge [sflag:s6], $0x800  }
0x14d: {  	[sflag:s6] =	ssyncset.done $0x0  }
0x14e: {  	[sflag:s6] =	ssyncadd.s32 $0xFFFFF800  }
0x14f: {  	v6 =	vld [tilespmem:s21+$0x0];
	_ =	sdelay $0x4  }
0x150: {  	vm14 =	vge.s32 v6, v1;
	vm15 =	vlt.s32 v6, v0  }
0x151: {  	vm0 =	vmand vm14, vm15  }
0x152: {  	v8 =	vmpcnt.ones.xlane vm0;
	_ =	sdelay $0x1  }
0x153: {  	(v2sf) =	vpush v8, $0x0;
	_ =	sdelay $0x3  }
0x154: {  	v7 =	vor.u32 s21, v2  }
0x155: {  	[tilespmem:s21+$0x1000] =	vst.msk vm0, v7  }
0x156: {  	s22 =	simm.s32 $0x10;
	[tilespmem:s21+$0x1400] =	vst.msk vm0, v6  }
0x157: {  	s24 =	simm.s32 $0x10;
	s19 =	sadd.s32 s19, s23;
	s23 =	simm.s32 $0x20;
	v6 =	vld [tilespmem:s22+$0x0]  }
.LBB2_20:
0x158: {  	p1 =	sne.s32 s23, $0x7F0;
	_ =	sdelay $0x3  }
0x159: {  	vm0 =	vge.s32 v6, v1;
	vm1 =	vlt.s32 v6, v0  }
0x15a: {  	vm0 =	vmand vm0, vm1  }
0x15b: {  	v7 =	vmpcnt.ones.xlane vm0  }
0x15c: {  	s25 =	spop (v2sf)  }
0x15d: {  	v8 =	vor.u32 s22, v2;
	s22 =	smov.u32 s23;
	(v2sf) =	vpush v7, $0x0;
	s21 =	sadd.s32 s21, s25  }
0x15e: {  	[tilespmem:s21+$0x1000] =	vst.msk vm0, v8  }
0x15f: {  	[tilespmem:s21+$0x1400] =	vst.msk vm0, v6  }
.Ltmp11:
0x160: {  	(pc) =	sbr.rel @p1 .LBB2_20-.Ltmp11, $3  }
0x161: {  	_ =	sdelay $0x1  }
0x162: {  	s24 =	sadd.s32 $0x10, s24  }
0x163: {  	s23 =	sadd.s32 $0x10, s23;
	v6 =	vld [tilespmem:s24+$0x0]  }
0x164: {  	_ =	sdelay $0x3  }
0x165: {  	vm0 =	vge.s32 v6, v1;
	vm1 =	vlt.s32 v6, v0  }
0x166: {  	vm0 =	vmand vm0, vm1  }
0x167: {  	v7 =	vmpcnt.ones.xlane vm0;
	_ =	sdelay $0x1  }
0x168: {  	(v2sf) =	vpush v7, $0x0;
	_ =	sdelay $0x9  }
0x169: {  	s23 =	spop (v2sf)  }
0x16a: {  	v7 =	vor.u32 s22, v2;
	s21 =	sadd.s32 s21, s23  }
0x16b: {  	[tilespmem:s21+$0x1000] =	vst.msk vm0, v7  }
0x16c: {  	s29 =	simm.s32 $0x0;
	s11 =	rddreg [dreg:$0x10];
	[tilespmem:s21+$0x1400] =	vst.msk vm0, v6  }
0x16d: {  	[tilespmem:s29], [sflag:$0x3] =	stream.linear.gather [hbm4b:s11+s29], $0x800, $0x38;
	[tilespmem:$0x18180] =	vst v63  }
0x16e: {  	s28 =	spop (v2sf)  }
0x16f: {  	_ =	swait.ge [sflag:s6], $0x800  }
0x170: {  	[sflag:s6] =	ssyncset.done $0x0  }
0x171: {  	[sflag:s6] =	ssyncadd.s32 $0xFFFFF800  }
0x172: {  	v6 =	vld [tilespmem:s29+$0x0];
	_ =	sdelay $0x4  }
0x173: {  	vm14 =	vge.s32 v6, v1;
	vm15 =	vlt.s32 v6, v0  }
0x174: {  	vm0 =	vmand vm14, vm15  }
0x175: {  	v8 =	vmpcnt.ones.xlane vm0;
	_ =	sdelay $0x1  }
0x176: {  	(v2sf) =	vpush v8, $0x0;
	_ =	sdelay $0x2  }
0x177: {  	s30 =	simm.s32 $0x800  }
0x178: {  	v7 =	vor.u32 s30, v2;
	s21 =	sadd.s32 s21, s28  }
0x179: {  	[tilespmem:s21+$0x1000] =	vst.msk vm0, v7  }
0x17a: {  	s23 =	simm.s32 $0x10;
	[tilespmem:s21+$0x1400] =	vst.msk vm0, v6  }
0x17b: {  	s24 =	simm.s32 $0x820;
	s22 =	simm.s32 $0x810;
	v6 =	vld [tilespmem:s23+$0x0]  }
.LBB2_22:
0x17c: {  	p1 =	sne.s32 s24, $0xFF0;
	_ =	sdelay $0x3  }
0x17d: {  	vm0 =	vge.s32 v6, v1;
	vm1 =	vlt.s32 v6, v0  }
0x17e: {  	vm0 =	vmand vm0, vm1  }
0x17f: {  	v7 =	vmpcnt.ones.xlane vm0  }
0x180: {  	s25 =	spop (v2sf)  }
0x181: {  	v8 =	vor.u32 s22, v2;
	s22 =	smov.u32 s24;
	(v2sf) =	vpush v7, $0x0;
	s21 =	sadd.s32 s21, s25  }
0x182: {  	[tilespmem:s21+$0x1000] =	vst.msk vm0, v8  }
0x183: {  	[tilespmem:s21+$0x1400] =	vst.msk vm0, v6  }
.Ltmp12:
0x184: {  	(pc) =	sbr.rel @p1 .LBB2_22-.Ltmp12, $3  }
0x185: {  	_ =	sdelay $0x1  }
0x186: {  	s23 =	sadd.s32 $0x10, s23  }
0x187: {  	s24 =	sadd.s32 $0x10, s24;
	v6 =	vld [tilespmem:s23+$0x0]  }
0x188: {  	_ =	sdelay $0x3  }
0x189: {  	vm0 =	vge.s32 v6, v1;
	vm1 =	vlt.s32 v6, v0  }
0x18a: {  	vm0 =	vmand vm0, vm1  }
0x18b: {  	v7 =	vmpcnt.ones.xlane vm0;
	_ =	sdelay $0x1  }
0x18c: {  	(v2sf) =	vpush v7, $0x0;
	_ =	sdelay $0x9  }
0x18d: {  	s23 =	spop (v2sf)  }
0x18e: {  	v7 =	vor.u32 s22, v2;
	s21 =	sadd.s32 s21, s23  }
0x18f: {  	[tilespmem:s21+$0x1000] =	vst.msk vm0, v7  }
0x190: {  	s29 =	simm.s32 $0x0;
	s11 =	rddreg [dreg:$0x11];
	[tilespmem:s21+$0x1400] =	vst.msk vm0, v6  }
0x191: {  	[tilespmem:s29], [sflag:$0x3] =	stream.linear.gather [hbm4b:s11+s29], $0x800, $0x38;
	[tilespmem:$0x18180] =	vst v63  }
0x192: {  	s28 =	spop (v2sf)  }
0x193: {  	_ =	swait.ge [sflag:s6], $0x800  }
0x194: {  	[sflag:s6] =	ssyncset.done $0x0  }
0x195: {  	[sflag:s6] =	ssyncadd.s32 $0xFFFFF800  }
0x196: {  	v6 =	vld [tilespmem:s29+$0x0];
	_ =	sdelay $0x4  }
0x197: {  	vm14 =	vge.s32 v6, v1;
	vm15 =	vlt.s32 v6, v0  }
0x198: {  	vm0 =	vmand vm14, vm15  }
0x199: {  	v8 =	vmpcnt.ones.xlane vm0;
	_ =	sdelay $0x1  }
0x19a: {  	(v2sf) =	vpush v8, $0x0;
	_ =	sdelay $0x2  }
0x19b: {  	s30 =	simm.s32 $0x1000  }
0x19c: {  	v7 =	vor.u32 s30, v2;
	s21 =	sadd.s32 s21, s28  }
0x19d: {  	[tilespmem:s21+$0x1000] =	vst.msk vm0, v7  }
0x19e: {  	s23 =	simm.s32 $0x10;
	[tilespmem:s21+$0x1400] =	vst.msk vm0, v6  }
0x19f: {  	s24 =	simm.s32 $0x1020;
	s22 =	simm.s32 $0x1010;
	v6 =	vld [tilespmem:s23+$0x0]  }
.LBB2_24:
0x1a0: {  	p1 =	sne.s32 s24, $0x17F0;
	_ =	sdelay $0x3  }
0x1a1: {  	vm0 =	vge.s32 v6, v1;
	vm1 =	vlt.s32 v6, v0  }
0x1a2: {  	vm0 =	vmand vm0, vm1  }
0x1a3: {  	v7 =	vmpcnt.ones.xlane vm0  }
0x1a4: {  	s25 =	spop (v2sf)  }
0x1a5: {  	v8 =	vor.u32 s22, v2;
	s22 =	smov.u32 s24;
	(v2sf) =	vpush v7, $0x0;
	s21 =	sadd.s32 s21, s25  }
0x1a6: {  	[tilespmem:s21+$0x1000] =	vst.msk vm0, v8  }
0x1a7: {  	[tilespmem:s21+$0x1400] =	vst.msk vm0, v6  }
.Ltmp13:
0x1a8: {  	(pc) =	sbr.rel @p1 .LBB2_24-.Ltmp13, $3  }
0x1a9: {  	_ =	sdelay $0x1  }
0x1aa: {  	s23 =	sadd.s32 $0x10, s23  }
0x1ab: {  	s24 =	sadd.s32 $0x10, s24;
	v6 =	vld [tilespmem:s23+$0x0]  }
0x1ac: {  	_ =	sdelay $0x3  }
0x1ad: {  	vm0 =	vge.s32 v6, v1;
	vm1 =	vlt.s32 v6, v0  }
0x1ae: {  	vm0 =	vmand vm0, vm1  }
0x1af: {  	v7 =	vmpcnt.ones.xlane vm0;
	_ =	sdelay $0x1  }
0x1b0: {  	(v2sf) =	vpush v7, $0x0;
	_ =	sdelay $0x9  }
0x1b1: {  	s23 =	spop (v2sf)  }
0x1b2: {  	v7 =	vor.u32 s22, v2;
	s21 =	sadd.s32 s21, s23  }
0x1b3: {  	[tilespmem:s21+$0x1000] =	vst.msk vm0, v7  }
0x1b4: {  	s29 =	simm.s32 $0x0;
	s11 =	rddreg [dreg:$0x14];
	[tilespmem:s21+$0x1400] =	vst.msk vm0, v6  }
0x1b5: {  	[tilespmem:s29], [sflag:$0x3] =	stream.linear.gather [hbm4b:s11+s29], $0x800, $0x38;
	[tilespmem:$0x18180] =	vst v63  }
0x1b6: {  	s28 =	spop (v2sf)  }
0x1b7: {  	_ =	swait.ge [sflag:s6], $0x800  }
0x1b8: {  	[sflag:s6] =	ssyncset.done $0x0  }
0x1b9: {  	[sflag:s6] =	ssyncadd.s32 $0xFFFFF800  }
0x1ba: {  	v6 =	vld [tilespmem:s29+$0x0];
	_ =	sdelay $0x4  }
0x1bb: {  	vm14 =	vge.s32 v6, v1;
	vm15 =	vlt.s32 v6, v0  }
0x1bc: {  	vm0 =	vmand vm14, vm15  }
0x1bd: {  	v8 =	vmpcnt.ones.xlane vm0;
	_ =	sdelay $0x1  }
0x1be: {  	(v2sf) =	vpush v8, $0x0;
	_ =	sdelay $0x2  }
0x1bf: {  	s30 =	simm.s32 $0x1800  }
0x1c0: {  	v7 =	vor.u32 s30, v2;
	s21 =	sadd.s32 s21, s28  }
0x1c1: {  	[tilespmem:s21+$0x1000] =	vst.msk vm0, v7  }
0x1c2: {  	s23 =	simm.s32 $0x10;
	[tilespmem:s21+$0x1400] =	vst.msk vm0, v6  }
0x1c3: {  	s24 =	simm.s32 $0x1820;
	s22 =	simm.s32 $0x1810;
	v6 =	vld [tilespmem:s23+$0x0]  }
.LBB2_26:
0x1c4: {  	p1 =	sne.s32 s24, $0x1FF0;
	_ =	sdelay $0x3  }
0x1c5: {  	vm0 =	vge.s32 v6, v1;
	vm1 =	vlt.s32 v6, v0  }
0x1c6: {  	vm0 =	vmand vm0, vm1  }
0x1c7: {  	v7 =	vmpcnt.ones.xlane vm0  }
0x1c8: {  	s25 =	spop (v2sf)  }
0x1c9: {  	v8 =	vor.u32 s22, v2;
	s22 =	smov.u32 s24;
	(v2sf) =	vpush v7, $0x0;
	s21 =	sadd.s32 s21, s25  }
0x1ca: {  	[tilespmem:s21+$0x1000] =	vst.msk vm0, v8  }
0x1cb: {  	[tilespmem:s21+$0x1400] =	vst.msk vm0, v6  }
.Ltmp14:
0x1cc: {  	(pc) =	sbr.rel @p1 .LBB2_26-.Ltmp14, $3  }
0x1cd: {  	_ =	sdelay $0x1  }
0x1ce: {  	s23 =	sadd.s32 $0x10, s23  }
0x1cf: {  	s24 =	sadd.s32 $0x10, s24;
	v6 =	vld [tilespmem:s23+$0x0]  }
0x1d0: {  	_ =	sdelay $0x3  }
0x1d1: {  	vm0 =	vge.s32 v6, v1;
	vm1 =	vlt.s32 v6, v0  }
0x1d2: {  	vm0 =	vmand vm0, vm1  }
0x1d3: {  	v7 =	vmpcnt.ones.xlane vm0;
	_ =	sdelay $0x1  }
0x1d4: {  	(v2sf) =	vpush v7, $0x0;
	_ =	sdelay $0x9  }
0x1d5: {  	s23 =	spop (v2sf)  }
0x1d6: {  	v7 =	vor.u32 s22, v2;
	s21 =	sadd.s32 s21, s23  }
0x1d7: {  	[tilespmem:s21+$0x1000] =	vst.msk vm0, v7  }
0x1d8: {  	s29 =	simm.s32 $0x0;
	s11 =	rddreg [dreg:$0x15];
	[tilespmem:s21+$0x1400] =	vst.msk vm0, v6  }
0x1d9: {  	[tilespmem:s29], [sflag:$0x3] =	stream.linear.gather [hbm4b:s11+s29], $0x800, $0x38;
	[tilespmem:$0x18180] =	vst v63  }
0x1da: {  	s28 =	spop (v2sf)  }
0x1db: {  	_ =	swait.ge [sflag:s6], $0x800  }
0x1dc: {  	[sflag:s6] =	ssyncset.done $0x0  }
0x1dd: {  	[sflag:s6] =	ssyncadd.s32 $0xFFFFF800  }
0x1de: {  	v6 =	vld [tilespmem:s29+$0x0];
	_ =	sdelay $0x4  }
0x1df: {  	vm14 =	vge.s32 v6, v1;
	vm15 =	vlt.s32 v6, v0  }
0x1e0: {  	vm0 =	vmand vm14, vm15  }
0x1e1: {  	v8 =	vmpcnt.ones.xlane vm0;
	_ =	sdelay $0x1  }
0x1e2: {  	(v2sf) =	vpush v8, $0x0;
	_ =	sdelay $0x2  }
0x1e3: {  	s30 =	simm.s32 $0x2000  }
0x1e4: {  	v7 =	vor.u32 s30, v2;
	s21 =	sadd.s32 s21, s28  }
0x1e5: {  	[tilespmem:s21+$0x1000] =	vst.msk vm0, v7  }
0x1e6: {  	s23 =	simm.s32 $0x10;
	[tilespmem:s21+$0x1400] =	vst.msk vm0, v6  }
0x1e7: {  	s24 =	simm.s32 $0x2020;
	s22 =	simm.s32 $0x2010;
	v6 =	vld [tilespmem:s23+$0x0]  }
.LBB2_28:
0x1e8: {  	p1 =	sne.s32 s24, $0x27F0;
	_ =	sdelay $0x3  }
0x1e9: {  	vm0 =	vge.s32 v6, v1;
	vm1 =	vlt.s32 v6, v0  }
0x1ea: {  	vm0 =	vmand vm0, vm1  }
0x1eb: {  	v7 =	vmpcnt.ones.xlane vm0  }
0x1ec: {  	s25 =	spop (v2sf)  }
0x1ed: {  	v8 =	vor.u32 s22, v2;
	s22 =	smov.u32 s24;
	(v2sf) =	vpush v7, $0x0;
	s21 =	sadd.s32 s21, s25  }
0x1ee: {  	[tilespmem:s21+$0x1000] =	vst.msk vm0, v8  }
0x1ef: {  	[tilespmem:s21+$0x1400] =	vst.msk vm0, v6  }
.Ltmp15:
0x1f0: {  	(pc) =	sbr.rel @p1 .LBB2_28-.Ltmp15, $3  }
0x1f1: {  	_ =	sdelay $0x1  }
0x1f2: {  	s23 =	sadd.s32 $0x10, s23  }
0x1f3: {  	s24 =	sadd.s32 $0x10, s24;
	v6 =	vld [tilespmem:s23+$0x0]  }
0x1f4: {  	_ =	sdelay $0x3  }
0x1f5: {  	vm0 =	vge.s32 v6, v1;
	vm1 =	vlt.s32 v6, v0  }
0x1f6: {  	vm0 =	vmand vm0, vm1  }
0x1f7: {  	v7 =	vmpcnt.ones.xlane vm0;
	_ =	sdelay $0x1  }
0x1f8: {  	(v2sf) =	vpush v7, $0x0;
	_ =	sdelay $0x9  }
0x1f9: {  	s23 =	spop (v2sf)  }
0x1fa: {  	v7 =	vor.u32 s22, v2;
	s21 =	sadd.s32 s21, s23  }
0x1fb: {  	[tilespmem:s21+$0x1000] =	vst.msk vm0, v7  }
0x1fc: {  	s29 =	simm.s32 $0x0;
	s11 =	rddreg [dreg:$0x16];
	[tilespmem:s21+$0x1400] =	vst.msk vm0, v6  }
0x1fd: {  	[tilespmem:s29], [sflag:$0x3] =	stream.linear.gather [hbm4b:s11+s29], $0x800, $0x38;
	[tilespmem:$0x18180] =	vst v63  }
0x1fe: {  	s28 =	spop (v2sf)  }
0x1ff: {  	_ =	swait.ge [sflag:s6], $0x800  }
0x200: {  	[sflag:s6] =	ssyncset.done $0x0  }
0x201: {  	[sflag:s6] =	ssyncadd.s32 $0xFFFFF800  }
0x202: {  	v6 =	vld [tilespmem:s29+$0x0];
	_ =	sdelay $0x4  }
0x203: {  	vm14 =	vge.s32 v6, v1;
	vm15 =	vlt.s32 v6, v0  }
0x204: {  	vm0 =	vmand vm14, vm15  }
0x205: {  	v8 =	vmpcnt.ones.xlane vm0;
	_ =	sdelay $0x1  }
0x206: {  	(v2sf) =	vpush v8, $0x0;
	_ =	sdelay $0x2  }
0x207: {  	s30 =	simm.s32 $0x2800  }
0x208: {  	v7 =	vor.u32 s30, v2;
	s21 =	sadd.s32 s21, s28  }
0x209: {  	[tilespmem:s21+$0x1000] =	vst.msk vm0, v7  }
0x20a: {  	s23 =	simm.s32 $0x10;
	[tilespmem:s21+$0x1400] =	vst.msk vm0, v6  }
0x20b: {  	s24 =	simm.s32 $0x2820;
	s22 =	simm.s32 $0x2810;
	v6 =	vld [tilespmem:s23+$0x0]  }
.LBB2_30:
0x20c: {  	p1 =	sne.s32 s24, $0x2FF0;
	_ =	sdelay $0x3  }
0x20d: {  	vm0 =	vge.s32 v6, v1;
	vm1 =	vlt.s32 v6, v0  }
0x20e: {  	vm0 =	vmand vm0, vm1  }
0x20f: {  	v7 =	vmpcnt.ones.xlane vm0  }
0x210: {  	s25 =	spop (v2sf)  }
0x211: {  	v8 =	vor.u32 s22, v2;
	s22 =	smov.u32 s24;
	(v2sf) =	vpush v7, $0x0;
	s21 =	sadd.s32 s21, s25  }
0x212: {  	[tilespmem:s21+$0x1000] =	vst.msk vm0, v8  }
0x213: {  	[tilespmem:s21+$0x1400] =	vst.msk vm0, v6  }
.Ltmp16:
0x214: {  	(pc) =	sbr.rel @p1 .LBB2_30-.Ltmp16, $3  }
0x215: {  	_ =	sdelay $0x1  }
0x216: {  	s23 =	sadd.s32 $0x10, s23  }
0x217: {  	s24 =	sadd.s32 $0x10, s24;
	v6 =	vld [tilespmem:s23+$0x0]  }
0x218: {  	_ =	sdelay $0x3  }
0x219: {  	vm0 =	vge.s32 v6, v1;
	vm1 =	vlt.s32 v6, v0  }
0x21a: {  	vm0 =	vmand vm0, vm1  }
0x21b: {  	v7 =	vmpcnt.ones.xlane vm0;
	_ =	sdelay $0x1  }
0x21c: {  	(v2sf) =	vpush v7, $0x0;
	_ =	sdelay $0x9  }
0x21d: {  	s23 =	spop (v2sf)  }
0x21e: {  	v7 =	vor.u32 s22, v2;
	s21 =	sadd.s32 s21, s23  }
0x21f: {  	[tilespmem:s21+$0x1000] =	vst.msk vm0, v7  }
0x220: {  	s29 =	simm.s32 $0x0;
	s11 =	rddreg [dreg:$0x17];
	[tilespmem:s21+$0x1400] =	vst.msk vm0, v6  }
0x221: {  	[tilespmem:s29], [sflag:$0x3] =	stream.linear.gather [hbm4b:s11+s29], $0x800, $0x38;
	[tilespmem:$0x18180] =	vst v63  }
0x222: {  	s28 =	spop (v2sf)  }
0x223: {  	_ =	swait.ge [sflag:s6], $0x800  }
0x224: {  	[sflag:s6] =	ssyncset.done $0x0  }
0x225: {  	[sflag:s6] =	ssyncadd.s32 $0xFFFFF800  }
0x226: {  	v6 =	vld [tilespmem:s29+$0x0];
	_ =	sdelay $0x4  }
0x227: {  	vm14 =	vge.s32 v6, v1;
	vm15 =	vlt.s32 v6, v0  }
0x228: {  	vm0 =	vmand vm14, vm15  }
0x229: {  	v8 =	vmpcnt.ones.xlane vm0;
	_ =	sdelay $0x1  }
0x22a: {  	(v2sf) =	vpush v8, $0x0;
	_ =	sdelay $0x2  }
0x22b: {  	s30 =	simm.s32 $0x3000  }
0x22c: {  	v7 =	vor.u32 s30, v2;
	s21 =	sadd.s32 s21, s28  }
0x22d: {  	[tilespmem:s21+$0x1000] =	vst.msk vm0, v7  }
0x22e: {  	s23 =	simm.s32 $0x10;
	[tilespmem:s21+$0x1400] =	vst.msk vm0, v6  }
0x22f: {  	s24 =	simm.s32 $0x3020;
	s22 =	simm.s32 $0x3010;
	v6 =	vld [tilespmem:s23+$0x0]  }
.LBB2_32:
0x230: {  	p1 =	sne.s32 s24, $0x37F0;
	_ =	sdelay $0x3  }
0x231: {  	vm0 =	vge.s32 v6, v1;
	vm1 =	vlt.s32 v6, v0  }
0x232: {  	vm0 =	vmand vm0, vm1  }
0x233: {  	v7 =	vmpcnt.ones.xlane vm0  }
0x234: {  	s25 =	spop (v2sf)  }
0x235: {  	v8 =	vor.u32 s22, v2;
	s22 =	smov.u32 s24;
	(v2sf) =	vpush v7, $0x0;
	s21 =	sadd.s32 s21, s25  }
0x236: {  	[tilespmem:s21+$0x1000] =	vst.msk vm0, v8  }
0x237: {  	[tilespmem:s21+$0x1400] =	vst.msk vm0, v6  }
.Ltmp17:
0x238: {  	(pc) =	sbr.rel @p1 .LBB2_32-.Ltmp17, $3  }
0x239: {  	_ =	sdelay $0x1  }
0x23a: {  	s23 =	sadd.s32 $0x10, s23  }
0x23b: {  	s24 =	sadd.s32 $0x10, s24;
	v6 =	vld [tilespmem:s23+$0x0]  }
0x23c: {  	_ =	sdelay $0x3  }
0x23d: {  	vm0 =	vge.s32 v6, v1;
	vm1 =	vlt.s32 v6, v0  }
0x23e: {  	vm0 =	vmand vm0, vm1  }
0x23f: {  	v7 =	vmpcnt.ones.xlane vm0;
	_ =	sdelay $0x1  }
0x240: {  	(v2sf) =	vpush v7, $0x0;
	_ =	sdelay $0x9  }
0x241: {  	s23 =	spop (v2sf)  }
0x242: {  	v7 =	vor.u32 s22, v2;
	s21 =	sadd.s32 s21, s23  }
0x243: {  	[tilespmem:s21+$0x1000] =	vst.msk vm0, v7  }
0x244: {  	s29 =	simm.s32 $0x0;
	s11 =	rddreg [dreg:$0x18];
	[tilespmem:s21+$0x1400] =	vst.msk vm0, v6  }
0x245: {  	[tilespmem:s29], [sflag:$0x3] =	stream.linear.gather [hbm4b:s11+s29], $0x800, $0x38;
	[tilespmem:$0x18180] =	vst v63  }
0x246: {  	s28 =	spop (v2sf)  }
0x247: {  	_ =	swait.ge [sflag:s6], $0x800  }
0x248: {  	[sflag:s6] =	ssyncset.done $0x0  }
0x249: {  	[sflag:s6] =	ssyncadd.s32 $0xFFFFF800  }
0x24a: {  	v6 =	vld [tilespmem:s29+$0x0];
	_ =	sdelay $0x4  }
0x24b: {  	vm14 =	vge.s32 v6, v1;
	vm15 =	vlt.s32 v6, v0  }
0x24c: {  	vm0 =	vmand vm14, vm15  }
0x24d: {  	v8 =	vmpcnt.ones.xlane vm0;
	_ =	sdelay $0x1  }
0x24e: {  	(v2sf) =	vpush v8, $0x0;
	_ =	sdelay $0x2  }
0x24f: {  	s30 =	simm.s32 $0x3800  }
0x250: {  	v7 =	vor.u32 s30, v2;
	s21 =	sadd.s32 s21, s28  }
0x251: {  	[tilespmem:s21+$0x1000] =	vst.msk vm0, v7  }
0x252: {  	s23 =	simm.s32 $0x10;
	[tilespmem:s21+$0x1400] =	vst.msk vm0, v6  }
0x253: {  	s24 =	simm.s32 $0x3820;
	s22 =	simm.s32 $0x3810;
	v6 =	vld [tilespmem:s23+$0x0]  }
.LBB2_34:
0x254: {  	p1 =	sne.s32 s24, $0x3FF0;
	_ =	sdelay $0x3  }
0x255: {  	vm0 =	vge.s32 v6, v1;
	vm1 =	vlt.s32 v6, v0  }
0x256: {  	vm0 =	vmand vm0, vm1  }
0x257: {  	v7 =	vmpcnt.ones.xlane vm0  }
0x258: {  	s25 =	spop (v2sf)  }
0x259: {  	v8 =	vor.u32 s22, v2;
	s22 =	smov.u32 s24;
	(v2sf) =	vpush v7, $0x0;
	s21 =	sadd.s32 s21, s25  }
0x25a: {  	[tilespmem:s21+$0x1000] =	vst.msk vm0, v8  }
0x25b: {  	[tilespmem:s21+$0x1400] =	vst.msk vm0, v6  }
.Ltmp18:
0x25c: {  	(pc) =	sbr.rel @p1 .LBB2_34-.Ltmp18, $3  }
0x25d: {  	_ =	sdelay $0x1  }
0x25e: {  	s23 =	sadd.s32 $0x10, s23  }
0x25f: {  	s24 =	sadd.s32 $0x10, s24;
	v6 =	vld [tilespmem:s23+$0x0]  }
0x260: {  	_ =	sdelay $0x3  }
0x261: {  	vm0 =	vge.s32 v6, v1;
	vm1 =	vlt.s32 v6, v0  }
0x262: {  	vm0 =	vmand vm0, vm1  }
0x263: {  	v7 =	vmpcnt.ones.xlane vm0;
	_ =	sdelay $0x1  }
0x264: {  	(v2sf) =	vpush v7, $0x0;
	_ =	sdelay $0x9  }
0x265: {  	s23 =	spop (v2sf)  }
0x266: {  	v7 =	vor.u32 s22, v2;
	s21 =	sadd.s32 s21, s23  }
.Ltmp19:
0x267: {  	[tilespmem:s21+$0x1000] =	vst.msk vm0, v7;
	(pc) =	sbr.rel .LBB2_36-.Ltmp19, $4  }
0x268: {  	s11 =	rddreg [dreg:$0x12];
	[tilespmem:s21+$0x1400] =	vst.msk vm0, v6  }
0x269: {  	[tilespmem:s7], [sflag:$0x1] =	stream.strided.gather [hbm4b:s11+s2], $0xA000, s5, s2, $0x38;
	[tilespmem:$0x18180] =	vst v63  }
0x26a: {  	s30 =	spop (v2sf)  }
0x26b: {  	s22 =	simm.s32 $0x0;
	s23 =	simm.s32 $0x0;
	s21 =	sadd.s32 s21, s30  }
.LBB2_66:
0x26c: {  	s23 =	sadd.s32 $0x1, s23  }
0x26d: {  	p1 =	sne.s32 s23, $0x31  }
.Ltmp20:
0x26e: {  	_ = 	snop;
	(pc) =	sbr.rel @!p1 .LBB2_67-.Ltmp20, $1  }
0x26f: {  	_ =	sdelay $0x3  }
.LBB2_36:
0x270: {  	s24 =	smul.u32 $0x280, s23;
	_ =	sdelay $0x1  }
0x271: {  	s29 =	sadd.s32 s12, s24  }
0x272: {  	_ =	swait.ge [sflag:s0], $0xA000;
	s26 =	smov.u32 s20;
	p1 =	slt.s32 s29, s20  }
0x273: {  	[sflag:s0] =	ssyncset.done $0x0;
	s26 =	smov.u32 @p1 s29  }
0x274: {  	[sflag:s0] =	ssyncadd.s32 $0xFFFF6000;
	s25 =	sadd.s32 s4, s26  }
0x275: {  	[tilespmem:s1], [sflag:$0x2] =	stream.strided.gather [hbm4b:s25+s2], $0xA000, s5, s2, $0x38;
	[tilespmem:$0x18180] =	vst v63  }
0x276: {  	[tilespmem:$0x15800] =	vst v3  }
0x277: {  	[tilespmem:$0x15880] =	vst v4  }
0x278: {  	[tilespmem:$0x15810] =	vst v3  }
0x279: {  	[tilespmem:$0x15890] =	vst v4  }
0x27a: {  	[tilespmem:$0x15820] =	vst v3  }
0x27b: {  	[tilespmem:$0x158A0] =	vst v4  }
0x27c: {  	[tilespmem:$0x15830] =	vst v3  }
0x27d: {  	p1 =	sle.s32 s19, $0x0;
	s25 =	simm.s32 $0xC00;
	[tilespmem:$0x158B0] =	vst v4  }
0x27e: {  	v6 =	vld @!p1 [tilespmem:s25+$0x0]  }
0x27f: {  	s30 =	sadd.s32 $0x280, s29  }
0x280: {  	s11 =	smov.u32 s8;
	p2 =	slt.s32 s30, s8  }
0x281: {  	s11 =	smov.u32 @p2 s30  }
0x282: {  	v7 =	vmov s29;
	v8 =	vmov s11  }
0x283: {  	s28 =	simm.s32 $0x800;
	vm0 =	vge.s32 @!p1 v6, v7;
	vm1 =	vlt.s32 @!p1 v6, v8  }
0x284: {  	v9 =	vld @!p1 [tilespmem:s28+$0x0];
	vm0 =	vmand @!p1 vm0, vm1  }
0x285: {  	v10 =	vmpcnt.ones.xlane @!p1 vm0;
	_ =	sdelay $0x1  }
0x286: {  	(v2sf) =	vpush @!p1 v10, $0x0  }
0x287: {  	p2 =	por p1, p1  }
0x288: {  	[tilespmem:s22+$0x15800] =	vst.msk @!p2 vm0, v9  }
0x289: {  	s29 =	simm.s32 $0x10;
	s30 =	simm.s32 $0x0;
	[tilespmem:s22+$0x15880] =	vst.msk @!p2 vm0, v6  }
.LBB2_37:
0x28a: {  	_ = 	snop  }
0x28b: {  	s11 =	smov.u32 s30;
	p4 =	por p1, p1  }
0x28c: {  	p1 =	sge.s32 s29, s19;
	s29 =	sadd.s32 $0x10, s29;
	s25 =	sadd.s32 $0x10, s25  }
0x28d: {  	p3 =	sne.s32 s29, $0x400;
	v6 =	vld @!p1 [tilespmem:s25+$0x0];
	_ =	sdelay $0x4  }
0x28e: {  	s28 =	sadd.s32 $0x10, s28;
	vm0 =	vge.s32 @!p1 v6, v7;
	vm1 =	vlt.s32 @!p1 v6, v8  }
0x28f: {  	v9 =	vld @!p1 [tilespmem:s28+$0x0];
	vm0 =	vmand @!p1 vm0, vm1  }
0x290: {  	v10 =	vmpcnt.ones.xlane @!p1 vm0  }
.Ltmp21:
0x291: {  	s30 =	spop @!p4 (v2sf);
	(pc) =	sbr.rel @p3 .LBB2_37-.Ltmp21, $4  }
0x292: {  	(v2sf) =	vpush @!p1 v10, $0x0;
	s30 =	sadd.s32 @!p2 s11, s30  }
0x293: {  	s30 =	smov.u32 @p2 s11;
	p2 =	por p1, p1  }
0x294: {  	[tilespmem:s30+$0x15800] =	vst.msk @!p2 vm0, v9  }
0x295: {  	[tilespmem:s30+$0x15880] =	vst.msk @!p2 vm0, v6  }
0x296: {  	_ =	sdelay $0xa  }
0x297: {  	s11 =	spop @!p1 (v2sf)  }
0x298: {  	s25 =	sadd.s32 @!p2 s30, s11  }
0x299: {  	s25 =	smov.u32 @p2 s30  }
0x29a: {  	p1 =	slt.s32 s25, $0x1  }
.Ltmp22:
0x29b: {  	_ = 	snop;
	(pc) =	sbr.rel @p1 .LBB2_51-.Ltmp22, $2  }
0x29c: {  	_ =	sdelay $0x2  }
0x29d: {  	v6 =	vmov s26  }
0x29e: {  	v9 =	vld [tilespmem:$0x15880];
	_ =	sdelay $0x4  }
0x29f: {  	v10 =	vsub.s32 v9, v6  }
0x2a0: {  	s11 =	simm.s32 $0x0;
	vm0 =	vgt.s32 v10, $0x0  }
0x2a1: {  	v11 =	vmov s11;
	v10 =	vnsel vm0, $0x0, v10  }
0x2a2: {  	v11 =	vshrl.u32 v11, $0x3;
	v12 =	vshll.u32 v10, $0x3  }
0x2a3: {  	v13 =	vmul.u32 $0x1400, v11;
	v10 =	vand.u32 $0x7F, v10;
	v12 =	vand.u32 $0xFFFFFC00, v12  }
0x2a4: {  	v11 =	vor.u32 v10, v12  }
0x2a5: {  	v12 =	vadd.s32 v11, v13  }
0x2a6: {  	s26 =	simm.s32 $0x1  }
0x2a7: {  	v10 =	vmov s26  }
0x2a8: {  	v10 =	vshrl.u32 v10, $0x3  }
0x2a9: {  	vm0 =	vgt.s32 v9, $0xFFFFFFFF;
	v9 =	vmul.u32 $0x1400, v10  }
0x2aa: {  	v13 =	vor.u32 s11, v5;
	v10 =	vor.u32 $0x80, v11;
	v12 =	vld.idx.msk [tilespmem:v12+s7+$0x0], $0xffff  }
0x2ab: {  	v14 =	vadd.s32 v10, v9  }
0x2ac: {  	s30 =	simm.s32 $0x2  }
0x2ad: {  	v15 =	vmov s30  }
0x2ae: {  	v15 =	vshrl.u32 v15, $0x3  }
0x2af: {  	v9 =	vld [tilespmem:$0x15800];
	[tilespmem:v13+s13+$0x0] =	vst.idx.msk vm0, v12;
	v13 =	vmul.u32 $0x1400, v15  }
0x2b0: {  	v12 =	vor.u32 $0x100, v11;
	v15 =	vor.u32 s26, v5;
	v14 =	vld.idx.msk [tilespmem:v14+s7+$0x0], $0xffff  }
0x2b1: {  	v16 =	vadd.s32 v12, v13  }
0x2b2: {  	s26 =	simm.s32 $0x3  }
0x2b3: {  	v13 =	vmov s26  }
0x2b4: {  	v13 =	vshrl.u32 v13, $0x3  }
0x2b5: {  	[tilespmem:v15+s13+$0x0] =	vst.idx.msk vm0, v14;
	v14 =	vmul.u32 $0x1400, v13  }
0x2b6: {  	v13 =	vor.u32 $0x180, v11;
	v15 =	vld.idx.msk [tilespmem:v16+s7+$0x0], $0xffff;
	v16 =	vor.u32 s30, v5  }
0x2b7: {  	v17 =	vadd.s32 v13, v14  }
0x2b8: {  	s30 =	simm.s32 $0x4  }
0x2b9: {  	v14 =	vmov s30  }
0x2ba: {  	v14 =	vshrl.u32 v14, $0x3  }
0x2bb: {  	[tilespmem:v16+s13+$0x0] =	vst.idx.msk vm0, v15;
	v15 =	vmul.u32 $0x1400, v14  }
0x2bc: {  	v14 =	vor.u32 $0x200, v11;
	v16 =	vld.idx.msk [tilespmem:v17+s7+$0x0], $0xffff;
	v17 =	vor.u32 s26, v5  }
0x2bd: {  	v18 =	vadd.s32 v14, v15  }
0x2be: {  	s26 =	simm.s32 $0x5  }
0x2bf: {  	v15 =	vmov s26  }
0x2c0: {  	v15 =	vshrl.u32 v15, $0x3  }
0x2c1: {  	[tilespmem:v17+s13+$0x0] =	vst.idx.msk vm0, v16;
	v16 =	vmul.u32 $0x1400, v15  }
0x2c2: {  	v15 =	vor.u32 $0x280, v11;
	v17 =	vld.idx.msk [tilespmem:v18+s7+$0x0], $0xffff;
	v18 =	vor.u32 s30, v5  }
0x2c3: {  	v19 =	vadd.s32 v15, v16  }
0x2c4: {  	s30 =	simm.s32 $0x6  }
0x2c5: {  	v16 =	vmov s30  }
0x2c6: {  	v16 =	vshrl.u32 v16, $0x3  }
0x2c7: {  	[tilespmem:v18+s13+$0x0] =	vst.idx.msk vm0, v17;
	v17 =	vmul.u32 $0x1400, v16  }
0x2c8: {  	v16 =	vor.u32 $0x300, v11;
	v18 =	vld.idx.msk [tilespmem:v19+s7+$0x0], $0xffff;
	v19 =	vor.u32 s26, v5  }
0x2c9: {  	v20 =	vadd.s32 v16, v17  }
0x2ca: {  	s29 =	simm.s32 $0x7  }
0x2cb: {  	v17 =	vmov s29  }
0x2cc: {  	v17 =	vshrl.u32 v17, $0x3  }
0x2cd: {  	v21 =	vmul.u32 $0x1400, v17;
	[tilespmem:v19+s13+$0x0] =	vst.idx.msk vm0, v18  }
0x2ce: {  	v17 =	vor.u32 $0x380, v11;
	v18 =	vld.idx.msk [tilespmem:v20+s7+$0x0], $0xffff;
	v20 =	vor.u32 s30, v5  }
0x2cf: {  	v19 =	vadd.s32 v17, v21;
	_ =	sdelay $0x1  }
0x2d0: {  	s26 =	simm.s32 $0x8  }
0x2d1: {  	s28 =	simm.s32 $0x10;
	v21 =	vmov s26  }
.LBB2_40:
0x2d2: {  	p1 =	slt.u32 s28, $0x38;
	v21 =	vshrl.u32 v21, $0x3;
	[tilespmem:v20+s13+$0x0] =	vst.idx.msk vm0, v18  }
0x2d3: {  	v18 =	vmul.u32 $0x1400, v21;
	v19 =	vld.idx.msk [tilespmem:v19+s7+$0x0], $0xffff  }
0x2d4: {  	v20 =	vor.u32 s29, v5  }
0x2d5: {  	v18 =	vadd.s32 v11, v18;
	_ =	sdelay $0x1  }
0x2d6: {  	s11 =	sadd.s32 $0x1, s26  }
0x2d7: {  	v21 =	vmov s11  }
0x2d8: {  	v21 =	vshrl.u32 v21, $0x3;
	[tilespmem:v20+s13+$0x0] =	vst.idx.msk vm0, v19  }
0x2d9: {  	v19 =	vmul.u32 $0x1400, v21;
	v18 =	vld.idx.msk [tilespmem:v18+s7+$0x0], $0xffff  }
0x2da: {  	v20 =	vor.u32 s26, v5  }
0x2db: {  	v19 =	vadd.s32 v10, v19;
	_ =	sdelay $0x1  }
0x2dc: {  	s29 =	sadd.s32 $0x2, s26  }
0x2dd: {  	v21 =	vmov s29  }
0x2de: {  	[tilespmem:v20+s13+$0x0] =	vst.idx.msk vm0, v18;
	v18 =	vshrl.u32 v21, $0x3  }
0x2df: {  	v19 =	vld.idx.msk [tilespmem:v19+s7+$0x0], $0xffff;
	v18 =	vmul.u32 $0x1400, v18  }
0x2e0: {  	v20 =	vor.u32 s11, v5  }
0x2e1: {  	v18 =	vadd.s32 v12, v18;
	_ =	sdelay $0x1  }
0x2e2: {  	s11 =	sadd.s32 $0x3, s26  }
0x2e3: {  	v21 =	vmov s11  }
0x2e4: {  	[tilespmem:v20+s13+$0x0] =	vst.idx.msk vm0, v19;
	v19 =	vshrl.u32 v21, $0x3  }
0x2e5: {  	v18 =	vld.idx.msk [tilespmem:v18+s7+$0x0], $0xffff;
	v19 =	vmul.u32 $0x1400, v19  }
0x2e6: {  	v20 =	vor.u32 s29, v5  }
0x2e7: {  	v19 =	vadd.s32 v13, v19;
	_ =	sdelay $0x1  }
0x2e8: {  	s29 =	sadd.s32 $0x4, s26  }
0x2e9: {  	v21 =	vmov s29  }
0x2ea: {  	[tilespmem:v20+s13+$0x0] =	vst.idx.msk vm0, v18;
	v18 =	vshrl.u32 v21, $0x3  }
0x2eb: {  	v19 =	vld.idx.msk [tilespmem:v19+s7+$0x0], $0xffff;
	v18 =	vmul.u32 $0x1400, v18  }
0x2ec: {  	v20 =	vor.u32 s11, v5  }
0x2ed: {  	v18 =	vadd.s32 v14, v18;
	_ =	sdelay $0x1  }
0x2ee: {  	s11 =	sadd.s32 $0x5, s26  }
0x2ef: {  	v21 =	vmov s11  }
0x2f0: {  	[tilespmem:v20+s13+$0x0] =	vst.idx.msk vm0, v19;
	v19 =	vshrl.u32 v21, $0x3  }
0x2f1: {  	v18 =	vld.idx.msk [tilespmem:v18+s7+$0x0], $0xffff;
	v19 =	vmul.u32 $0x1400, v19  }
0x2f2: {  	v20 =	vor.u32 s29, v5  }
0x2f3: {  	v19 =	vadd.s32 v15, v19;
	_ =	sdelay $0x1  }
0x2f4: {  	s30 =	sadd.s32 $0x6, s26  }
0x2f5: {  	v21 =	vmov s30  }
0x2f6: {  	[tilespmem:v20+s13+$0x0] =	vst.idx.msk vm0, v18;
	v18 =	vshrl.u32 v21, $0x3  }
0x2f7: {  	v19 =	vld.idx.msk [tilespmem:v19+s7+$0x0], $0xffff;
	v18 =	vmul.u32 $0x1400, v18  }
0x2f8: {  	v20 =	vor.u32 s11, v5  }
0x2f9: {  	v18 =	vadd.s32 v16, v18;
	_ =	sdelay $0x1  }
0x2fa: {  	s29 =	sadd.s32 $0x7, s26;
	s26 =	smov.u32 s28  }
0x2fb: {  	v21 =	vmov s29  }
0x2fc: {  	[tilespmem:v20+s13+$0x0] =	vst.idx.msk vm0, v19;
	v19 =	vshrl.u32 v21, $0x3  }
0x2fd: {  	v18 =	vld.idx.msk [tilespmem:v18+s7+$0x0], $0xffff;
	v19 =	vmul.u32 $0x1400, v19  }
.Ltmp23:
0x2fe: {  	v20 =	vor.u32 s30, v5;
	(pc) =	sbr.rel @p1 .LBB2_40-.Ltmp23, $2  }
0x2ff: {  	v19 =	vadd.s32 v17, v19;
	_ =	sdelay $0x2  }
0x300: {  	s28 =	sadd.s32 $0x8, s28;
	v21 =	vmov s26  }
0x301: {  	_ =	sdelay $0x3  }
0x302: {  	v21 =	vshrl.u32 v21, $0x3  }
0x303: {  	[tilespmem:v20+s13+$0x0] =	vst.idx.msk vm0, v18;
	v48 =	vmul.u32 $0x1400, v21  }
0x304: {  	v49 =	vor.u32 s29, v5;
	v19 =	vld.idx.msk [tilespmem:v19+s7+$0x0], $0xffff  }
0x305: {  	v11 =	vadd.s32 v11, v48  }
0x306: {  	s11 =	sadd.s32 $0x1, s26  }
0x307: {  	v50 =	vmov s11  }
0x308: {  	v18 =	vshrl.u32 v50, $0x3  }
0x309: {  	v18 =	vmul.u32 $0x1400, v18;
	[tilespmem:v49+s13+$0x0] =	vst.idx.msk vm0, v19  }
0x30a: {  	v51 =	vor.u32 s26, v5;
	v11 =	vld.idx.msk [tilespmem:v11+s7+$0x0], $0xffff  }
0x30b: {  	v10 =	vadd.s32 v10, v18  }
0x30c: {  	s28 =	sadd.s32 $0x2, s26  }
0x30d: {  	v52 =	vmov s28  }
0x30e: {  	v18 =	vshrl.u32 v52, $0x3  }
0x30f: {  	[tilespmem:v51+s13+$0x0] =	vst.idx.msk vm0, v11;
	v11 =	vmul.u32 $0x1400, v18  }
0x310: {  	v53 =	vor.u32 s11, v5;
	v10 =	vld.idx.msk [tilespmem:v10+s7+$0x0], $0xffff  }
0x311: {  	v11 =	vadd.s32 v12, v11  }
0x312: {  	s30 =	sadd.s32 $0x3, s26  }
0x313: {  	v54 =	vmov s30  }
0x314: {  	v12 =	vshrl.u32 v54, $0x3  }
0x315: {  	[tilespmem:v53+s13+$0x0] =	vst.idx.msk vm0, v10;
	v10 =	vmul.u32 $0x1400, v12  }
0x316: {  	v55 =	vor.u32 s28, v5;
	v11 =	vld.idx.msk [tilespmem:v11+s7+$0x0], $0xffff  }
0x317: {  	v10 =	vadd.s32 v13, v10  }
0x318: {  	s29 =	sadd.s32 $0x4, s26  }
0x319: {  	v56 =	vmov s29  }
0x31a: {  	v13 =	vshrl.u32 v56, $0x3  }
0x31b: {  	[tilespmem:v55+s13+$0x0] =	vst.idx.msk vm0, v11;
	v11 =	vmul.u32 $0x1400, v13  }
0x31c: {  	v57 =	vor.u32 s30, v5;
	v10 =	vld.idx.msk [tilespmem:v10+s7+$0x0], $0xffff  }
0x31d: {  	v11 =	vadd.s32 v14, v11  }
0x31e: {  	s30 =	sadd.s32 $0x5, s26  }
0x31f: {  	v58 =	vmov s30  }
0x320: {  	v13 =	vshrl.u32 v58, $0x3  }
0x321: {  	[tilespmem:v57+s13+$0x0] =	vst.idx.msk vm0, v10;
	v10 =	vmul.u32 $0x1400, v13  }
0x322: {  	v59 =	vor.u32 s29, v5;
	v11 =	vld.idx.msk [tilespmem:v11+s7+$0x0], $0xffff  }
0x323: {  	v10 =	vadd.s32 v15, v10  }
0x324: {  	s29 =	sadd.s32 $0x6, s26  }
0x325: {  	v60 =	vmov s29  }
0x326: {  	v13 =	vshrl.u32 v60, $0x3  }
0x327: {  	[tilespmem:v59+s13+$0x0] =	vst.idx.msk vm0, v11;
	v11 =	vmul.u32 $0x1400, v13  }
0x328: {  	v61 =	vor.u32 s30, v5;
	v10 =	vld.idx.msk [tilespmem:v10+s7+$0x0], $0xffff  }
0x329: {  	v11 =	vadd.s32 v16, v11  }
0x32a: {  	s30 =	sadd.s32 $0x7, s26  }
0x32b: {  	v62 =	vmov s30  }
0x32c: {  	v13 =	vshrl.u32 v62, $0x3  }
0x32d: {  	[tilespmem:v61+s13+$0x0] =	vst.idx.msk vm0, v10;
	v10 =	vmul.u32 $0x1400, v13  }
0x32e: {  	v63 =	vor.u32 s29, v5;
	v11 =	vld.idx.msk [tilespmem:v11+s7+$0x0], $0xffff  }
0x32f: {  	v10 =	vadd.s32 v17, v10;
	_ =	sdelay $0x3  }
0x330: {  	[tilespmem:v63+s13+$0x0] =	vst.idx.msk vm0, v11  }
0x331: {  	v11 =	vor.u32 s30, v5;
	v10 =	vld.idx.msk [tilespmem:v10+s7+$0x0], $0xffff;
	_ =	sdelay $0x4  }
0x332: {  	v9 =	vnsel vm0, $0x4000, v9;
	p1 =	slt.u32 s25, $0x11;
	[tilespmem:v11+s13+$0x0] =	vst.idx.msk vm0, v10  }
.Ltmp24:
0x333: {  	[tilespmem:$0x15900] =	vst v9;
	(pc) =	sbr.rel @p1 .LBB2_51-.Ltmp24, $4  }
0x334: {  	[hbm4b:s9+s14] =	stream.indirect.scatter [tilespmem:s13], [sflag:$0x4], $0x80, s15, s14, $0xb8;
	[tilespmem:$0x18180] =	vst v63  }
0x335: {  	_ =	swait.ge [sflag:s16], $0x800  }
0x336: {  	[sflag:s16] =	ssyncset.done $0x0  }
0x337: {  	[sflag:s16] =	ssyncadd.s32 $0xFFFFF800  }
0x338: {  	v9 =	vld [tilespmem:$0x15890];
	_ =	sdelay $0x4  }
0x339: {  	v10 =	vsub.s32 v9, v6  }
0x33a: {  	s11 =	simm.s32 $0x0;
	vm0 =	vgt.s32 v10, $0x0  }
0x33b: {  	v11 =	vmov s11;
	v10 =	vnsel vm0, $0x0, v10  }
0x33c: {  	v11 =	vshrl.u32 v11, $0x3;
	v12 =	vshll.u32 v10, $0x3  }
0x33d: {  	v13 =	vmul.u32 $0x1400, v11;
	v10 =	vand.u32 $0x7F, v10;
	v12 =	vand.u32 $0xFFFFFC00, v12  }
0x33e: {  	v11 =	vor.u32 v10, v12  }
0x33f: {  	v12 =	vadd.s32 v11, v13  }
0x340: {  	s26 =	simm.s32 $0x1  }
0x341: {  	v10 =	vmov s26  }
0x342: {  	v10 =	vshrl.u32 v10, $0x3  }
0x343: {  	vm0 =	vgt.s32 v9, $0xFFFFFFFF;
	v9 =	vmul.u32 $0x1400, v10  }
0x344: {  	v13 =	vor.u32 s11, v5;
	v10 =	vor.u32 $0x80, v11;
	v12 =	vld.idx.msk [tilespmem:v12+s7+$0x0], $0xffff  }
0x345: {  	v14 =	vadd.s32 v10, v9  }
0x346: {  	s30 =	simm.s32 $0x2  }
0x347: {  	v15 =	vmov s30  }
0x348: {  	v15 =	vshrl.u32 v15, $0x3  }
0x349: {  	v9 =	vld [tilespmem:$0x15810];
	[tilespmem:v13+s13+$0x0] =	vst.idx.msk vm0, v12;
	v13 =	vmul.u32 $0x1400, v15  }
0x34a: {  	v12 =	vor.u32 $0x100, v11;
	v15 =	vor.u32 s26, v5;
	v14 =	vld.idx.msk [tilespmem:v14+s7+$0x0], $0xffff  }
0x34b: {  	v16 =	vadd.s32 v12, v13  }
0x34c: {  	s26 =	simm.s32 $0x3  }
0x34d: {  	v13 =	vmov s26  }
0x34e: {  	v13 =	vshrl.u32 v13, $0x3  }
0x34f: {  	[tilespmem:v15+s13+$0x0] =	vst.idx.msk vm0, v14;
	v14 =	vmul.u32 $0x1400, v13  }
0x350: {  	v13 =	vor.u32 $0x180, v11;
	v15 =	vld.idx.msk [tilespmem:v16+s7+$0x0], $0xffff;
	v16 =	vor.u32 s30, v5  }
0x351: {  	v17 =	vadd.s32 v13, v14  }
0x352: {  	s30 =	simm.s32 $0x4  }
0x353: {  	v14 =	vmov s30  }
0x354: {  	v14 =	vshrl.u32 v14, $0x3  }
0x355: {  	[tilespmem:v16+s13+$0x0] =	vst.idx.msk vm0, v15;
	v15 =	vmul.u32 $0x1400, v14  }
0x356: {  	v14 =	vor.u32 $0x200, v11;
	v16 =	vld.idx.msk [tilespmem:v17+s7+$0x0], $0xffff;
	v17 =	vor.u32 s26, v5  }
0x357: {  	v18 =	vadd.s32 v14, v15  }
0x358: {  	s26 =	simm.s32 $0x5  }
0x359: {  	v15 =	vmov s26  }
0x35a: {  	v15 =	vshrl.u32 v15, $0x3  }
0x35b: {  	[tilespmem:v17+s13+$0x0] =	vst.idx.msk vm0, v16;
	v16 =	vmul.u32 $0x1400, v15  }
0x35c: {  	v15 =	vor.u32 $0x280, v11;
	v17 =	vld.idx.msk [tilespmem:v18+s7+$0x0], $0xffff;
	v18 =	vor.u32 s30, v5  }
0x35d: {  	v19 =	vadd.s32 v15, v16  }
0x35e: {  	s30 =	simm.s32 $0x6  }
0x35f: {  	v16 =	vmov s30  }
0x360: {  	v16 =	vshrl.u32 v16, $0x3  }
0x361: {  	[tilespmem:v18+s13+$0x0] =	vst.idx.msk vm0, v17;
	v17 =	vmul.u32 $0x1400, v16  }
0x362: {  	v16 =	vor.u32 $0x300, v11;
	v18 =	vld.idx.msk [tilespmem:v19+s7+$0x0], $0xffff;
	v19 =	vor.u32 s26, v5  }
0x363: {  	v20 =	vadd.s32 v16, v17  }
0x364: {  	s29 =	simm.s32 $0x7  }
0x365: {  	v17 =	vmov s29  }
0x366: {  	v17 =	vshrl.u32 v17, $0x3  }
0x367: {  	v21 =	vmul.u32 $0x1400, v17;
	[tilespmem:v19+s13+$0x0] =	vst.idx.msk vm0, v18  }
0x368: {  	v17 =	vor.u32 $0x380, v11;
	v18 =	vld.idx.msk [tilespmem:v20+s7+$0x0], $0xffff;
	v20 =	vor.u32 s30, v5  }
0x369: {  	v19 =	vadd.s32 v17, v21;
	_ =	sdelay $0x1  }
0x36a: {  	s26 =	simm.s32 $0x8  }
0x36b: {  	s28 =	simm.s32 $0x10;
	v21 =	vmov s26  }
.LBB2_43:
0x36c: {  	p1 =	slt.u32 s28, $0x38;
	v21 =	vshrl.u32 v21, $0x3;
	[tilespmem:v20+s13+$0x0] =	vst.idx.msk vm0, v18  }
0x36d: {  	v18 =	vmul.u32 $0x1400, v21;
	v19 =	vld.idx.msk [tilespmem:v19+s7+$0x0], $0xffff  }
0x36e: {  	v20 =	vor.u32 s29, v5  }
0x36f: {  	v18 =	vadd.s32 v11, v18;
	_ =	sdelay $0x1  }
0x370: {  	s11 =	sadd.s32 $0x1, s26  }
0x371: {  	v21 =	vmov s11  }
0x372: {  	v21 =	vshrl.u32 v21, $0x3;
	[tilespmem:v20+s13+$0x0] =	vst.idx.msk vm0, v19  }
0x373: {  	v19 =	vmul.u32 $0x1400, v21;
	v18 =	vld.idx.msk [tilespmem:v18+s7+$0x0], $0xffff  }
0x374: {  	v20 =	vor.u32 s26, v5  }
0x375: {  	v19 =	vadd.s32 v10, v19;
	_ =	sdelay $0x1  }
0x376: {  	s29 =	sadd.s32 $0x2, s26  }
0x377: {  	v21 =	vmov s29  }
0x378: {  	[tilespmem:v20+s13+$0x0] =	vst.idx.msk vm0, v18;
	v18 =	vshrl.u32 v21, $0x3  }
0x379: {  	v19 =	vld.idx.msk [tilespmem:v19+s7+$0x0], $0xffff;
	v18 =	vmul.u32 $0x1400, v18  }
0x37a: {  	v20 =	vor.u32 s11, v5  }
0x37b: {  	v18 =	vadd.s32 v12, v18;
	_ =	sdelay $0x1  }
0x37c: {  	s11 =	sadd.s32 $0x3, s26  }
0x37d: {  	v21 =	vmov s11  }
0x37e: {  	[tilespmem:v20+s13+$0x0] =	vst.idx.msk vm0, v19;
	v19 =	vshrl.u32 v21, $0x3  }
0x37f: {  	v18 =	vld.idx.msk [tilespmem:v18+s7+$0x0], $0xffff;
	v19 =	vmul.u32 $0x1400, v19  }
0x380: {  	v20 =	vor.u32 s29, v5  }
0x381: {  	v19 =	vadd.s32 v13, v19;
	_ =	sdelay $0x1  }
0x382: {  	s29 =	sadd.s32 $0x4, s26  }
0x383: {  	v21 =	vmov s29  }
0x384: {  	[tilespmem:v20+s13+$0x0] =	vst.idx.msk vm0, v18;
	v18 =	vshrl.u32 v21, $0x3  }
0x385: {  	v19 =	vld.idx.msk [tilespmem:v19+s7+$0x0], $0xffff;
	v18 =	vmul.u32 $0x1400, v18  }
0x386: {  	v20 =	vor.u32 s11, v5  }
0x387: {  	v18 =	vadd.s32 v14, v18;
	_ =	sdelay $0x1  }
0x388: {  	s11 =	sadd.s32 $0x5, s26  }
0x389: {  	v21 =	vmov s11  }
0x38a: {  	[tilespmem:v20+s13+$0x0] =	vst.idx.msk vm0, v19;
	v19 =	vshrl.u32 v21, $0x3  }
0x38b: {  	v18 =	vld.idx.msk [tilespmem:v18+s7+$0x0], $0xffff;
	v19 =	vmul.u32 $0x1400, v19  }
0x38c: {  	v20 =	vor.u32 s29, v5  }
0x38d: {  	v19 =	vadd.s32 v15, v19;
	_ =	sdelay $0x1  }
0x38e: {  	s30 =	sadd.s32 $0x6, s26  }
0x38f: {  	v21 =	vmov s30  }
0x390: {  	[tilespmem:v20+s13+$0x0] =	vst.idx.msk vm0, v18;
	v18 =	vshrl.u32 v21, $0x3  }
0x391: {  	v19 =	vld.idx.msk [tilespmem:v19+s7+$0x0], $0xffff;
	v18 =	vmul.u32 $0x1400, v18  }
0x392: {  	v20 =	vor.u32 s11, v5  }
0x393: {  	v18 =	vadd.s32 v16, v18;
	_ =	sdelay $0x1  }
0x394: {  	s29 =	sadd.s32 $0x7, s26;
	s26 =	smov.u32 s28  }
0x395: {  	v21 =	vmov s29  }
0x396: {  	[tilespmem:v20+s13+$0x0] =	vst.idx.msk vm0, v19;
	v19 =	vshrl.u32 v21, $0x3  }
0x397: {  	v18 =	vld.idx.msk [tilespmem:v18+s7+$0x0], $0xffff;
	v19 =	vmul.u32 $0x1400, v19  }
.Ltmp25:
0x398: {  	v20 =	vor.u32 s30, v5;
	(pc) =	sbr.rel @p1 .LBB2_43-.Ltmp25, $2  }
0x399: {  	v19 =	vadd.s32 v17, v19;
	_ =	sdelay $0x2  }
0x39a: {  	s28 =	sadd.s32 $0x8, s28;
	v21 =	vmov s26  }
0x39b: {  	_ =	sdelay $0x3  }
0x39c: {  	v21 =	vshrl.u32 v21, $0x3  }
0x39d: {  	[tilespmem:v20+s13+$0x0] =	vst.idx.msk vm0, v18;
	v48 =	vmul.u32 $0x1400, v21  }
0x39e: {  	v49 =	vor.u32 s29, v5;
	v19 =	vld.idx.msk [tilespmem:v19+s7+$0x0], $0xffff  }
0x39f: {  	v11 =	vadd.s32 v11, v48  }
0x3a0: {  	s11 =	sadd.s32 $0x1, s26  }
0x3a1: {  	v50 =	vmov s11  }
0x3a2: {  	v18 =	vshrl.u32 v50, $0x3  }
0x3a3: {  	v18 =	vmul.u32 $0x1400, v18;
	[tilespmem:v49+s13+$0x0] =	vst.idx.msk vm0, v19  }
0x3a4: {  	v51 =	vor.u32 s26, v5;
	v11 =	vld.idx.msk [tilespmem:v11+s7+$0x0], $0xffff  }
0x3a5: {  	v10 =	vadd.s32 v10, v18  }
0x3a6: {  	s28 =	sadd.s32 $0x2, s26  }
0x3a7: {  	v52 =	vmov s28  }
0x3a8: {  	v18 =	vshrl.u32 v52, $0x3  }
0x3a9: {  	[tilespmem:v51+s13+$0x0] =	vst.idx.msk vm0, v11;
	v11 =	vmul.u32 $0x1400, v18  }
0x3aa: {  	v53 =	vor.u32 s11, v5;
	v10 =	vld.idx.msk [tilespmem:v10+s7+$0x0], $0xffff  }
0x3ab: {  	v11 =	vadd.s32 v12, v11  }
0x3ac: {  	s30 =	sadd.s32 $0x3, s26  }
0x3ad: {  	v54 =	vmov s30  }
0x3ae: {  	v12 =	vshrl.u32 v54, $0x3  }
0x3af: {  	[tilespmem:v53+s13+$0x0] =	vst.idx.msk vm0, v10;
	v10 =	vmul.u32 $0x1400, v12  }
0x3b0: {  	v55 =	vor.u32 s28, v5;
	v11 =	vld.idx.msk [tilespmem:v11+s7+$0x0], $0xffff  }
0x3b1: {  	v10 =	vadd.s32 v13, v10  }
0x3b2: {  	s29 =	sadd.s32 $0x4, s26  }
0x3b3: {  	v56 =	vmov s29  }
0x3b4: {  	v13 =	vshrl.u32 v56, $0x3  }
0x3b5: {  	[tilespmem:v55+s13+$0x0] =	vst.idx.msk vm0, v11;
	v11 =	vmul.u32 $0x1400, v13  }
0x3b6: {  	v57 =	vor.u32 s30, v5;
	v10 =	vld.idx.msk [tilespmem:v10+s7+$0x0], $0xffff  }
0x3b7: {  	v11 =	vadd.s32 v14, v11  }
0x3b8: {  	s30 =	sadd.s32 $0x5, s26  }
0x3b9: {  	v58 =	vmov s30  }
0x3ba: {  	v13 =	vshrl.u32 v58, $0x3  }
0x3bb: {  	[tilespmem:v57+s13+$0x0] =	vst.idx.msk vm0, v10;
	v10 =	vmul.u32 $0x1400, v13  }
0x3bc: {  	v59 =	vor.u32 s29, v5;
	v11 =	vld.idx.msk [tilespmem:v11+s7+$0x0], $0xffff  }
0x3bd: {  	v10 =	vadd.s32 v15, v10  }
0x3be: {  	s29 =	sadd.s32 $0x6, s26  }
0x3bf: {  	v60 =	vmov s29  }
0x3c0: {  	v13 =	vshrl.u32 v60, $0x3  }
0x3c1: {  	[tilespmem:v59+s13+$0x0] =	vst.idx.msk vm0, v11;
	v11 =	vmul.u32 $0x1400, v13  }
0x3c2: {  	v61 =	vor.u32 s30, v5;
	v10 =	vld.idx.msk [tilespmem:v10+s7+$0x0], $0xffff  }
0x3c3: {  	v11 =	vadd.s32 v16, v11  }
0x3c4: {  	s30 =	sadd.s32 $0x7, s26  }
0x3c5: {  	v62 =	vmov s30  }
0x3c6: {  	v13 =	vshrl.u32 v62, $0x3  }
0x3c7: {  	[tilespmem:v61+s13+$0x0] =	vst.idx.msk vm0, v10;
	v10 =	vmul.u32 $0x1400, v13  }
0x3c8: {  	v63 =	vor.u32 s29, v5;
	v11 =	vld.idx.msk [tilespmem:v11+s7+$0x0], $0xffff  }
0x3c9: {  	v10 =	vadd.s32 v17, v10;
	_ =	sdelay $0x3  }
0x3ca: {  	[tilespmem:v63+s13+$0x0] =	vst.idx.msk vm0, v11  }
0x3cb: {  	v11 =	vor.u32 s30, v5;
	v10 =	vld.idx.msk [tilespmem:v10+s7+$0x0], $0xffff;
	_ =	sdelay $0x4  }
0x3cc: {  	v9 =	vnsel vm0, $0x4000, v9;
	p1 =	slt.u32 s25, $0x21;
	[tilespmem:v11+s13+$0x0] =	vst.idx.msk vm0, v10  }
.Ltmp26:
0x3cd: {  	[tilespmem:$0x15900] =	vst v9;
	(pc) =	sbr.rel @p1 .LBB2_51-.Ltmp26, $4  }
0x3ce: {  	[hbm4b:s9+s14] =	stream.indirect.scatter [tilespmem:s13], [sflag:$0x4], $0x80, s15, s14, $0xb8;
	[tilespmem:$0x18180] =	vst v63  }
0x3cf: {  	_ =	swait.ge [sflag:s16], $0x800  }
0x3d0: {  	[sflag:s16] =	ssyncset.done $0x0  }
0x3d1: {  	[sflag:s16] =	ssyncadd.s32 $0xFFFFF800  }
0x3d2: {  	v9 =	vld [tilespmem:$0x158A0];
	_ =	sdelay $0x4  }
0x3d3: {  	v10 =	vsub.s32 v9, v6  }
0x3d4: {  	s11 =	simm.s32 $0x0;
	vm0 =	vgt.s32 v10, $0x0  }
0x3d5: {  	v11 =	vmov s11;
	v10 =	vnsel vm0, $0x0, v10  }
0x3d6: {  	v11 =	vshrl.u32 v11, $0x3;
	v12 =	vshll.u32 v10, $0x3  }
0x3d7: {  	v13 =	vmul.u32 $0x1400, v11;
	v10 =	vand.u32 $0x7F, v10;
	v12 =	vand.u32 $0xFFFFFC00, v12  }
0x3d8: {  	v11 =	vor.u32 v10, v12  }
0x3d9: {  	v12 =	vadd.s32 v11, v13  }
0x3da: {  	s26 =	simm.s32 $0x1  }
0x3db: {  	v10 =	vmov s26  }
0x3dc: {  	v10 =	vshrl.u32 v10, $0x3  }
0x3dd: {  	vm0 =	vgt.s32 v9, $0xFFFFFFFF;
	v9 =	vmul.u32 $0x1400, v10  }
0x3de: {  	v13 =	vor.u32 s11, v5;
	v10 =	vor.u32 $0x80, v11;
	v12 =	vld.idx.msk [tilespmem:v12+s7+$0x0], $0xffff  }
0x3df: {  	v14 =	vadd.s32 v10, v9  }
0x3e0: {  	s30 =	simm.s32 $0x2  }
0x3e1: {  	v15 =	vmov s30  }
0x3e2: {  	v15 =	vshrl.u32 v15, $0x3  }
0x3e3: {  	v9 =	vld [tilespmem:$0x15820];
	[tilespmem:v13+s13+$0x0] =	vst.idx.msk vm0, v12;
	v13 =	vmul.u32 $0x1400, v15  }
0x3e4: {  	v12 =	vor.u32 $0x100, v11;
	v15 =	vor.u32 s26, v5;
	v14 =	vld.idx.msk [tilespmem:v14+s7+$0x0], $0xffff  }
0x3e5: {  	v16 =	vadd.s32 v12, v13  }
0x3e6: {  	s26 =	simm.s32 $0x3  }
0x3e7: {  	v13 =	vmov s26  }
0x3e8: {  	v13 =	vshrl.u32 v13, $0x3  }
0x3e9: {  	[tilespmem:v15+s13+$0x0] =	vst.idx.msk vm0, v14;
	v14 =	vmul.u32 $0x1400, v13  }
0x3ea: {  	v13 =	vor.u32 $0x180, v11;
	v15 =	vld.idx.msk [tilespmem:v16+s7+$0x0], $0xffff;
	v16 =	vor.u32 s30, v5  }
0x3eb: {  	v17 =	vadd.s32 v13, v14  }
0x3ec: {  	s30 =	simm.s32 $0x4  }
0x3ed: {  	v14 =	vmov s30  }
0x3ee: {  	v14 =	vshrl.u32 v14, $0x3  }
0x3ef: {  	[tilespmem:v16+s13+$0x0] =	vst.idx.msk vm0, v15;
	v15 =	vmul.u32 $0x1400, v14  }
0x3f0: {  	v14 =	vor.u32 $0x200, v11;
	v16 =	vld.idx.msk [tilespmem:v17+s7+$0x0], $0xffff;
	v17 =	vor.u32 s26, v5  }
0x3f1: {  	v18 =	vadd.s32 v14, v15  }
0x3f2: {  	s26 =	simm.s32 $0x5  }
0x3f3: {  	v15 =	vmov s26  }
0x3f4: {  	v15 =	vshrl.u32 v15, $0x3  }
0x3f5: {  	[tilespmem:v17+s13+$0x0] =	vst.idx.msk vm0, v16;
	v16 =	vmul.u32 $0x1400, v15  }
0x3f6: {  	v15 =	vor.u32 $0x280, v11;
	v17 =	vld.idx.msk [tilespmem:v18+s7+$0x0], $0xffff;
	v18 =	vor.u32 s30, v5  }
0x3f7: {  	v19 =	vadd.s32 v15, v16  }
0x3f8: {  	s30 =	simm.s32 $0x6  }
0x3f9: {  	v16 =	vmov s30  }
0x3fa: {  	v16 =	vshrl.u32 v16, $0x3  }
0x3fb: {  	[tilespmem:v18+s13+$0x0] =	vst.idx.msk vm0, v17;
	v17 =	vmul.u32 $0x1400, v16  }
0x3fc: {  	v16 =	vor.u32 $0x300, v11;
	v18 =	vld.idx.msk [tilespmem:v19+s7+$0x0], $0xffff;
	v19 =	vor.u32 s26, v5  }
0x3fd: {  	v20 =	vadd.s32 v16, v17  }
0x3fe: {  	s29 =	simm.s32 $0x7  }
0x3ff: {  	v17 =	vmov s29  }
0x400: {  	v17 =	vshrl.u32 v17, $0x3  }
0x401: {  	v21 =	vmul.u32 $0x1400, v17;
	[tilespmem:v19+s13+$0x0] =	vst.idx.msk vm0, v18  }
0x402: {  	v17 =	vor.u32 $0x380, v11;
	v18 =	vld.idx.msk [tilespmem:v20+s7+$0x0], $0xffff;
	v20 =	vor.u32 s30, v5  }
0x403: {  	v19 =	vadd.s32 v17, v21;
	_ =	sdelay $0x1  }
0x404: {  	s26 =	simm.s32 $0x8  }
0x405: {  	s28 =	simm.s32 $0x10;
	v21 =	vmov s26  }
.LBB2_46:
0x406: {  	p1 =	slt.u32 s28, $0x38;
	v21 =	vshrl.u32 v21, $0x3;
	[tilespmem:v20+s13+$0x0] =	vst.idx.msk vm0, v18  }
0x407: {  	v18 =	vmul.u32 $0x1400, v21;
	v19 =	vld.idx.msk [tilespmem:v19+s7+$0x0], $0xffff  }
0x408: {  	v20 =	vor.u32 s29, v5  }
0x409: {  	v18 =	vadd.s32 v11, v18;
	_ =	sdelay $0x1  }
0x40a: {  	s11 =	sadd.s32 $0x1, s26  }
0x40b: {  	v21 =	vmov s11  }
0x40c: {  	v21 =	vshrl.u32 v21, $0x3;
	[tilespmem:v20+s13+$0x0] =	vst.idx.msk vm0, v19  }
0x40d: {  	v19 =	vmul.u32 $0x1400, v21;
	v18 =	vld.idx.msk [tilespmem:v18+s7+$0x0], $0xffff  }
0x40e: {  	v20 =	vor.u32 s26, v5  }
0x40f: {  	v19 =	vadd.s32 v10, v19;
	_ =	sdelay $0x1  }
0x410: {  	s29 =	sadd.s32 $0x2, s26  }
0x411: {  	v21 =	vmov s29  }
0x412: {  	[tilespmem:v20+s13+$0x0] =	vst.idx.msk vm0, v18;
	v18 =	vshrl.u32 v21, $0x3  }
0x413: {  	v19 =	vld.idx.msk [tilespmem:v19+s7+$0x0], $0xffff;
	v18 =	vmul.u32 $0x1400, v18  }
0x414: {  	v20 =	vor.u32 s11, v5  }
0x415: {  	v18 =	vadd.s32 v12, v18;
	_ =	sdelay $0x1  }
0x416: {  	s11 =	sadd.s32 $0x3, s26  }
0x417: {  	v21 =	vmov s11  }
0x418: {  	[tilespmem:v20+s13+$0x0] =	vst.idx.msk vm0, v19;
	v19 =	vshrl.u32 v21, $0x3  }
0x419: {  	v18 =	vld.idx.msk [tilespmem:v18+s7+$0x0], $0xffff;
	v19 =	vmul.u32 $0x1400, v19  }
0x41a: {  	v20 =	vor.u32 s29, v5  }
0x41b: {  	v19 =	vadd.s32 v13, v19;
	_ =	sdelay $0x1  }
0x41c: {  	s29 =	sadd.s32 $0x4, s26  }
0x41d: {  	v21 =	vmov s29  }
0x41e: {  	[tilespmem:v20+s13+$0x0] =	vst.idx.msk vm0, v18;
	v18 =	vshrl.u32 v21, $0x3  }
0x41f: {  	v19 =	vld.idx.msk [tilespmem:v19+s7+$0x0], $0xffff;
	v18 =	vmul.u32 $0x1400, v18  }
0x420: {  	v20 =	vor.u32 s11, v5  }
0x421: {  	v18 =	vadd.s32 v14, v18;
	_ =	sdelay $0x1  }
0x422: {  	s11 =	sadd.s32 $0x5, s26  }
0x423: {  	v21 =	vmov s11  }
0x424: {  	[tilespmem:v20+s13+$0x0] =	vst.idx.msk vm0, v19;
	v19 =	vshrl.u32 v21, $0x3  }
0x425: {  	v18 =	vld.idx.msk [tilespmem:v18+s7+$0x0], $0xffff;
	v19 =	vmul.u32 $0x1400, v19  }
0x426: {  	v20 =	vor.u32 s29, v5  }
0x427: {  	v19 =	vadd.s32 v15, v19;
	_ =	sdelay $0x1  }
0x428: {  	s30 =	sadd.s32 $0x6, s26  }
0x429: {  	v21 =	vmov s30  }
0x42a: {  	[tilespmem:v20+s13+$0x0] =	vst.idx.msk vm0, v18;
	v18 =	vshrl.u32 v21, $0x3  }
0x42b: {  	v19 =	vld.idx.msk [tilespmem:v19+s7+$0x0], $0xffff;
	v18 =	vmul.u32 $0x1400, v18  }
0x42c: {  	v20 =	vor.u32 s11, v5  }
0x42d: {  	v18 =	vadd.s32 v16, v18;
	_ =	sdelay $0x1  }
0x42e: {  	s29 =	sadd.s32 $0x7, s26;
	s26 =	smov.u32 s28  }
0x42f: {  	v21 =	vmov s29  }
0x430: {  	[tilespmem:v20+s13+$0x0] =	vst.idx.msk vm0, v19;
	v19 =	vshrl.u32 v21, $0x3  }
0x431: {  	v18 =	vld.idx.msk [tilespmem:v18+s7+$0x0], $0xffff;
	v19 =	vmul.u32 $0x1400, v19  }
.Ltmp27:
0x432: {  	v20 =	vor.u32 s30, v5;
	(pc) =	sbr.rel @p1 .LBB2_46-.Ltmp27, $2  }
0x433: {  	v19 =	vadd.s32 v17, v19;
	_ =	sdelay $0x2  }
0x434: {  	s28 =	sadd.s32 $0x8, s28;
	v21 =	vmov s26  }
0x435: {  	_ =	sdelay $0x3  }
0x436: {  	v21 =	vshrl.u32 v21, $0x3  }
0x437: {  	[tilespmem:v20+s13+$0x0] =	vst.idx.msk vm0, v18;
	v48 =	vmul.u32 $0x1400, v21  }
0x438: {  	v49 =	vor.u32 s29, v5;
	v19 =	vld.idx.msk [tilespmem:v19+s7+$0x0], $0xffff  }
0x439: {  	v11 =	vadd.s32 v11, v48  }
0x43a: {  	s11 =	sadd.s32 $0x1, s26  }
0x43b: {  	v50 =	vmov s11  }
0x43c: {  	v18 =	vshrl.u32 v50, $0x3  }
0x43d: {  	v18 =	vmul.u32 $0x1400, v18;
	[tilespmem:v49+s13+$0x0] =	vst.idx.msk vm0, v19  }
0x43e: {  	v51 =	vor.u32 s26, v5;
	v11 =	vld.idx.msk [tilespmem:v11+s7+$0x0], $0xffff  }
0x43f: {  	v10 =	vadd.s32 v10, v18  }
0x440: {  	s28 =	sadd.s32 $0x2, s26  }
0x441: {  	v52 =	vmov s28  }
0x442: {  	v18 =	vshrl.u32 v52, $0x3  }
0x443: {  	[tilespmem:v51+s13+$0x0] =	vst.idx.msk vm0, v11;
	v11 =	vmul.u32 $0x1400, v18  }
0x444: {  	v53 =	vor.u32 s11, v5;
	v10 =	vld.idx.msk [tilespmem:v10+s7+$0x0], $0xffff  }
0x445: {  	v11 =	vadd.s32 v12, v11  }
0x446: {  	s30 =	sadd.s32 $0x3, s26  }
0x447: {  	v54 =	vmov s30  }
0x448: {  	v12 =	vshrl.u32 v54, $0x3  }
0x449: {  	[tilespmem:v53+s13+$0x0] =	vst.idx.msk vm0, v10;
	v10 =	vmul.u32 $0x1400, v12  }
0x44a: {  	v55 =	vor.u32 s28, v5;
	v11 =	vld.idx.msk [tilespmem:v11+s7+$0x0], $0xffff  }
0x44b: {  	v10 =	vadd.s32 v13, v10  }
0x44c: {  	s29 =	sadd.s32 $0x4, s26  }
0x44d: {  	v56 =	vmov s29  }
0x44e: {  	v13 =	vshrl.u32 v56, $0x3  }
0x44f: {  	[tilespmem:v55+s13+$0x0] =	vst.idx.msk vm0, v11;
	v11 =	vmul.u32 $0x1400, v13  }
0x450: {  	v57 =	vor.u32 s30, v5;
	v10 =	vld.idx.msk [tilespmem:v10+s7+$0x0], $0xffff  }
0x451: {  	v11 =	vadd.s32 v14, v11  }
0x452: {  	s30 =	sadd.s32 $0x5, s26  }
0x453: {  	v58 =	vmov s30  }
0x454: {  	v13 =	vshrl.u32 v58, $0x3  }
0x455: {  	[tilespmem:v57+s13+$0x0] =	vst.idx.msk vm0, v10;
	v10 =	vmul.u32 $0x1400, v13  }
0x456: {  	v59 =	vor.u32 s29, v5;
	v11 =	vld.idx.msk [tilespmem:v11+s7+$0x0], $0xffff  }
0x457: {  	v10 =	vadd.s32 v15, v10  }
0x458: {  	s29 =	sadd.s32 $0x6, s26  }
0x459: {  	v60 =	vmov s29  }
0x45a: {  	v13 =	vshrl.u32 v60, $0x3  }
0x45b: {  	[tilespmem:v59+s13+$0x0] =	vst.idx.msk vm0, v11;
	v11 =	vmul.u32 $0x1400, v13  }
0x45c: {  	v61 =	vor.u32 s30, v5;
	v10 =	vld.idx.msk [tilespmem:v10+s7+$0x0], $0xffff  }
0x45d: {  	v11 =	vadd.s32 v16, v11  }
0x45e: {  	s30 =	sadd.s32 $0x7, s26  }
0x45f: {  	v62 =	vmov s30  }
0x460: {  	v13 =	vshrl.u32 v62, $0x3  }
0x461: {  	[tilespmem:v61+s13+$0x0] =	vst.idx.msk vm0, v10;
	v10 =	vmul.u32 $0x1400, v13  }
0x462: {  	v63 =	vor.u32 s29, v5;
	v11 =	vld.idx.msk [tilespmem:v11+s7+$0x0], $0xffff  }
0x463: {  	v10 =	vadd.s32 v17, v10;
	_ =	sdelay $0x3  }
0x464: {  	[tilespmem:v63+s13+$0x0] =	vst.idx.msk vm0, v11  }
0x465: {  	v11 =	vor.u32 s30, v5;
	v10 =	vld.idx.msk [tilespmem:v10+s7+$0x0], $0xffff;
	_ =	sdelay $0x4  }
0x466: {  	v9 =	vnsel vm0, $0x4000, v9;
	p1 =	slt.u32 s25, $0x31;
	[tilespmem:v11+s13+$0x0] =	vst.idx.msk vm0, v10  }
.Ltmp28:
0x467: {  	[tilespmem:$0x15900] =	vst v9;
	(pc) =	sbr.rel @p1 .LBB2_51-.Ltmp28, $4  }
0x468: {  	[hbm4b:s9+s14] =	stream.indirect.scatter [tilespmem:s13], [sflag:$0x4], $0x80, s15, s14, $0xb8;
	[tilespmem:$0x18180] =	vst v63  }
0x469: {  	_ =	swait.ge [sflag:s16], $0x800  }
0x46a: {  	[sflag:s16] =	ssyncset.done $0x0  }
0x46b: {  	[sflag:s16] =	ssyncadd.s32 $0xFFFFF800  }
0x46c: {  	v9 =	vld [tilespmem:$0x158B0];
	_ =	sdelay $0x4  }
0x46d: {  	v10 =	vsub.s32 v9, v6  }
0x46e: {  	s11 =	simm.s32 $0x0;
	vm0 =	vgt.s32 v10, $0x0  }
0x46f: {  	v11 =	vmov s11;
	v10 =	vnsel vm0, $0x0, v10  }
0x470: {  	v11 =	vshrl.u32 v11, $0x3;
	v12 =	vshll.u32 v10, $0x3  }
0x471: {  	v13 =	vmul.u32 $0x1400, v11;
	v10 =	vand.u32 $0x7F, v10;
	v12 =	vand.u32 $0xFFFFFC00, v12  }
0x472: {  	v11 =	vor.u32 v10, v12  }
0x473: {  	v12 =	vadd.s32 v11, v13  }
0x474: {  	s25 =	simm.s32 $0x1  }
0x475: {  	v10 =	vmov s25  }
0x476: {  	v10 =	vshrl.u32 v10, $0x3  }
0x477: {  	vm0 =	vgt.s32 v9, $0xFFFFFFFF;
	v9 =	vmul.u32 $0x1400, v10  }
0x478: {  	v13 =	vor.u32 s11, v5;
	v10 =	vor.u32 $0x80, v11;
	v12 =	vld.idx.msk [tilespmem:v12+s7+$0x0], $0xffff  }
0x479: {  	v14 =	vadd.s32 v10, v9  }
0x47a: {  	s29 =	simm.s32 $0x2  }
0x47b: {  	v15 =	vmov s29  }
0x47c: {  	v15 =	vshrl.u32 v15, $0x3  }
0x47d: {  	v9 =	vld [tilespmem:$0x15830];
	[tilespmem:v13+s13+$0x0] =	vst.idx.msk vm0, v12;
	v13 =	vmul.u32 $0x1400, v15  }
0x47e: {  	v12 =	vor.u32 $0x100, v11;
	v15 =	vor.u32 s25, v5;
	v14 =	vld.idx.msk [tilespmem:v14+s7+$0x0], $0xffff  }
0x47f: {  	v16 =	vadd.s32 v12, v13  }
0x480: {  	s30 =	simm.s32 $0x3  }
0x481: {  	v13 =	vmov s30  }
0x482: {  	v13 =	vshrl.u32 v13, $0x3  }
0x483: {  	[tilespmem:v15+s13+$0x0] =	vst.idx.msk vm0, v14;
	v14 =	vmul.u32 $0x1400, v13  }
0x484: {  	v13 =	vor.u32 $0x180, v11;
	v15 =	vld.idx.msk [tilespmem:v16+s7+$0x0], $0xffff;
	v16 =	vor.u32 s29, v5  }
0x485: {  	v17 =	vadd.s32 v13, v14  }
0x486: {  	s26 =	simm.s32 $0x4  }
0x487: {  	v14 =	vmov s26  }
0x488: {  	v14 =	vshrl.u32 v14, $0x3  }
0x489: {  	[tilespmem:v16+s13+$0x0] =	vst.idx.msk vm0, v15;
	v15 =	vmul.u32 $0x1400, v14  }
0x48a: {  	v14 =	vor.u32 $0x200, v11;
	v16 =	vld.idx.msk [tilespmem:v17+s7+$0x0], $0xffff;
	v17 =	vor.u32 s30, v5  }
0x48b: {  	v18 =	vadd.s32 v14, v15  }
0x48c: {  	s29 =	simm.s32 $0x5  }
0x48d: {  	v15 =	vmov s29  }
0x48e: {  	v15 =	vshrl.u32 v15, $0x3  }
0x48f: {  	[tilespmem:v17+s13+$0x0] =	vst.idx.msk vm0, v16;
	v16 =	vmul.u32 $0x1400, v15  }
0x490: {  	v15 =	vor.u32 $0x280, v11;
	v17 =	vld.idx.msk [tilespmem:v18+s7+$0x0], $0xffff;
	v18 =	vor.u32 s26, v5  }
0x491: {  	v19 =	vadd.s32 v15, v16  }
0x492: {  	s30 =	simm.s32 $0x6  }
0x493: {  	v16 =	vmov s30  }
0x494: {  	v16 =	vshrl.u32 v16, $0x3  }
0x495: {  	[tilespmem:v18+s13+$0x0] =	vst.idx.msk vm0, v17;
	v17 =	vmul.u32 $0x1400, v16  }
0x496: {  	v16 =	vor.u32 $0x300, v11;
	v18 =	vld.idx.msk [tilespmem:v19+s7+$0x0], $0xffff;
	v19 =	vor.u32 s29, v5  }
0x497: {  	v20 =	vadd.s32 v16, v17  }
0x498: {  	s28 =	simm.s32 $0x7  }
0x499: {  	v17 =	vmov s28  }
0x49a: {  	v17 =	vshrl.u32 v17, $0x3  }
0x49b: {  	v21 =	vmul.u32 $0x1400, v17;
	[tilespmem:v19+s13+$0x0] =	vst.idx.msk vm0, v18  }
0x49c: {  	v17 =	vor.u32 $0x380, v11;
	v18 =	vld.idx.msk [tilespmem:v20+s7+$0x0], $0xffff;
	v20 =	vor.u32 s30, v5  }
0x49d: {  	v19 =	vadd.s32 v17, v21;
	_ =	sdelay $0x1  }
0x49e: {  	s25 =	simm.s32 $0x8  }
0x49f: {  	s26 =	simm.s32 $0x10;
	v21 =	vmov s25  }
.LBB2_49:
0x4a0: {  	p1 =	slt.u32 s26, $0x38;
	v21 =	vshrl.u32 v21, $0x3;
	[tilespmem:v20+s13+$0x0] =	vst.idx.msk vm0, v18  }
0x4a1: {  	v18 =	vmul.u32 $0x1400, v21;
	v19 =	vld.idx.msk [tilespmem:v19+s7+$0x0], $0xffff  }
0x4a2: {  	v20 =	vor.u32 s28, v5  }
0x4a3: {  	v18 =	vadd.s32 v11, v18;
	_ =	sdelay $0x1  }
0x4a4: {  	s11 =	sadd.s32 $0x1, s25  }
0x4a5: {  	v21 =	vmov s11  }
0x4a6: {  	v21 =	vshrl.u32 v21, $0x3;
	[tilespmem:v20+s13+$0x0] =	vst.idx.msk vm0, v19  }
0x4a7: {  	v19 =	vmul.u32 $0x1400, v21;
	v18 =	vld.idx.msk [tilespmem:v18+s7+$0x0], $0xffff  }
0x4a8: {  	v20 =	vor.u32 s25, v5  }
0x4a9: {  	v19 =	vadd.s32 v10, v19;
	_ =	sdelay $0x1  }
0x4aa: {  	s28 =	sadd.s32 $0x2, s25  }
0x4ab: {  	v21 =	vmov s28  }
0x4ac: {  	[tilespmem:v20+s13+$0x0] =	vst.idx.msk vm0, v18;
	v18 =	vshrl.u32 v21, $0x3  }
0x4ad: {  	v19 =	vld.idx.msk [tilespmem:v19+s7+$0x0], $0xffff;
	v18 =	vmul.u32 $0x1400, v18  }
0x4ae: {  	v20 =	vor.u32 s11, v5  }
0x4af: {  	v18 =	vadd.s32 v12, v18;
	_ =	sdelay $0x1  }
0x4b0: {  	s11 =	sadd.s32 $0x3, s25  }
0x4b1: {  	v21 =	vmov s11  }
0x4b2: {  	[tilespmem:v20+s13+$0x0] =	vst.idx.msk vm0, v19;
	v19 =	vshrl.u32 v21, $0x3  }
0x4b3: {  	v18 =	vld.idx.msk [tilespmem:v18+s7+$0x0], $0xffff;
	v19 =	vmul.u32 $0x1400, v19  }
0x4b4: {  	v20 =	vor.u32 s28, v5  }
0x4b5: {  	v19 =	vadd.s32 v13, v19;
	_ =	sdelay $0x1  }
0x4b6: {  	s28 =	sadd.s32 $0x4, s25  }
0x4b7: {  	v21 =	vmov s28  }
0x4b8: {  	[tilespmem:v20+s13+$0x0] =	vst.idx.msk vm0, v18;
	v18 =	vshrl.u32 v21, $0x3  }
0x4b9: {  	v19 =	vld.idx.msk [tilespmem:v19+s7+$0x0], $0xffff;
	v18 =	vmul.u32 $0x1400, v18  }
0x4ba: {  	v20 =	vor.u32 s11, v5  }
0x4bb: {  	v18 =	vadd.s32 v14, v18;
	_ =	sdelay $0x1  }
0x4bc: {  	s11 =	sadd.s32 $0x5, s25  }
0x4bd: {  	v21 =	vmov s11  }
0x4be: {  	[tilespmem:v20+s13+$0x0] =	vst.idx.msk vm0, v19;
	v19 =	vshrl.u32 v21, $0x3  }
0x4bf: {  	v18 =	vld.idx.msk [tilespmem:v18+s7+$0x0], $0xffff;
	v19 =	vmul.u32 $0x1400, v19  }
0x4c0: {  	v20 =	vor.u32 s28, v5  }
0x4c1: {  	v19 =	vadd.s32 v15, v19;
	_ =	sdelay $0x1  }
0x4c2: {  	s29 =	sadd.s32 $0x6, s25  }
0x4c3: {  	v21 =	vmov s29  }
0x4c4: {  	[tilespmem:v20+s13+$0x0] =	vst.idx.msk vm0, v18;
	v18 =	vshrl.u32 v21, $0x3  }
0x4c5: {  	v19 =	vld.idx.msk [tilespmem:v19+s7+$0x0], $0xffff;
	v18 =	vmul.u32 $0x1400, v18  }
0x4c6: {  	v20 =	vor.u32 s11, v5  }
0x4c7: {  	v18 =	vadd.s32 v16, v18;
	_ =	sdelay $0x1  }
0x4c8: {  	s28 =	sadd.s32 $0x7, s25;
	s25 =	smov.u32 s26  }
0x4c9: {  	v21 =	vmov s28  }
0x4ca: {  	[tilespmem:v20+s13+$0x0] =	vst.idx.msk vm0, v19;
	v19 =	vshrl.u32 v21, $0x3  }
0x4cb: {  	v18 =	vld.idx.msk [tilespmem:v18+s7+$0x0], $0xffff;
	v19 =	vmul.u32 $0x1400, v19  }
.Ltmp29:
0x4cc: {  	v20 =	vor.u32 s29, v5;
	(pc) =	sbr.rel @p1 .LBB2_49-.Ltmp29, $2  }
0x4cd: {  	v19 =	vadd.s32 v17, v19;
	_ =	sdelay $0x2  }
0x4ce: {  	s26 =	sadd.s32 $0x8, s26;
	v21 =	vmov s25  }
0x4cf: {  	_ =	sdelay $0x3  }
0x4d0: {  	v21 =	vshrl.u32 v21, $0x3  }
0x4d1: {  	[tilespmem:v20+s13+$0x0] =	vst.idx.msk vm0, v18;
	v48 =	vmul.u32 $0x1400, v21  }
0x4d2: {  	v49 =	vor.u32 s28, v5;
	v19 =	vld.idx.msk [tilespmem:v19+s7+$0x0], $0xffff  }
0x4d3: {  	v11 =	vadd.s32 v11, v48  }
0x4d4: {  	s11 =	sadd.s32 $0x1, s25  }
0x4d5: {  	v50 =	vmov s11  }
0x4d6: {  	v18 =	vshrl.u32 v50, $0x3  }
0x4d7: {  	v18 =	vmul.u32 $0x1400, v18;
	[tilespmem:v49+s13+$0x0] =	vst.idx.msk vm0, v19  }
0x4d8: {  	v51 =	vor.u32 s25, v5;
	v11 =	vld.idx.msk [tilespmem:v11+s7+$0x0], $0xffff  }
0x4d9: {  	v10 =	vadd.s32 v10, v18  }
0x4da: {  	s26 =	sadd.s32 $0x2, s25  }
0x4db: {  	v52 =	vmov s26  }
0x4dc: {  	v18 =	vshrl.u32 v52, $0x3  }
0x4dd: {  	[tilespmem:v51+s13+$0x0] =	vst.idx.msk vm0, v11;
	v11 =	vmul.u32 $0x1400, v18  }
0x4de: {  	v53 =	vor.u32 s11, v5;
	v10 =	vld.idx.msk [tilespmem:v10+s7+$0x0], $0xffff  }
0x4df: {  	v11 =	vadd.s32 v12, v11  }
0x4e0: {  	s29 =	sadd.s32 $0x3, s25  }
0x4e1: {  	v54 =	vmov s29  }
0x4e2: {  	v12 =	vshrl.u32 v54, $0x3  }
0x4e3: {  	[tilespmem:v53+s13+$0x0] =	vst.idx.msk vm0, v10;
	v10 =	vmul.u32 $0x1400, v12  }
0x4e4: {  	v55 =	vor.u32 s26, v5;
	v11 =	vld.idx.msk [tilespmem:v11+s7+$0x0], $0xffff  }
0x4e5: {  	v10 =	vadd.s32 v13, v10  }
0x4e6: {  	s30 =	sadd.s32 $0x4, s25  }
0x4e7: {  	v56 =	vmov s30  }
0x4e8: {  	v13 =	vshrl.u32 v56, $0x3  }
0x4e9: {  	[tilespmem:v55+s13+$0x0] =	vst.idx.msk vm0, v11;
	v11 =	vmul.u32 $0x1400, v13  }
0x4ea: {  	v57 =	vor.u32 s29, v5;
	v10 =	vld.idx.msk [tilespmem:v10+s7+$0x0], $0xffff  }
0x4eb: {  	v11 =	vadd.s32 v14, v11  }
0x4ec: {  	s28 =	sadd.s32 $0x5, s25  }
0x4ed: {  	v58 =	vmov s28  }
0x4ee: {  	v13 =	vshrl.u32 v58, $0x3  }
0x4ef: {  	[tilespmem:v57+s13+$0x0] =	vst.idx.msk vm0, v10;
	v10 =	vmul.u32 $0x1400, v13  }
0x4f0: {  	v59 =	vor.u32 s30, v5;
	v11 =	vld.idx.msk [tilespmem:v11+s7+$0x0], $0xffff  }
0x4f1: {  	v10 =	vadd.s32 v15, v10  }
0x4f2: {  	s29 =	sadd.s32 $0x6, s25  }
0x4f3: {  	v60 =	vmov s29  }
0x4f4: {  	v13 =	vshrl.u32 v60, $0x3  }
0x4f5: {  	[tilespmem:v59+s13+$0x0] =	vst.idx.msk vm0, v11;
	v11 =	vmul.u32 $0x1400, v13  }
0x4f6: {  	v61 =	vor.u32 s28, v5;
	v10 =	vld.idx.msk [tilespmem:v10+s7+$0x0], $0xffff  }
0x4f7: {  	v11 =	vadd.s32 v16, v11  }
0x4f8: {  	s30 =	sadd.s32 $0x7, s25  }
0x4f9: {  	v62 =	vmov s30  }
0x4fa: {  	v13 =	vshrl.u32 v62, $0x3  }
0x4fb: {  	[tilespmem:v61+s13+$0x0] =	vst.idx.msk vm0, v10;
	v10 =	vmul.u32 $0x1400, v13  }
0x4fc: {  	v63 =	vor.u32 s29, v5;
	v11 =	vld.idx.msk [tilespmem:v11+s7+$0x0], $0xffff  }
0x4fd: {  	v10 =	vadd.s32 v17, v10;
	_ =	sdelay $0x3  }
0x4fe: {  	[tilespmem:v63+s13+$0x0] =	vst.idx.msk vm0, v11  }
0x4ff: {  	v11 =	vor.u32 s30, v5;
	v10 =	vld.idx.msk [tilespmem:v10+s7+$0x0], $0xffff;
	_ =	sdelay $0x4  }
0x500: {  	v9 =	vnsel vm0, $0x4000, v9;
	[tilespmem:v11+s13+$0x0] =	vst.idx.msk vm0, v10  }
0x501: {  	[tilespmem:$0x15900] =	vst v9  }
0x502: {  	[hbm4b:s9+s14] =	stream.indirect.scatter [tilespmem:s13], [sflag:$0x4], $0x80, s15, s14, $0xb8;
	[tilespmem:$0x18180] =	vst v63  }
0x503: {  	_ =	swait.ge [sflag:s16], $0x800  }
0x504: {  	[sflag:s16] =	ssyncset.done $0x0  }
0x505: {  	[sflag:s16] =	ssyncadd.s32 $0xFFFFF800  }
.LBB2_51:
0x506: {  	p1 =	seq.s32 s23, $0x30  }
0x507: {  	s11 =	sadd.s32 @!p1 s24, s31  }
0x508: {  	_ =	swait.ge [sflag:s17], $0xA000;
	p2 =	slt.s32 @!p1 s11, s20  }
0x509: {  	[sflag:s17] =	ssyncset.done $0x0;
	p2 =	por !p2, p1  }
0x50a: {  	s24 =	simm.s32 @!p1 $0x1400;
	s25 =	simm.s32 @!p1 $0x7A1400;
	s11 =	smov.u32 @p2 s20  }
0x50b: {  	s26 =	simm.s32 @!p1 $0x1800;
	[sflag:s17] =	ssyncadd.s32 $0xFFFF6000;
	s11 =	sadd.s32 @!p1 s3, s11  }
0x50c: {  	[tilespmem:s26], [sflag:$0x1] =	stream.strided.gather @!p1 [hbm4b:s11+s24], $0xA000, s25, s24, $0x38;
	[tilespmem:$0x18180] =	vst v63  }
0x50d: {  	[tilespmem:$0x15800] =	vst v3  }
0x50e: {  	[tilespmem:$0x15880] =	vst v4  }
0x50f: {  	[tilespmem:$0x15810] =	vst v3  }
0x510: {  	[tilespmem:$0x15890] =	vst v4  }
0x511: {  	[tilespmem:$0x15820] =	vst v3  }
0x512: {  	[tilespmem:$0x158A0] =	vst v4  }
0x513: {  	[tilespmem:$0x15830] =	vst v3  }
0x514: {  	s24 =	simm.s32 $0x1400;
	p1 =	sle.s32 s21, $0x0;
	[tilespmem:$0x158B0] =	vst v4  }
0x515: {  	v9 =	vld @!p1 [tilespmem:s24+$0x0];
	_ =	sdelay $0x4  }
0x516: {  	s25 =	simm.s32 $0x1000;
	vm0 =	vge.s32 @!p1 v9, v7;
	vm1 =	vlt.s32 @!p1 v9, v8  }
0x517: {  	v10 =	vld @!p1 [tilespmem:s25+$0x0];
	vm0 =	vmand @!p1 vm0, vm1  }
0x518: {  	v11 =	vmpcnt.ones.xlane @!p1 vm0;
	_ =	sdelay $0x1  }
0x519: {  	(v2sf) =	vpush @!p1 v11, $0x0  }
0x51a: {  	s28 =	simm.s32 $0x0;
	p2 =	por p1, p1  }
0x51b: {  	[tilespmem:s28+$0x15800] =	vst.msk @!p2 vm0, v10  }
0x51c: {  	s26 =	simm.s32 $0x10;
	[tilespmem:s28+$0x15880] =	vst.msk @!p2 vm0, v9  }
.LBB2_52:
0x51d: {  	_ = 	snop  }
0x51e: {  	s11 =	smov.u32 s28;
	p4 =	por p1, p1  }
0x51f: {  	p1 =	sge.s32 s26, s21;
	s26 =	sadd.s32 $0x10, s26;
	s24 =	sadd.s32 $0x10, s24  }
0x520: {  	p3 =	sne.s32 s26, $0x400;
	v9 =	vld @!p1 [tilespmem:s24+$0x0];
	_ =	sdelay $0x4  }
0x521: {  	s25 =	sadd.s32 $0x10, s25;
	vm0 =	vge.s32 @!p1 v9, v7;
	vm1 =	vlt.s32 @!p1 v9, v8  }
0x522: {  	v10 =	vld @!p1 [tilespmem:s25+$0x0];
	vm0 =	vmand @!p1 vm0, vm1  }
0x523: {  	v11 =	vmpcnt.ones.xlane @!p1 vm0  }
.Ltmp30:
0x524: {  	s28 =	spop @!p4 (v2sf);
	(pc) =	sbr.rel @p3 .LBB2_52-.Ltmp30, $4  }
0x525: {  	(v2sf) =	vpush @!p1 v11, $0x0;
	s28 =	sadd.s32 @!p2 s11, s28  }
0x526: {  	s28 =	smov.u32 @p2 s11;
	p2 =	por p1, p1  }
0x527: {  	[tilespmem:s28+$0x15800] =	vst.msk @!p2 vm0, v10  }
0x528: {  	[tilespmem:s28+$0x15880] =	vst.msk @!p2 vm0, v9  }
0x529: {  	_ =	sdelay $0xa  }
0x52a: {  	s11 =	spop @!p1 (v2sf)  }
0x52b: {  	s24 =	sadd.s32 @!p2 s28, s11  }
0x52c: {  	s24 =	smov.u32 @p2 s28  }
0x52d: {  	p1 =	slt.s32 s24, $0x1  }
.Ltmp31:
0x52e: {  	_ = 	snop;
	(pc) =	sbr.rel @p1 .LBB2_66-.Ltmp31, $1  }
0x52f: {  	_ =	sdelay $0x3  }
0x530: {  	v7 =	vld [tilespmem:$0x15880];
	_ =	sdelay $0x4  }
0x531: {  	v8 =	vsub.s32 v7, v6  }
0x532: {  	s11 =	simm.s32 $0x0;
	vm0 =	vgt.s32 v8, $0x0  }
0x533: {  	v9 =	vmov s11;
	v8 =	vnsel vm0, $0x0, v8  }
0x534: {  	v9 =	vshrl.u32 v9, $0x3;
	v10 =	vshll.u32 v8, $0x3  }
0x535: {  	v11 =	vmul.u32 $0x1400, v9;
	v8 =	vand.u32 $0x7F, v8;
	v10 =	vand.u32 $0xFFFFFC00, v10  }
0x536: {  	v9 =	vor.u32 v8, v10  }
0x537: {  	v10 =	vadd.s32 v9, v11  }
0x538: {  	s25 =	simm.s32 $0x1  }
0x539: {  	v8 =	vmov s25  }
0x53a: {  	v8 =	vshrl.u32 v8, $0x3  }
0x53b: {  	vm0 =	vgt.s32 v7, $0xFFFFFFFF;
	v7 =	vmul.u32 $0x1400, v8  }
0x53c: {  	v11 =	vor.u32 s11, v5;
	v8 =	vor.u32 $0x80, v9;
	v10 =	vld.idx.msk [tilespmem:v10+s1+$0x0], $0xffff  }
0x53d: {  	v12 =	vadd.s32 v8, v7  }
0x53e: {  	s29 =	simm.s32 $0x2  }
0x53f: {  	v13 =	vmov s29  }
0x540: {  	v13 =	vshrl.u32 v13, $0x3  }
0x541: {  	v7 =	vld [tilespmem:$0x15800];
	[tilespmem:v11+s13+$0x0] =	vst.idx.msk vm0, v10;
	v11 =	vmul.u32 $0x1400, v13  }
0x542: {  	v10 =	vor.u32 $0x100, v9;
	v13 =	vor.u32 s25, v5;
	v12 =	vld.idx.msk [tilespmem:v12+s1+$0x0], $0xffff  }
0x543: {  	v14 =	vadd.s32 v10, v11  }
0x544: {  	s30 =	simm.s32 $0x3  }
0x545: {  	v11 =	vmov s30  }
0x546: {  	v11 =	vshrl.u32 v11, $0x3  }
0x547: {  	[tilespmem:v13+s13+$0x0] =	vst.idx.msk vm0, v12;
	v12 =	vmul.u32 $0x1400, v11  }
0x548: {  	v11 =	vor.u32 $0x180, v9;
	v13 =	vld.idx.msk [tilespmem:v14+s1+$0x0], $0xffff;
	v14 =	vor.u32 s29, v5  }
0x549: {  	v15 =	vadd.s32 v11, v12  }
0x54a: {  	s26 =	simm.s32 $0x4  }
0x54b: {  	v12 =	vmov s26  }
0x54c: {  	v12 =	vshrl.u32 v12, $0x3  }
0x54d: {  	[tilespmem:v14+s13+$0x0] =	vst.idx.msk vm0, v13;
	v13 =	vmul.u32 $0x1400, v12  }
0x54e: {  	v12 =	vor.u32 $0x200, v9;
	v14 =	vld.idx.msk [tilespmem:v15+s1+$0x0], $0xffff;
	v15 =	vor.u32 s30, v5  }
0x54f: {  	v16 =	vadd.s32 v12, v13  }
0x550: {  	s29 =	simm.s32 $0x5  }
0x551: {  	v13 =	vmov s29  }
0x552: {  	v13 =	vshrl.u32 v13, $0x3  }
0x553: {  	[tilespmem:v15+s13+$0x0] =	vst.idx.msk vm0, v14;
	v14 =	vmul.u32 $0x1400, v13  }
0x554: {  	v13 =	vor.u32 $0x280, v9;
	v15 =	vld.idx.msk [tilespmem:v16+s1+$0x0], $0xffff;
	v16 =	vor.u32 s26, v5  }
0x555: {  	v17 =	vadd.s32 v13, v14  }
0x556: {  	s30 =	simm.s32 $0x6  }
0x557: {  	v14 =	vmov s30  }
0x558: {  	v14 =	vshrl.u32 v14, $0x3  }
0x559: {  	[tilespmem:v16+s13+$0x0] =	vst.idx.msk vm0, v15;
	v15 =	vmul.u32 $0x1400, v14  }
0x55a: {  	v14 =	vor.u32 $0x300, v9;
	v16 =	vld.idx.msk [tilespmem:v17+s1+$0x0], $0xffff;
	v17 =	vor.u32 s29, v5  }
0x55b: {  	v18 =	vadd.s32 v14, v15  }
0x55c: {  	s28 =	simm.s32 $0x7  }
0x55d: {  	v15 =	vmov s28  }
0x55e: {  	v15 =	vshrl.u32 v15, $0x3  }
0x55f: {  	v19 =	vmul.u32 $0x1400, v15;
	[tilespmem:v17+s13+$0x0] =	vst.idx.msk vm0, v16  }
0x560: {  	v15 =	vor.u32 $0x380, v9;
	v16 =	vld.idx.msk [tilespmem:v18+s1+$0x0], $0xffff;
	v18 =	vor.u32 s30, v5  }
0x561: {  	v17 =	vadd.s32 v15, v19;
	_ =	sdelay $0x1  }
0x562: {  	s25 =	simm.s32 $0x8  }
0x563: {  	s26 =	simm.s32 $0x10;
	v19 =	vmov s25  }
.LBB2_55:
0x564: {  	p1 =	slt.u32 s26, $0x38;
	v19 =	vshrl.u32 v19, $0x3;
	[tilespmem:v18+s13+$0x0] =	vst.idx.msk vm0, v16  }
0x565: {  	v16 =	vmul.u32 $0x1400, v19;
	v17 =	vld.idx.msk [tilespmem:v17+s1+$0x0], $0xffff  }
0x566: {  	v18 =	vor.u32 s28, v5  }
0x567: {  	v16 =	vadd.s32 v9, v16;
	_ =	sdelay $0x1  }
0x568: {  	s11 =	sadd.s32 $0x1, s25  }
0x569: {  	v19 =	vmov s11  }
0x56a: {  	v19 =	vshrl.u32 v19, $0x3;
	[tilespmem:v18+s13+$0x0] =	vst.idx.msk vm0, v17  }
0x56b: {  	v17 =	vmul.u32 $0x1400, v19;
	v16 =	vld.idx.msk [tilespmem:v16+s1+$0x0], $0xffff  }
0x56c: {  	v18 =	vor.u32 s25, v5  }
0x56d: {  	v17 =	vadd.s32 v8, v17;
	_ =	sdelay $0x1  }
0x56e: {  	s28 =	sadd.s32 $0x2, s25  }
0x56f: {  	v19 =	vmov s28  }
0x570: {  	[tilespmem:v18+s13+$0x0] =	vst.idx.msk vm0, v16;
	v16 =	vshrl.u32 v19, $0x3  }
0x571: {  	v17 =	vld.idx.msk [tilespmem:v17+s1+$0x0], $0xffff;
	v16 =	vmul.u32 $0x1400, v16  }
0x572: {  	v18 =	vor.u32 s11, v5  }
0x573: {  	v16 =	vadd.s32 v10, v16;
	_ =	sdelay $0x1  }
0x574: {  	s11 =	sadd.s32 $0x3, s25  }
0x575: {  	v19 =	vmov s11  }
0x576: {  	[tilespmem:v18+s13+$0x0] =	vst.idx.msk vm0, v17;
	v17 =	vshrl.u32 v19, $0x3  }
0x577: {  	v16 =	vld.idx.msk [tilespmem:v16+s1+$0x0], $0xffff;
	v17 =	vmul.u32 $0x1400, v17  }
0x578: {  	v18 =	vor.u32 s28, v5  }
0x579: {  	v17 =	vadd.s32 v11, v17;
	_ =	sdelay $0x1  }
0x57a: {  	s28 =	sadd.s32 $0x4, s25  }
0x57b: {  	v19 =	vmov s28  }
0x57c: {  	[tilespmem:v18+s13+$0x0] =	vst.idx.msk vm0, v16;
	v16 =	vshrl.u32 v19, $0x3  }
0x57d: {  	v17 =	vld.idx.msk [tilespmem:v17+s1+$0x0], $0xffff;
	v16 =	vmul.u32 $0x1400, v16  }
0x57e: {  	v18 =	vor.u32 s11, v5  }
0x57f: {  	v16 =	vadd.s32 v12, v16;
	_ =	sdelay $0x1  }
0x580: {  	s11 =	sadd.s32 $0x5, s25  }
0x581: {  	v19 =	vmov s11  }
0x582: {  	[tilespmem:v18+s13+$0x0] =	vst.idx.msk vm0, v17;
	v17 =	vshrl.u32 v19, $0x3  }
0x583: {  	v16 =	vld.idx.msk [tilespmem:v16+s1+$0x0], $0xffff;
	v17 =	vmul.u32 $0x1400, v17  }
0x584: {  	v18 =	vor.u32 s28, v5  }
0x585: {  	v17 =	vadd.s32 v13, v17;
	_ =	sdelay $0x1  }
0x586: {  	s29 =	sadd.s32 $0x6, s25  }
0x587: {  	v19 =	vmov s29  }
0x588: {  	[tilespmem:v18+s13+$0x0] =	vst.idx.msk vm0, v16;
	v16 =	vshrl.u32 v19, $0x3  }
0x589: {  	v17 =	vld.idx.msk [tilespmem:v17+s1+$0x0], $0xffff;
	v16 =	vmul.u32 $0x1400, v16  }
0x58a: {  	v18 =	vor.u32 s11, v5  }
0x58b: {  	v16 =	vadd.s32 v14, v16;
	_ =	sdelay $0x1  }
0x58c: {  	s28 =	sadd.s32 $0x7, s25;
	s25 =	smov.u32 s26  }
0x58d: {  	v19 =	vmov s28  }
0x58e: {  	[tilespmem:v18+s13+$0x0] =	vst.idx.msk vm0, v17;
	v17 =	vshrl.u32 v19, $0x3  }
0x58f: {  	v16 =	vld.idx.msk [tilespmem:v16+s1+$0x0], $0xffff;
	v17 =	vmul.u32 $0x1400, v17  }
.Ltmp32:
0x590: {  	v18 =	vor.u32 s29, v5;
	(pc) =	sbr.rel @p1 .LBB2_55-.Ltmp32, $2  }
0x591: {  	v17 =	vadd.s32 v15, v17;
	_ =	sdelay $0x2  }
0x592: {  	s26 =	sadd.s32 $0x8, s26;
	v19 =	vmov s25  }
0x593: {  	_ =	sdelay $0x3  }
0x594: {  	v19 =	vshrl.u32 v19, $0x3  }
0x595: {  	[tilespmem:v18+s13+$0x0] =	vst.idx.msk vm0, v16;
	v44 =	vmul.u32 $0x1400, v19  }
0x596: {  	v45 =	vor.u32 s28, v5;
	v17 =	vld.idx.msk [tilespmem:v17+s1+$0x0], $0xffff  }
0x597: {  	v9 =	vadd.s32 v9, v44  }
0x598: {  	s11 =	sadd.s32 $0x1, s25  }
0x599: {  	v46 =	vmov s11  }
0x59a: {  	v16 =	vshrl.u32 v46, $0x3  }
0x59b: {  	v16 =	vmul.u32 $0x1400, v16;
	[tilespmem:v45+s13+$0x0] =	vst.idx.msk vm0, v17  }
0x59c: {  	v47 =	vor.u32 s25, v5;
	v9 =	vld.idx.msk [tilespmem:v9+s1+$0x0], $0xffff  }
0x59d: {  	v8 =	vadd.s32 v8, v16  }
0x59e: {  	s26 =	sadd.s32 $0x2, s25  }
0x59f: {  	v48 =	vmov s26  }
0x5a0: {  	v16 =	vshrl.u32 v48, $0x3  }
0x5a1: {  	v49 =	vmul.u32 $0x1400, v16;
	[tilespmem:v47+s13+$0x0] =	vst.idx.msk vm0, v9  }
0x5a2: {  	v50 =	vor.u32 s11, v5;
	v8 =	vld.idx.msk [tilespmem:v8+s1+$0x0], $0xffff  }
0x5a3: {  	v9 =	vadd.s32 v10, v49  }
0x5a4: {  	s29 =	sadd.s32 $0x3, s25  }
0x5a5: {  	v51 =	vmov s29  }
0x5a6: {  	v10 =	vshrl.u32 v51, $0x3  }
0x5a7: {  	[tilespmem:v50+s13+$0x0] =	vst.idx.msk vm0, v8;
	v8 =	vmul.u32 $0x1400, v10  }
0x5a8: {  	v52 =	vor.u32 s26, v5;
	v9 =	vld.idx.msk [tilespmem:v9+s1+$0x0], $0xffff  }
0x5a9: {  	v8 =	vadd.s32 v11, v8  }
0x5aa: {  	s30 =	sadd.s32 $0x4, s25  }
0x5ab: {  	v53 =	vmov s30  }
0x5ac: {  	v11 =	vshrl.u32 v53, $0x3  }
0x5ad: {  	v54 =	vmul.u32 $0x1400, v11;
	[tilespmem:v52+s13+$0x0] =	vst.idx.msk vm0, v9  }
0x5ae: {  	v55 =	vor.u32 s29, v5;
	v8 =	vld.idx.msk [tilespmem:v8+s1+$0x0], $0xffff  }
0x5af: {  	v9 =	vadd.s32 v12, v54  }
0x5b0: {  	s28 =	sadd.s32 $0x5, s25  }
0x5b1: {  	v56 =	vmov s28  }
0x5b2: {  	v11 =	vshrl.u32 v56, $0x3  }
0x5b3: {  	[tilespmem:v55+s13+$0x0] =	vst.idx.msk vm0, v8;
	v8 =	vmul.u32 $0x1400, v11  }
0x5b4: {  	v57 =	vor.u32 s30, v5;
	v9 =	vld.idx.msk [tilespmem:v9+s1+$0x0], $0xffff  }
0x5b5: {  	v8 =	vadd.s32 v13, v8  }
0x5b6: {  	s29 =	sadd.s32 $0x6, s25  }
0x5b7: {  	v58 =	vmov s29  }
0x5b8: {  	v11 =	vshrl.u32 v58, $0x3  }
0x5b9: {  	v59 =	vmul.u32 $0x1400, v11;
	[tilespmem:v57+s13+$0x0] =	vst.idx.msk vm0, v9  }
0x5ba: {  	v60 =	vor.u32 s28, v5;
	v8 =	vld.idx.msk [tilespmem:v8+s1+$0x0], $0xffff  }
0x5bb: {  	v9 =	vadd.s32 v14, v59  }
0x5bc: {  	s30 =	sadd.s32 $0x7, s25  }
0x5bd: {  	v61 =	vmov s30  }
0x5be: {  	v11 =	vshrl.u32 v61, $0x3  }
0x5bf: {  	[tilespmem:v60+s13+$0x0] =	vst.idx.msk vm0, v8;
	v8 =	vmul.u32 $0x1400, v11  }
0x5c0: {  	v62 =	vor.u32 s29, v5;
	v9 =	vld.idx.msk [tilespmem:v9+s1+$0x0], $0xffff  }
0x5c1: {  	v8 =	vadd.s32 v15, v8;
	_ =	sdelay $0x3  }
0x5c2: {  	[tilespmem:v62+s13+$0x0] =	vst.idx.msk vm0, v9  }
0x5c3: {  	v63 =	vor.u32 s30, v5;
	v8 =	vld.idx.msk [tilespmem:v8+s1+$0x0], $0xffff;
	_ =	sdelay $0x4  }
0x5c4: {  	v7 =	vnsel vm0, $0x4000, v7;
	p1 =	slt.u32 s24, $0x11;
	[tilespmem:v63+s13+$0x0] =	vst.idx.msk vm0, v8  }
.Ltmp33:
0x5c5: {  	[tilespmem:$0x15900] =	vst v7;
	(pc) =	sbr.rel @p1 .LBB2_66-.Ltmp33, $4  }
0x5c6: {  	[hbm4b:s10+s14] =	stream.indirect.scatter [tilespmem:s13], [sflag:$0x4], $0x80, s15, s14, $0xb8;
	[tilespmem:$0x18180] =	vst v63  }
0x5c7: {  	_ =	swait.ge [sflag:s16], $0x800  }
0x5c8: {  	[sflag:s16] =	ssyncset.done $0x0  }
0x5c9: {  	[sflag:s16] =	ssyncadd.s32 $0xFFFFF800  }
0x5ca: {  	v7 =	vld [tilespmem:$0x15890];
	_ =	sdelay $0x4  }
0x5cb: {  	v8 =	vsub.s32 v7, v6  }
0x5cc: {  	s11 =	simm.s32 $0x0;
	vm0 =	vgt.s32 v8, $0x0  }
0x5cd: {  	v9 =	vmov s11;
	v8 =	vnsel vm0, $0x0, v8  }
0x5ce: {  	v9 =	vshrl.u32 v9, $0x3;
	v10 =	vshll.u32 v8, $0x3  }
0x5cf: {  	v11 =	vmul.u32 $0x1400, v9;
	v8 =	vand.u32 $0x7F, v8;
	v10 =	vand.u32 $0xFFFFFC00, v10  }
0x5d0: {  	v9 =	vor.u32 v8, v10  }
0x5d1: {  	v10 =	vadd.s32 v9, v11  }
0x5d2: {  	s25 =	simm.s32 $0x1  }
0x5d3: {  	v8 =	vmov s25  }
0x5d4: {  	v8 =	vshrl.u32 v8, $0x3  }
0x5d5: {  	vm0 =	vgt.s32 v7, $0xFFFFFFFF;
	v7 =	vmul.u32 $0x1400, v8  }
0x5d6: {  	v11 =	vor.u32 s11, v5;
	v8 =	vor.u32 $0x80, v9;
	v10 =	vld.idx.msk [tilespmem:v10+s1+$0x0], $0xffff  }
0x5d7: {  	v12 =	vadd.s32 v8, v7  }
0x5d8: {  	s29 =	simm.s32 $0x2  }
0x5d9: {  	v13 =	vmov s29  }
0x5da: {  	v13 =	vshrl.u32 v13, $0x3  }
0x5db: {  	v7 =	vld [tilespmem:$0x15810];
	[tilespmem:v11+s13+$0x0] =	vst.idx.msk vm0, v10;
	v11 =	vmul.u32 $0x1400, v13  }
0x5dc: {  	v10 =	vor.u32 $0x100, v9;
	v13 =	vor.u32 s25, v5;
	v12 =	vld.idx.msk [tilespmem:v12+s1+$0x0], $0xffff  }
0x5dd: {  	v14 =	vadd.s32 v10, v11  }
0x5de: {  	s30 =	simm.s32 $0x3  }
0x5df: {  	v11 =	vmov s30  }
0x5e0: {  	v11 =	vshrl.u32 v11, $0x3  }
0x5e1: {  	[tilespmem:v13+s13+$0x0] =	vst.idx.msk vm0, v12;
	v12 =	vmul.u32 $0x1400, v11  }
0x5e2: {  	v11 =	vor.u32 $0x180, v9;
	v13 =	vld.idx.msk [tilespmem:v14+s1+$0x0], $0xffff;
	v14 =	vor.u32 s29, v5  }
0x5e3: {  	v15 =	vadd.s32 v11, v12  }
0x5e4: {  	s26 =	simm.s32 $0x4  }
0x5e5: {  	v12 =	vmov s26  }
0x5e6: {  	v12 =	vshrl.u32 v12, $0x3  }
0x5e7: {  	[tilespmem:v14+s13+$0x0] =	vst.idx.msk vm0, v13;
	v13 =	vmul.u32 $0x1400, v12  }
0x5e8: {  	v12 =	vor.u32 $0x200, v9;
	v14 =	vld.idx.msk [tilespmem:v15+s1+$0x0], $0xffff;
	v15 =	vor.u32 s30, v5  }
0x5e9: {  	v16 =	vadd.s32 v12, v13  }
0x5ea: {  	s29 =	simm.s32 $0x5  }
0x5eb: {  	v13 =	vmov s29  }
0x5ec: {  	v13 =	vshrl.u32 v13, $0x3  }
0x5ed: {  	[tilespmem:v15+s13+$0x0] =	vst.idx.msk vm0, v14;
	v14 =	vmul.u32 $0x1400, v13  }
0x5ee: {  	v13 =	vor.u32 $0x280, v9;
	v15 =	vld.idx.msk [tilespmem:v16+s1+$0x0], $0xffff;
	v16 =	vor.u32 s26, v5  }
0x5ef: {  	v17 =	vadd.s32 v13, v14  }
0x5f0: {  	s30 =	simm.s32 $0x6  }
0x5f1: {  	v14 =	vmov s30  }
0x5f2: {  	v14 =	vshrl.u32 v14, $0x3  }
0x5f3: {  	[tilespmem:v16+s13+$0x0] =	vst.idx.msk vm0, v15;
	v15 =	vmul.u32 $0x1400, v14  }
0x5f4: {  	v14 =	vor.u32 $0x300, v9;
	v16 =	vld.idx.msk [tilespmem:v17+s1+$0x0], $0xffff;
	v17 =	vor.u32 s29, v5  }
0x5f5: {  	v18 =	vadd.s32 v14, v15  }
0x5f6: {  	s28 =	simm.s32 $0x7  }
0x5f7: {  	v15 =	vmov s28  }
0x5f8: {  	v15 =	vshrl.u32 v15, $0x3  }
0x5f9: {  	v19 =	vmul.u32 $0x1400, v15;
	[tilespmem:v17+s13+$0x0] =	vst.idx.msk vm0, v16  }
0x5fa: {  	v15 =	vor.u32 $0x380, v9;
	v16 =	vld.idx.msk [tilespmem:v18+s1+$0x0], $0xffff;
	v18 =	vor.u32 s30, v5  }
0x5fb: {  	v17 =	vadd.s32 v15, v19;
	_ =	sdelay $0x1  }
0x5fc: {  	s25 =	simm.s32 $0x8  }
0x5fd: {  	s26 =	simm.s32 $0x10;
	v19 =	vmov s25  }
.LBB2_58:
0x5fe: {  	p1 =	slt.u32 s26, $0x38;
	v19 =	vshrl.u32 v19, $0x3;
	[tilespmem:v18+s13+$0x0] =	vst.idx.msk vm0, v16  }
0x5ff: {  	v16 =	vmul.u32 $0x1400, v19;
	v17 =	vld.idx.msk [tilespmem:v17+s1+$0x0], $0xffff  }
0x600: {  	v18 =	vor.u32 s28, v5  }
0x601: {  	v16 =	vadd.s32 v9, v16;
	_ =	sdelay $0x1  }
0x602: {  	s11 =	sadd.s32 $0x1, s25  }
0x603: {  	v19 =	vmov s11  }
0x604: {  	v19 =	vshrl.u32 v19, $0x3;
	[tilespmem:v18+s13+$0x0] =	vst.idx.msk vm0, v17  }
0x605: {  	v17 =	vmul.u32 $0x1400, v19;
	v16 =	vld.idx.msk [tilespmem:v16+s1+$0x0], $0xffff  }
0x606: {  	v18 =	vor.u32 s25, v5  }
0x607: {  	v17 =	vadd.s32 v8, v17;
	_ =	sdelay $0x1  }
0x608: {  	s28 =	sadd.s32 $0x2, s25  }
0x609: {  	v19 =	vmov s28  }
0x60a: {  	[tilespmem:v18+s13+$0x0] =	vst.idx.msk vm0, v16;
	v16 =	vshrl.u32 v19, $0x3  }
0x60b: {  	v17 =	vld.idx.msk [tilespmem:v17+s1+$0x0], $0xffff;
	v16 =	vmul.u32 $0x1400, v16  }
0x60c: {  	v18 =	vor.u32 s11, v5  }
0x60d: {  	v16 =	vadd.s32 v10, v16;
	_ =	sdelay $0x1  }
0x60e: {  	s11 =	sadd.s32 $0x3, s25  }
0x60f: {  	v19 =	vmov s11  }
0x610: {  	[tilespmem:v18+s13+$0x0] =	vst.idx.msk vm0, v17;
	v17 =	vshrl.u32 v19, $0x3  }
0x611: {  	v16 =	vld.idx.msk [tilespmem:v16+s1+$0x0], $0xffff;
	v17 =	vmul.u32 $0x1400, v17  }
0x612: {  	v18 =	vor.u32 s28, v5  }
0x613: {  	v17 =	vadd.s32 v11, v17;
	_ =	sdelay $0x1  }
0x614: {  	s28 =	sadd.s32 $0x4, s25  }
0x615: {  	v19 =	vmov s28  }
0x616: {  	[tilespmem:v18+s13+$0x0] =	vst.idx.msk vm0, v16;
	v16 =	vshrl.u32 v19, $0x3  }
0x617: {  	v17 =	vld.idx.msk [tilespmem:v17+s1+$0x0], $0xffff;
	v16 =	vmul.u32 $0x1400, v16  }
0x618: {  	v18 =	vor.u32 s11, v5  }
0x619: {  	v16 =	vadd.s32 v12, v16;
	_ =	sdelay $0x1  }
0x61a: {  	s11 =	sadd.s32 $0x5, s25  }
0x61b: {  	v19 =	vmov s11  }
0x61c: {  	[tilespmem:v18+s13+$0x0] =	vst.idx.msk vm0, v17;
	v17 =	vshrl.u32 v19, $0x3  }
0x61d: {  	v16 =	vld.idx.msk [tilespmem:v16+s1+$0x0], $0xffff;
	v17 =	vmul.u32 $0x1400, v17  }
0x61e: {  	v18 =	vor.u32 s28, v5  }
0x61f: {  	v17 =	vadd.s32 v13, v17;
	_ =	sdelay $0x1  }
0x620: {  	s29 =	sadd.s32 $0x6, s25  }
0x621: {  	v19 =	vmov s29  }
0x622: {  	[tilespmem:v18+s13+$0x0] =	vst.idx.msk vm0, v16;
	v16 =	vshrl.u32 v19, $0x3  }
0x623: {  	v17 =	vld.idx.msk [tilespmem:v17+s1+$0x0], $0xffff;
	v16 =	vmul.u32 $0x1400, v16  }
0x624: {  	v18 =	vor.u32 s11, v5  }
0x625: {  	v16 =	vadd.s32 v14, v16;
	_ =	sdelay $0x1  }
0x626: {  	s28 =	sadd.s32 $0x7, s25;
	s25 =	smov.u32 s26  }
0x627: {  	v19 =	vmov s28  }
0x628: {  	[tilespmem:v18+s13+$0x0] =	vst.idx.msk vm0, v17;
	v17 =	vshrl.u32 v19, $0x3  }
0x629: {  	v16 =	vld.idx.msk [tilespmem:v16+s1+$0x0], $0xffff;
	v17 =	vmul.u32 $0x1400, v17  }
.Ltmp34:
0x62a: {  	v18 =	vor.u32 s29, v5;
	(pc) =	sbr.rel @p1 .LBB2_58-.Ltmp34, $2  }
0x62b: {  	v17 =	vadd.s32 v15, v17;
	_ =	sdelay $0x2  }
0x62c: {  	s26 =	sadd.s32 $0x8, s26;
	v19 =	vmov s25  }
0x62d: {  	_ =	sdelay $0x3  }
0x62e: {  	v19 =	vshrl.u32 v19, $0x3  }
0x62f: {  	[tilespmem:v18+s13+$0x0] =	vst.idx.msk vm0, v16;
	v44 =	vmul.u32 $0x1400, v19  }
0x630: {  	v45 =	vor.u32 s28, v5;
	v17 =	vld.idx.msk [tilespmem:v17+s1+$0x0], $0xffff  }
0x631: {  	v9 =	vadd.s32 v9, v44  }
0x632: {  	s11 =	sadd.s32 $0x1, s25  }
0x633: {  	v46 =	vmov s11  }
0x634: {  	v16 =	vshrl.u32 v46, $0x3  }
0x635: {  	v16 =	vmul.u32 $0x1400, v16;
	[tilespmem:v45+s13+$0x0] =	vst.idx.msk vm0, v17  }
0x636: {  	v47 =	vor.u32 s25, v5;
	v9 =	vld.idx.msk [tilespmem:v9+s1+$0x0], $0xffff  }
0x637: {  	v8 =	vadd.s32 v8, v16  }
0x638: {  	s26 =	sadd.s32 $0x2, s25  }
0x639: {  	v48 =	vmov s26  }
0x63a: {  	v16 =	vshrl.u32 v48, $0x3  }
0x63b: {  	v49 =	vmul.u32 $0x1400, v16;
	[tilespmem:v47+s13+$0x0] =	vst.idx.msk vm0, v9  }
0x63c: {  	v50 =	vor.u32 s11, v5;
	v8 =	vld.idx.msk [tilespmem:v8+s1+$0x0], $0xffff  }
0x63d: {  	v9 =	vadd.s32 v10, v49  }
0x63e: {  	s29 =	sadd.s32 $0x3, s25  }
0x63f: {  	v51 =	vmov s29  }
0x640: {  	v10 =	vshrl.u32 v51, $0x3  }
0x641: {  	[tilespmem:v50+s13+$0x0] =	vst.idx.msk vm0, v8;
	v8 =	vmul.u32 $0x1400, v10  }
0x642: {  	v52 =	vor.u32 s26, v5;
	v9 =	vld.idx.msk [tilespmem:v9+s1+$0x0], $0xffff  }
0x643: {  	v8 =	vadd.s32 v11, v8  }
0x644: {  	s30 =	sadd.s32 $0x4, s25  }
0x645: {  	v53 =	vmov s30  }
0x646: {  	v11 =	vshrl.u32 v53, $0x3  }
0x647: {  	v54 =	vmul.u32 $0x1400, v11;
	[tilespmem:v52+s13+$0x0] =	vst.idx.msk vm0, v9  }
0x648: {  	v55 =	vor.u32 s29, v5;
	v8 =	vld.idx.msk [tilespmem:v8+s1+$0x0], $0xffff  }
0x649: {  	v9 =	vadd.s32 v12, v54  }
0x64a: {  	s28 =	sadd.s32 $0x5, s25  }
0x64b: {  	v56 =	vmov s28  }
0x64c: {  	v11 =	vshrl.u32 v56, $0x3  }
0x64d: {  	[tilespmem:v55+s13+$0x0] =	vst.idx.msk vm0, v8;
	v8 =	vmul.u32 $0x1400, v11  }
0x64e: {  	v57 =	vor.u32 s30, v5;
	v9 =	vld.idx.msk [tilespmem:v9+s1+$0x0], $0xffff  }
0x64f: {  	v8 =	vadd.s32 v13, v8  }
0x650: {  	s29 =	sadd.s32 $0x6, s25  }
0x651: {  	v58 =	vmov s29  }
0x652: {  	v11 =	vshrl.u32 v58, $0x3  }
0x653: {  	v59 =	vmul.u32 $0x1400, v11;
	[tilespmem:v57+s13+$0x0] =	vst.idx.msk vm0, v9  }
0x654: {  	v60 =	vor.u32 s28, v5;
	v8 =	vld.idx.msk [tilespmem:v8+s1+$0x0], $0xffff  }
0x655: {  	v9 =	vadd.s32 v14, v59  }
0x656: {  	s30 =	sadd.s32 $0x7, s25  }
0x657: {  	v61 =	vmov s30  }
0x658: {  	v11 =	vshrl.u32 v61, $0x3  }
0x659: {  	[tilespmem:v60+s13+$0x0] =	vst.idx.msk vm0, v8;
	v8 =	vmul.u32 $0x1400, v11  }
0x65a: {  	v62 =	vor.u32 s29, v5;
	v9 =	vld.idx.msk [tilespmem:v9+s1+$0x0], $0xffff  }
0x65b: {  	v8 =	vadd.s32 v15, v8;
	_ =	sdelay $0x3  }
0x65c: {  	[tilespmem:v62+s13+$0x0] =	vst.idx.msk vm0, v9  }
0x65d: {  	v63 =	vor.u32 s30, v5;
	v8 =	vld.idx.msk [tilespmem:v8+s1+$0x0], $0xffff;
	_ =	sdelay $0x4  }
0x65e: {  	v7 =	vnsel vm0, $0x4000, v7;
	p1 =	slt.u32 s24, $0x21;
	[tilespmem:v63+s13+$0x0] =	vst.idx.msk vm0, v8  }
.Ltmp35:
0x65f: {  	[tilespmem:$0x15900] =	vst v7;
	(pc) =	sbr.rel @p1 .LBB2_66-.Ltmp35, $4  }
0x660: {  	[hbm4b:s10+s14] =	stream.indirect.scatter [tilespmem:s13], [sflag:$0x4], $0x80, s15, s14, $0xb8;
	[tilespmem:$0x18180] =	vst v63  }
0x661: {  	_ =	swait.ge [sflag:s16], $0x800  }
0x662: {  	[sflag:s16] =	ssyncset.done $0x0  }
0x663: {  	[sflag:s16] =	ssyncadd.s32 $0xFFFFF800  }
0x664: {  	v7 =	vld [tilespmem:$0x158A0];
	_ =	sdelay $0x4  }
0x665: {  	v8 =	vsub.s32 v7, v6  }
0x666: {  	s11 =	simm.s32 $0x0;
	vm0 =	vgt.s32 v8, $0x0  }
0x667: {  	v9 =	vmov s11;
	v8 =	vnsel vm0, $0x0, v8  }
0x668: {  	v9 =	vshrl.u32 v9, $0x3;
	v10 =	vshll.u32 v8, $0x3  }
0x669: {  	v11 =	vmul.u32 $0x1400, v9;
	v8 =	vand.u32 $0x7F, v8;
	v10 =	vand.u32 $0xFFFFFC00, v10  }
0x66a: {  	v9 =	vor.u32 v8, v10  }
0x66b: {  	v10 =	vadd.s32 v9, v11  }
0x66c: {  	s25 =	simm.s32 $0x1  }
0x66d: {  	v8 =	vmov s25  }
0x66e: {  	v8 =	vshrl.u32 v8, $0x3  }
0x66f: {  	vm0 =	vgt.s32 v7, $0xFFFFFFFF;
	v7 =	vmul.u32 $0x1400, v8  }
0x670: {  	v11 =	vor.u32 s11, v5;
	v8 =	vor.u32 $0x80, v9;
	v10 =	vld.idx.msk [tilespmem:v10+s1+$0x0], $0xffff  }
0x671: {  	v12 =	vadd.s32 v8, v7  }
0x672: {  	s29 =	simm.s32 $0x2  }
0x673: {  	v13 =	vmov s29  }
0x674: {  	v13 =	vshrl.u32 v13, $0x3  }
0x675: {  	v7 =	vld [tilespmem:$0x15820];
	[tilespmem:v11+s13+$0x0] =	vst.idx.msk vm0, v10;
	v11 =	vmul.u32 $0x1400, v13  }
0x676: {  	v10 =	vor.u32 $0x100, v9;
	v13 =	vor.u32 s25, v5;
	v12 =	vld.idx.msk [tilespmem:v12+s1+$0x0], $0xffff  }
0x677: {  	v14 =	vadd.s32 v10, v11  }
0x678: {  	s30 =	simm.s32 $0x3  }
0x679: {  	v11 =	vmov s30  }
0x67a: {  	v11 =	vshrl.u32 v11, $0x3  }
0x67b: {  	[tilespmem:v13+s13+$0x0] =	vst.idx.msk vm0, v12;
	v12 =	vmul.u32 $0x1400, v11  }
0x67c: {  	v11 =	vor.u32 $0x180, v9;
	v13 =	vld.idx.msk [tilespmem:v14+s1+$0x0], $0xffff;
	v14 =	vor.u32 s29, v5  }
0x67d: {  	v15 =	vadd.s32 v11, v12  }
0x67e: {  	s26 =	simm.s32 $0x4  }
0x67f: {  	v12 =	vmov s26  }
0x680: {  	v12 =	vshrl.u32 v12, $0x3  }
0x681: {  	[tilespmem:v14+s13+$0x0] =	vst.idx.msk vm0, v13;
	v13 =	vmul.u32 $0x1400, v12  }
0x682: {  	v12 =	vor.u32 $0x200, v9;
	v14 =	vld.idx.msk [tilespmem:v15+s1+$0x0], $0xffff;
	v15 =	vor.u32 s30, v5  }
0x683: {  	v16 =	vadd.s32 v12, v13  }
0x684: {  	s29 =	simm.s32 $0x5  }
0x685: {  	v13 =	vmov s29  }
0x686: {  	v13 =	vshrl.u32 v13, $0x3  }
0x687: {  	[tilespmem:v15+s13+$0x0] =	vst.idx.msk vm0, v14;
	v14 =	vmul.u32 $0x1400, v13  }
0x688: {  	v13 =	vor.u32 $0x280, v9;
	v15 =	vld.idx.msk [tilespmem:v16+s1+$0x0], $0xffff;
	v16 =	vor.u32 s26, v5  }
0x689: {  	v17 =	vadd.s32 v13, v14  }
0x68a: {  	s30 =	simm.s32 $0x6  }
0x68b: {  	v14 =	vmov s30  }
0x68c: {  	v14 =	vshrl.u32 v14, $0x3  }
0x68d: {  	[tilespmem:v16+s13+$0x0] =	vst.idx.msk vm0, v15;
	v15 =	vmul.u32 $0x1400, v14  }
0x68e: {  	v14 =	vor.u32 $0x300, v9;
	v16 =	vld.idx.msk [tilespmem:v17+s1+$0x0], $0xffff;
	v17 =	vor.u32 s29, v5  }
0x68f: {  	v18 =	vadd.s32 v14, v15  }
0x690: {  	s28 =	simm.s32 $0x7  }
0x691: {  	v15 =	vmov s28  }
0x692: {  	v15 =	vshrl.u32 v15, $0x3  }
0x693: {  	v19 =	vmul.u32 $0x1400, v15;
	[tilespmem:v17+s13+$0x0] =	vst.idx.msk vm0, v16  }
0x694: {  	v15 =	vor.u32 $0x380, v9;
	v16 =	vld.idx.msk [tilespmem:v18+s1+$0x0], $0xffff;
	v18 =	vor.u32 s30, v5  }
0x695: {  	v17 =	vadd.s32 v15, v19;
	_ =	sdelay $0x1  }
0x696: {  	s25 =	simm.s32 $0x8  }
0x697: {  	s26 =	simm.s32 $0x10;
	v19 =	vmov s25  }
.LBB2_61:
0x698: {  	p1 =	slt.u32 s26, $0x38;
	v19 =	vshrl.u32 v19, $0x3;
	[tilespmem:v18+s13+$0x0] =	vst.idx.msk vm0, v16  }
0x699: {  	v16 =	vmul.u32 $0x1400, v19;
	v17 =	vld.idx.msk [tilespmem:v17+s1+$0x0], $0xffff  }
0x69a: {  	v18 =	vor.u32 s28, v5  }
0x69b: {  	v16 =	vadd.s32 v9, v16;
	_ =	sdelay $0x1  }
0x69c: {  	s11 =	sadd.s32 $0x1, s25  }
0x69d: {  	v19 =	vmov s11  }
0x69e: {  	v19 =	vshrl.u32 v19, $0x3;
	[tilespmem:v18+s13+$0x0] =	vst.idx.msk vm0, v17  }
0x69f: {  	v17 =	vmul.u32 $0x1400, v19;
	v16 =	vld.idx.msk [tilespmem:v16+s1+$0x0], $0xffff  }
0x6a0: {  	v18 =	vor.u32 s25, v5  }
0x6a1: {  	v17 =	vadd.s32 v8, v17;
	_ =	sdelay $0x1  }
0x6a2: {  	s28 =	sadd.s32 $0x2, s25  }
0x6a3: {  	v19 =	vmov s28  }
0x6a4: {  	[tilespmem:v18+s13+$0x0] =	vst.idx.msk vm0, v16;
	v16 =	vshrl.u32 v19, $0x3  }
0x6a5: {  	v17 =	vld.idx.msk [tilespmem:v17+s1+$0x0], $0xffff;
	v16 =	vmul.u32 $0x1400, v16  }
0x6a6: {  	v18 =	vor.u32 s11, v5  }
0x6a7: {  	v16 =	vadd.s32 v10, v16;
	_ =	sdelay $0x1  }
0x6a8: {  	s11 =	sadd.s32 $0x3, s25  }
0x6a9: {  	v19 =	vmov s11  }
0x6aa: {  	[tilespmem:v18+s13+$0x0] =	vst.idx.msk vm0, v17;
	v17 =	vshrl.u32 v19, $0x3  }
0x6ab: {  	v16 =	vld.idx.msk [tilespmem:v16+s1+$0x0], $0xffff;
	v17 =	vmul.u32 $0x1400, v17  }
0x6ac: {  	v18 =	vor.u32 s28, v5  }
0x6ad: {  	v17 =	vadd.s32 v11, v17;
	_ =	sdelay $0x1  }
0x6ae: {  	s28 =	sadd.s32 $0x4, s25  }
0x6af: {  	v19 =	vmov s28  }
0x6b0: {  	[tilespmem:v18+s13+$0x0] =	vst.idx.msk vm0, v16;
	v16 =	vshrl.u32 v19, $0x3  }
0x6b1: {  	v17 =	vld.idx.msk [tilespmem:v17+s1+$0x0], $0xffff;
	v16 =	vmul.u32 $0x1400, v16  }
0x6b2: {  	v18 =	vor.u32 s11, v5  }
0x6b3: {  	v16 =	vadd.s32 v12, v16;
	_ =	sdelay $0x1  }
0x6b4: {  	s11 =	sadd.s32 $0x5, s25  }
0x6b5: {  	v19 =	vmov s11  }
0x6b6: {  	[tilespmem:v18+s13+$0x0] =	vst.idx.msk vm0, v17;
	v17 =	vshrl.u32 v19, $0x3  }
0x6b7: {  	v16 =	vld.idx.msk [tilespmem:v16+s1+$0x0], $0xffff;
	v17 =	vmul.u32 $0x1400, v17  }
0x6b8: {  	v18 =	vor.u32 s28, v5  }
0x6b9: {  	v17 =	vadd.s32 v13, v17;
	_ =	sdelay $0x1  }
0x6ba: {  	s29 =	sadd.s32 $0x6, s25  }
0x6bb: {  	v19 =	vmov s29  }
0x6bc: {  	[tilespmem:v18+s13+$0x0] =	vst.idx.msk vm0, v16;
	v16 =	vshrl.u32 v19, $0x3  }
0x6bd: {  	v17 =	vld.idx.msk [tilespmem:v17+s1+$0x0], $0xffff;
	v16 =	vmul.u32 $0x1400, v16  }
0x6be: {  	v18 =	vor.u32 s11, v5  }
0x6bf: {  	v16 =	vadd.s32 v14, v16;
	_ =	sdelay $0x1  }
0x6c0: {  	s28 =	sadd.s32 $0x7, s25;
	s25 =	smov.u32 s26  }
0x6c1: {  	v19 =	vmov s28  }
0x6c2: {  	[tilespmem:v18+s13+$0x0] =	vst.idx.msk vm0, v17;
	v17 =	vshrl.u32 v19, $0x3  }
0x6c3: {  	v16 =	vld.idx.msk [tilespmem:v16+s1+$0x0], $0xffff;
	v17 =	vmul.u32 $0x1400, v17  }
.Ltmp36:
0x6c4: {  	v18 =	vor.u32 s29, v5;
	(pc) =	sbr.rel @p1 .LBB2_61-.Ltmp36, $2  }
0x6c5: {  	v17 =	vadd.s32 v15, v17;
	_ =	sdelay $0x2  }
0x6c6: {  	s26 =	sadd.s32 $0x8, s26;
	v19 =	vmov s25  }
0x6c7: {  	_ =	sdelay $0x3  }
0x6c8: {  	v19 =	vshrl.u32 v19, $0x3  }
0x6c9: {  	[tilespmem:v18+s13+$0x0] =	vst.idx.msk vm0, v16;
	v44 =	vmul.u32 $0x1400, v19  }
0x6ca: {  	v45 =	vor.u32 s28, v5;
	v17 =	vld.idx.msk [tilespmem:v17+s1+$0x0], $0xffff  }
0x6cb: {  	v9 =	vadd.s32 v9, v44  }
0x6cc: {  	s11 =	sadd.s32 $0x1, s25  }
0x6cd: {  	v46 =	vmov s11  }
0x6ce: {  	v16 =	vshrl.u32 v46, $0x3  }
0x6cf: {  	v16 =	vmul.u32 $0x1400, v16;
	[tilespmem:v45+s13+$0x0] =	vst.idx.msk vm0, v17  }
0x6d0: {  	v47 =	vor.u32 s25, v5;
	v9 =	vld.idx.msk [tilespmem:v9+s1+$0x0], $0xffff  }
0x6d1: {  	v8 =	vadd.s32 v8, v16  }
0x6d2: {  	s26 =	sadd.s32 $0x2, s25  }
0x6d3: {  	v48 =	vmov s26  }
0x6d4: {  	v16 =	vshrl.u32 v48, $0x3  }
0x6d5: {  	v49 =	vmul.u32 $0x1400, v16;
	[tilespmem:v47+s13+$0x0] =	vst.idx.msk vm0, v9  }
0x6d6: {  	v50 =	vor.u32 s11, v5;
	v8 =	vld.idx.msk [tilespmem:v8+s1+$0x0], $0xffff  }
0x6d7: {  	v9 =	vadd.s32 v10, v49  }
0x6d8: {  	s29 =	sadd.s32 $0x3, s25  }
0x6d9: {  	v51 =	vmov s29  }
0x6da: {  	v10 =	vshrl.u32 v51, $0x3  }
0x6db: {  	[tilespmem:v50+s13+$0x0] =	vst.idx.msk vm0, v8;
	v8 =	vmul.u32 $0x1400, v10  }
0x6dc: {  	v52 =	vor.u32 s26, v5;
	v9 =	vld.idx.msk [tilespmem:v9+s1+$0x0], $0xffff  }
0x6dd: {  	v8 =	vadd.s32 v11, v8  }
0x6de: {  	s30 =	sadd.s32 $0x4, s25  }
0x6df: {  	v53 =	vmov s30  }
0x6e0: {  	v11 =	vshrl.u32 v53, $0x3  }
0x6e1: {  	v54 =	vmul.u32 $0x1400, v11;
	[tilespmem:v52+s13+$0x0] =	vst.idx.msk vm0, v9  }
0x6e2: {  	v55 =	vor.u32 s29, v5;
	v8 =	vld.idx.msk [tilespmem:v8+s1+$0x0], $0xffff  }
0x6e3: {  	v9 =	vadd.s32 v12, v54  }
0x6e4: {  	s28 =	sadd.s32 $0x5, s25  }
0x6e5: {  	v56 =	vmov s28  }
0x6e6: {  	v11 =	vshrl.u32 v56, $0x3  }
0x6e7: {  	[tilespmem:v55+s13+$0x0] =	vst.idx.msk vm0, v8;
	v8 =	vmul.u32 $0x1400, v11  }
0x6e8: {  	v57 =	vor.u32 s30, v5;
	v9 =	vld.idx.msk [tilespmem:v9+s1+$0x0], $0xffff  }
0x6e9: {  	v8 =	vadd.s32 v13, v8  }
0x6ea: {  	s29 =	sadd.s32 $0x6, s25  }
0x6eb: {  	v58 =	vmov s29  }
0x6ec: {  	v11 =	vshrl.u32 v58, $0x3  }
0x6ed: {  	v59 =	vmul.u32 $0x1400, v11;
	[tilespmem:v57+s13+$0x0] =	vst.idx.msk vm0, v9  }
0x6ee: {  	v60 =	vor.u32 s28, v5;
	v8 =	vld.idx.msk [tilespmem:v8+s1+$0x0], $0xffff  }
0x6ef: {  	v9 =	vadd.s32 v14, v59  }
0x6f0: {  	s30 =	sadd.s32 $0x7, s25  }
0x6f1: {  	v61 =	vmov s30  }
0x6f2: {  	v11 =	vshrl.u32 v61, $0x3  }
0x6f3: {  	[tilespmem:v60+s13+$0x0] =	vst.idx.msk vm0, v8;
	v8 =	vmul.u32 $0x1400, v11  }
0x6f4: {  	v62 =	vor.u32 s29, v5;
	v9 =	vld.idx.msk [tilespmem:v9+s1+$0x0], $0xffff  }
0x6f5: {  	v8 =	vadd.s32 v15, v8;
	_ =	sdelay $0x3  }
0x6f6: {  	[tilespmem:v62+s13+$0x0] =	vst.idx.msk vm0, v9  }
0x6f7: {  	v63 =	vor.u32 s30, v5;
	v8 =	vld.idx.msk [tilespmem:v8+s1+$0x0], $0xffff;
	_ =	sdelay $0x4  }
0x6f8: {  	v7 =	vnsel vm0, $0x4000, v7;
	p1 =	slt.u32 s24, $0x31;
	[tilespmem:v63+s13+$0x0] =	vst.idx.msk vm0, v8  }
.Ltmp37:
0x6f9: {  	[tilespmem:$0x15900] =	vst v7;
	(pc) =	sbr.rel @p1 .LBB2_66-.Ltmp37, $4  }
0x6fa: {  	[hbm4b:s10+s14] =	stream.indirect.scatter [tilespmem:s13], [sflag:$0x4], $0x80, s15, s14, $0xb8;
	[tilespmem:$0x18180] =	vst v63  }
0x6fb: {  	_ =	swait.ge [sflag:s16], $0x800  }
0x6fc: {  	[sflag:s16] =	ssyncset.done $0x0  }
0x6fd: {  	[sflag:s16] =	ssyncadd.s32 $0xFFFFF800  }
0x6fe: {  	v7 =	vld [tilespmem:$0x158B0];
	_ =	sdelay $0x4  }
0x6ff: {  	v6 =	vsub.s32 v7, v6  }
0x700: {  	s11 =	simm.s32 $0x0;
	vm0 =	vgt.s32 v6, $0x0  }
0x701: {  	v8 =	vmov s11;
	v6 =	vnsel vm0, $0x0, v6  }
0x702: {  	v8 =	vshrl.u32 v8, $0x3;
	v9 =	vshll.u32 v6, $0x3  }
0x703: {  	v10 =	vmul.u32 $0x1400, v8;
	v6 =	vand.u32 $0x7F, v6;
	v9 =	vand.u32 $0xFFFFFC00, v9  }
0x704: {  	v8 =	vor.u32 v6, v9  }
0x705: {  	v6 =	vadd.s32 v8, v10  }
0x706: {  	s24 =	simm.s32 $0x1  }
0x707: {  	v9 =	vmov s24  }
0x708: {  	v9 =	vshrl.u32 v9, $0x3  }
0x709: {  	vm0 =	vgt.s32 v7, $0xFFFFFFFF;
	v9 =	vmul.u32 $0x1400, v9  }
0x70a: {  	v11 =	vor.u32 s11, v5;
	v7 =	vor.u32 $0x80, v8;
	v10 =	vld.idx.msk [tilespmem:v6+s1+$0x0], $0xffff  }
0x70b: {  	v12 =	vadd.s32 v7, v9  }
0x70c: {  	s25 =	simm.s32 $0x2  }
0x70d: {  	v9 =	vmov s25  }
0x70e: {  	v9 =	vshrl.u32 v9, $0x3  }
0x70f: {  	v6 =	vld [tilespmem:$0x15830];
	[tilespmem:v11+s13+$0x0] =	vst.idx.msk vm0, v10;
	v10 =	vmul.u32 $0x1400, v9  }
0x710: {  	v9 =	vor.u32 $0x100, v8;
	v11 =	vld.idx.msk [tilespmem:v12+s1+$0x0], $0xffff;
	v12 =	vor.u32 s24, v5  }
0x711: {  	v13 =	vadd.s32 v9, v10  }
0x712: {  	s26 =	simm.s32 $0x3  }
0x713: {  	v10 =	vmov s26  }
0x714: {  	v10 =	vshrl.u32 v10, $0x3  }
0x715: {  	[tilespmem:v12+s13+$0x0] =	vst.idx.msk vm0, v11;
	v11 =	vmul.u32 $0x1400, v10  }
0x716: {  	v10 =	vor.u32 $0x180, v8;
	v12 =	vld.idx.msk [tilespmem:v13+s1+$0x0], $0xffff;
	v13 =	vor.u32 s25, v5  }
0x717: {  	v14 =	vadd.s32 v10, v11  }
0x718: {  	s28 =	simm.s32 $0x4  }
0x719: {  	v11 =	vmov s28  }
0x71a: {  	v11 =	vshrl.u32 v11, $0x3  }
0x71b: {  	[tilespmem:v13+s13+$0x0] =	vst.idx.msk vm0, v12;
	v12 =	vmul.u32 $0x1400, v11  }
0x71c: {  	v11 =	vor.u32 $0x200, v8;
	v13 =	vld.idx.msk [tilespmem:v14+s1+$0x0], $0xffff;
	v14 =	vor.u32 s26, v5  }
0x71d: {  	v15 =	vadd.s32 v11, v12  }
0x71e: {  	s29 =	simm.s32 $0x5  }
0x71f: {  	v12 =	vmov s29  }
0x720: {  	v12 =	vshrl.u32 v12, $0x3  }
0x721: {  	[tilespmem:v14+s13+$0x0] =	vst.idx.msk vm0, v13;
	v13 =	vmul.u32 $0x1400, v12  }
0x722: {  	v12 =	vor.u32 $0x280, v8;
	v14 =	vld.idx.msk [tilespmem:v15+s1+$0x0], $0xffff;
	v15 =	vor.u32 s28, v5  }
0x723: {  	v16 =	vadd.s32 v12, v13  }
0x724: {  	s30 =	simm.s32 $0x6  }
0x725: {  	v13 =	vmov s30  }
0x726: {  	v13 =	vshrl.u32 v13, $0x3  }
0x727: {  	[tilespmem:v15+s13+$0x0] =	vst.idx.msk vm0, v14;
	v14 =	vmul.u32 $0x1400, v13  }
0x728: {  	v13 =	vor.u32 $0x300, v8;
	v15 =	vld.idx.msk [tilespmem:v16+s1+$0x0], $0xffff;
	v16 =	vor.u32 s29, v5  }
0x729: {  	v17 =	vadd.s32 v13, v14  }
0x72a: {  	s26 =	simm.s32 $0x7  }
0x72b: {  	v14 =	vmov s26  }
0x72c: {  	v14 =	vshrl.u32 v14, $0x3  }
0x72d: {  	v18 =	vmul.u32 $0x1400, v14;
	[tilespmem:v16+s13+$0x0] =	vst.idx.msk vm0, v15  }
0x72e: {  	v14 =	vor.u32 $0x380, v8;
	v15 =	vld.idx.msk [tilespmem:v17+s1+$0x0], $0xffff;
	v17 =	vor.u32 s30, v5  }
0x72f: {  	v16 =	vadd.s32 v14, v18;
	_ =	sdelay $0x1  }
0x730: {  	s24 =	simm.s32 $0x8  }
0x731: {  	s25 =	simm.s32 $0x10;
	v18 =	vmov s24  }
.LBB2_64:
0x732: {  	p1 =	slt.u32 s25, $0x38;
	v18 =	vshrl.u32 v18, $0x3;
	[tilespmem:v17+s13+$0x0] =	vst.idx.msk vm0, v15  }
0x733: {  	v15 =	vmul.u32 $0x1400, v18;
	v16 =	vld.idx.msk [tilespmem:v16+s1+$0x0], $0xffff  }
0x734: {  	v17 =	vor.u32 s26, v5  }
0x735: {  	v15 =	vadd.s32 v8, v15;
	_ =	sdelay $0x1  }
0x736: {  	s11 =	sadd.s32 $0x1, s24  }
0x737: {  	v18 =	vmov s11  }
0x738: {  	v18 =	vshrl.u32 v18, $0x3;
	[tilespmem:v17+s13+$0x0] =	vst.idx.msk vm0, v16  }
0x739: {  	v16 =	vmul.u32 $0x1400, v18;
	v15 =	vld.idx.msk [tilespmem:v15+s1+$0x0], $0xffff  }
0x73a: {  	v17 =	vor.u32 s24, v5  }
0x73b: {  	v16 =	vadd.s32 v7, v16;
	_ =	sdelay $0x1  }
0x73c: {  	s26 =	sadd.s32 $0x2, s24  }
0x73d: {  	v18 =	vmov s26  }
0x73e: {  	[tilespmem:v17+s13+$0x0] =	vst.idx.msk vm0, v15;
	v15 =	vshrl.u32 v18, $0x3  }
0x73f: {  	v16 =	vld.idx.msk [tilespmem:v16+s1+$0x0], $0xffff;
	v15 =	vmul.u32 $0x1400, v15  }
0x740: {  	v17 =	vor.u32 s11, v5  }
0x741: {  	v15 =	vadd.s32 v9, v15;
	_ =	sdelay $0x1  }
0x742: {  	s11 =	sadd.s32 $0x3, s24  }
0x743: {  	v18 =	vmov s11  }
0x744: {  	[tilespmem:v17+s13+$0x0] =	vst.idx.msk vm0, v16;
	v16 =	vshrl.u32 v18, $0x3  }
0x745: {  	v15 =	vld.idx.msk [tilespmem:v15+s1+$0x0], $0xffff;
	v16 =	vmul.u32 $0x1400, v16  }
0x746: {  	v17 =	vor.u32 s26, v5  }
0x747: {  	v16 =	vadd.s32 v10, v16;
	_ =	sdelay $0x1  }
0x748: {  	s26 =	sadd.s32 $0x4, s24  }
0x749: {  	v18 =	vmov s26  }
0x74a: {  	[tilespmem:v17+s13+$0x0] =	vst.idx.msk vm0, v15;
	v15 =	vshrl.u32 v18, $0x3  }
0x74b: {  	v16 =	vld.idx.msk [tilespmem:v16+s1+$0x0], $0xffff;
	v15 =	vmul.u32 $0x1400, v15  }
0x74c: {  	v17 =	vor.u32 s11, v5  }
0x74d: {  	v15 =	vadd.s32 v11, v15;
	_ =	sdelay $0x1  }
0x74e: {  	s11 =	sadd.s32 $0x5, s24  }
0x74f: {  	v18 =	vmov s11  }
0x750: {  	[tilespmem:v17+s13+$0x0] =	vst.idx.msk vm0, v16;
	v16 =	vshrl.u32 v18, $0x3  }
0x751: {  	v15 =	vld.idx.msk [tilespmem:v15+s1+$0x0], $0xffff;
	v16 =	vmul.u32 $0x1400, v16  }
0x752: {  	v17 =	vor.u32 s26, v5  }
0x753: {  	v16 =	vadd.s32 v12, v16;
	_ =	sdelay $0x1  }
0x754: {  	s28 =	sadd.s32 $0x6, s24  }
0x755: {  	v18 =	vmov s28  }
0x756: {  	[tilespmem:v17+s13+$0x0] =	vst.idx.msk vm0, v15;
	v15 =	vshrl.u32 v18, $0x3  }
0x757: {  	v16 =	vld.idx.msk [tilespmem:v16+s1+$0x0], $0xffff;
	v15 =	vmul.u32 $0x1400, v15  }
0x758: {  	v17 =	vor.u32 s11, v5  }
0x759: {  	v15 =	vadd.s32 v13, v15;
	_ =	sdelay $0x1  }
0x75a: {  	s26 =	sadd.s32 $0x7, s24;
	s24 =	smov.u32 s25  }
0x75b: {  	v18 =	vmov s26  }
0x75c: {  	[tilespmem:v17+s13+$0x0] =	vst.idx.msk vm0, v16;
	v16 =	vshrl.u32 v18, $0x3  }
0x75d: {  	v15 =	vld.idx.msk [tilespmem:v15+s1+$0x0], $0xffff;
	v16 =	vmul.u32 $0x1400, v16  }
.Ltmp38:
0x75e: {  	v17 =	vor.u32 s28, v5;
	(pc) =	sbr.rel @p1 .LBB2_64-.Ltmp38, $2  }
0x75f: {  	v16 =	vadd.s32 v14, v16;
	_ =	sdelay $0x2  }
0x760: {  	s25 =	sadd.s32 $0x8, s25;
	v18 =	vmov s24  }
0x761: {  	_ =	sdelay $0x3  }
0x762: {  	v18 =	vshrl.u32 v18, $0x3  }
0x763: {  	[tilespmem:v17+s13+$0x0] =	vst.idx.msk vm0, v15;
	v44 =	vmul.u32 $0x1400, v18  }
0x764: {  	v45 =	vor.u32 s26, v5;
	v16 =	vld.idx.msk [tilespmem:v16+s1+$0x0], $0xffff  }
0x765: {  	v8 =	vadd.s32 v8, v44  }
0x766: {  	s11 =	sadd.s32 $0x1, s24  }
0x767: {  	v46 =	vmov s11  }
0x768: {  	v15 =	vshrl.u32 v46, $0x3  }
0x769: {  	v15 =	vmul.u32 $0x1400, v15;
	[tilespmem:v45+s13+$0x0] =	vst.idx.msk vm0, v16  }
0x76a: {  	v47 =	vor.u32 s24, v5;
	v8 =	vld.idx.msk [tilespmem:v8+s1+$0x0], $0xffff  }
0x76b: {  	v7 =	vadd.s32 v7, v15  }
0x76c: {  	s25 =	sadd.s32 $0x2, s24  }
0x76d: {  	v48 =	vmov s25  }
0x76e: {  	v15 =	vshrl.u32 v48, $0x3  }
0x76f: {  	v49 =	vmul.u32 $0x1400, v15;
	[tilespmem:v47+s13+$0x0] =	vst.idx.msk vm0, v8  }
0x770: {  	v50 =	vor.u32 s11, v5;
	v7 =	vld.idx.msk [tilespmem:v7+s1+$0x0], $0xffff  }
0x771: {  	v8 =	vadd.s32 v9, v49  }
0x772: {  	s30 =	sadd.s32 $0x3, s24  }
0x773: {  	v51 =	vmov s30  }
0x774: {  	v9 =	vshrl.u32 v51, $0x3  }
0x775: {  	[tilespmem:v50+s13+$0x0] =	vst.idx.msk vm0, v7;
	v7 =	vmul.u32 $0x1400, v9  }
0x776: {  	v52 =	vor.u32 s25, v5;
	v8 =	vld.idx.msk [tilespmem:v8+s1+$0x0], $0xffff  }
0x777: {  	v7 =	vadd.s32 v10, v7  }
0x778: {  	s26 =	sadd.s32 $0x4, s24  }
0x779: {  	v53 =	vmov s26  }
0x77a: {  	v10 =	vshrl.u32 v53, $0x3  }
0x77b: {  	v54 =	vmul.u32 $0x1400, v10;
	[tilespmem:v52+s13+$0x0] =	vst.idx.msk vm0, v8  }
0x77c: {  	v55 =	vor.u32 s30, v5;
	v7 =	vld.idx.msk [tilespmem:v7+s1+$0x0], $0xffff  }
0x77d: {  	v8 =	vadd.s32 v11, v54  }
0x77e: {  	s28 =	sadd.s32 $0x5, s24  }
0x77f: {  	v56 =	vmov s28  }
0x780: {  	v10 =	vshrl.u32 v56, $0x3  }
0x781: {  	[tilespmem:v55+s13+$0x0] =	vst.idx.msk vm0, v7;
	v7 =	vmul.u32 $0x1400, v10  }
0x782: {  	v57 =	vor.u32 s26, v5;
	v8 =	vld.idx.msk [tilespmem:v8+s1+$0x0], $0xffff  }
0x783: {  	v7 =	vadd.s32 v12, v7  }
0x784: {  	s29 =	sadd.s32 $0x6, s24  }
0x785: {  	v58 =	vmov s29  }
0x786: {  	v10 =	vshrl.u32 v58, $0x3  }
0x787: {  	v59 =	vmul.u32 $0x1400, v10;
	[tilespmem:v57+s13+$0x0] =	vst.idx.msk vm0, v8  }
0x788: {  	v60 =	vor.u32 s28, v5;
	v7 =	vld.idx.msk [tilespmem:v7+s1+$0x0], $0xffff  }
0x789: {  	v8 =	vadd.s32 v13, v59  }
0x78a: {  	s30 =	sadd.s32 $0x7, s24  }
0x78b: {  	v61 =	vmov s30  }
0x78c: {  	v10 =	vshrl.u32 v61, $0x3  }
0x78d: {  	[tilespmem:v60+s13+$0x0] =	vst.idx.msk vm0, v7;
	v7 =	vmul.u32 $0x1400, v10  }
0x78e: {  	v62 =	vor.u32 s29, v5;
	v8 =	vld.idx.msk [tilespmem:v8+s1+$0x0], $0xffff  }
0x78f: {  	v7 =	vadd.s32 v14, v7;
	_ =	sdelay $0x3  }
0x790: {  	[tilespmem:v62+s13+$0x0] =	vst.idx.msk vm0, v8  }
0x791: {  	v63 =	vor.u32 s30, v5;
	v7 =	vld.idx.msk [tilespmem:v7+s1+$0x0], $0xffff;
	_ =	sdelay $0x4  }
0x792: {  	v6 =	vnsel vm0, $0x4000, v6;
	[tilespmem:v63+s13+$0x0] =	vst.idx.msk vm0, v7  }
.Ltmp39:
0x793: {  	[tilespmem:$0x15900] =	vst v6;
	(pc) =	sbr.rel .LBB2_66-.Ltmp39, $4  }
0x794: {  	[hbm4b:s10+s14] =	stream.indirect.scatter [tilespmem:s13], [sflag:$0x3], $0x80, s15, s14, $0xb8;
	[tilespmem:$0x18180] =	vst v63  }
0x795: {  	_ =	swait.ge [sflag:s6], $0x800  }
0x796: {  	[sflag:s6] =	ssyncset.done $0x0  }
0x797: {  	[sflag:s6] =	ssyncadd.s32 $0xFFFFF800  }
.LBB2_67:
.Ltmp40:
0x798: {  	(pc) =	sbr.rel @p0 .LBB2_80-.Ltmp40, $2  }
0x799: {  	_ =	sdelay $0x2  }
0x79a: {  	s11 =	rddreg [dreg:$0x8]  }
0x79b: {  	s25 =	simm.s32 $0x0;
	s11 =	rddreg [dreg:$0x4]  }
0x79c: {  	[tilespmem:s18], [sflag:$0x3] =	stream.linear.gather [hbm4b:s11+s25], $0x2000, $0x38;
	[tilespmem:$0x18180] =	vst v63  }
0x79d: {  	_ =	swait.ge [sflag:s6], $0x2000  }
0x79e: {  	[sflag:s6] =	ssyncset.done $0x0  }
0x79f: {  	[sflag:s6] =	ssyncadd.s32 $0xFFFFE000  }
0x7a0: {  	[tilespmem:$0x15800] =	vst v3  }
0x7a1: {  	s22 =	simm.s32 $0xC00;
	p1 =	sle.s32 s19, $0x0;
	[tilespmem:$0x15880] =	vst v4  }
0x7a2: {  	v6 =	vld @!p1 [tilespmem:s22+$0x0];
	_ =	sdelay $0x3  }
0x7a3: {  	s23 =	simm.s32 $0x800  }
0x7a4: {  	v7 =	vld @!p1 [tilespmem:s23+$0x0];
	vm0 =	vgt.s32 @!p1 v6, $0xF41FF  }
0x7a5: {  	v8 =	vmpcnt.ones.xlane @!p1 vm0;
	_ =	sdelay $0x1  }
0x7a6: {  	(v2sf) =	vpush @!p1 v8, $0x0  }
0x7a7: {  	p2 =	por p1, p1  }
0x7a8: {  	[tilespmem:s25+$0x15800] =	vst.msk @!p2 vm0, v7  }
0x7a9: {  	s24 =	simm.s32 $0x10;
	[tilespmem:s25+$0x15880] =	vst.msk @!p2 vm0, v6  }
.LBB2_69:
0x7aa: {  	_ =	sdelay $0x1  }
0x7ab: {  	s11 =	smov.u32 s25;
	p4 =	por p1, p1  }
0x7ac: {  	p1 =	sge.s32 s24, s19;
	s24 =	sadd.s32 $0x10, s24;
	s22 =	sadd.s32 $0x10, s22  }
0x7ad: {  	p3 =	sne.s32 s24, $0x400;
	v6 =	vld @!p1 [tilespmem:s22+$0x0];
	_ =	sdelay $0x3  }
0x7ae: {  	s23 =	sadd.s32 $0x10, s23  }
0x7af: {  	vm0 =	vgt.s32 @!p1 v6, $0xF41FF;
	v7 =	vld @!p1 [tilespmem:s23+$0x0]  }
0x7b0: {  	v8 =	vmpcnt.ones.xlane @!p1 vm0  }
.Ltmp41:
0x7b1: {  	s25 =	spop @!p4 (v2sf);
	(pc) =	sbr.rel @p3 .LBB2_69-.Ltmp41, $4  }
0x7b2: {  	(v2sf) =	vpush @!p1 v8, $0x0;
	s25 =	sadd.s32 @!p2 s11, s25  }
0x7b3: {  	s25 =	smov.u32 @p2 s11;
	p2 =	por p1, p1  }
0x7b4: {  	[tilespmem:s25+$0x15800] =	vst.msk @!p2 vm0, v7  }
0x7b5: {  	[tilespmem:s25+$0x15880] =	vst.msk @!p2 vm0, v6  }
0x7b6: {  	_ =	sdelay $0xa  }
0x7b7: {  	s11 =	spop @!p1 (v2sf)  }
0x7b8: {  	s11 =	sadd.s32 @!p2 s25, s11  }
0x7b9: {  	s11 =	smov.u32 @p2 s25  }
0x7ba: {  	p1 =	slt.s32 s11, $0x1  }
.Ltmp42:
0x7bb: {  	_ = 	snop;
	(pc) =	sbr.rel @p1 .LBB2_74-.Ltmp42, $1  }
0x7bc: {  	_ =	sdelay $0x3  }
0x7bd: {  	v7 =	vld [tilespmem:$0x15880];
	_ =	sdelay $0x4  }
0x7be: {  	s11 =	simm.s32 $0x0;
	v6 =	vadd.s32 $0xFFF0BE00, v7  }
0x7bf: {  	v8 =	vmov s11;
	vm0 =	vgt.s32 v6, $0x0  }
0x7c0: {  	v8 =	vshll.u32 v8, $0x7;
	v6 =	vnsel vm0, $0x0, v6  }
0x7c1: {  	v8 =	vadd.s32 v6, v8;
	_ =	sdelay $0x2  }
0x7c2: {  	s19 =	simm.s32 $0x1  }
0x7c3: {  	vm0 =	vgt.s32 v7, $0xFFFFFFFF;
	v7 =	vmov s19  }
0x7c4: {  	v9 =	vor.u32 s11, v5;
	v7 =	vshll.u32 v7, $0x7;
	v8 =	vld.idx.msk [tilespmem:v8+s18+$0x0], $0xffff  }
0x7c5: {  	v10 =	vadd.s32 v6, v7;
	_ =	sdelay $0x2  }
0x7c6: {  	s25 =	simm.s32 $0x2  }
0x7c7: {  	v7 =	vld [tilespmem:$0x15800];
	[tilespmem:v9+s13+$0x0] =	vst.idx.msk vm0, v8;
	v8 =	vmov s25  }
0x7c8: {  	v9 =	vld.idx.msk [tilespmem:v10+s18+$0x0], $0xffff;
	v10 =	vor.u32 s19, v5;
	v8 =	vshll.u32 v8, $0x7  }
0x7c9: {  	v8 =	vadd.s32 v6, v8;
	_ =	sdelay $0x2  }
0x7ca: {  	s26 =	simm.s32 $0x3  }
0x7cb: {  	[tilespmem:v10+s13+$0x0] =	vst.idx.msk vm0, v9;
	v9 =	vmov s26  }
0x7cc: {  	v10 =	vor.u32 s25, v5;
	v8 =	vld.idx.msk [tilespmem:v8+s18+$0x0], $0xffff;
	v9 =	vshll.u32 v9, $0x7  }
0x7cd: {  	v9 =	vadd.s32 v6, v9;
	_ =	sdelay $0x2  }
0x7ce: {  	s28 =	simm.s32 $0x4  }
0x7cf: {  	[tilespmem:v10+s13+$0x0] =	vst.idx.msk vm0, v8;
	v8 =	vmov s28  }
0x7d0: {  	v10 =	vor.u32 s26, v5;
	v9 =	vld.idx.msk [tilespmem:v9+s18+$0x0], $0xffff;
	v8 =	vshll.u32 v8, $0x7  }
0x7d1: {  	v8 =	vadd.s32 v6, v8;
	_ =	sdelay $0x2  }
0x7d2: {  	s29 =	simm.s32 $0x5  }
0x7d3: {  	[tilespmem:v10+s13+$0x0] =	vst.idx.msk vm0, v9;
	v9 =	vmov s29  }
0x7d4: {  	v10 =	vor.u32 s28, v5;
	v8 =	vld.idx.msk [tilespmem:v8+s18+$0x0], $0xffff;
	v9 =	vshll.u32 v9, $0x7  }
0x7d5: {  	v9 =	vadd.s32 v6, v9;
	_ =	sdelay $0x2  }
0x7d6: {  	s30 =	simm.s32 $0x6  }
0x7d7: {  	[tilespmem:v10+s13+$0x0] =	vst.idx.msk vm0, v8;
	v8 =	vmov s30  }
0x7d8: {  	v10 =	vor.u32 s29, v5;
	v9 =	vld.idx.msk [tilespmem:v9+s18+$0x0], $0xffff;
	v8 =	vshll.u32 v8, $0x7  }
0x7d9: {  	v8 =	vadd.s32 v6, v8;
	_ =	sdelay $0x2  }
0x7da: {  	s23 =	simm.s32 $0x7  }
0x7db: {  	[tilespmem:v10+s13+$0x0] =	vst.idx.msk vm0, v9;
	v9 =	vmov s23  }
0x7dc: {  	v10 =	vor.u32 s30, v5;
	v8 =	vld.idx.msk [tilespmem:v8+s18+$0x0], $0xffff;
	v9 =	vshll.u32 v9, $0x7  }
0x7dd: {  	v11 =	vadd.s32 v6, v9;
	_ =	sdelay $0x3  }
0x7de: {  	s19 =	simm.s32 $0x8;
	[tilespmem:v10+s13+$0x0] =	vst.idx.msk vm0, v8  }
0x7df: {  	s22 =	simm.s32 $0x10;
	v9 =	vmov s19;
	v8 =	vld.idx.msk [tilespmem:v11+s18+$0x0], $0xffff  }
.LBB2_72:
0x7e0: {  	p1 =	slt.u32 s22, $0x38;
	v9 =	vshll.u32 v9, $0x7;
	v10 =	vor.u32 s23, v5  }
0x7e1: {  	v9 =	vadd.s32 v6, v9;
	_ =	sdelay $0x3  }
0x7e2: {  	s11 =	sadd.s32 $0x1, s19;
	[tilespmem:v10+s13+$0x0] =	vst.idx.msk vm0, v8  }
0x7e3: {  	v8 =	vld.idx.msk [tilespmem:v9+s18+$0x0], $0xffff;
	v9 =	vmov s11  }
0x7e4: {  	v10 =	vor.u32 s19, v5;
	v9 =	vshll.u32 v9, $0x7  }
0x7e5: {  	v9 =	vadd.s32 v6, v9;
	_ =	sdelay $0x3  }
0x7e6: {  	s23 =	sadd.s32 $0x2, s19;
	[tilespmem:v10+s13+$0x0] =	vst.idx.msk vm0, v8  }
0x7e7: {  	v8 =	vld.idx.msk [tilespmem:v9+s18+$0x0], $0xffff;
	v9 =	vmov s23  }
0x7e8: {  	v10 =	vor.u32 s11, v5;
	v9 =	vshll.u32 v9, $0x7  }
0x7e9: {  	v9 =	vadd.s32 v6, v9;
	_ =	sdelay $0x3  }
0x7ea: {  	s11 =	sadd.s32 $0x3, s19;
	[tilespmem:v10+s13+$0x0] =	vst.idx.msk vm0, v8  }
0x7eb: {  	v8 =	vld.idx.msk [tilespmem:v9+s18+$0x0], $0xffff;
	v9 =	vmov s11  }
0x7ec: {  	v10 =	vor.u32 s23, v5;
	v9 =	vshll.u32 v9, $0x7  }
0x7ed: {  	v9 =	vadd.s32 v6, v9;
	_ =	sdelay $0x3  }
0x7ee: {  	s23 =	sadd.s32 $0x4, s19;
	[tilespmem:v10+s13+$0x0] =	vst.idx.msk vm0, v8  }
0x7ef: {  	v8 =	vld.idx.msk [tilespmem:v9+s18+$0x0], $0xffff;
	v9 =	vmov s23  }
0x7f0: {  	v10 =	vor.u32 s11, v5;
	v9 =	vshll.u32 v9, $0x7  }
0x7f1: {  	v9 =	vadd.s32 v6, v9;
	_ =	sdelay $0x3  }
0x7f2: {  	s11 =	sadd.s32 $0x5, s19;
	[tilespmem:v10+s13+$0x0] =	vst.idx.msk vm0, v8  }
0x7f3: {  	v8 =	vld.idx.msk [tilespmem:v9+s18+$0x0], $0xffff;
	v9 =	vmov s11  }
0x7f4: {  	v10 =	vor.u32 s23, v5;
	v9 =	vshll.u32 v9, $0x7  }
0x7f5: {  	v9 =	vadd.s32 v6, v9;
	_ =	sdelay $0x3  }
0x7f6: {  	s24 =	sadd.s32 $0x6, s19;
	[tilespmem:v10+s13+$0x0] =	vst.idx.msk vm0, v8  }
0x7f7: {  	v8 =	vld.idx.msk [tilespmem:v9+s18+$0x0], $0xffff;
	v9 =	vmov s24  }
0x7f8: {  	v10 =	vor.u32 s11, v5;
	v9 =	vshll.u32 v9, $0x7  }
0x7f9: {  	v9 =	vadd.s32 v6, v9;
	_ =	sdelay $0x3  }
0x7fa: {  	s23 =	sadd.s32 $0x7, s19;
	s19 =	smov.u32 s22;
	[tilespmem:v10+s13+$0x0] =	vst.idx.msk vm0, v8  }
0x7fb: {  	v8 =	vld.idx.msk [tilespmem:v9+s18+$0x0], $0xffff;
	v9 =	vmov s23  }
0x7fc: {  	v10 =	vor.u32 s24, v5;
	v9 =	vshll.u32 v9, $0x7  }
0x7fd: {  	v11 =	vadd.s32 v6, v9  }
.Ltmp43:
0x7fe: {  	(pc) =	sbr.rel @p1 .LBB2_72-.Ltmp43, $3  }
0x7ff: {  	_ =	sdelay $0x1  }
0x800: {  	[tilespmem:v10+s13+$0x0] =	vst.idx.msk vm0, v8  }
0x801: {  	s22 =	sadd.s32 $0x8, s22;
	v9 =	vmov s19;
	v8 =	vld.idx.msk [tilespmem:v11+s18+$0x0], $0xffff  }
0x802: {  	v9 =	vshll.u32 v9, $0x7;
	v10 =	vor.u32 s23, v5  }
0x803: {  	v9 =	vadd.s32 v6, v9;
	_ =	sdelay $0x2  }
0x804: {  	s11 =	sadd.s32 $0x1, s19  }
0x805: {  	v49 =	vmov s11;
	[tilespmem:v10+s13+$0x0] =	vst.idx.msk vm0, v8  }
0x806: {  	v50 =	vor.u32 s19, v5;
	v8 =	vshll.u32 v49, $0x7;
	v9 =	vld.idx.msk [tilespmem:v9+s18+$0x0], $0xffff  }
0x807: {  	v8 =	vadd.s32 v6, v8;
	_ =	sdelay $0x2  }
0x808: {  	s22 =	sadd.s32 $0x2, s19  }
0x809: {  	v51 =	vmov s22;
	[tilespmem:v50+s13+$0x0] =	vst.idx.msk vm0, v9  }
0x80a: {  	v52 =	vor.u32 s11, v5;
	v9 =	vshll.u32 v51, $0x7;
	v8 =	vld.idx.msk [tilespmem:v8+s18+$0x0], $0xffff  }
0x80b: {  	v9 =	vadd.s32 v6, v9;
	_ =	sdelay $0x2  }
0x80c: {  	s25 =	sadd.s32 $0x3, s19  }
0x80d: {  	v53 =	vmov s25;
	[tilespmem:v52+s13+$0x0] =	vst.idx.msk vm0, v8  }
0x80e: {  	v54 =	vor.u32 s22, v5;
	v8 =	vshll.u32 v53, $0x7;
	v9 =	vld.idx.msk [tilespmem:v9+s18+$0x0], $0xffff  }
0x80f: {  	v8 =	vadd.s32 v6, v8;
	_ =	sdelay $0x2  }
0x810: {  	s26 =	sadd.s32 $0x4, s19  }
0x811: {  	v55 =	vmov s26;
	[tilespmem:v54+s13+$0x0] =	vst.idx.msk vm0, v9  }
0x812: {  	v56 =	vor.u32 s25, v5;
	v9 =	vshll.u32 v55, $0x7;
	v8 =	vld.idx.msk [tilespmem:v8+s18+$0x0], $0xffff  }
0x813: {  	v9 =	vadd.s32 v6, v9;
	_ =	sdelay $0x2  }
0x814: {  	s28 =	sadd.s32 $0x5, s19  }
0x815: {  	v57 =	vmov s28;
	[tilespmem:v56+s13+$0x0] =	vst.idx.msk vm0, v8  }
0x816: {  	v58 =	vor.u32 s26, v5;
	v8 =	vshll.u32 v57, $0x7;
	v9 =	vld.idx.msk [tilespmem:v9+s18+$0x0], $0xffff  }
0x817: {  	v8 =	vadd.s32 v6, v8;
	_ =	sdelay $0x2  }
0x818: {  	s29 =	sadd.s32 $0x6, s19  }
0x819: {  	v59 =	vmov s29;
	[tilespmem:v58+s13+$0x0] =	vst.idx.msk vm0, v9  }
0x81a: {  	v60 =	vor.u32 s28, v5;
	v9 =	vshll.u32 v59, $0x7;
	v8 =	vld.idx.msk [tilespmem:v8+s18+$0x0], $0xffff  }
0x81b: {  	v9 =	vadd.s32 v6, v9;
	_ =	sdelay $0x2  }
0x81c: {  	s30 =	sadd.s32 $0x7, s19  }
0x81d: {  	v61 =	vmov s30;
	[tilespmem:v60+s13+$0x0] =	vst.idx.msk vm0, v8  }
0x81e: {  	v62 =	vor.u32 s29, v5;
	v8 =	vshll.u32 v61, $0x7;
	v9 =	vld.idx.msk [tilespmem:v9+s18+$0x0], $0xffff  }
0x81f: {  	v6 =	vadd.s32 v6, v8;
	_ =	sdelay $0x3  }
0x820: {  	[tilespmem:v62+s13+$0x0] =	vst.idx.msk vm0, v9  }
0x821: {  	v63 =	vor.u32 s30, v5;
	v6 =	vld.idx.msk [tilespmem:v6+s18+$0x0], $0xffff;
	_ =	sdelay $0x4  }
0x822: {  	[tilespmem:v63+s13+$0x0] =	vst.idx.msk vm0, v6;
	v6 =	vnsel vm0, $0x4000, v7  }
0x823: {  	[tilespmem:$0x15900] =	vst v6  }
0x824: {  	[hbm4b:s9+s14] =	stream.indirect.scatter [tilespmem:s13], [sflag:$0x3], $0x80, s15, s14, $0xb8;
	[tilespmem:$0x18180] =	vst v63  }
0x825: {  	_ =	swait.ge [sflag:s6], $0x800  }
0x826: {  	[sflag:s6] =	ssyncset.done $0x0  }
0x827: {  	[sflag:s6] =	ssyncadd.s32 $0xFFFFF800  }
.LBB2_74:
0x828: {  	s24 =	simm.s32 $0x0;
	s11 =	rddreg [dreg:$0x5]  }
0x829: {  	[tilespmem:s18], [sflag:$0x3] =	stream.linear.gather [hbm4b:s11+s24], $0x2000, $0x38;
	[tilespmem:$0x18180] =	vst v63  }
0x82a: {  	_ =	swait.ge [sflag:s6], $0x2000  }
0x82b: {  	[sflag:s6] =	ssyncset.done $0x0  }
0x82c: {  	[sflag:s6] =	ssyncadd.s32 $0xFFFFE000  }
0x82d: {  	[tilespmem:$0x15800] =	vst v3  }
0x82e: {  	s19 =	simm.s32 $0x1400;
	p1 =	sle.s32 s21, $0x0;
	[tilespmem:$0x15880] =	vst v4  }
0x82f: {  	v6 =	vld @!p1 [tilespmem:s19+$0x0];
	_ =	sdelay $0x3  }
0x830: {  	s22 =	simm.s32 $0x1000  }
0x831: {  	v7 =	vld @!p1 [tilespmem:s22+$0x0];
	vm0 =	vgt.s32 @!p1 v6, $0xF41FF  }
0x832: {  	v8 =	vmpcnt.ones.xlane @!p1 vm0;
	_ =	sdelay $0x1  }
0x833: {  	(v2sf) =	vpush @!p1 v8, $0x0  }
0x834: {  	p2 =	por p1, p1  }
0x835: {  	[tilespmem:s24+$0x15800] =	vst.msk @!p2 vm0, v7  }
0x836: {  	s23 =	simm.s32 $0x10;
	[tilespmem:s24+$0x15880] =	vst.msk @!p2 vm0, v6  }
.LBB2_75:
0x837: {  	_ =	sdelay $0x1  }
0x838: {  	s11 =	smov.u32 s24;
	p4 =	por p1, p1  }
0x839: {  	p1 =	sge.s32 s23, s21;
	s23 =	sadd.s32 $0x10, s23;
	s19 =	sadd.s32 $0x10, s19  }
0x83a: {  	p3 =	sne.s32 s23, $0x400;
	v6 =	vld @!p1 [tilespmem:s19+$0x0];
	_ =	sdelay $0x3  }
0x83b: {  	s22 =	sadd.s32 $0x10, s22  }
0x83c: {  	vm0 =	vgt.s32 @!p1 v6, $0xF41FF;
	v7 =	vld @!p1 [tilespmem:s22+$0x0]  }
0x83d: {  	v8 =	vmpcnt.ones.xlane @!p1 vm0  }
.Ltmp44:
0x83e: {  	s24 =	spop @!p4 (v2sf);
	(pc) =	sbr.rel @p3 .LBB2_75-.Ltmp44, $4  }
0x83f: {  	(v2sf) =	vpush @!p1 v8, $0x0;
	s24 =	sadd.s32 @!p2 s11, s24  }
0x840: {  	s24 =	smov.u32 @p2 s11;
	p2 =	por p1, p1  }
0x841: {  	[tilespmem:s24+$0x15800] =	vst.msk @!p2 vm0, v7  }
0x842: {  	[tilespmem:s24+$0x15880] =	vst.msk @!p2 vm0, v6  }
0x843: {  	_ =	sdelay $0xa  }
0x844: {  	s11 =	spop @!p1 (v2sf)  }
0x845: {  	s11 =	sadd.s32 @!p2 s24, s11  }
0x846: {  	s11 =	smov.u32 @p2 s24  }
0x847: {  	p1 =	slt.s32 s11, $0x1  }
.Ltmp45:
0x848: {  	_ = 	snop;
	(pc) =	sbr.rel @p1 .LBB2_80-.Ltmp45, $2  }
0x849: {  	_ =	sdelay $0x2  }
0x84a: {  	s11 =	rddreg [dreg:$0x8]  }
0x84b: {  	v7 =	vld [tilespmem:$0x15880];
	_ =	sdelay $0x4  }
0x84c: {  	s11 =	simm.s32 $0x0;
	v6 =	vadd.s32 $0xFFF0BE00, v7  }
0x84d: {  	v8 =	vmov s11;
	vm0 =	vgt.s32 v6, $0x0  }
0x84e: {  	v8 =	vshll.u32 v8, $0x7;
	v6 =	vnsel vm0, $0x0, v6  }
0x84f: {  	v8 =	vadd.s32 v6, v8;
	_ =	sdelay $0x2  }
0x850: {  	s19 =	simm.s32 $0x1  }
0x851: {  	vm0 =	vgt.s32 v7, $0xFFFFFFFF;
	v7 =	vmov s19  }
0x852: {  	v9 =	vor.u32 s11, v5;
	v7 =	vshll.u32 v7, $0x7;
	v8 =	vld.idx.msk [tilespmem:v8+s18+$0x0], $0xffff  }
0x853: {  	v10 =	vadd.s32 v6, v7;
	_ =	sdelay $0x2  }
0x854: {  	s25 =	simm.s32 $0x2  }
0x855: {  	v7 =	vld [tilespmem:$0x15800];
	[tilespmem:v9+s13+$0x0] =	vst.idx.msk vm0, v8;
	v8 =	vmov s25  }
0x856: {  	v9 =	vld.idx.msk [tilespmem:v10+s18+$0x0], $0xffff;
	v10 =	vor.u32 s19, v5;
	v8 =	vshll.u32 v8, $0x7  }
0x857: {  	v8 =	vadd.s32 v6, v8;
	_ =	sdelay $0x2  }
0x858: {  	s26 =	simm.s32 $0x3  }
0x859: {  	[tilespmem:v10+s13+$0x0] =	vst.idx.msk vm0, v9;
	v9 =	vmov s26  }
0x85a: {  	v10 =	vor.u32 s25, v5;
	v8 =	vld.idx.msk [tilespmem:v8+s18+$0x0], $0xffff;
	v9 =	vshll.u32 v9, $0x7  }
0x85b: {  	v9 =	vadd.s32 v6, v9;
	_ =	sdelay $0x2  }
0x85c: {  	s28 =	simm.s32 $0x4  }
0x85d: {  	[tilespmem:v10+s13+$0x0] =	vst.idx.msk vm0, v8;
	v8 =	vmov s28  }
0x85e: {  	v10 =	vor.u32 s26, v5;
	v9 =	vld.idx.msk [tilespmem:v9+s18+$0x0], $0xffff;
	v8 =	vshll.u32 v8, $0x7  }
0x85f: {  	v8 =	vadd.s32 v6, v8;
	_ =	sdelay $0x2  }
0x860: {  	s29 =	simm.s32 $0x5  }
0x861: {  	[tilespmem:v10+s13+$0x0] =	vst.idx.msk vm0, v9;
	v9 =	vmov s29  }
0x862: {  	v10 =	vor.u32 s28, v5;
	v8 =	vld.idx.msk [tilespmem:v8+s18+$0x0], $0xffff;
	v9 =	vshll.u32 v9, $0x7  }
0x863: {  	v9 =	vadd.s32 v6, v9;
	_ =	sdelay $0x2  }
0x864: {  	s30 =	simm.s32 $0x6  }
0x865: {  	[tilespmem:v10+s13+$0x0] =	vst.idx.msk vm0, v8;
	v8 =	vmov s30  }
0x866: {  	v10 =	vor.u32 s29, v5;
	v9 =	vld.idx.msk [tilespmem:v9+s18+$0x0], $0xffff;
	v8 =	vshll.u32 v8, $0x7  }
0x867: {  	v8 =	vadd.s32 v6, v8;
	_ =	sdelay $0x2  }
0x868: {  	s22 =	simm.s32 $0x7  }
0x869: {  	[tilespmem:v10+s13+$0x0] =	vst.idx.msk vm0, v9;
	v9 =	vmov s22  }
0x86a: {  	v10 =	vor.u32 s30, v5;
	v8 =	vld.idx.msk [tilespmem:v8+s18+$0x0], $0xffff;
	v9 =	vshll.u32 v9, $0x7  }
0x86b: {  	v11 =	vadd.s32 v6, v9;
	_ =	sdelay $0x3  }
0x86c: {  	s19 =	simm.s32 $0x8;
	[tilespmem:v10+s13+$0x0] =	vst.idx.msk vm0, v8  }
0x86d: {  	s21 =	simm.s32 $0x10;
	v9 =	vmov s19;
	v8 =	vld.idx.msk [tilespmem:v11+s18+$0x0], $0xffff  }
.LBB2_78:
0x86e: {  	p1 =	slt.u32 s21, $0x38;
	v9 =	vshll.u32 v9, $0x7;
	v10 =	vor.u32 s22, v5  }
0x86f: {  	v9 =	vadd.s32 v6, v9;
	_ =	sdelay $0x3  }
0x870: {  	s11 =	sadd.s32 $0x1, s19;
	[tilespmem:v10+s13+$0x0] =	vst.idx.msk vm0, v8  }
0x871: {  	v8 =	vld.idx.msk [tilespmem:v9+s18+$0x0], $0xffff;
	v9 =	vmov s11  }
0x872: {  	v10 =	vor.u32 s19, v5;
	v9 =	vshll.u32 v9, $0x7  }
0x873: {  	v9 =	vadd.s32 v6, v9;
	_ =	sdelay $0x3  }
0x874: {  	s22 =	sadd.s32 $0x2, s19;
	[tilespmem:v10+s13+$0x0] =	vst.idx.msk vm0, v8  }
0x875: {  	v8 =	vld.idx.msk [tilespmem:v9+s18+$0x0], $0xffff;
	v9 =	vmov s22  }
0x876: {  	v10 =	vor.u32 s11, v5;
	v9 =	vshll.u32 v9, $0x7  }
0x877: {  	v9 =	vadd.s32 v6, v9;
	_ =	sdelay $0x3  }
0x878: {  	s11 =	sadd.s32 $0x3, s19;
	[tilespmem:v10+s13+$0x0] =	vst.idx.msk vm0, v8  }
0x879: {  	v8 =	vld.idx.msk [tilespmem:v9+s18+$0x0], $0xffff;
	v9 =	vmov s11  }
0x87a: {  	v10 =	vor.u32 s22, v5;
	v9 =	vshll.u32 v9, $0x7  }
0x87b: {  	v9 =	vadd.s32 v6, v9;
	_ =	sdelay $0x3  }
0x87c: {  	s22 =	sadd.s32 $0x4, s19;
	[tilespmem:v10+s13+$0x0] =	vst.idx.msk vm0, v8  }
0x87d: {  	v8 =	vld.idx.msk [tilespmem:v9+s18+$0x0], $0xffff;
	v9 =	vmov s22  }
0x87e: {  	v10 =	vor.u32 s11, v5;
	v9 =	vshll.u32 v9, $0x7  }
0x87f: {  	v9 =	vadd.s32 v6, v9;
	_ =	sdelay $0x3  }
0x880: {  	s11 =	sadd.s32 $0x5, s19;
	[tilespmem:v10+s13+$0x0] =	vst.idx.msk vm0, v8  }
0x881: {  	v8 =	vld.idx.msk [tilespmem:v9+s18+$0x0], $0xffff;
	v9 =	vmov s11  }
0x882: {  	v10 =	vor.u32 s22, v5;
	v9 =	vshll.u32 v9, $0x7  }
0x883: {  	v9 =	vadd.s32 v6, v9;
	_ =	sdelay $0x3  }
0x884: {  	s23 =	sadd.s32 $0x6, s19;
	[tilespmem:v10+s13+$0x0] =	vst.idx.msk vm0, v8  }
0x885: {  	v8 =	vld.idx.msk [tilespmem:v9+s18+$0x0], $0xffff;
	v9 =	vmov s23  }
0x886: {  	v10 =	vor.u32 s11, v5;
	v9 =	vshll.u32 v9, $0x7  }
0x887: {  	v9 =	vadd.s32 v6, v9;
	_ =	sdelay $0x3  }
0x888: {  	s22 =	sadd.s32 $0x7, s19;
	s19 =	smov.u32 s21;
	[tilespmem:v10+s13+$0x0] =	vst.idx.msk vm0, v8  }
0x889: {  	v8 =	vld.idx.msk [tilespmem:v9+s18+$0x0], $0xffff;
	v9 =	vmov s22  }
0x88a: {  	v10 =	vor.u32 s23, v5;
	v9 =	vshll.u32 v9, $0x7  }
0x88b: {  	v11 =	vadd.s32 v6, v9  }
.Ltmp46:
0x88c: {  	(pc) =	sbr.rel @p1 .LBB2_78-.Ltmp46, $3  }
0x88d: {  	_ =	sdelay $0x1  }
0x88e: {  	[tilespmem:v10+s13+$0x0] =	vst.idx.msk vm0, v8  }
0x88f: {  	s21 =	sadd.s32 $0x8, s21;
	v9 =	vmov s19;
	v8 =	vld.idx.msk [tilespmem:v11+s18+$0x0], $0xffff  }
0x890: {  	v9 =	vshll.u32 v9, $0x7;
	v10 =	vor.u32 s22, v5  }
0x891: {  	v9 =	vadd.s32 v6, v9;
	_ =	sdelay $0x2  }
0x892: {  	s11 =	sadd.s32 $0x1, s19  }
0x893: {  	v49 =	vmov s11;
	[tilespmem:v10+s13+$0x0] =	vst.idx.msk vm0, v8  }
0x894: {  	v50 =	vor.u32 s19, v5;
	v8 =	vshll.u32 v49, $0x7;
	v9 =	vld.idx.msk [tilespmem:v9+s18+$0x0], $0xffff  }
0x895: {  	v8 =	vadd.s32 v6, v8;
	_ =	sdelay $0x2  }
0x896: {  	s21 =	sadd.s32 $0x2, s19  }
0x897: {  	v51 =	vmov s21;
	[tilespmem:v50+s13+$0x0] =	vst.idx.msk vm0, v9  }
0x898: {  	v52 =	vor.u32 s11, v5;
	v9 =	vshll.u32 v51, $0x7;
	v8 =	vld.idx.msk [tilespmem:v8+s18+$0x0], $0xffff  }
0x899: {  	v9 =	vadd.s32 v6, v9;
	_ =	sdelay $0x2  }
0x89a: {  	s25 =	sadd.s32 $0x3, s19  }
0x89b: {  	v53 =	vmov s25;
	[tilespmem:v52+s13+$0x0] =	vst.idx.msk vm0, v8  }
0x89c: {  	v54 =	vor.u32 s21, v5;
	v8 =	vshll.u32 v53, $0x7;
	v9 =	vld.idx.msk [tilespmem:v9+s18+$0x0], $0xffff  }
0x89d: {  	v8 =	vadd.s32 v6, v8;
	_ =	sdelay $0x2  }
0x89e: {  	s26 =	sadd.s32 $0x4, s19  }
0x89f: {  	v55 =	vmov s26;
	[tilespmem:v54+s13+$0x0] =	vst.idx.msk vm0, v9  }
0x8a0: {  	v56 =	vor.u32 s25, v5;
	v9 =	vshll.u32 v55, $0x7;
	v8 =	vld.idx.msk [tilespmem:v8+s18+$0x0], $0xffff  }
0x8a1: {  	v9 =	vadd.s32 v6, v9;
	_ =	sdelay $0x2  }
0x8a2: {  	s28 =	sadd.s32 $0x5, s19  }
0x8a3: {  	v57 =	vmov s28;
	[tilespmem:v56+s13+$0x0] =	vst.idx.msk vm0, v8  }
0x8a4: {  	v58 =	vor.u32 s26, v5;
	v8 =	vshll.u32 v57, $0x7;
	v9 =	vld.idx.msk [tilespmem:v9+s18+$0x0], $0xffff  }
0x8a5: {  	v8 =	vadd.s32 v6, v8;
	_ =	sdelay $0x2  }
0x8a6: {  	s29 =	sadd.s32 $0x6, s19  }
0x8a7: {  	v59 =	vmov s29;
	[tilespmem:v58+s13+$0x0] =	vst.idx.msk vm0, v9  }
0x8a8: {  	v60 =	vor.u32 s28, v5;
	v9 =	vshll.u32 v59, $0x7;
	v8 =	vld.idx.msk [tilespmem:v8+s18+$0x0], $0xffff  }
0x8a9: {  	v9 =	vadd.s32 v6, v9;
	_ =	sdelay $0x2  }
0x8aa: {  	s30 =	sadd.s32 $0x7, s19  }
0x8ab: {  	v61 =	vmov s30;
	[tilespmem:v60+s13+$0x0] =	vst.idx.msk vm0, v8  }
0x8ac: {  	v62 =	vor.u32 s29, v5;
	v8 =	vshll.u32 v61, $0x7;
	v9 =	vld.idx.msk [tilespmem:v9+s18+$0x0], $0xffff  }
0x8ad: {  	v6 =	vadd.s32 v6, v8;
	_ =	sdelay $0x3  }
0x8ae: {  	[tilespmem:v62+s13+$0x0] =	vst.idx.msk vm0, v9  }
0x8af: {  	v63 =	vor.u32 s30, v5;
	v6 =	vld.idx.msk [tilespmem:v6+s18+$0x0], $0xffff;
	_ =	sdelay $0x4  }
0x8b0: {  	[tilespmem:v63+s13+$0x0] =	vst.idx.msk vm0, v6;
	v6 =	vnsel vm0, $0x4000, v7  }
.Ltmp47:
0x8b1: {  	[tilespmem:$0x15900] =	vst v6;
	(pc) =	sbr.rel .LBB2_80-.Ltmp47, $4  }
0x8b2: {  	[hbm4b:s10+s14] =	stream.indirect.scatter [tilespmem:s13], [sflag:$0x3], $0x80, s15, s14, $0xb8;
	[tilespmem:$0x18180] =	vst v63  }
0x8b3: {  	_ =	swait.ge [sflag:s6], $0x800  }
0x8b4: {  	[sflag:s6] =	ssyncset.done $0x0  }
0x8b5: {  	s11 =	rddreg [dreg:$0x8];
	[sflag:s6] =	ssyncadd.s32 $0xFFFFF800  }
.LBB2_81:
0x8b6: {  	_ =	sfence.sel $0x180000  }
0x8b7: {  	[bflag:$0x0] =	sbarrier.arrive $0xFFFF  }
0x8b8: {  	_ =	strace $0x90000047  }
0x8b9: {  	s0 =	stileid.u32;
	[bflag:$0x2] =	sbarrier.arrive $0xFFFF  }
0x8ba: {  	p0 =	sne.s32 s0, $0x0;
	s0 =	rddreg [dreg:$0x7]  }
0x8bb: {  	s0 =	sadd.s32 @!p0 $0x100000, s0  }
0x8bc: {  	[sflag:s0] =	ssyncadd.tile.s32 @!p0 $0x1;
	_ =	shalt  }
.Lfunc_end2:
_tile_overlayer_lowered:
.L_overlay_start_2:
0x8bd: {  	(tag) =	ssettag $0x2  }
0x8be: {  	s0 =	rddreg [dreg:$0x0];
	s2 =	stileid.u32  }
0x8bf: {  	s1 =	rddreg [dreg:$0x1];
	p0 =	sne.s32 s2, $0x0  }
0x8c0: {  	s3 =	rddreg [dreg:$0x2];
	[bflag:$0x3] =	sbarrier.arrive $0xFFFF;
	s2 =	simm.s32 @!p0 $0x1C03  }
0x8c1: {  	[timem:s3], [sflag:s2] =	dma.local @!p0 [hbm:s0], s1  }
0x8c2: {  	s0 =	simm.s32 @!p0 $0x3  }
0x8c3: {  	_ =	swait.ge @!p0 [sflag:s0], s1  }
0x8c4: {  	s1 =	ssub.s32 @!p0 $0x0, s1;
	[sflag:s0] =	ssyncset.done @!p0 $0x0  }
0x8c5: {  	[sflag:s0] =	ssyncadd.s32 @!p0 s1  }
0x8c6: {  	[bflag:$0x3] =	sbarrier.arrive $0xFFFF  }
0x8c7: {  	_ =	shalt  }

</sc_bundles>
